<compile_context>
chip_gen: v7x
topology: tpu7x:2x2x1
jax: 0.10.2.dev20260603
libtpu: 0.0.44.dev20260713+nightly
codegen_flags: <defaults>
</compile_context>

<pallas_src>
import functools

import jax
import jax.numpy as jnp
from jax import lax
from jax.experimental import pallas as pl
from jax.experimental.pallas import tpu as pltpu
from jax.experimental.pallas import tpu_sc as plsc

B = 16
N = 16384
C = 64
S = 1024
L = 16
N2 = N // 2
CH2 = N2 // L
UNROLL = 8
S2 = S // 2
C2 = C // 2

BIG_I32 = 2**30


def _fps_body(p3_hbm, xflat_hbm, p3_out, xs_out,
              px, py, pz, dist, idxb, psx, psy, psz, xg,
              stage, tmp, shm, sem):
    c = lax.axis_index("c")
    s = lax.axis_index("s")
    b = c * 8 + s // 2
    h = s % 2
    hbase = h * N2
    partner = s ^ 1

    pltpu.sync_copy(p3_hbm.at[pl.ds((b * 3 + 0) * N, N)], px)
    pltpu.sync_copy(p3_hbm.at[pl.ds((b * 3 + 1) * N, N)], py)
    pltpu.sync_copy(p3_hbm.at[pl.ds((b * 3 + 2) * N, N)], pz)

    inf16 = jnp.full((L,), jnp.inf, dtype=jnp.float32)

    def init_body(j, _):
        base = j * (L * UNROLL)
        for u in range(UNROLL):
            dist[pl.ds(base + u * L, L)] = inf16
        return 0

    lax.fori_loop(0, CH2 // UNROLL, init_body, 0)

    lane = lax.iota(jnp.int32, L)
    lane0 = lane == 0

    def fps_iter(si, fv):
        plsc.store_scatter(idxb, [jnp.full((L,), si, dtype=jnp.int32)],
                           fv, mask=lane0)
        cx = plsc.load_gather(px, [fv])
        cy = plsc.load_gather(py, [fv])
        cz = plsc.load_gather(pz, [fv])

        def chunk_body(j, carry):
            vmaxs, jbests = carry
            base = j * (L * UNROLL)
            jv = jnp.full((L,), j, dtype=jnp.int32)
            vmaxs = list(vmaxs)
            jbests = list(jbests)
            R = range(UNROLL)
            o = [base + u * L for u in R]
            g = [hbase + o[u] for u in R]
            xs = [px[pl.ds(g[u], L)] for u in R]
            ys = [py[pl.ds(g[u], L)] for u in R]
            zs = [pz[pl.ds(g[u], L)] for u in R]
            dv = [dist[pl.ds(o[u], L)] for u in R]
            dx = [xs[u] - cx for u in R]
            dy = [ys[u] - cy for u in R]
            dz = [zs[u] - cz for u in R]
            d = [dx[u] * dx[u] for u in R]
            d = [d[u] + dz[u] * dz[u] for u in R]
            d = [d[u] + dy[u] * dy[u] for u in R]
            nd = [jnp.minimum(dv[u], d[u]) for u in R]
            for u in R:
                dist[pl.ds(o[u], L)] = nd[u]
            gt = [nd[u] > vmaxs[u] for u in R]
            vmaxs = [jnp.where(gt[u], nd[u], vmaxs[u]) for u in R]
            jbests = [jnp.where(gt[u], jv, jbests[u]) for u in R]
            return tuple(vmaxs), tuple(jbests)

        neg1 = jnp.full((L,), -1.0, dtype=jnp.float32)
        zero = jnp.zeros((L,), dtype=jnp.int32)
        vmaxs, jbests = lax.fori_loop(
            0, CH2 // UNROLL, chunk_body,
            ((neg1,) * UNROLL, (zero,) * UNROLL))
        pairs = [(vmaxs[u],
                  jbests[u] * (L * UNROLL) + (hbase + u * L) + lane)
                 for u in range(UNROLL)]
        while len(pairs) > 1:
            nxt = []
            for a in range(0, len(pairs), 2):
                (va, ia), (vb, ib) = pairs[a], pairs[a + 1]
                bwin = (vb > va) | ((vb == va) & (ib < ia))
                nxt.append((jnp.where(bwin, vb, va),
                            jnp.where(bwin, ib, ia)))
            pairs = nxt
        vmax, vidx = pairs[0]
        m = jnp.max(vmax)
        cand = jnp.where(vmax == m, vidx, BIG_I32)
        il = jnp.min(cand)

        ml_v = jnp.full((L,), m, dtype=jnp.float32)
        il_v = jnp.full((L,), il, dtype=jnp.int32)
        par = si % 2
        stage[pl.ds(0, L)] = ml_v
        stage[pl.ds(L, L)] = plsc.bitcast(il_v, jnp.float32)
        pltpu.sync_copy(stage, shm.at[pl.ds((par * 16 + s) * (2 * L), 2 * L)])
        plsc.subcore_barrier()
        pltpu.sync_copy(shm.at[pl.ds((par * 16 + partner) * (2 * L), 2 * L)],
                        tmp)
        mo_v = tmp[pl.ds(0, L)]
        io_v = plsc.bitcast(tmp[pl.ds(L, L)], jnp.int32)
        take_o = (mo_v > ml_v) | ((mo_v == ml_v) & (io_v < il_v))
        return jnp.where(take_o, io_v, il_v)

    def fire_block(bo):
        iv = idxb.at[pl.ds(bo * 128, 128)]
        for cl in range(C2):
            off = (b * C + h * C2 + cl) * N
            pltpu.async_copy(xflat_hbm.at[pl.ds(off, N)].at[iv],
                             xg.at[pl.ds(cl * S + bo * 128, 128)], sem)

    def blk_body(bo, fv):
        fv = lax.fori_loop(bo * 128, bo * 128 + 128, fps_iter, fv)

        @pl.when(bo > 0)
        def _():
            fire_block(bo - 1)

        return fv

    lax.fori_loop(0, S // 128, blk_body, jnp.zeros((L,), dtype=jnp.int32))

    def ps_body(j, _):
        base = j * L
        iv = idxb[pl.ds(h * S2 + base, L)]
        psx[pl.ds(base, L)] = plsc.load_gather(px, [iv])
        psy[pl.ds(base, L)] = plsc.load_gather(py, [iv])
        psz[pl.ds(base, L)] = plsc.load_gather(pz, [iv])
        return 0

    lax.fori_loop(0, S2 // L, ps_body, 0)
    pltpu.sync_copy(psx, p3_out.at[pl.ds((b * 3 + 0) * S + h * S2, S2)])
    pltpu.sync_copy(psy, p3_out.at[pl.ds((b * 3 + 1) * S + h * S2, S2)])
    pltpu.sync_copy(psz, p3_out.at[pl.ds((b * 3 + 2) * S + h * S2, S2)])

    fire_block(S // 128 - 1)
    pltpu.make_async_copy(xflat_hbm.at[pl.ds(0, C2 * S)], xg, sem).wait()

    for cl in range(C2):
        pltpu.sync_copy(xg.at[pl.ds(cl * S, S)],
                        xs_out.at[pl.ds((b * C + h * C2 + cl) * S, S)])



@jax.jit
def kernel(p, x):
    p3 = jnp.transpose(p, (0, 2, 1)).reshape(B * 3 * N)
    xflat = x.reshape(B * C * N)

    mesh = plsc.VectorSubcoreMesh(core_axis_name="c", subcore_axis_name="s",
                                  num_cores=2, num_subcores=16)
    fps = pl.kernel(
        _fps_body,
        out_type=(
            jax.ShapeDtypeStruct((B * 3 * S,), jnp.float32),
            jax.ShapeDtypeStruct((B * C * S,), jnp.float32),
        ),
        mesh=mesh,
        compiler_params=pltpu.CompilerParams(needs_layout_passes=False),
        scratch_types=[
            pltpu.VMEM((N,), jnp.float32),
            pltpu.VMEM((N,), jnp.float32),
            pltpu.VMEM((N,), jnp.float32),
            pltpu.VMEM((N2,), jnp.float32),
            pltpu.VMEM((S,), jnp.int32),
            pltpu.VMEM((S2,), jnp.float32),
            pltpu.VMEM((S2,), jnp.float32),
            pltpu.VMEM((S2,), jnp.float32),
            pltpu.VMEM((C2 * S,), jnp.float32),
            pltpu.VMEM((2 * L,), jnp.float32),
            pltpu.VMEM((2 * L,), jnp.float32),
            pltpu.VMEM_SHARED((2 * 16 * 2 * L,), jnp.float32),
            pltpu.SemaphoreType.DMA,
        ],
    )
    p3_s, x_s = fps(p3, xflat)
    p_s = jnp.transpose(p3_s.reshape(B, 3, S), (0, 2, 1))
    return (p_s, x_s.reshape(B, C, S))

# --- scband reference (transcript-rebuilt; emitter-appended) ---
"""Pipeline reference for scband-farthest-point-sample-13434657702246 (READ-ONLY COPY).

The authoritative reference and input builder live on the scoring server;
editing this copy changes nothing except your own understanding.
"""

import jax, jax.numpy as jnp
import numpy as np

NUM_SAMPLES = 1024


def _fps_indices(p, num_samples):
    # p: [B, N, 3] -> indices [B, num_samples] via iterative farthest point sampling
    B, N, _ = p.shape

    def body(carry, _):
        dist, farthest = carry  # dist: [B, N], farthest: [B] int32
        centroid = jnp.take_along_axis(p, farthest[:, None, None], axis=1)  # [B, 1, 3]
        d = jnp.sum((p - centroid) ** 2, axis=-1)  # [B, N]
        dist = jnp.minimum(dist, d)
        nxt = jnp.argmax(dist, axis=-1).astype(jnp.int32)
        return (dist, nxt), farthest

    init = (jnp.full((B, N), jnp.inf, dtype=p.dtype), jnp.zeros((B,), jnp.int32))
    _, idx = jax.lax.scan(body, init, xs=None, length=num_samples)  # idx: [S, B]
    return jnp.transpose(idx)  # [B, S]


def setup_inputs(seed: int = 0) -> dict:
    key = jax.random.key(seed)
    k1, k2 = jax.random.split(key)
    p = jax.random.normal(k1, (16, 16384, 3), dtype=jnp.float32)
    x = jax.random.normal(k2, (16, 64, 16384), dtype=jnp.float32)
    return {"p": p, "x": x}


def reference(p, x):
    idx = _fps_indices(jax.lax.stop_gradient(p), NUM_SAMPLES)  # [B, S]
    # p gather: equivalent of torch.stack([p[b, i, :] for b, i in enumerate(indices)])
    p_s = jnp.take_along_axis(p, idx[:, :, None], axis=1)  # [B, S, 3]
    # x gather: equivalent of torch.stack([x[b, :, i] for b, i in enumerate(indices)])
    x_s = jnp.take_along_axis(x, idx[:, None, :], axis=2)  # [B, C, S]
    return (p_s, x_s)

if __name__ == "__main__":
    import jax
    _d = setup_inputs()
    print(jax.jit(kernel)(*tuple(_d.values())))

</pallas_src>

<mosaic_0001>
#map = affine_map<(d0, d1) -> (0)>
module attributes {stable_mosaic.version = 14 : i64} {
  func.func @_fps_body(%arg0: i32, %arg1: i32, %arg2: memref<786432xf32, #tpu.memory_space<hbm>>, %arg3: memref<16777216xf32, #tpu.memory_space<hbm>>, %arg4: memref<49152xf32, #tpu.memory_space<hbm>>, %arg5: memref<1048576xf32, #tpu.memory_space<hbm>>, %arg6: memref<16384xf32, #tpu.memory_space<vmem>>, %arg7: memref<16384xf32, #tpu.memory_space<vmem>>, %arg8: memref<16384xf32, #tpu.memory_space<vmem>>, %arg9: memref<8192xf32, #tpu.memory_space<vmem>>, %arg10: memref<1024xi32, #tpu.memory_space<vmem>>, %arg11: memref<512xf32, #tpu.memory_space<vmem>>, %arg12: memref<512xf32, #tpu.memory_space<vmem>>, %arg13: memref<512xf32, #tpu.memory_space<vmem>>, %arg14: memref<32768xf32, #tpu.memory_space<vmem>>, %arg15: memref<32xf32, #tpu.memory_space<vmem>>, %arg16: memref<32xf32, #tpu.memory_space<vmem>>, %arg17: memref<1024xf32, #tpu.memory_space<vmem_shared>>, %arg18: memref<!tpu.dma_semaphore, #tpu.memory_space<semaphore_mem>>) attributes {dimension_semantics = [#tpu.dimension_semantics<core_parallel>, #tpu.dimension_semantics<subcore_parallel>], iteration_bounds = array<i64: 2, 16>, scalar_prefetch = 0 : i64, scratch_operands = 13 : i64, tpu.core_type = #tpu.core_type<sc_vector_subcore>, window_params = [{transform_indices = #map}, {transform_indices = #map}, {transform_indices = #map}, {transform_indices = #map}]} {
    %mul3A = arith.constant 8 : i32
    %mul3A_0 = arith.muli %arg0, %mul3A : i32
    %jit3A = arith.constant 2 : i32
    %div3A = arith.divsi %arg1, %jit3A : i32
    %sign3A = arith.constant 0 : i32
    %sign3A_1 = arith.cmpi sgt, %arg1, %sign3A : i32
    %sign3A_2 = arith.extui %sign3A_1 : i1 to i32
    %sign3A_3 = arith.constant 0 : i32
    %sign3A_4 = arith.cmpi slt, %arg1, %sign3A_3 : i32
    %sign3A_5 = arith.extui %sign3A_4 : i1 to i32
    %sign3A_6 = arith.subi %sign3A_2, %sign3A_5 : i32
    %sign3A_7 = arith.constant 0 : i32
    %sign3A_8 = arith.cmpi sgt, %jit3A, %sign3A_7 : i32
    %sign3A_9 = arith.extui %sign3A_8 : i1 to i32
    %sign3A_10 = arith.constant 0 : i32
    %sign3A_11 = arith.cmpi slt, %jit3A, %sign3A_10 : i32
    %sign3A_12 = arith.extui %sign3A_11 : i1 to i32
    %sign3A_13 = arith.subi %sign3A_9, %sign3A_12 : i32
    %ne3A = arith.cmpi ne, %sign3A_6, %sign3A_13 : i32
    %rem3A = arith.remsi %arg1, %jit3A : i32
    %ne3A_14 = arith.constant 0 : i32
    %ne3A_15 = arith.cmpi ne, %rem3A, %ne3A_14 : i32
    %and3A = arith.andi %ne3A, %ne3A_15 : i1
    %sub3A = arith.constant 1 : i32
    %sub3A_16 = arith.subi %div3A, %sub3A : i32
    %select_n3A = arith.select %and3A, %sub3A_16, %div3A : i32
    %add3A = arith.addi %mul3A_0, %select_n3A : i32
    %jit3A_17 = arith.constant 2 : i32
    %eq3A = arith.constant 0 : i32
    %eq3A_18 = arith.cmpi eq, %jit3A_17, %eq3A : i32
    %jit3A_19 = arith.constant 1 : i32
    %select_n3A_20 = arith.select %eq3A_18, %jit3A_19, %jit3A_17 : i32
    %rem3A_21 = arith.remsi %arg1, %select_n3A_20 : i32
    %ne3A_22 = arith.constant 0 : i32
    %ne3A_23 = arith.cmpi ne, %rem3A_21, %ne3A_22 : i32
    %lt3A = arith.constant 0 : i32
    %lt3A_24 = arith.cmpi slt, %rem3A_21, %lt3A : i32
    %lt3A_25 = arith.constant 0 : i32
    %lt3A_26 = arith.cmpi slt, %select_n3A_20, %lt3A_25 : i32
    %ne3A_27 = arith.xori %lt3A_24, %lt3A_26 : i1
    %and3A_28 = arith.andi %ne3A_27, %ne3A_23 : i1
    %add3A_29 = arith.addi %rem3A_21, %select_n3A_20 : i32
    %select_n3A_30 = arith.select %and3A_28, %add3A_29, %rem3A_21 : i32
    %mul3A_31 = arith.constant 8192 : i32
    %mul3A_32 = arith.muli %select_n3A_30, %mul3A_31 : i32
    %xor3A = arith.constant 1 : i32
    %xor3A_33 = arith.xori %arg1, %xor3A : i32
    %mul3A_34 = arith.constant 3 : i32
    %mul3A_35 = arith.muli %add3A, %mul3A_34 : i32
    %add3A_36 = arith.constant 0 : i32
    %add3A_37 = arith.addi %mul3A_35, %add3A_36 : i32
    %mul3A_38 = arith.constant 16384 : i32
    %mul3A_39 = arith.muli %add3A_37, %mul3A_38 : i32
    "tpu.region"() ({
      %run_scoped3A = tpu.sem_alloc : memref<!tpu.dma_semaphore, #tpu.memory_space<semaphore_mem>>
      %dma_start3A_906 = tpu.memref_slice %arg2[%mul3A_39] : memref<786432xf32, #tpu.memory_space<hbm>> -> memref<16384xf32, #tpu.memory_space<hbm>>
      %dma_start3A_907 = tpu.memref_slice %arg2[%mul3A_39] : memref<786432xf32, #tpu.memory_space<hbm>> -> memref<16384xf32, #tpu.memory_space<hbm>>
      tpu.enqueue_dma source(%dma_start3A_907 : memref<16384xf32, #tpu.memory_space<hbm>>) target(%arg6 : memref<16384xf32, #tpu.memory_space<vmem>>) target_semaphore(%run_scoped3A : memref<!tpu.dma_semaphore, #tpu.memory_space<semaphore_mem>>)
      %dma_wait3A_908 = tpu.memref_slice %arg2[%mul3A_39] : memref<786432xf32, #tpu.memory_space<hbm>> -> memref<16384xf32, #tpu.memory_space<hbm>>
      %dma_wait3A_909 = tpu.memref_slice %arg2[%mul3A_39] : memref<786432xf32, #tpu.memory_space<hbm>> -> memref<16384xf32, #tpu.memory_space<hbm>>
      tpu.wait_dma2 semaphore(%run_scoped3A : memref<!tpu.dma_semaphore, #tpu.memory_space<semaphore_mem>>) src(%dma_wait3A_909 : memref<16384xf32, #tpu.memory_space<hbm>>) dst(%arg6 : memref<16384xf32, #tpu.memory_space<vmem>>)
      tpu.yield
    }) : () -> ()
    %mul3A_40 = arith.constant 3 : i32
    %mul3A_41 = arith.muli %add3A, %mul3A_40 : i32
    %add3A_42 = arith.constant 1 : i32
    %add3A_43 = arith.addi %mul3A_41, %add3A_42 : i32
    %mul3A_44 = arith.constant 16384 : i32
    %mul3A_45 = arith.muli %add3A_43, %mul3A_44 : i32
    "tpu.region"() ({
      %run_scoped3A = tpu.sem_alloc : memref<!tpu.dma_semaphore, #tpu.memory_space<semaphore_mem>>
      %dma_start3A_906 = tpu.memref_slice %arg2[%mul3A_45] : memref<786432xf32, #tpu.memory_space<hbm>> -> memref<16384xf32, #tpu.memory_space<hbm>>
      %dma_start3A_907 = tpu.memref_slice %arg2[%mul3A_45] : memref<786432xf32, #tpu.memory_space<hbm>> -> memref<16384xf32, #tpu.memory_space<hbm>>
      tpu.enqueue_dma source(%dma_start3A_907 : memref<16384xf32, #tpu.memory_space<hbm>>) target(%arg7 : memref<16384xf32, #tpu.memory_space<vmem>>) target_semaphore(%run_scoped3A : memref<!tpu.dma_semaphore, #tpu.memory_space<semaphore_mem>>)
      %dma_wait3A_908 = tpu.memref_slice %arg2[%mul3A_45] : memref<786432xf32, #tpu.memory_space<hbm>> -> memref<16384xf32, #tpu.memory_space<hbm>>
      %dma_wait3A_909 = tpu.memref_slice %arg2[%mul3A_45] : memref<786432xf32, #tpu.memory_space<hbm>> -> memref<16384xf32, #tpu.memory_space<hbm>>
      tpu.wait_dma2 semaphore(%run_scoped3A : memref<!tpu.dma_semaphore, #tpu.memory_space<semaphore_mem>>) src(%dma_wait3A_909 : memref<16384xf32, #tpu.memory_space<hbm>>) dst(%arg7 : memref<16384xf32, #tpu.memory_space<vmem>>)
      tpu.yield
    }) : () -> ()
    %mul3A_46 = arith.constant 3 : i32
    %mul3A_47 = arith.muli %add3A, %mul3A_46 : i32
    %add3A_48 = arith.constant 2 : i32
    %add3A_49 = arith.addi %mul3A_47, %add3A_48 : i32
    %mul3A_50 = arith.constant 16384 : i32
    %mul3A_51 = arith.muli %add3A_49, %mul3A_50 : i32
    "tpu.region"() ({
      %run_scoped3A = tpu.sem_alloc : memref<!tpu.dma_semaphore, #tpu.memory_space<semaphore_mem>>
      %dma_start3A_906 = tpu.memref_slice %arg2[%mul3A_51] : memref<786432xf32, #tpu.memory_space<hbm>> -> memref<16384xf32, #tpu.memory_space<hbm>>
      %dma_start3A_907 = tpu.memref_slice %arg2[%mul3A_51] : memref<786432xf32, #tpu.memory_space<hbm>> -> memref<16384xf32, #tpu.memory_space<hbm>>
      tpu.enqueue_dma source(%dma_start3A_907 : memref<16384xf32, #tpu.memory_space<hbm>>) target(%arg8 : memref<16384xf32, #tpu.memory_space<vmem>>) target_semaphore(%run_scoped3A : memref<!tpu.dma_semaphore, #tpu.memory_space<semaphore_mem>>)
      %dma_wait3A_908 = tpu.memref_slice %arg2[%mul3A_51] : memref<786432xf32, #tpu.memory_space<hbm>> -> memref<16384xf32, #tpu.memory_space<hbm>>
      %dma_wait3A_909 = tpu.memref_slice %arg2[%mul3A_51] : memref<786432xf32, #tpu.memory_space<hbm>> -> memref<16384xf32, #tpu.memory_space<hbm>>
      tpu.wait_dma2 semaphore(%run_scoped3A : memref<!tpu.dma_semaphore, #tpu.memory_space<semaphore_mem>>) src(%dma_wait3A_909 : memref<16384xf32, #tpu.memory_space<hbm>>) dst(%arg8 : memref<16384xf32, #tpu.memory_space<vmem>>)
      tpu.yield
    }) : () -> ()
    %broadcast_in_dim3A = arith.constant 0x7F800000 : f32
    %broadcast_in_dim3A_52 = vector.broadcast %broadcast_in_dim3A : f32 to vector<16xf32>
    %scan3A = arith.constant 0 : i32
    %scan3A_53 = arith.constant 0 : i32
    %scan3A_54 = arith.constant 64 : i32
    %scan3A_55 = arith.addi %scan3A_53, %scan3A_54 : i32
    %scan3A_56 = arith.constant 1 : i32
    %scan3A_57 = scf.for %scan3A_906 = %scan3A_53 to %scan3A_55 step %scan3A_56 iter_args(%scan3A_907 = %scan3A) -> (i32)  : i32 {
      %mul3A_908 = arith.constant 128 : i32
      %mul3A_909 = arith.muli %scan3A_906, %mul3A_908 : i32
      %add3A_910 = arith.constant 0 : i32
      %add3A_911 = arith.addi %mul3A_909, %add3A_910 : i32
      %swap3A = arith.index_cast %add3A_911 : i32 to index
      %swap3A_912 = tpu.vector_load %arg9[%swap3A] {strides = array<i32>} : memref<8192xf32, #tpu.memory_space<vmem>>, vector<16xf32>,
      tpu.vector_store %arg9[%swap3A], %broadcast_in_dim3A_52 {strides = array<i32>} : memref<8192xf32, #tpu.memory_space<vmem>>, vector<16xf32>,
      %add3A_913 = arith.constant 16 : i32
      %add3A_914 = arith.addi %mul3A_909, %add3A_913 : i32
      %swap3A_915 = arith.index_cast %add3A_914 : i32 to index
      %swap3A_916 = tpu.vector_load %arg9[%swap3A_915] {strides = array<i32>} : memref<8192xf32, #tpu.memory_space<vmem>>, vector<16xf32>,
      tpu.vector_store %arg9[%swap3A_915], %broadcast_in_dim3A_52 {strides = array<i32>} : memref<8192xf32, #tpu.memory_space<vmem>>, vector<16xf32>,
      %add3A_917 = arith.constant 32 : i32
      %add3A_918 = arith.addi %mul3A_909, %add3A_917 : i32
      %swap3A_919 = arith.index_cast %add3A_918 : i32 to index
      %swap3A_920 = tpu.vector_load %arg9[%swap3A_919] {strides = array<i32>} : memref<8192xf32, #tpu.memory_space<vmem>>, vector<16xf32>,
      tpu.vector_store %arg9[%swap3A_919], %broadcast_in_dim3A_52 {strides = array<i32>} : memref<8192xf32, #tpu.memory_space<vmem>>, vector<16xf32>,
      %add3A_921 = arith.constant 48 : i32
      %add3A_922 = arith.addi %mul3A_909, %add3A_921 : i32
      %swap3A_923 = arith.index_cast %add3A_922 : i32 to index
      %swap3A_924 = tpu.vector_load %arg9[%swap3A_923] {strides = array<i32>} : memref<8192xf32, #tpu.memory_space<vmem>>, vector<16xf32>,
      tpu.vector_store %arg9[%swap3A_923], %broadcast_in_dim3A_52 {strides = array<i32>} : memref<8192xf32, #tpu.memory_space<vmem>>, vector<16xf32>,
      %add3A_925 = arith.constant 64 : i32
      %add3A_926 = arith.addi %mul3A_909, %add3A_925 : i32
      %swap3A_927 = arith.index_cast %add3A_926 : i32 to index
      %swap3A_928 = tpu.vector_load %arg9[%swap3A_927] {strides = array<i32>} : memref<8192xf32, #tpu.memory_space<vmem>>, vector<16xf32>,
      tpu.vector_store %arg9[%swap3A_927], %broadcast_in_dim3A_52 {strides = array<i32>} : memref<8192xf32, #tpu.memory_space<vmem>>, vector<16xf32>,
      %add3A_929 = arith.constant 80 : i32
      %add3A_930 = arith.addi %mul3A_909, %add3A_929 : i32
      %swap3A_931 = arith.index_cast %add3A_930 : i32 to index
      %swap3A_932 = tpu.vector_load %arg9[%swap3A_931] {strides = array<i32>} : memref<8192xf32, #tpu.memory_space<vmem>>, vector<16xf32>,
      tpu.vector_store %arg9[%swap3A_931], %broadcast_in_dim3A_52 {strides = array<i32>} : memref<8192xf32, #tpu.memory_space<vmem>>, vector<16xf32>,
      %add3A_933 = arith.constant 96 : i32
      %add3A_934 = arith.addi %mul3A_909, %add3A_933 : i32
      %swap3A_935 = arith.index_cast %add3A_934 : i32 to index
      %swap3A_936 = tpu.vector_load %arg9[%swap3A_935] {strides = array<i32>} : memref<8192xf32, #tpu.memory_space<vmem>>, vector<16xf32>,
      tpu.vector_store %arg9[%swap3A_935], %broadcast_in_dim3A_52 {strides = array<i32>} : memref<8192xf32, #tpu.memory_space<vmem>>, vector<16xf32>,
      %add3A_937 = arith.constant 112 : i32
      %add3A_938 = arith.addi %mul3A_909, %add3A_937 : i32
      %swap3A_939 = arith.index_cast %add3A_938 : i32 to index
      %swap3A_940 = tpu.vector_load %arg9[%swap3A_939] {strides = array<i32>} : memref<8192xf32, #tpu.memory_space<vmem>>, vector<16xf32>,
      tpu.vector_store %arg9[%swap3A_939], %broadcast_in_dim3A_52 {strides = array<i32>} : memref<8192xf32, #tpu.memory_space<vmem>>, vector<16xf32>,
      %scan3A_941 = arith.constant 0 : i32
      scf.yield %scan3A_941 : i32
    }
    %scan3A_58 = arith.constant 64 : i32
    %iota3A = tpu.iota {dimensions = array<i32: 0>} : vector<16xi32>
    %eq3A_59 = arith.constant 0 : i32
    %eq3A_60 = vector.broadcast %eq3A_59 : i32 to vector<16xi32>
    %eq3A_61 = arith.cmpi eq, %iota3A, %eq3A_60 : vector<16xi32>
    %broadcast_in_dim3A_62 = arith.constant 0 : i32
    %broadcast_in_dim3A_63 = vector.broadcast %broadcast_in_dim3A_62 : i32 to vector<16xi32>
    %scan3A_64 = arith.constant 0 : i32
    %scan3A_65 = arith.constant 8 : i32
    %scan3A_66 = arith.addi %scan3A_64, %scan3A_65 : i32
    %scan3A_67 = arith.constant 1 : i32
    %scan3A_68 = scf.for %scan3A_906 = %scan3A_64 to %scan3A_66 step %scan3A_67 iter_args(%scan3A_907 = %broadcast_in_dim3A_63) -> (vector<16xi32>)  : i32 {
      %mul3A_908 = arith.constant 128 : i32
      %mul3A_909 = arith.muli %scan3A_906, %mul3A_908 : i32
      %mul3A_910 = arith.constant 128 : i32
      %mul3A_911 = arith.muli %scan3A_906, %mul3A_910 : i32
      %add3A_912 = arith.constant 128 : i32
      %add3A_913 = arith.addi %mul3A_911, %add3A_912 : i32
      %while3A = arith.subi %add3A_913, %mul3A_909 : i32
      %while3A_914 = arith.addi %mul3A_909, %while3A : i32
      %while3A_915 = arith.constant 1 : i32
      %while3A_916 = arith.divsi %while3A, %while3A_915 : i32
      %while3A_917 = arith.muli %while3A_916, %while3A_915 : i32
      %while3A_918 = arith.addi %mul3A_909, %while3A_917 : i32
      %while3A_919 = arith.constant 1 : i32
      %while3A_920 = scf.for %while3A_925 = %mul3A_909 to %while3A_918 step %while3A_919 iter_args(%while3A_926 = %scan3A_907) -> (vector<16xi32>)  : i32 {
        %broadcast_in_dim3A_927 = vector.broadcast %while3A_925 : i32 to vector<16xi32>
        tpu.vector_store_idx %arg10[%broadcast_in_dim3A_927], %while3A_926 masked %eq3A_61 : memref<1024xi32, #tpu.memory_space<vmem>>[vector<16xi32>], vector<16xi32>, vector<16xi1>
        %gather3A = tpu.vector_load_idx %arg6[%while3A_926] : memref<16384xf32, #tpu.memory_space<vmem>>[vector<16xi32>], vector<16xf32>,
        %gather3A_928 = tpu.vector_load_idx %arg7[%while3A_926] : memref<16384xf32, #tpu.memory_space<vmem>>[vector<16xi32>], vector<16xf32>,
        %gather3A_929 = tpu.vector_load_idx %arg8[%while3A_926] : memref<16384xf32, #tpu.memory_space<vmem>>[vector<16xi32>], vector<16xf32>,
        %broadcast_in_dim3A_930 = arith.constant -1.000000e+00 : f32
        %broadcast_in_dim3A_931 = vector.broadcast %broadcast_in_dim3A_930 : f32 to vector<16xf32>
        %broadcast_in_dim3A_932 = arith.constant 0 : i32
        %broadcast_in_dim3A_933 = vector.broadcast %broadcast_in_dim3A_932 : i32 to vector<16xi32>
        %scan3A_934 = arith.constant 0 : i32
        %scan3A_935 = arith.constant 64 : i32
        %scan3A_936 = arith.addi %scan3A_934, %scan3A_935 : i32
        %scan3A_937 = arith.constant 1 : i32
        %scan3A_938:16 = scf.for %scan3A_1108 = %scan3A_934 to %scan3A_936 step %scan3A_937 iter_args(%scan3A_1109 = %broadcast_in_dim3A_931, %scan3A_1110 = %broadcast_in_dim3A_931, %scan3A_1111 = %broadcast_in_dim3A_931, %scan3A_1112 = %broadcast_in_dim3A_931, %scan3A_1113 = %broadcast_in_dim3A_931, %scan3A_1114 = %broadcast_in_dim3A_931, %scan3A_1115 = %broadcast_in_dim3A_931, %scan3A_1116 = %broadcast_in_dim3A_931, %scan3A_1117 = %broadcast_in_dim3A_933, %scan3A_1118 = %broadcast_in_dim3A_933, %scan3A_1119 = %broadcast_in_dim3A_933, %scan3A_1120 = %broadcast_in_dim3A_933, %scan3A_1121 = %broadcast_in_dim3A_933, %scan3A_1122 = %broadcast_in_dim3A_933, %scan3A_1123 = %broadcast_in_dim3A_933, %scan3A_1124 = %broadcast_in_dim3A_933) -> (vector<16xf32>, vector<16xf32>, vector<16xf32>, vector<16xf32>, vector<16xf32>, vector<16xf32>, vector<16xf32>, vector<16xf32>, vector<16xi32>, vector<16xi32>, vector<16xi32>, vector<16xi32>, vector<16xi32>, vector<16xi32>, vector<16xi32>, vector<16xi32>)  : i32 {
          %mul3A_1125 = arith.constant 128 : i32
          %mul3A_1126 = arith.muli %scan3A_1108, %mul3A_1125 : i32
          %broadcast_in_dim3A_1127 = vector.broadcast %scan3A_1108 : i32 to vector<16xi32>
          %add3A_1128 = arith.constant 0 : i32
          %add3A_1129 = arith.addi %mul3A_1126, %add3A_1128 : i32
          %add3A_1130 = arith.constant 16 : i32
          %add3A_1131 = arith.addi %mul3A_1126, %add3A_1130 : i32
          %add3A_1132 = arith.constant 32 : i32
          %add3A_1133 = arith.addi %mul3A_1126, %add3A_1132 : i32
          %add3A_1134 = arith.constant 48 : i32
          %add3A_1135 = arith.addi %mul3A_1126, %add3A_1134 : i32
          %add3A_1136 = arith.constant 64 : i32
          %add3A_1137 = arith.addi %mul3A_1126, %add3A_1136 : i32
          %add3A_1138 = arith.constant 80 : i32
          %add3A_1139 = arith.addi %mul3A_1126, %add3A_1138 : i32
          %add3A_1140 = arith.constant 96 : i32
          %add3A_1141 = arith.addi %mul3A_1126, %add3A_1140 : i32
          %add3A_1142 = arith.constant 112 : i32
          %add3A_1143 = arith.addi %mul3A_1126, %add3A_1142 : i32
          %add3A_1144 = arith.addi %mul3A_32, %add3A_1129 : i32
          %add3A_1145 = arith.addi %mul3A_32, %add3A_1131 : i32
          %add3A_1146 = arith.addi %mul3A_32, %add3A_1133 : i32
          %add3A_1147 = arith.addi %mul3A_32, %add3A_1135 : i32
          %add3A_1148 = arith.addi %mul3A_32, %add3A_1137 : i32
          %add3A_1149 = arith.addi %mul3A_32, %add3A_1139 : i32
          %add3A_1150 = arith.addi %mul3A_32, %add3A_1141 : i32
          %add3A_1151 = arith.addi %mul3A_32, %add3A_1143 : i32
          %get3A_1152 = arith.index_cast %add3A_1144 : i32 to index
          %get3A_1153 = tpu.vector_load %arg6[%get3A_1152] {strides = array<i32>} : memref<16384xf32, #tpu.memory_space<vmem>>, vector<16xf32>,
          %get3A_1154 = arith.index_cast %add3A_1145 : i32 to index
          %get3A_1155 = tpu.vector_load %arg6[%get3A_1154] {strides = array<i32>} : memref<16384xf32, #tpu.memory_space<vmem>>, vector<16xf32>,
          %get3A_1156 = arith.index_cast %add3A_1146 : i32 to index
          %get3A_1157 = tpu.vector_load %arg6[%get3A_1156] {strides = array<i32>} : memref<16384xf32, #tpu.memory_space<vmem>>, vector<16xf32>,
          %get3A_1158 = arith.index_cast %add3A_1147 : i32 to index
          %get3A_1159 = tpu.vector_load %arg6[%get3A_1158] {strides = array<i32>} : memref<16384xf32, #tpu.memory_space<vmem>>, vector<16xf32>,
          %get3A_1160 = arith.index_cast %add3A_1148 : i32 to index
          %get3A_1161 = tpu.vector_load %arg6[%get3A_1160] {strides = array<i32>} : memref<16384xf32, #tpu.memory_space<vmem>>, vector<16xf32>,
          %get3A_1162 = arith.index_cast %add3A_1149 : i32 to index
          %get3A_1163 = tpu.vector_load %arg6[%get3A_1162] {strides = array<i32>} : memref<16384xf32, #tpu.memory_space<vmem>>, vector<16xf32>,
          %get3A_1164 = arith.index_cast %add3A_1150 : i32 to index
          %get3A_1165 = tpu.vector_load %arg6[%get3A_1164] {strides = array<i32>} : memref<16384xf32, #tpu.memory_space<vmem>>, vector<16xf32>,
          %get3A_1166 = arith.index_cast %add3A_1151 : i32 to index
          %get3A_1167 = tpu.vector_load %arg6[%get3A_1166] {strides = array<i32>} : memref<16384xf32, #tpu.memory_space<vmem>>, vector<16xf32>,
          %get3A_1168 = arith.index_cast %add3A_1144 : i32 to index
          %get3A_1169 = tpu.vector_load %arg7[%get3A_1168] {strides = array<i32>} : memref<16384xf32, #tpu.memory_space<vmem>>, vector<16xf32>,
          %get3A_1170 = arith.index_cast %add3A_1145 : i32 to index
          %get3A_1171 = tpu.vector_load %arg7[%get3A_1170] {strides = array<i32>} : memref<16384xf32, #tpu.memory_space<vmem>>, vector<16xf32>,
          %get3A_1172 = arith.index_cast %add3A_1146 : i32 to index
          %get3A_1173 = tpu.vector_load %arg7[%get3A_1172] {strides = array<i32>} : memref<16384xf32, #tpu.memory_space<vmem>>, vector<16xf32>,
          %get3A_1174 = arith.index_cast %add3A_1147 : i32 to index
          %get3A_1175 = tpu.vector_load %arg7[%get3A_1174] {strides = array<i32>} : memref<16384xf32, #tpu.memory_space<vmem>>, vector<16xf32>,
          %get3A_1176 = arith.index_cast %add3A_1148 : i32 to index
          %get3A_1177 = tpu.vector_load %arg7[%get3A_1176] {strides = array<i32>} : memref<16384xf32, #tpu.memory_space<vmem>>, vector<16xf32>,
          %get3A_1178 = arith.index_cast %add3A_1149 : i32 to index
          %get3A_1179 = tpu.vector_load %arg7[%get3A_1178] {strides = array<i32>} : memref<16384xf32, #tpu.memory_space<vmem>>, vector<16xf32>,
          %get3A_1180 = arith.index_cast %add3A_1150 : i32 to index
          %get3A_1181 = tpu.vector_load %arg7[%get3A_1180] {strides = array<i32>} : memref<16384xf32, #tpu.memory_space<vmem>>, vector<16xf32>,
          %get3A_1182 = arith.index_cast %add3A_1151 : i32 to index
          %get3A_1183 = tpu.vector_load %arg7[%get3A_1182] {strides = array<i32>} : memref<16384xf32, #tpu.memory_space<vmem>>, vector<16xf32>,
          %get3A_1184 = arith.index_cast %add3A_1144 : i32 to index
          %get3A_1185 = tpu.vector_load %arg8[%get3A_1184] {strides = array<i32>} : memref<16384xf32, #tpu.memory_space<vmem>>, vector<16xf32>,
          %get3A_1186 = arith.index_cast %add3A_1145 : i32 to index
          %get3A_1187 = tpu.vector_load %arg8[%get3A_1186] {strides = array<i32>} : memref<16384xf32, #tpu.memory_space<vmem>>, vector<16xf32>,
          %get3A_1188 = arith.index_cast %add3A_1146 : i32 to index
          %get3A_1189 = tpu.vector_load %arg8[%get3A_1188] {strides = array<i32>} : memref<16384xf32, #tpu.memory_space<vmem>>, vector<16xf32>,
          %get3A_1190 = arith.index_cast %add3A_1147 : i32 to index
          %get3A_1191 = tpu.vector_load %arg8[%get3A_1190] {strides = array<i32>} : memref<16384xf32, #tpu.memory_space<vmem>>, vector<16xf32>,
          %get3A_1192 = arith.index_cast %add3A_1148 : i32 to index
          %get3A_1193 = tpu.vector_load %arg8[%get3A_1192] {strides = array<i32>} : memref<16384xf32, #tpu.memory_space<vmem>>, vector<16xf32>,
          %get3A_1194 = arith.index_cast %add3A_1149 : i32 to index
          %get3A_1195 = tpu.vector_load %arg8[%get3A_1194] {strides = array<i32>} : memref<16384xf32, #tpu.memory_space<vmem>>, vector<16xf32>,
          %get3A_1196 = arith.index_cast %add3A_1150 : i32 to index
          %get3A_1197 = tpu.vector_load %arg8[%get3A_1196] {strides = array<i32>} : memref<16384xf32, #tpu.memory_space<vmem>>, vector<16xf32>,
          %get3A_1198 = arith.index_cast %add3A_1151 : i32 to index
          %get3A_1199 = tpu.vector_load %arg8[%get3A_1198] {strides = array<i32>} : memref<16384xf32, #tpu.memory_space<vmem>>, vector<16xf32>,
          %get3A_1200 = arith.index_cast %add3A_1129 : i32 to index
          %get3A_1201 = tpu.vector_load %arg9[%get3A_1200] {strides = array<i32>} : memref<8192xf32, #tpu.memory_space<vmem>>, vector<16xf32>,
          %get3A_1202 = arith.index_cast %add3A_1131 : i32 to index
          %get3A_1203 = tpu.vector_load %arg9[%get3A_1202] {strides = array<i32>} : memref<8192xf32, #tpu.memory_space<vmem>>, vector<16xf32>,
          %get3A_1204 = arith.index_cast %add3A_1133 : i32 to index
          %get3A_1205 = tpu.vector_load %arg9[%get3A_1204] {strides = array<i32>} : memref<8192xf32, #tpu.memory_space<vmem>>, vector<16xf32>,
          %get3A_1206 = arith.index_cast %add3A_1135 : i32 to index
          %get3A_1207 = tpu.vector_load %arg9[%get3A_1206] {strides = array<i32>} : memref<8192xf32, #tpu.memory_space<vmem>>, vector<16xf32>,
          %get3A_1208 = arith.index_cast %add3A_1137 : i32 to index
          %get3A_1209 = tpu.vector_load %arg9[%get3A_1208] {strides = array<i32>} : memref<8192xf32, #tpu.memory_space<vmem>>, vector<16xf32>,
          %get3A_1210 = arith.index_cast %add3A_1139 : i32 to index
          %get3A_1211 = tpu.vector_load %arg9[%get3A_1210] {strides = array<i32>} : memref<8192xf32, #tpu.memory_space<vmem>>, vector<16xf32>,
          %get3A_1212 = arith.index_cast %add3A_1141 : i32 to index
          %get3A_1213 = tpu.vector_load %arg9[%get3A_1212] {strides = array<i32>} : memref<8192xf32, #tpu.memory_space<vmem>>, vector<16xf32>,
          %get3A_1214 = arith.index_cast %add3A_1143 : i32 to index
          %get3A_1215 = tpu.vector_load %arg9[%get3A_1214] {strides = array<i32>} : memref<8192xf32, #tpu.memory_space<vmem>>, vector<16xf32>,
          %sub3A_1216 = arith.subf %get3A_1153, %gather3A : vector<16xf32>
          %sub3A_1217 = arith.subf %get3A_1155, %gather3A : vector<16xf32>
          %sub3A_1218 = arith.subf %get3A_1157, %gather3A : vector<16xf32>
          %sub3A_1219 = arith.subf %get3A_1159, %gather3A : vector<16xf32>
          %sub3A_1220 = arith.subf %get3A_1161, %gather3A : vector<16xf32>
          %sub3A_1221 = arith.subf %get3A_1163, %gather3A : vector<16xf32>
          %sub3A_1222 = arith.subf %get3A_1165, %gather3A : vector<16xf32>
          %sub3A_1223 = arith.subf %get3A_1167, %gather3A : vector<16xf32>
          %sub3A_1224 = arith.subf %get3A_1169, %gather3A_928 : vector<16xf32>
          %sub3A_1225 = arith.subf %get3A_1171, %gather3A_928 : vector<16xf32>
          %sub3A_1226 = arith.subf %get3A_1173, %gather3A_928 : vector<16xf32>
          %sub3A_1227 = arith.subf %get3A_1175, %gather3A_928 : vector<16xf32>
          %sub3A_1228 = arith.subf %get3A_1177, %gather3A_928 : vector<16xf32>
          %sub3A_1229 = arith.subf %get3A_1179, %gather3A_928 : vector<16xf32>
          %sub3A_1230 = arith.subf %get3A_1181, %gather3A_928 : vector<16xf32>
          %sub3A_1231 = arith.subf %get3A_1183, %gather3A_928 : vector<16xf32>
          %sub3A_1232 = arith.subf %get3A_1185, %gather3A_929 : vector<16xf32>
          %sub3A_1233 = arith.subf %get3A_1187, %gather3A_929 : vector<16xf32>
          %sub3A_1234 = arith.subf %get3A_1189, %gather3A_929 : vector<16xf32>
          %sub3A_1235 = arith.subf %get3A_1191, %gather3A_929 : vector<16xf32>
          %sub3A_1236 = arith.subf %get3A_1193, %gather3A_929 : vector<16xf32>
          %sub3A_1237 = arith.subf %get3A_1195, %gather3A_929 : vector<16xf32>
          %sub3A_1238 = arith.subf %get3A_1197, %gather3A_929 : vector<16xf32>
          %sub3A_1239 = arith.subf %get3A_1199, %gather3A_929 : vector<16xf32>
          %mul3A_1240 = arith.mulf %sub3A_1216, %sub3A_1216 : vector<16xf32>
          %mul3A_1241 = arith.mulf %sub3A_1217, %sub3A_1217 : vector<16xf32>
          %mul3A_1242 = arith.mulf %sub3A_1218, %sub3A_1218 : vector<16xf32>
          %mul3A_1243 = arith.mulf %sub3A_1219, %sub3A_1219 : vector<16xf32>
          %mul3A_1244 = arith.mulf %sub3A_1220, %sub3A_1220 : vector<16xf32>
          %mul3A_1245 = arith.mulf %sub3A_1221, %sub3A_1221 : vector<16xf32>
          %mul3A_1246 = arith.mulf %sub3A_1222, %sub3A_1222 : vector<16xf32>
          %mul3A_1247 = arith.mulf %sub3A_1223, %sub3A_1223 : vector<16xf32>
          %mul3A_1248 = arith.mulf %sub3A_1232, %sub3A_1232 : vector<16xf32>
          %add3A_1249 = arith.addf %mul3A_1240, %mul3A_1248 : vector<16xf32>
          %mul3A_1250 = arith.mulf %sub3A_1233, %sub3A_1233 : vector<16xf32>
          %add3A_1251 = arith.addf %mul3A_1241, %mul3A_1250 : vector<16xf32>
          %mul3A_1252 = arith.mulf %sub3A_1234, %sub3A_1234 : vector<16xf32>
          %add3A_1253 = arith.addf %mul3A_1242, %mul3A_1252 : vector<16xf32>
          %mul3A_1254 = arith.mulf %sub3A_1235, %sub3A_1235 : vector<16xf32>
          %add3A_1255 = arith.addf %mul3A_1243, %mul3A_1254 : vector<16xf32>
          %mul3A_1256 = arith.mulf %sub3A_1236, %sub3A_1236 : vector<16xf32>
          %add3A_1257 = arith.addf %mul3A_1244, %mul3A_1256 : vector<16xf32>
          %mul3A_1258 = arith.mulf %sub3A_1237, %sub3A_1237 : vector<16xf32>
          %add3A_1259 = arith.addf %mul3A_1245, %mul3A_1258 : vector<16xf32>
          %mul3A_1260 = arith.mulf %sub3A_1238, %sub3A_1238 : vector<16xf32>
          %add3A_1261 = arith.addf %mul3A_1246, %mul3A_1260 : vector<16xf32>
          %mul3A_1262 = arith.mulf %sub3A_1239, %sub3A_1239 : vector<16xf32>
          %add3A_1263 = arith.addf %mul3A_1247, %mul3A_1262 : vector<16xf32>
          %mul3A_1264 = arith.mulf %sub3A_1224, %sub3A_1224 : vector<16xf32>
          %add3A_1265 = arith.addf %add3A_1249, %mul3A_1264 : vector<16xf32>
          %mul3A_1266 = arith.mulf %sub3A_1225, %sub3A_1225 : vector<16xf32>
          %add3A_1267 = arith.addf %add3A_1251, %mul3A_1266 : vector<16xf32>
          %mul3A_1268 = arith.mulf %sub3A_1226, %sub3A_1226 : vector<16xf32>
          %add3A_1269 = arith.addf %add3A_1253, %mul3A_1268 : vector<16xf32>
          %mul3A_1270 = arith.mulf %sub3A_1227, %sub3A_1227 : vector<16xf32>
          %add3A_1271 = arith.addf %add3A_1255, %mul3A_1270 : vector<16xf32>
          %mul3A_1272 = arith.mulf %sub3A_1228, %sub3A_1228 : vector<16xf32>
          %add3A_1273 = arith.addf %add3A_1257, %mul3A_1272 : vector<16xf32>
          %mul3A_1274 = arith.mulf %sub3A_1229, %sub3A_1229 : vector<16xf32>
          %add3A_1275 = arith.addf %add3A_1259, %mul3A_1274 : vector<16xf32>
          %mul3A_1276 = arith.mulf %sub3A_1230, %sub3A_1230 : vector<16xf32>
          %add3A_1277 = arith.addf %add3A_1261, %mul3A_1276 : vector<16xf32>
          %mul3A_1278 = arith.mulf %sub3A_1231, %sub3A_1231 : vector<16xf32>
          %add3A_1279 = arith.addf %add3A_1263, %mul3A_1278 : vector<16xf32>
          %min3A = arith.minimumf %get3A_1201, %add3A_1265 : vector<16xf32>
          %min3A_1280 = arith.minimumf %get3A_1203, %add3A_1267 : vector<16xf32>
          %min3A_1281 = arith.minimumf %get3A_1205, %add3A_1269 : vector<16xf32>
          %min3A_1282 = arith.minimumf %get3A_1207, %add3A_1271 : vector<16xf32>
          %min3A_1283 = arith.minimumf %get3A_1209, %add3A_1273 : vector<16xf32>
          %min3A_1284 = arith.minimumf %get3A_1211, %add3A_1275 : vector<16xf32>
          %min3A_1285 = arith.minimumf %get3A_1213, %add3A_1277 : vector<16xf32>
          %min3A_1286 = arith.minimumf %get3A_1215, %add3A_1279 : vector<16xf32>
          %swap3A_1287 = arith.index_cast %add3A_1129 : i32 to index
          %swap3A_1288 = tpu.vector_load %arg9[%swap3A_1287] {strides = array<i32>} : memref<8192xf32, #tpu.memory_space<vmem>>, vector<16xf32>,
          tpu.vector_store %arg9[%swap3A_1287], %min3A {strides = array<i32>} : memref<8192xf32, #tpu.memory_space<vmem>>, vector<16xf32>,
          %swap3A_1289 = arith.index_cast %add3A_1131 : i32 to index
          %swap3A_1290 = tpu.vector_load %arg9[%swap3A_1289] {strides = array<i32>} : memref<8192xf32, #tpu.memory_space<vmem>>, vector<16xf32>,
          tpu.vector_store %arg9[%swap3A_1289], %min3A_1280 {strides = array<i32>} : memref<8192xf32, #tpu.memory_space<vmem>>, vector<16xf32>,
          %swap3A_1291 = arith.index_cast %add3A_1133 : i32 to index
          %swap3A_1292 = tpu.vector_load %arg9[%swap3A_1291] {strides = array<i32>} : memref<8192xf32, #tpu.memory_space<vmem>>, vector<16xf32>,
          tpu.vector_store %arg9[%swap3A_1291], %min3A_1281 {strides = array<i32>} : memref<8192xf32, #tpu.memory_space<vmem>>, vector<16xf32>,
          %swap3A_1293 = arith.index_cast %add3A_1135 : i32 to index
          %swap3A_1294 = tpu.vector_load %arg9[%swap3A_1293] {strides = array<i32>} : memref<8192xf32, #tpu.memory_space<vmem>>, vector<16xf32>,
          tpu.vector_store %arg9[%swap3A_1293], %min3A_1282 {strides = array<i32>} : memref<8192xf32, #tpu.memory_space<vmem>>, vector<16xf32>,
          %swap3A_1295 = arith.index_cast %add3A_1137 : i32 to index
          %swap3A_1296 = tpu.vector_load %arg9[%swap3A_1295] {strides = array<i32>} : memref<8192xf32, #tpu.memory_space<vmem>>, vector<16xf32>,
          tpu.vector_store %arg9[%swap3A_1295], %min3A_1283 {strides = array<i32>} : memref<8192xf32, #tpu.memory_space<vmem>>, vector<16xf32>,
          %swap3A_1297 = arith.index_cast %add3A_1139 : i32 to index
          %swap3A_1298 = tpu.vector_load %arg9[%swap3A_1297] {strides = array<i32>} : memref<8192xf32, #tpu.memory_space<vmem>>, vector<16xf32>,
          tpu.vector_store %arg9[%swap3A_1297], %min3A_1284 {strides = array<i32>} : memref<8192xf32, #tpu.memory_space<vmem>>, vector<16xf32>,
          %swap3A_1299 = arith.index_cast %add3A_1141 : i32 to index
          %swap3A_1300 = tpu.vector_load %arg9[%swap3A_1299] {strides = array<i32>} : memref<8192xf32, #tpu.memory_space<vmem>>, vector<16xf32>,
          tpu.vector_store %arg9[%swap3A_1299], %min3A_1285 {strides = array<i32>} : memref<8192xf32, #tpu.memory_space<vmem>>, vector<16xf32>,
          %swap3A_1301 = arith.index_cast %add3A_1143 : i32 to index
          %swap3A_1302 = tpu.vector_load %arg9[%swap3A_1301] {strides = array<i32>} : memref<8192xf32, #tpu.memory_space<vmem>>, vector<16xf32>,
          tpu.vector_store %arg9[%swap3A_1301], %min3A_1286 {strides = array<i32>} : memref<8192xf32, #tpu.memory_space<vmem>>, vector<16xf32>,
          %gt3A_1303 = arith.cmpf ogt, %min3A, %scan3A_1109 : vector<16xf32>
          %gt3A_1304 = arith.cmpf ogt, %min3A_1280, %scan3A_1110 : vector<16xf32>
          %gt3A_1305 = arith.cmpf ogt, %min3A_1281, %scan3A_1111 : vector<16xf32>
          %gt3A_1306 = arith.cmpf ogt, %min3A_1282, %scan3A_1112 : vector<16xf32>
          %gt3A_1307 = arith.cmpf ogt, %min3A_1283, %scan3A_1113 : vector<16xf32>
          %gt3A_1308 = arith.cmpf ogt, %min3A_1284, %scan3A_1114 : vector<16xf32>
          %gt3A_1309 = arith.cmpf ogt, %min3A_1285, %scan3A_1115 : vector<16xf32>
          %gt3A_1310 = arith.cmpf ogt, %min3A_1286, %scan3A_1116 : vector<16xf32>
          %select_n3A_1311 = arith.select %gt3A_1303, %min3A, %scan3A_1109 : vector<16xi1>, vector<16xf32>
          %select_n3A_1312 = arith.select %gt3A_1304, %min3A_1280, %scan3A_1110 : vector<16xi1>, vector<16xf32>
          %select_n3A_1313 = arith.select %gt3A_1305, %min3A_1281, %scan3A_1111 : vector<16xi1>, vector<16xf32>
          %select_n3A_1314 = arith.select %gt3A_1306, %min3A_1282, %scan3A_1112 : vector<16xi1>, vector<16xf32>
          %select_n3A_1315 = arith.select %gt3A_1307, %min3A_1283, %scan3A_1113 : vector<16xi1>, vector<16xf32>
          %select_n3A_1316 = arith.select %gt3A_1308, %min3A_1284, %scan3A_1114 : vector<16xi1>, vector<16xf32>
          %select_n3A_1317 = arith.select %gt3A_1309, %min3A_1285, %scan3A_1115 : vector<16xi1>, vector<16xf32>
          %select_n3A_1318 = arith.select %gt3A_1310, %min3A_1286, %scan3A_1116 : vector<16xi1>, vector<16xf32>
          %select_n3A_1319 = arith.select %gt3A_1303, %broadcast_in_dim3A_1127, %scan3A_1117 : vector<16xi1>, vector<16xi32>
          %select_n3A_1320 = arith.select %gt3A_1304, %broadcast_in_dim3A_1127, %scan3A_1118 : vector<16xi1>, vector<16xi32>
          %select_n3A_1321 = arith.select %gt3A_1305, %broadcast_in_dim3A_1127, %scan3A_1119 : vector<16xi1>, vector<16xi32>
          %select_n3A_1322 = arith.select %gt3A_1306, %broadcast_in_dim3A_1127, %scan3A_1120 : vector<16xi1>, vector<16xi32>
          %select_n3A_1323 = arith.select %gt3A_1307, %broadcast_in_dim3A_1127, %scan3A_1121 : vector<16xi1>, vector<16xi32>
          %select_n3A_1324 = arith.select %gt3A_1308, %broadcast_in_dim3A_1127, %scan3A_1122 : vector<16xi1>, vector<16xi32>
          %select_n3A_1325 = arith.select %gt3A_1309, %broadcast_in_dim3A_1127, %scan3A_1123 : vector<16xi1>, vector<16xi32>
          %select_n3A_1326 = arith.select %gt3A_1310, %broadcast_in_dim3A_1127, %scan3A_1124 : vector<16xi1>, vector<16xi32>
          scf.yield %select_n3A_1311, %select_n3A_1312, %select_n3A_1313, %select_n3A_1314, %select_n3A_1315, %select_n3A_1316, %select_n3A_1317, %select_n3A_1318, %select_n3A_1319, %select_n3A_1320, %select_n3A_1321, %select_n3A_1322, %select_n3A_1323, %select_n3A_1324, %select_n3A_1325, %select_n3A_1326 : vector<16xf32>, vector<16xf32>, vector<16xf32>, vector<16xf32>, vector<16xf32>, vector<16xf32>, vector<16xf32>, vector<16xf32>, vector<16xi32>, vector<16xi32>, vector<16xi32>, vector<16xi32>, vector<16xi32>, vector<16xi32>, vector<16xi32>, vector<16xi32>
        }
        %scan3A_939 = arith.constant 64 : i32
        %mul3A_940 = arith.constant 128 : i32
        %mul3A_941 = vector.broadcast %mul3A_940 : i32 to vector<16xi32>
        %mul3A_942 = arith.muli %scan3A_938#8, %mul3A_941 : vector<16xi32>
        %add3A_943 = arith.constant 0 : i32
        %add3A_944 = arith.addi %mul3A_32, %add3A_943 : i32
        %add3A_945 = vector.broadcast %add3A_944 : i32 to vector<16xi32>
        %add3A_946 = arith.addi %mul3A_942, %add3A_945 : vector<16xi32>
        %add3A_947 = arith.addi %add3A_946, %iota3A : vector<16xi32>
        %mul3A_948 = arith.constant 128 : i32
        %mul3A_949 = vector.broadcast %mul3A_948 : i32 to vector<16xi32>
        %mul3A_950 = arith.muli %scan3A_938#9, %mul3A_949 : vector<16xi32>
        %add3A_951 = arith.constant 16 : i32
        %add3A_952 = arith.addi %mul3A_32, %add3A_951 : i32
        %add3A_953 = vector.broadcast %add3A_952 : i32 to vector<16xi32>
        %add3A_954 = arith.addi %mul3A_950, %add3A_953 : vector<16xi32>
        %add3A_955 = arith.addi %add3A_954, %iota3A : vector<16xi32>
        %mul3A_956 = arith.constant 128 : i32
        %mul3A_957 = vector.broadcast %mul3A_956 : i32 to vector<16xi32>
        %mul3A_958 = arith.muli %scan3A_938#10, %mul3A_957 : vector<16xi32>
        %add3A_959 = arith.constant 32 : i32
        %add3A_960 = arith.addi %mul3A_32, %add3A_959 : i32
        %add3A_961 = vector.broadcast %add3A_960 : i32 to vector<16xi32>
        %add3A_962 = arith.addi %mul3A_958, %add3A_961 : vector<16xi32>
        %add3A_963 = arith.addi %add3A_962, %iota3A : vector<16xi32>
        %mul3A_964 = arith.constant 128 : i32
        %mul3A_965 = vector.broadcast %mul3A_964 : i32 to vector<16xi32>
        %mul3A_966 = arith.muli %scan3A_938#11, %mul3A_965 : vector<16xi32>
        %add3A_967 = arith.constant 48 : i32
        %add3A_968 = arith.addi %mul3A_32, %add3A_967 : i32
        %add3A_969 = vector.broadcast %add3A_968 : i32 to vector<16xi32>
        %add3A_970 = arith.addi %mul3A_966, %add3A_969 : vector<16xi32>
        %add3A_971 = arith.addi %add3A_970, %iota3A : vector<16xi32>
        %mul3A_972 = arith.constant 128 : i32
        %mul3A_973 = vector.broadcast %mul3A_972 : i32 to vector<16xi32>
        %mul3A_974 = arith.muli %scan3A_938#12, %mul3A_973 : vector<16xi32>
        %add3A_975 = arith.constant 64 : i32
        %add3A_976 = arith.addi %mul3A_32, %add3A_975 : i32
        %add3A_977 = vector.broadcast %add3A_976 : i32 to vector<16xi32>
        %add3A_978 = arith.addi %mul3A_974, %add3A_977 : vector<16xi32>
        %add3A_979 = arith.addi %add3A_978, %iota3A : vector<16xi32>
        %mul3A_980 = arith.constant 128 : i32
        %mul3A_981 = vector.broadcast %mul3A_980 : i32 to vector<16xi32>
        %mul3A_982 = arith.muli %scan3A_938#13, %mul3A_981 : vector<16xi32>
        %add3A_983 = arith.constant 80 : i32
        %add3A_984 = arith.addi %mul3A_32, %add3A_983 : i32
        %add3A_985 = vector.broadcast %add3A_984 : i32 to vector<16xi32>
        %add3A_986 = arith.addi %mul3A_982, %add3A_985 : vector<16xi32>
        %add3A_987 = arith.addi %add3A_986, %iota3A : vector<16xi32>
        %mul3A_988 = arith.constant 128 : i32
        %mul3A_989 = vector.broadcast %mul3A_988 : i32 to vector<16xi32>
        %mul3A_990 = arith.muli %scan3A_938#14, %mul3A_989 : vector<16xi32>
        %add3A_991 = arith.constant 96 : i32
        %add3A_992 = arith.addi %mul3A_32, %add3A_991 : i32
        %add3A_993 = vector.broadcast %add3A_992 : i32 to vector<16xi32>
        %add3A_994 = arith.addi %mul3A_990, %add3A_993 : vector<16xi32>
        %add3A_995 = arith.addi %add3A_994, %iota3A : vector<16xi32>
        %mul3A_996 = arith.constant 128 : i32
        %mul3A_997 = vector.broadcast %mul3A_996 : i32 to vector<16xi32>
        %mul3A_998 = arith.muli %scan3A_938#15, %mul3A_997 : vector<16xi32>
        %add3A_999 = arith.constant 112 : i32
        %add3A_1000 = arith.addi %mul3A_32, %add3A_999 : i32
        %add3A_1001 = vector.broadcast %add3A_1000 : i32 to vector<16xi32>
        %add3A_1002 = arith.addi %mul3A_998, %add3A_1001 : vector<16xi32>
        %add3A_1003 = arith.addi %add3A_1002, %iota3A : vector<16xi32>
        %gt3A_1004 = arith.cmpf ogt, %scan3A_938#1, %scan3A_938#0 : vector<16xf32>
        %eq3A_1005 = arith.cmpf oeq, %scan3A_938#1, %scan3A_938#0 : vector<16xf32>
        %lt3A_1006 = arith.cmpi slt, %add3A_955, %add3A_947 : vector<16xi32>
        %and3A_1007 = arith.andi %eq3A_1005, %lt3A_1006 : vector<16xi1>
        %or3A = arith.ori %gt3A_1004, %and3A_1007 : vector<16xi1>
        %select_n3A_1008 = arith.select %or3A, %scan3A_938#1, %scan3A_938#0 : vector<16xi1>, vector<16xf32>
        %select_n3A_1009 = arith.select %or3A, %add3A_955, %add3A_947 : vector<16xi1>, vector<16xi32>
        %gt3A_1010 = arith.cmpf ogt, %scan3A_938#3, %scan3A_938#2 : vector<16xf32>
        %eq3A_1011 = arith.cmpf oeq, %scan3A_938#3, %scan3A_938#2 : vector<16xf32>
        %lt3A_1012 = arith.cmpi slt, %add3A_971, %add3A_963 : vector<16xi32>
        %and3A_1013 = arith.andi %eq3A_1011, %lt3A_1012 : vector<16xi1>
        %or3A_1014 = arith.ori %gt3A_1010, %and3A_1013 : vector<16xi1>
        %select_n3A_1015 = arith.select %or3A_1014, %scan3A_938#3, %scan3A_938#2 : vector<16xi1>, vector<16xf32>
        %select_n3A_1016 = arith.select %or3A_1014, %add3A_971, %add3A_963 : vector<16xi1>, vector<16xi32>
        %gt3A_1017 = arith.cmpf ogt, %scan3A_938#5, %scan3A_938#4 : vector<16xf32>
        %eq3A_1018 = arith.cmpf oeq, %scan3A_938#5, %scan3A_938#4 : vector<16xf32>
        %lt3A_1019 = arith.cmpi slt, %add3A_987, %add3A_979 : vector<16xi32>
        %and3A_1020 = arith.andi %eq3A_1018, %lt3A_1019 : vector<16xi1>
        %or3A_1021 = arith.ori %gt3A_1017, %and3A_1020 : vector<16xi1>
        %select_n3A_1022 = arith.select %or3A_1021, %scan3A_938#5, %scan3A_938#4 : vector<16xi1>, vector<16xf32>
        %select_n3A_1023 = arith.select %or3A_1021, %add3A_987, %add3A_979 : vector<16xi1>, vector<16xi32>
        %gt3A_1024 = arith.cmpf ogt, %scan3A_938#7, %scan3A_938#6 : vector<16xf32>
        %eq3A_1025 = arith.cmpf oeq, %scan3A_938#7, %scan3A_938#6 : vector<16xf32>
        %lt3A_1026 = arith.cmpi slt, %add3A_1003, %add3A_995 : vector<16xi32>
        %and3A_1027 = arith.andi %eq3A_1025, %lt3A_1026 : vector<16xi1>
        %or3A_1028 = arith.ori %gt3A_1024, %and3A_1027 : vector<16xi1>
        %select_n3A_1029 = arith.select %or3A_1028, %scan3A_938#7, %scan3A_938#6 : vector<16xi1>, vector<16xf32>
        %select_n3A_1030 = arith.select %or3A_1028, %add3A_1003, %add3A_995 : vector<16xi1>, vector<16xi32>
        %gt3A_1031 = arith.cmpf ogt, %select_n3A_1015, %select_n3A_1008 : vector<16xf32>
        %eq3A_1032 = arith.cmpf oeq, %select_n3A_1015, %select_n3A_1008 : vector<16xf32>
        %lt3A_1033 = arith.cmpi slt, %select_n3A_1016, %select_n3A_1009 : vector<16xi32>
        %and3A_1034 = arith.andi %eq3A_1032, %lt3A_1033 : vector<16xi1>
        %or3A_1035 = arith.ori %gt3A_1031, %and3A_1034 : vector<16xi1>
        %select_n3A_1036 = arith.select %or3A_1035, %select_n3A_1015, %select_n3A_1008 : vector<16xi1>, vector<16xf32>
        %select_n3A_1037 = arith.select %or3A_1035, %select_n3A_1016, %select_n3A_1009 : vector<16xi1>, vector<16xi32>
        %gt3A_1038 = arith.cmpf ogt, %select_n3A_1029, %select_n3A_1022 : vector<16xf32>
        %eq3A_1039 = arith.cmpf oeq, %select_n3A_1029, %select_n3A_1022 : vector<16xf32>
        %lt3A_1040 = arith.cmpi slt, %select_n3A_1030, %select_n3A_1023 : vector<16xi32>
        %and3A_1041 = arith.andi %eq3A_1039, %lt3A_1040 : vector<16xi1>
        %or3A_1042 = arith.ori %gt3A_1038, %and3A_1041 : vector<16xi1>
        %select_n3A_1043 = arith.select %or3A_1042, %select_n3A_1029, %select_n3A_1022 : vector<16xi1>, vector<16xf32>
        %select_n3A_1044 = arith.select %or3A_1042, %select_n3A_1030, %select_n3A_1023 : vector<16xi1>, vector<16xi32>
        %gt3A_1045 = arith.cmpf ogt, %select_n3A_1043, %select_n3A_1036 : vector<16xf32>
        %eq3A_1046 = arith.cmpf oeq, %select_n3A_1043, %select_n3A_1036 : vector<16xf32>
        %lt3A_1047 = arith.cmpi slt, %select_n3A_1044, %select_n3A_1037 : vector<16xi32>
        %and3A_1048 = arith.andi %eq3A_1046, %lt3A_1047 : vector<16xi1>
        %or3A_1049 = arith.ori %gt3A_1045, %and3A_1048 : vector<16xi1>
        %select_n3A_1050 = arith.select %or3A_1049, %select_n3A_1043, %select_n3A_1036 : vector<16xi1>, vector<16xf32>
        %select_n3A_1051 = arith.select %or3A_1049, %select_n3A_1044, %select_n3A_1037 : vector<16xi1>, vector<16xi32>
        %reduce_max3A = arith.constant true
        %reduce_max3A_1052 = vector.broadcast %reduce_max3A : i1 to vector<16xi1>
        %reduce_max3A_1053 = tpu.scan <max>, %select_n3A_1050 masked %reduce_max3A_1052 : vector<16xf32>, vector<16xi1> -> vector<16xf32>
        %reduce_max3A_1054 = vector.extract %reduce_max3A_1053[15] : f32 from vector<16xf32>
        %eq3A_1055 = vector.broadcast %reduce_max3A_1054 : f32 to vector<16xf32>
        %eq3A_1056 = arith.cmpf oeq, %select_n3A_1050, %eq3A_1055 : vector<16xf32>
        %jit3A_1057 = arith.constant 1073741824 : i32
        %broadcast_in_dim3A_1058 = vector.broadcast %jit3A_1057 : i32 to vector<16xi32>
        %select_n3A_1059 = arith.select %eq3A_1056, %select_n3A_1051, %broadcast_in_dim3A_1058 : vector<16xi1>, vector<16xi32>
        %reduce_min3A = arith.constant true
        %reduce_min3A_1060 = vector.broadcast %reduce_min3A : i1 to vector<16xi1>
        %reduce_min3A_1061 = arith.constant -2147483648 : i32
        %reduce_min3A_1062 = vector.broadcast %reduce_min3A_1061 : i32 to vector<16xi32>
        %reduce_min3A_1063 = arith.xori %select_n3A_1059, %reduce_min3A_1062 : vector<16xi32>
        %reduce_min3A_1064 = tpu.scan <min>, %reduce_min3A_1063 masked %reduce_min3A_1060 : vector<16xi32>, vector<16xi1> -> vector<16xi32>
        %reduce_min3A_1065 = arith.xori %reduce_min3A_1064, %reduce_min3A_1062 : vector<16xi32>
        %reduce_min3A_1066 = vector.extract %reduce_min3A_1065[15] : i32 from vector<16xi32>
        %broadcast_in_dim3A_1067 = vector.broadcast %reduce_max3A_1054 : f32 to vector<16xf32>
        %broadcast_in_dim3A_1068 = vector.broadcast %reduce_min3A_1066 : i32 to vector<16xi32>
        %jit3A_1069 = arith.constant 2 : i32
        %eq3A_1070 = arith.constant 0 : i32
        %eq3A_1071 = arith.cmpi eq, %jit3A_1069, %eq3A_1070 : i32
        %jit3A_1072 = arith.constant 1 : i32
        %select_n3A_1073 = arith.select %eq3A_1071, %jit3A_1072, %jit3A_1069 : i32
        %rem3A_1074 = arith.remsi %while3A_925, %select_n3A_1073 : i32
        %ne3A_1075 = arith.constant 0 : i32
        %ne3A_1076 = arith.cmpi ne, %rem3A_1074, %ne3A_1075 : i32
        %lt3A_1077 = arith.constant 0 : i32
        %lt3A_1078 = arith.cmpi slt, %rem3A_1074, %lt3A_1077 : i32
        %lt3A_1079 = arith.constant 0 : i32
        %lt3A_1080 = arith.cmpi slt, %select_n3A_1073, %lt3A_1079 : i32
        %ne3A_1081 = arith.xori %lt3A_1078, %lt3A_1080 : i1
        %and3A_1082 = arith.andi %ne3A_1081, %ne3A_1076 : i1
        %add3A_1083 = arith.addi %rem3A_1074, %select_n3A_1073 : i32
        %select_n3A_1084 = arith.select %and3A_1082, %add3A_1083, %rem3A_1074 : i32
        %swap3A = arith.constant 0 : index
        %swap3A_1085 = tpu.vector_load %arg15[%swap3A] {strides = array<i32>} : memref<32xf32, #tpu.memory_space<vmem>>, vector<16xf32>,
        tpu.vector_store %arg15[%swap3A], %broadcast_in_dim3A_1067 {strides = array<i32>} : memref<32xf32, #tpu.memory_space<vmem>>, vector<16xf32>,
        %bitcast3A = vector.bitcast %broadcast_in_dim3A_1068 : vector<16xi32> to vector<16xf32>
        %swap3A_1086 = arith.constant 16 : index
        %swap3A_1087 = tpu.vector_load %arg15[%swap3A_1086] {strides = array<i32>} : memref<32xf32, #tpu.memory_space<vmem>>, vector<16xf32>,
        tpu.vector_store %arg15[%swap3A_1086], %bitcast3A {strides = array<i32>} : memref<32xf32, #tpu.memory_space<vmem>>, vector<16xf32>,
        %mul3A_1088 = arith.constant 16 : i32
        %mul3A_1089 = arith.muli %select_n3A_1084, %mul3A_1088 : i32
        %add3A_1090 = arith.addi %mul3A_1089, %arg1 : i32
        %mul3A_1091 = arith.constant 32 : i32
        %mul3A_1092 = arith.muli %add3A_1090, %mul3A_1091 : i32
        "tpu.region"() ({
          %run_scoped3A = tpu.sem_alloc : memref<!tpu.dma_semaphore, #tpu.memory_space<semaphore_mem>>
          %dma_start3A_1108 = tpu.memref_slice %arg17[%mul3A_1092] : memref<1024xf32, #tpu.memory_space<vmem_shared>> -> memref<32xf32, #tpu.memory_space<vmem_shared>>
          %dma_start3A_1109 = tpu.memref_slice %arg17[%mul3A_1092] : memref<1024xf32, #tpu.memory_space<vmem_shared>> -> memref<32xf32, #tpu.memory_space<vmem_shared>>
          tpu.enqueue_dma source(%arg15 : memref<32xf32, #tpu.memory_space<vmem>>) target(%dma_start3A_1109 : memref<32xf32, #tpu.memory_space<vmem_shared>>) target_semaphore(%run_scoped3A : memref<!tpu.dma_semaphore, #tpu.memory_space<semaphore_mem>>)
          %dma_wait3A_1110 = tpu.memref_slice %arg17[%mul3A_1092] : memref<1024xf32, #tpu.memory_space<vmem_shared>> -> memref<32xf32, #tpu.memory_space<vmem_shared>>
          %dma_wait3A_1111 = tpu.memref_slice %arg17[%mul3A_1092] : memref<1024xf32, #tpu.memory_space<vmem_shared>> -> memref<32xf32, #tpu.memory_space<vmem_shared>>
          tpu.wait_dma2 semaphore(%run_scoped3A : memref<!tpu.dma_semaphore, #tpu.memory_space<semaphore_mem>>) src(%arg15 : memref<32xf32, #tpu.memory_space<vmem>>) dst(%dma_wait3A_1111 : memref<32xf32, #tpu.memory_space<vmem_shared>>)
          tpu.yield
        }) : () -> ()
        %barrier3A = arith.constant 0 : index
        tpu.barrier barrier_id(%barrier3A)
        %mul3A_1093 = arith.constant 16 : i32
        %mul3A_1094 = arith.muli %select_n3A_1084, %mul3A_1093 : i32
        %add3A_1095 = arith.addi %mul3A_1094, %xor3A_33 : i32
        %mul3A_1096 = arith.constant 32 : i32
        %mul3A_1097 = arith.muli %add3A_1095, %mul3A_1096 : i32
        "tpu.region"() ({
          %run_scoped3A = tpu.sem_alloc : memref<!tpu.dma_semaphore, #tpu.memory_space<semaphore_mem>>
          %dma_start3A_1108 = tpu.memref_slice %arg17[%mul3A_1097] : memref<1024xf32, #tpu.memory_space<vmem_shared>> -> memref<32xf32, #tpu.memory_space<vmem_shared>>
          %dma_start3A_1109 = tpu.memref_slice %arg17[%mul3A_1097] : memref<1024xf32, #tpu.memory_space<vmem_shared>> -> memref<32xf32, #tpu.memory_space<vmem_shared>>
          tpu.enqueue_dma source(%dma_start3A_1109 : memref<32xf32, #tpu.memory_space<vmem_shared>>) target(%arg16 : memref<32xf32, #tpu.memory_space<vmem>>) target_semaphore(%run_scoped3A : memref<!tpu.dma_semaphore, #tpu.memory_space<semaphore_mem>>)
          %dma_wait3A_1110 = tpu.memref_slice %arg17[%mul3A_1097] : memref<1024xf32, #tpu.memory_space<vmem_shared>> -> memref<32xf32, #tpu.memory_space<vmem_shared>>
          %dma_wait3A_1111 = tpu.memref_slice %arg17[%mul3A_1097] : memref<1024xf32, #tpu.memory_space<vmem_shared>> -> memref<32xf32, #tpu.memory_space<vmem_shared>>
          tpu.wait_dma2 semaphore(%run_scoped3A : memref<!tpu.dma_semaphore, #tpu.memory_space<semaphore_mem>>) src(%dma_wait3A_1111 : memref<32xf32, #tpu.memory_space<vmem_shared>>) dst(%arg16 : memref<32xf32, #tpu.memory_space<vmem>>)
          tpu.yield
        }) : () -> ()
        %get3A = arith.constant 0 : index
        %get3A_1098 = tpu.vector_load %arg16[%get3A] {strides = array<i32>} : memref<32xf32, #tpu.memory_space<vmem>>, vector<16xf32>,
        %get3A_1099 = arith.constant 16 : index
        %get3A_1100 = tpu.vector_load %arg16[%get3A_1099] {strides = array<i32>} : memref<32xf32, #tpu.memory_space<vmem>>, vector<16xf32>,
        %bitcast3A_1101 = vector.bitcast %get3A_1100 : vector<16xf32> to vector<16xi32>
        %gt3A_1102 = arith.cmpf ogt, %get3A_1098, %broadcast_in_dim3A_1067 : vector<16xf32>
        %eq3A_1103 = arith.cmpf oeq, %get3A_1098, %broadcast_in_dim3A_1067 : vector<16xf32>
        %lt3A_1104 = arith.cmpi slt, %bitcast3A_1101, %broadcast_in_dim3A_1068 : vector<16xi32>
        %and3A_1105 = arith.andi %eq3A_1103, %lt3A_1104 : vector<16xi1>
        %or3A_1106 = arith.ori %gt3A_1102, %and3A_1105 : vector<16xi1>
        %select_n3A_1107 = arith.select %or3A_1106, %bitcast3A_1101, %broadcast_in_dim3A_1068 : vector<16xi1>, vector<16xi32>
        scf.yield %select_n3A_1107 : vector<16xi32>
      }
      %while3A_921 = arith.constant 1 : i32
      %while3A_922 = scf.for %while3A_925 = %while3A_918 to %while3A_914 step %while3A_921 iter_args(%while3A_926 = %while3A_920) -> (vector<16xi32>)  : i32 {
        %broadcast_in_dim3A_927 = vector.broadcast %while3A_925 : i32 to vector<16xi32>
        tpu.vector_store_idx %arg10[%broadcast_in_dim3A_927], %while3A_926 masked %eq3A_61 : memref<1024xi32, #tpu.memory_space<vmem>>[vector<16xi32>], vector<16xi32>, vector<16xi1>
        %gather3A = tpu.vector_load_idx %arg6[%while3A_926] : memref<16384xf32, #tpu.memory_space<vmem>>[vector<16xi32>], vector<16xf32>,
        %gather3A_928 = tpu.vector_load_idx %arg7[%while3A_926] : memref<16384xf32, #tpu.memory_space<vmem>>[vector<16xi32>], vector<16xf32>,
        %gather3A_929 = tpu.vector_load_idx %arg8[%while3A_926] : memref<16384xf32, #tpu.memory_space<vmem>>[vector<16xi32>], vector<16xf32>,
        %broadcast_in_dim3A_930 = arith.constant -1.000000e+00 : f32
        %broadcast_in_dim3A_931 = vector.broadcast %broadcast_in_dim3A_930 : f32 to vector<16xf32>
        %broadcast_in_dim3A_932 = arith.constant 0 : i32
        %broadcast_in_dim3A_933 = vector.broadcast %broadcast_in_dim3A_932 : i32 to vector<16xi32>
        %scan3A_934 = arith.constant 0 : i32
        %scan3A_935 = arith.constant 64 : i32
        %scan3A_936 = arith.addi %scan3A_934, %scan3A_935 : i32
        %scan3A_937 = arith.constant 1 : i32
        %scan3A_938:16 = scf.for %scan3A_1108 = %scan3A_934 to %scan3A_936 step %scan3A_937 iter_args(%scan3A_1109 = %broadcast_in_dim3A_931, %scan3A_1110 = %broadcast_in_dim3A_931, %scan3A_1111 = %broadcast_in_dim3A_931, %scan3A_1112 = %broadcast_in_dim3A_931, %scan3A_1113 = %broadcast_in_dim3A_931, %scan3A_1114 = %broadcast_in_dim3A_931, %scan3A_1115 = %broadcast_in_dim3A_931, %scan3A_1116 = %broadcast_in_dim3A_931, %scan3A_1117 = %broadcast_in_dim3A_933, %scan3A_1118 = %broadcast_in_dim3A_933, %scan3A_1119 = %broadcast_in_dim3A_933, %scan3A_1120 = %broadcast_in_dim3A_933, %scan3A_1121 = %broadcast_in_dim3A_933, %scan3A_1122 = %broadcast_in_dim3A_933, %scan3A_1123 = %broadcast_in_dim3A_933, %scan3A_1124 = %broadcast_in_dim3A_933) -> (vector<16xf32>, vector<16xf32>, vector<16xf32>, vector<16xf32>, vector<16xf32>, vector<16xf32>, vector<16xf32>, vector<16xf32>, vector<16xi32>, vector<16xi32>, vector<16xi32>, vector<16xi32>, vector<16xi32>, vector<16xi32>, vector<16xi32>, vector<16xi32>)  : i32 {
          %mul3A_1125 = arith.constant 128 : i32
          %mul3A_1126 = arith.muli %scan3A_1108, %mul3A_1125 : i32
          %broadcast_in_dim3A_1127 = vector.broadcast %scan3A_1108 : i32 to vector<16xi32>
          %add3A_1128 = arith.constant 0 : i32
          %add3A_1129 = arith.addi %mul3A_1126, %add3A_1128 : i32
          %add3A_1130 = arith.constant 16 : i32
          %add3A_1131 = arith.addi %mul3A_1126, %add3A_1130 : i32
          %add3A_1132 = arith.constant 32 : i32
          %add3A_1133 = arith.addi %mul3A_1126, %add3A_1132 : i32
          %add3A_1134 = arith.constant 48 : i32
          %add3A_1135 = arith.addi %mul3A_1126, %add3A_1134 : i32
          %add3A_1136 = arith.constant 64 : i32
          %add3A_1137 = arith.addi %mul3A_1126, %add3A_1136 : i32
          %add3A_1138 = arith.constant 80 : i32
          %add3A_1139 = arith.addi %mul3A_1126, %add3A_1138 : i32
          %add3A_1140 = arith.constant 96 : i32
          %add3A_1141 = arith.addi %mul3A_1126, %add3A_1140 : i32
          %add3A_1142 = arith.constant 112 : i32
          %add3A_1143 = arith.addi %mul3A_1126, %add3A_1142 : i32
          %add3A_1144 = arith.addi %mul3A_32, %add3A_1129 : i32
          %add3A_1145 = arith.addi %mul3A_32, %add3A_1131 : i32
          %add3A_1146 = arith.addi %mul3A_32, %add3A_1133 : i32
          %add3A_1147 = arith.addi %mul3A_32, %add3A_1135 : i32
          %add3A_1148 = arith.addi %mul3A_32, %add3A_1137 : i32
          %add3A_1149 = arith.addi %mul3A_32, %add3A_1139 : i32
          %add3A_1150 = arith.addi %mul3A_32, %add3A_1141 : i32
          %add3A_1151 = arith.addi %mul3A_32, %add3A_1143 : i32
          %get3A_1152 = arith.index_cast %add3A_1144 : i32 to index
          %get3A_1153 = tpu.vector_load %arg6[%get3A_1152] {strides = array<i32>} : memref<16384xf32, #tpu.memory_space<vmem>>, vector<16xf32>,
          %get3A_1154 = arith.index_cast %add3A_1145 : i32 to index
          %get3A_1155 = tpu.vector_load %arg6[%get3A_1154] {strides = array<i32>} : memref<16384xf32, #tpu.memory_space<vmem>>, vector<16xf32>,
          %get3A_1156 = arith.index_cast %add3A_1146 : i32 to index
          %get3A_1157 = tpu.vector_load %arg6[%get3A_1156] {strides = array<i32>} : memref<16384xf32, #tpu.memory_space<vmem>>, vector<16xf32>,
          %get3A_1158 = arith.index_cast %add3A_1147 : i32 to index
          %get3A_1159 = tpu.vector_load %arg6[%get3A_1158] {strides = array<i32>} : memref<16384xf32, #tpu.memory_space<vmem>>, vector<16xf32>,
          %get3A_1160 = arith.index_cast %add3A_1148 : i32 to index
          %get3A_1161 = tpu.vector_load %arg6[%get3A_1160] {strides = array<i32>} : memref<16384xf32, #tpu.memory_space<vmem>>, vector<16xf32>,
          %get3A_1162 = arith.index_cast %add3A_1149 : i32 to index
          %get3A_1163 = tpu.vector_load %arg6[%get3A_1162] {strides = array<i32>} : memref<16384xf32, #tpu.memory_space<vmem>>, vector<16xf32>,
          %get3A_1164 = arith.index_cast %add3A_1150 : i32 to index
          %get3A_1165 = tpu.vector_load %arg6[%get3A_1164] {strides = array<i32>} : memref<16384xf32, #tpu.memory_space<vmem>>, vector<16xf32>,
          %get3A_1166 = arith.index_cast %add3A_1151 : i32 to index
          %get3A_1167 = tpu.vector_load %arg6[%get3A_1166] {strides = array<i32>} : memref<16384xf32, #tpu.memory_space<vmem>>, vector<16xf32>,
          %get3A_1168 = arith.index_cast %add3A_1144 : i32 to index
          %get3A_1169 = tpu.vector_load %arg7[%get3A_1168] {strides = array<i32>} : memref<16384xf32, #tpu.memory_space<vmem>>, vector<16xf32>,
          %get3A_1170 = arith.index_cast %add3A_1145 : i32 to index
          %get3A_1171 = tpu.vector_load %arg7[%get3A_1170] {strides = array<i32>} : memref<16384xf32, #tpu.memory_space<vmem>>, vector<16xf32>,
          %get3A_1172 = arith.index_cast %add3A_1146 : i32 to index
          %get3A_1173 = tpu.vector_load %arg7[%get3A_1172] {strides = array<i32>} : memref<16384xf32, #tpu.memory_space<vmem>>, vector<16xf32>,
          %get3A_1174 = arith.index_cast %add3A_1147 : i32 to index
          %get3A_1175 = tpu.vector_load %arg7[%get3A_1174] {strides = array<i32>} : memref<16384xf32, #tpu.memory_space<vmem>>, vector<16xf32>,
          %get3A_1176 = arith.index_cast %add3A_1148 : i32 to index
          %get3A_1177 = tpu.vector_load %arg7[%get3A_1176] {strides = array<i32>} : memref<16384xf32, #tpu.memory_space<vmem>>, vector<16xf32>,
          %get3A_1178 = arith.index_cast %add3A_1149 : i32 to index
          %get3A_1179 = tpu.vector_load %arg7[%get3A_1178] {strides = array<i32>} : memref<16384xf32, #tpu.memory_space<vmem>>, vector<16xf32>,
          %get3A_1180 = arith.index_cast %add3A_1150 : i32 to index
          %get3A_1181 = tpu.vector_load %arg7[%get3A_1180] {strides = array<i32>} : memref<16384xf32, #tpu.memory_space<vmem>>, vector<16xf32>,
          %get3A_1182 = arith.index_cast %add3A_1151 : i32 to index
          %get3A_1183 = tpu.vector_load %arg7[%get3A_1182] {strides = array<i32>} : memref<16384xf32, #tpu.memory_space<vmem>>, vector<16xf32>,
          %get3A_1184 = arith.index_cast %add3A_1144 : i32 to index
          %get3A_1185 = tpu.vector_load %arg8[%get3A_1184] {strides = array<i32>} : memref<16384xf32, #tpu.memory_space<vmem>>, vector<16xf32>,
          %get3A_1186 = arith.index_cast %add3A_1145 : i32 to index
          %get3A_1187 = tpu.vector_load %arg8[%get3A_1186] {strides = array<i32>} : memref<16384xf32, #tpu.memory_space<vmem>>, vector<16xf32>,
          %get3A_1188 = arith.index_cast %add3A_1146 : i32 to index
          %get3A_1189 = tpu.vector_load %arg8[%get3A_1188] {strides = array<i32>} : memref<16384xf32, #tpu.memory_space<vmem>>, vector<16xf32>,
          %get3A_1190 = arith.index_cast %add3A_1147 : i32 to index
          %get3A_1191 = tpu.vector_load %arg8[%get3A_1190] {strides = array<i32>} : memref<16384xf32, #tpu.memory_space<vmem>>, vector<16xf32>,
          %get3A_1192 = arith.index_cast %add3A_1148 : i32 to index
          %get3A_1193 = tpu.vector_load %arg8[%get3A_1192] {strides = array<i32>} : memref<16384xf32, #tpu.memory_space<vmem>>, vector<16xf32>,
          %get3A_1194 = arith.index_cast %add3A_1149 : i32 to index
          %get3A_1195 = tpu.vector_load %arg8[%get3A_1194] {strides = array<i32>} : memref<16384xf32, #tpu.memory_space<vmem>>, vector<16xf32>,
          %get3A_1196 = arith.index_cast %add3A_1150 : i32 to index
          %get3A_1197 = tpu.vector_load %arg8[%get3A_1196] {strides = array<i32>} : memref<16384xf32, #tpu.memory_space<vmem>>, vector<16xf32>,
          %get3A_1198 = arith.index_cast %add3A_1151 : i32 to index
          %get3A_1199 = tpu.vector_load %arg8[%get3A_1198] {strides = array<i32>} : memref<16384xf32, #tpu.memory_space<vmem>>, vector<16xf32>,
          %get3A_1200 = arith.index_cast %add3A_1129 : i32 to index
          %get3A_1201 = tpu.vector_load %arg9[%get3A_1200] {strides = array<i32>} : memref<8192xf32, #tpu.memory_space<vmem>>, vector<16xf32>,
          %get3A_1202 = arith.index_cast %add3A_1131 : i32 to index
          %get3A_1203 = tpu.vector_load %arg9[%get3A_1202] {strides = array<i32>} : memref<8192xf32, #tpu.memory_space<vmem>>, vector<16xf32>,
          %get3A_1204 = arith.index_cast %add3A_1133 : i32 to index
          %get3A_1205 = tpu.vector_load %arg9[%get3A_1204] {strides = array<i32>} : memref<8192xf32, #tpu.memory_space<vmem>>, vector<16xf32>,
          %get3A_1206 = arith.index_cast %add3A_1135 : i32 to index
          %get3A_1207 = tpu.vector_load %arg9[%get3A_1206] {strides = array<i32>} : memref<8192xf32, #tpu.memory_space<vmem>>, vector<16xf32>,
          %get3A_1208 = arith.index_cast %add3A_1137 : i32 to index
          %get3A_1209 = tpu.vector_load %arg9[%get3A_1208] {strides = array<i32>} : memref<8192xf32, #tpu.memory_space<vmem>>, vector<16xf32>,
          %get3A_1210 = arith.index_cast %add3A_1139 : i32 to index
          %get3A_1211 = tpu.vector_load %arg9[%get3A_1210] {strides = array<i32>} : memref<8192xf32, #tpu.memory_space<vmem>>, vector<16xf32>,
          %get3A_1212 = arith.index_cast %add3A_1141 : i32 to index
          %get3A_1213 = tpu.vector_load %arg9[%get3A_1212] {strides = array<i32>} : memref<8192xf32, #tpu.memory_space<vmem>>, vector<16xf32>,
          %get3A_1214 = arith.index_cast %add3A_1143 : i32 to index
          %get3A_1215 = tpu.vector_load %arg9[%get3A_1214] {strides = array<i32>} : memref<8192xf32, #tpu.memory_space<vmem>>, vector<16xf32>,
          %sub3A_1216 = arith.subf %get3A_1153, %gather3A : vector<16xf32>
          %sub3A_1217 = arith.subf %get3A_1155, %gather3A : vector<16xf32>
          %sub3A_1218 = arith.subf %get3A_1157, %gather3A : vector<16xf32>
          %sub3A_1219 = arith.subf %get3A_1159, %gather3A : vector<16xf32>
          %sub3A_1220 = arith.subf %get3A_1161, %gather3A : vector<16xf32>
          %sub3A_1221 = arith.subf %get3A_1163, %gather3A : vector<16xf32>
          %sub3A_1222 = arith.subf %get3A_1165, %gather3A : vector<16xf32>
          %sub3A_1223 = arith.subf %get3A_1167, %gather3A : vector<16xf32>
          %sub3A_1224 = arith.subf %get3A_1169, %gather3A_928 : vector<16xf32>
          %sub3A_1225 = arith.subf %get3A_1171, %gather3A_928 : vector<16xf32>
          %sub3A_1226 = arith.subf %get3A_1173, %gather3A_928 : vector<16xf32>
          %sub3A_1227 = arith.subf %get3A_1175, %gather3A_928 : vector<16xf32>
          %sub3A_1228 = arith.subf %get3A_1177, %gather3A_928 : vector<16xf32>
          %sub3A_1229 = arith.subf %get3A_1179, %gather3A_928 : vector<16xf32>
          %sub3A_1230 = arith.subf %get3A_1181, %gather3A_928 : vector<16xf32>
          %sub3A_1231 = arith.subf %get3A_1183, %gather3A_928 : vector<16xf32>
          %sub3A_1232 = arith.subf %get3A_1185, %gather3A_929 : vector<16xf32>
          %sub3A_1233 = arith.subf %get3A_1187, %gather3A_929 : vector<16xf32>
          %sub3A_1234 = arith.subf %get3A_1189, %gather3A_929 : vector<16xf32>
          %sub3A_1235 = arith.subf %get3A_1191, %gather3A_929 : vector<16xf32>
          %sub3A_1236 = arith.subf %get3A_1193, %gather3A_929 : vector<16xf32>
          %sub3A_1237 = arith.subf %get3A_1195, %gather3A_929 : vector<16xf32>
          %sub3A_1238 = arith.subf %get3A_1197, %gather3A_929 : vector<16xf32>
          %sub3A_1239 = arith.subf %get3A_1199, %gather3A_929 : vector<16xf32>
          %mul3A_1240 = arith.mulf %sub3A_1216, %sub3A_1216 : vector<16xf32>
          %mul3A_1241 = arith.mulf %sub3A_1217, %sub3A_1217 : vector<16xf32>
          %mul3A_1242 = arith.mulf %sub3A_1218, %sub3A_1218 : vector<16xf32>
          %mul3A_1243 = arith.mulf %sub3A_1219, %sub3A_1219 : vector<16xf32>
          %mul3A_1244 = arith.mulf %sub3A_1220, %sub3A_1220 : vector<16xf32>
          %mul3A_1245 = arith.mulf %sub3A_1221, %sub3A_1221 : vector<16xf32>
          %mul3A_1246 = arith.mulf %sub3A_1222, %sub3A_1222 : vector<16xf32>
          %mul3A_1247 = arith.mulf %sub3A_1223, %sub3A_1223 : vector<16xf32>
          %mul3A_1248 = arith.mulf %sub3A_1232, %sub3A_1232 : vector<16xf32>
          %add3A_1249 = arith.addf %mul3A_1240, %mul3A_1248 : vector<16xf32>
          %mul3A_1250 = arith.mulf %sub3A_1233, %sub3A_1233 : vector<16xf32>
          %add3A_1251 = arith.addf %mul3A_1241, %mul3A_1250 : vector<16xf32>
          %mul3A_1252 = arith.mulf %sub3A_1234, %sub3A_1234 : vector<16xf32>
          %add3A_1253 = arith.addf %mul3A_1242, %mul3A_1252 : vector<16xf32>
          %mul3A_1254 = arith.mulf %sub3A_1235, %sub3A_1235 : vector<16xf32>
          %add3A_1255 = arith.addf %mul3A_1243, %mul3A_1254 : vector<16xf32>
          %mul3A_1256 = arith.mulf %sub3A_1236, %sub3A_1236 : vector<16xf32>
          %add3A_1257 = arith.addf %mul3A_1244, %mul3A_1256 : vector<16xf32>
          %mul3A_1258 = arith.mulf %sub3A_1237, %sub3A_1237 : vector<16xf32>
          %add3A_1259 = arith.addf %mul3A_1245, %mul3A_1258 : vector<16xf32>
          %mul3A_1260 = arith.mulf %sub3A_1238, %sub3A_1238 : vector<16xf32>
          %add3A_1261 = arith.addf %mul3A_1246, %mul3A_1260 : vector<16xf32>
          %mul3A_1262 = arith.mulf %sub3A_1239, %sub3A_1239 : vector<16xf32>
          %add3A_1263 = arith.addf %mul3A_1247, %mul3A_1262 : vector<16xf32>
          %mul3A_1264 = arith.mulf %sub3A_1224, %sub3A_1224 : vector<16xf32>
          %add3A_1265 = arith.addf %add3A_1249, %mul3A_1264 : vector<16xf32>
          %mul3A_1266 = arith.mulf %sub3A_1225, %sub3A_1225 : vector<16xf32>
          %add3A_1267 = arith.addf %add3A_1251, %mul3A_1266 : vector<16xf32>
          %mul3A_1268 = arith.mulf %sub3A_1226, %sub3A_1226 : vector<16xf32>
          %add3A_1269 = arith.addf %add3A_1253, %mul3A_1268 : vector<16xf32>
          %mul3A_1270 = arith.mulf %sub3A_1227, %sub3A_1227 : vector<16xf32>
          %add3A_1271 = arith.addf %add3A_1255, %mul3A_1270 : vector<16xf32>
          %mul3A_1272 = arith.mulf %sub3A_1228, %sub3A_1228 : vector<16xf32>
          %add3A_1273 = arith.addf %add3A_1257, %mul3A_1272 : vector<16xf32>
          %mul3A_1274 = arith.mulf %sub3A_1229, %sub3A_1229 : vector<16xf32>
          %add3A_1275 = arith.addf %add3A_1259, %mul3A_1274 : vector<16xf32>
          %mul3A_1276 = arith.mulf %sub3A_1230, %sub3A_1230 : vector<16xf32>
          %add3A_1277 = arith.addf %add3A_1261, %mul3A_1276 : vector<16xf32>
          %mul3A_1278 = arith.mulf %sub3A_1231, %sub3A_1231 : vector<16xf32>
          %add3A_1279 = arith.addf %add3A_1263, %mul3A_1278 : vector<16xf32>
          %min3A = arith.minimumf %get3A_1201, %add3A_1265 : vector<16xf32>
          %min3A_1280 = arith.minimumf %get3A_1203, %add3A_1267 : vector<16xf32>
          %min3A_1281 = arith.minimumf %get3A_1205, %add3A_1269 : vector<16xf32>
          %min3A_1282 = arith.minimumf %get3A_1207, %add3A_1271 : vector<16xf32>
          %min3A_1283 = arith.minimumf %get3A_1209, %add3A_1273 : vector<16xf32>
          %min3A_1284 = arith.minimumf %get3A_1211, %add3A_1275 : vector<16xf32>
          %min3A_1285 = arith.minimumf %get3A_1213, %add3A_1277 : vector<16xf32>
          %min3A_1286 = arith.minimumf %get3A_1215, %add3A_1279 : vector<16xf32>
          %swap3A_1287 = arith.index_cast %add3A_1129 : i32 to index
          %swap3A_1288 = tpu.vector_load %arg9[%swap3A_1287] {strides = array<i32>} : memref<8192xf32, #tpu.memory_space<vmem>>, vector<16xf32>,
          tpu.vector_store %arg9[%swap3A_1287], %min3A {strides = array<i32>} : memref<8192xf32, #tpu.memory_space<vmem>>, vector<16xf32>,
          %swap3A_1289 = arith.index_cast %add3A_1131 : i32 to index
          %swap3A_1290 = tpu.vector_load %arg9[%swap3A_1289] {strides = array<i32>} : memref<8192xf32, #tpu.memory_space<vmem>>, vector<16xf32>,
          tpu.vector_store %arg9[%swap3A_1289], %min3A_1280 {strides = array<i32>} : memref<8192xf32, #tpu.memory_space<vmem>>, vector<16xf32>,
          %swap3A_1291 = arith.index_cast %add3A_1133 : i32 to index
          %swap3A_1292 = tpu.vector_load %arg9[%swap3A_1291] {strides = array<i32>} : memref<8192xf32, #tpu.memory_space<vmem>>, vector<16xf32>,
          tpu.vector_store %arg9[%swap3A_1291], %min3A_1281 {strides = array<i32>} : memref<8192xf32, #tpu.memory_space<vmem>>, vector<16xf32>,
          %swap3A_1293 = arith.index_cast %add3A_1135 : i32 to index
          %swap3A_1294 = tpu.vector_load %arg9[%swap3A_1293] {strides = array<i32>} : memref<8192xf32, #tpu.memory_space<vmem>>, vector<16xf32>,
          tpu.vector_store %arg9[%swap3A_1293], %min3A_1282 {strides = array<i32>} : memref<8192xf32, #tpu.memory_space<vmem>>, vector<16xf32>,
          %swap3A_1295 = arith.index_cast %add3A_1137 : i32 to index
          %swap3A_1296 = tpu.vector_load %arg9[%swap3A_1295] {strides = array<i32>} : memref<8192xf32, #tpu.memory_space<vmem>>, vector<16xf32>,
          tpu.vector_store %arg9[%swap3A_1295], %min3A_1283 {strides = array<i32>} : memref<8192xf32, #tpu.memory_space<vmem>>, vector<16xf32>,
          %swap3A_1297 = arith.index_cast %add3A_1139 : i32 to index
          %swap3A_1298 = tpu.vector_load %arg9[%swap3A_1297] {strides = array<i32>} : memref<8192xf32, #tpu.memory_space<vmem>>, vector<16xf32>,
          tpu.vector_store %arg9[%swap3A_1297], %min3A_1284 {strides = array<i32>} : memref<8192xf32, #tpu.memory_space<vmem>>, vector<16xf32>,
          %swap3A_1299 = arith.index_cast %add3A_1141 : i32 to index
          %swap3A_1300 = tpu.vector_load %arg9[%swap3A_1299] {strides = array<i32>} : memref<8192xf32, #tpu.memory_space<vmem>>, vector<16xf32>,
          tpu.vector_store %arg9[%swap3A_1299], %min3A_1285 {strides = array<i32>} : memref<8192xf32, #tpu.memory_space<vmem>>, vector<16xf32>,
          %swap3A_1301 = arith.index_cast %add3A_1143 : i32 to index
          %swap3A_1302 = tpu.vector_load %arg9[%swap3A_1301] {strides = array<i32>} : memref<8192xf32, #tpu.memory_space<vmem>>, vector<16xf32>,
          tpu.vector_store %arg9[%swap3A_1301], %min3A_1286 {strides = array<i32>} : memref<8192xf32, #tpu.memory_space<vmem>>, vector<16xf32>,
          %gt3A_1303 = arith.cmpf ogt, %min3A, %scan3A_1109 : vector<16xf32>
          %gt3A_1304 = arith.cmpf ogt, %min3A_1280, %scan3A_1110 : vector<16xf32>
          %gt3A_1305 = arith.cmpf ogt, %min3A_1281, %scan3A_1111 : vector<16xf32>
          %gt3A_1306 = arith.cmpf ogt, %min3A_1282, %scan3A_1112 : vector<16xf32>
          %gt3A_1307 = arith.cmpf ogt, %min3A_1283, %scan3A_1113 : vector<16xf32>
          %gt3A_1308 = arith.cmpf ogt, %min3A_1284, %scan3A_1114 : vector<16xf32>
          %gt3A_1309 = arith.cmpf ogt, %min3A_1285, %scan3A_1115 : vector<16xf32>
          %gt3A_1310 = arith.cmpf ogt, %min3A_1286, %scan3A_1116 : vector<16xf32>
          %select_n3A_1311 = arith.select %gt3A_1303, %min3A, %scan3A_1109 : vector<16xi1>, vector<16xf32>
          %select_n3A_1312 = arith.select %gt3A_1304, %min3A_1280, %scan3A_1110 : vector<16xi1>, vector<16xf32>
          %select_n3A_1313 = arith.select %gt3A_1305, %min3A_1281, %scan3A_1111 : vector<16xi1>, vector<16xf32>
          %select_n3A_1314 = arith.select %gt3A_1306, %min3A_1282, %scan3A_1112 : vector<16xi1>, vector<16xf32>
          %select_n3A_1315 = arith.select %gt3A_1307, %min3A_1283, %scan3A_1113 : vector<16xi1>, vector<16xf32>
          %select_n3A_1316 = arith.select %gt3A_1308, %min3A_1284, %scan3A_1114 : vector<16xi1>, vector<16xf32>
          %select_n3A_1317 = arith.select %gt3A_1309, %min3A_1285, %scan3A_1115 : vector<16xi1>, vector<16xf32>
          %select_n3A_1318 = arith.select %gt3A_1310, %min3A_1286, %scan3A_1116 : vector<16xi1>, vector<16xf32>
          %select_n3A_1319 = arith.select %gt3A_1303, %broadcast_in_dim3A_1127, %scan3A_1117 : vector<16xi1>, vector<16xi32>
          %select_n3A_1320 = arith.select %gt3A_1304, %broadcast_in_dim3A_1127, %scan3A_1118 : vector<16xi1>, vector<16xi32>
          %select_n3A_1321 = arith.select %gt3A_1305, %broadcast_in_dim3A_1127, %scan3A_1119 : vector<16xi1>, vector<16xi32>
          %select_n3A_1322 = arith.select %gt3A_1306, %broadcast_in_dim3A_1127, %scan3A_1120 : vector<16xi1>, vector<16xi32>
          %select_n3A_1323 = arith.select %gt3A_1307, %broadcast_in_dim3A_1127, %scan3A_1121 : vector<16xi1>, vector<16xi32>
          %select_n3A_1324 = arith.select %gt3A_1308, %broadcast_in_dim3A_1127, %scan3A_1122 : vector<16xi1>, vector<16xi32>
          %select_n3A_1325 = arith.select %gt3A_1309, %broadcast_in_dim3A_1127, %scan3A_1123 : vector<16xi1>, vector<16xi32>
          %select_n3A_1326 = arith.select %gt3A_1310, %broadcast_in_dim3A_1127, %scan3A_1124 : vector<16xi1>, vector<16xi32>
          scf.yield %select_n3A_1311, %select_n3A_1312, %select_n3A_1313, %select_n3A_1314, %select_n3A_1315, %select_n3A_1316, %select_n3A_1317, %select_n3A_1318, %select_n3A_1319, %select_n3A_1320, %select_n3A_1321, %select_n3A_1322, %select_n3A_1323, %select_n3A_1324, %select_n3A_1325, %select_n3A_1326 : vector<16xf32>, vector<16xf32>, vector<16xf32>, vector<16xf32>, vector<16xf32>, vector<16xf32>, vector<16xf32>, vector<16xf32>, vector<16xi32>, vector<16xi32>, vector<16xi32>, vector<16xi32>, vector<16xi32>, vector<16xi32>, vector<16xi32>, vector<16xi32>
        }
        %scan3A_939 = arith.constant 64 : i32
        %mul3A_940 = arith.constant 128 : i32
        %mul3A_941 = vector.broadcast %mul3A_940 : i32 to vector<16xi32>
        %mul3A_942 = arith.muli %scan3A_938#8, %mul3A_941 : vector<16xi32>
        %add3A_943 = arith.constant 0 : i32
        %add3A_944 = arith.addi %mul3A_32, %add3A_943 : i32
        %add3A_945 = vector.broadcast %add3A_944 : i32 to vector<16xi32>
        %add3A_946 = arith.addi %mul3A_942, %add3A_945 : vector<16xi32>
        %add3A_947 = arith.addi %add3A_946, %iota3A : vector<16xi32>
        %mul3A_948 = arith.constant 128 : i32
        %mul3A_949 = vector.broadcast %mul3A_948 : i32 to vector<16xi32>
        %mul3A_950 = arith.muli %scan3A_938#9, %mul3A_949 : vector<16xi32>
        %add3A_951 = arith.constant 16 : i32
        %add3A_952 = arith.addi %mul3A_32, %add3A_951 : i32
        %add3A_953 = vector.broadcast %add3A_952 : i32 to vector<16xi32>
        %add3A_954 = arith.addi %mul3A_950, %add3A_953 : vector<16xi32>
        %add3A_955 = arith.addi %add3A_954, %iota3A : vector<16xi32>
        %mul3A_956 = arith.constant 128 : i32
        %mul3A_957 = vector.broadcast %mul3A_956 : i32 to vector<16xi32>
        %mul3A_958 = arith.muli %scan3A_938#10, %mul3A_957 : vector<16xi32>
        %add3A_959 = arith.constant 32 : i32
        %add3A_960 = arith.addi %mul3A_32, %add3A_959 : i32
        %add3A_961 = vector.broadcast %add3A_960 : i32 to vector<16xi32>
        %add3A_962 = arith.addi %mul3A_958, %add3A_961 : vector<16xi32>
        %add3A_963 = arith.addi %add3A_962, %iota3A : vector<16xi32>
        %mul3A_964 = arith.constant 128 : i32
        %mul3A_965 = vector.broadcast %mul3A_964 : i32 to vector<16xi32>
        %mul3A_966 = arith.muli %scan3A_938#11, %mul3A_965 : vector<16xi32>
        %add3A_967 = arith.constant 48 : i32
        %add3A_968 = arith.addi %mul3A_32, %add3A_967 : i32
        %add3A_969 = vector.broadcast %add3A_968 : i32 to vector<16xi32>
        %add3A_970 = arith.addi %mul3A_966, %add3A_969 : vector<16xi32>
        %add3A_971 = arith.addi %add3A_970, %iota3A : vector<16xi32>
        %mul3A_972 = arith.constant 128 : i32
        %mul3A_973 = vector.broadcast %mul3A_972 : i32 to vector<16xi32>
        %mul3A_974 = arith.muli %scan3A_938#12, %mul3A_973 : vector<16xi32>
        %add3A_975 = arith.constant 64 : i32
        %add3A_976 = arith.addi %mul3A_32, %add3A_975 : i32
        %add3A_977 = vector.broadcast %add3A_976 : i32 to vector<16xi32>
        %add3A_978 = arith.addi %mul3A_974, %add3A_977 : vector<16xi32>
        %add3A_979 = arith.addi %add3A_978, %iota3A : vector<16xi32>
        %mul3A_980 = arith.constant 128 : i32
        %mul3A_981 = vector.broadcast %mul3A_980 : i32 to vector<16xi32>
        %mul3A_982 = arith.muli %scan3A_938#13, %mul3A_981 : vector<16xi32>
        %add3A_983 = arith.constant 80 : i32
        %add3A_984 = arith.addi %mul3A_32, %add3A_983 : i32
        %add3A_985 = vector.broadcast %add3A_984 : i32 to vector<16xi32>
        %add3A_986 = arith.addi %mul3A_982, %add3A_985 : vector<16xi32>
        %add3A_987 = arith.addi %add3A_986, %iota3A : vector<16xi32>
        %mul3A_988 = arith.constant 128 : i32
        %mul3A_989 = vector.broadcast %mul3A_988 : i32 to vector<16xi32>
        %mul3A_990 = arith.muli %scan3A_938#14, %mul3A_989 : vector<16xi32>
        %add3A_991 = arith.constant 96 : i32
        %add3A_992 = arith.addi %mul3A_32, %add3A_991 : i32
        %add3A_993 = vector.broadcast %add3A_992 : i32 to vector<16xi32>
        %add3A_994 = arith.addi %mul3A_990, %add3A_993 : vector<16xi32>
        %add3A_995 = arith.addi %add3A_994, %iota3A : vector<16xi32>
        %mul3A_996 = arith.constant 128 : i32
        %mul3A_997 = vector.broadcast %mul3A_996 : i32 to vector<16xi32>
        %mul3A_998 = arith.muli %scan3A_938#15, %mul3A_997 : vector<16xi32>
        %add3A_999 = arith.constant 112 : i32
        %add3A_1000 = arith.addi %mul3A_32, %add3A_999 : i32
        %add3A_1001 = vector.broadcast %add3A_1000 : i32 to vector<16xi32>
        %add3A_1002 = arith.addi %mul3A_998, %add3A_1001 : vector<16xi32>
        %add3A_1003 = arith.addi %add3A_1002, %iota3A : vector<16xi32>
        %gt3A_1004 = arith.cmpf ogt, %scan3A_938#1, %scan3A_938#0 : vector<16xf32>
        %eq3A_1005 = arith.cmpf oeq, %scan3A_938#1, %scan3A_938#0 : vector<16xf32>
        %lt3A_1006 = arith.cmpi slt, %add3A_955, %add3A_947 : vector<16xi32>
        %and3A_1007 = arith.andi %eq3A_1005, %lt3A_1006 : vector<16xi1>
        %or3A = arith.ori %gt3A_1004, %and3A_1007 : vector<16xi1>
        %select_n3A_1008 = arith.select %or3A, %scan3A_938#1, %scan3A_938#0 : vector<16xi1>, vector<16xf32>
        %select_n3A_1009 = arith.select %or3A, %add3A_955, %add3A_947 : vector<16xi1>, vector<16xi32>
        %gt3A_1010 = arith.cmpf ogt, %scan3A_938#3, %scan3A_938#2 : vector<16xf32>
        %eq3A_1011 = arith.cmpf oeq, %scan3A_938#3, %scan3A_938#2 : vector<16xf32>
        %lt3A_1012 = arith.cmpi slt, %add3A_971, %add3A_963 : vector<16xi32>
        %and3A_1013 = arith.andi %eq3A_1011, %lt3A_1012 : vector<16xi1>
        %or3A_1014 = arith.ori %gt3A_1010, %and3A_1013 : vector<16xi1>
        %select_n3A_1015 = arith.select %or3A_1014, %scan3A_938#3, %scan3A_938#2 : vector<16xi1>, vector<16xf32>
        %select_n3A_1016 = arith.select %or3A_1014, %add3A_971, %add3A_963 : vector<16xi1>, vector<16xi32>
        %gt3A_1017 = arith.cmpf ogt, %scan3A_938#5, %scan3A_938#4 : vector<16xf32>
        %eq3A_1018 = arith.cmpf oeq, %scan3A_938#5, %scan3A_938#4 : vector<16xf32>
        %lt3A_1019 = arith.cmpi slt, %add3A_987, %add3A_979 : vector<16xi32>
        %and3A_1020 = arith.andi %eq3A_1018, %lt3A_1019 : vector<16xi1>
        %or3A_1021 = arith.ori %gt3A_1017, %and3A_1020 : vector<16xi1>
        %select_n3A_1022 = arith.select %or3A_1021, %scan3A_938#5, %scan3A_938#4 : vector<16xi1>, vector<16xf32>
        %select_n3A_1023 = arith.select %or3A_1021, %add3A_987, %add3A_979 : vector<16xi1>, vector<16xi32>
        %gt3A_1024 = arith.cmpf ogt, %scan3A_938#7, %scan3A_938#6 : vector<16xf32>
        %eq3A_1025 = arith.cmpf oeq, %scan3A_938#7, %scan3A_938#6 : vector<16xf32>
        %lt3A_1026 = arith.cmpi slt, %add3A_1003, %add3A_995 : vector<16xi32>
        %and3A_1027 = arith.andi %eq3A_1025, %lt3A_1026 : vector<16xi1>
        %or3A_1028 = arith.ori %gt3A_1024, %and3A_1027 : vector<16xi1>
        %select_n3A_1029 = arith.select %or3A_1028, %scan3A_938#7, %scan3A_938#6 : vector<16xi1>, vector<16xf32>
        %select_n3A_1030 = arith.select %or3A_1028, %add3A_1003, %add3A_995 : vector<16xi1>, vector<16xi32>
        %gt3A_1031 = arith.cmpf ogt, %select_n3A_1015, %select_n3A_1008 : vector<16xf32>
        %eq3A_1032 = arith.cmpf oeq, %select_n3A_1015, %select_n3A_1008 : vector<16xf32>
        %lt3A_1033 = arith.cmpi slt, %select_n3A_1016, %select_n3A_1009 : vector<16xi32>
        %and3A_1034 = arith.andi %eq3A_1032, %lt3A_1033 : vector<16xi1>
        %or3A_1035 = arith.ori %gt3A_1031, %and3A_1034 : vector<16xi1>
        %select_n3A_1036 = arith.select %or3A_1035, %select_n3A_1015, %select_n3A_1008 : vector<16xi1>, vector<16xf32>
        %select_n3A_1037 = arith.select %or3A_1035, %select_n3A_1016, %select_n3A_1009 : vector<16xi1>, vector<16xi32>
        %gt3A_1038 = arith.cmpf ogt, %select_n3A_1029, %select_n3A_1022 : vector<16xf32>
        %eq3A_1039 = arith.cmpf oeq, %select_n3A_1029, %select_n3A_1022 : vector<16xf32>
        %lt3A_1040 = arith.cmpi slt, %select_n3A_1030, %select_n3A_1023 : vector<16xi32>
        %and3A_1041 = arith.andi %eq3A_1039, %lt3A_1040 : vector<16xi1>
        %or3A_1042 = arith.ori %gt3A_1038, %and3A_1041 : vector<16xi1>
        %select_n3A_1043 = arith.select %or3A_1042, %select_n3A_1029, %select_n3A_1022 : vector<16xi1>, vector<16xf32>
        %select_n3A_1044 = arith.select %or3A_1042, %select_n3A_1030, %select_n3A_1023 : vector<16xi1>, vector<16xi32>
        %gt3A_1045 = arith.cmpf ogt, %select_n3A_1043, %select_n3A_1036 : vector<16xf32>
        %eq3A_1046 = arith.cmpf oeq, %select_n3A_1043, %select_n3A_1036 : vector<16xf32>
        %lt3A_1047 = arith.cmpi slt, %select_n3A_1044, %select_n3A_1037 : vector<16xi32>
        %and3A_1048 = arith.andi %eq3A_1046, %lt3A_1047 : vector<16xi1>
        %or3A_1049 = arith.ori %gt3A_1045, %and3A_1048 : vector<16xi1>
        %select_n3A_1050 = arith.select %or3A_1049, %select_n3A_1043, %select_n3A_1036 : vector<16xi1>, vector<16xf32>
        %select_n3A_1051 = arith.select %or3A_1049, %select_n3A_1044, %select_n3A_1037 : vector<16xi1>, vector<16xi32>
        %reduce_max3A = arith.constant true
        %reduce_max3A_1052 = vector.broadcast %reduce_max3A : i1 to vector<16xi1>
        %reduce_max3A_1053 = tpu.scan <max>, %select_n3A_1050 masked %reduce_max3A_1052 : vector<16xf32>, vector<16xi1> -> vector<16xf32>
        %reduce_max3A_1054 = vector.extract %reduce_max3A_1053[15] : f32 from vector<16xf32>
        %eq3A_1055 = vector.broadcast %reduce_max3A_1054 : f32 to vector<16xf32>
        %eq3A_1056 = arith.cmpf oeq, %select_n3A_1050, %eq3A_1055 : vector<16xf32>
        %jit3A_1057 = arith.constant 1073741824 : i32
        %broadcast_in_dim3A_1058 = vector.broadcast %jit3A_1057 : i32 to vector<16xi32>
        %select_n3A_1059 = arith.select %eq3A_1056, %select_n3A_1051, %broadcast_in_dim3A_1058 : vector<16xi1>, vector<16xi32>
        %reduce_min3A = arith.constant true
        %reduce_min3A_1060 = vector.broadcast %reduce_min3A : i1 to vector<16xi1>
        %reduce_min3A_1061 = arith.constant -2147483648 : i32
        %reduce_min3A_1062 = vector.broadcast %reduce_min3A_1061 : i32 to vector<16xi32>
        %reduce_min3A_1063 = arith.xori %select_n3A_1059, %reduce_min3A_1062 : vector<16xi32>
        %reduce_min3A_1064 = tpu.scan <min>, %reduce_min3A_1063 masked %reduce_min3A_1060 : vector<16xi32>, vector<16xi1> -> vector<16xi32>
        %reduce_min3A_1065 = arith.xori %reduce_min3A_1064, %reduce_min3A_1062 : vector<16xi32>
        %reduce_min3A_1066 = vector.extract %reduce_min3A_1065[15] : i32 from vector<16xi32>
        %broadcast_in_dim3A_1067 = vector.broadcast %reduce_max3A_1054 : f32 to vector<16xf32>
        %broadcast_in_dim3A_1068 = vector.broadcast %reduce_min3A_1066 : i32 to vector<16xi32>
        %jit3A_1069 = arith.constant 2 : i32
        %eq3A_1070 = arith.constant 0 : i32
        %eq3A_1071 = arith.cmpi eq, %jit3A_1069, %eq3A_1070 : i32
        %jit3A_1072 = arith.constant 1 : i32
        %select_n3A_1073 = arith.select %eq3A_1071, %jit3A_1072, %jit3A_1069 : i32
        %rem3A_1074 = arith.remsi %while3A_925, %select_n3A_1073 : i32
        %ne3A_1075 = arith.constant 0 : i32
        %ne3A_1076 = arith.cmpi ne, %rem3A_1074, %ne3A_1075 : i32
        %lt3A_1077 = arith.constant 0 : i32
        %lt3A_1078 = arith.cmpi slt, %rem3A_1074, %lt3A_1077 : i32
        %lt3A_1079 = arith.constant 0 : i32
        %lt3A_1080 = arith.cmpi slt, %select_n3A_1073, %lt3A_1079 : i32
        %ne3A_1081 = arith.xori %lt3A_1078, %lt3A_1080 : i1
        %and3A_1082 = arith.andi %ne3A_1081, %ne3A_1076 : i1
        %add3A_1083 = arith.addi %rem3A_1074, %select_n3A_1073 : i32
        %select_n3A_1084 = arith.select %and3A_1082, %add3A_1083, %rem3A_1074 : i32
        %swap3A = arith.constant 0 : index
        %swap3A_1085 = tpu.vector_load %arg15[%swap3A] {strides = array<i32>} : memref<32xf32, #tpu.memory_space<vmem>>, vector<16xf32>,
        tpu.vector_store %arg15[%swap3A], %broadcast_in_dim3A_1067 {strides = array<i32>} : memref<32xf32, #tpu.memory_space<vmem>>, vector<16xf32>,
        %bitcast3A = vector.bitcast %broadcast_in_dim3A_1068 : vector<16xi32> to vector<16xf32>
        %swap3A_1086 = arith.constant 16 : index
        %swap3A_1087 = tpu.vector_load %arg15[%swap3A_1086] {strides = array<i32>} : memref<32xf32, #tpu.memory_space<vmem>>, vector<16xf32>,
        tpu.vector_store %arg15[%swap3A_1086], %bitcast3A {strides = array<i32>} : memref<32xf32, #tpu.memory_space<vmem>>, vector<16xf32>,
        %mul3A_1088 = arith.constant 16 : i32
        %mul3A_1089 = arith.muli %select_n3A_1084, %mul3A_1088 : i32
        %add3A_1090 = arith.addi %mul3A_1089, %arg1 : i32
        %mul3A_1091 = arith.constant 32 : i32
        %mul3A_1092 = arith.muli %add3A_1090, %mul3A_1091 : i32
        "tpu.region"() ({
          %run_scoped3A = tpu.sem_alloc : memref<!tpu.dma_semaphore, #tpu.memory_space<semaphore_mem>>
          %dma_start3A_1108 = tpu.memref_slice %arg17[%mul3A_1092] : memref<1024xf32, #tpu.memory_space<vmem_shared>> -> memref<32xf32, #tpu.memory_space<vmem_shared>>
          %dma_start3A_1109 = tpu.memref_slice %arg17[%mul3A_1092] : memref<1024xf32, #tpu.memory_space<vmem_shared>> -> memref<32xf32, #tpu.memory_space<vmem_shared>>
          tpu.enqueue_dma source(%arg15 : memref<32xf32, #tpu.memory_space<vmem>>) target(%dma_start3A_1109 : memref<32xf32, #tpu.memory_space<vmem_shared>>) target_semaphore(%run_scoped3A : memref<!tpu.dma_semaphore, #tpu.memory_space<semaphore_mem>>)
          %dma_wait3A_1110 = tpu.memref_slice %arg17[%mul3A_1092] : memref<1024xf32, #tpu.memory_space<vmem_shared>> -> memref<32xf32, #tpu.memory_space<vmem_shared>>
          %dma_wait3A_1111 = tpu.memref_slice %arg17[%mul3A_1092] : memref<1024xf32, #tpu.memory_space<vmem_shared>> -> memref<32xf32, #tpu.memory_space<vmem_shared>>
          tpu.wait_dma2 semaphore(%run_scoped3A : memref<!tpu.dma_semaphore, #tpu.memory_space<semaphore_mem>>) src(%arg15 : memref<32xf32, #tpu.memory_space<vmem>>) dst(%dma_wait3A_1111 : memref<32xf32, #tpu.memory_space<vmem_shared>>)
          tpu.yield
        }) : () -> ()
        %barrier3A = arith.constant 0 : index
        tpu.barrier barrier_id(%barrier3A)
        %mul3A_1093 = arith.constant 16 : i32
        %mul3A_1094 = arith.muli %select_n3A_1084, %mul3A_1093 : i32
        %add3A_1095 = arith.addi %mul3A_1094, %xor3A_33 : i32
        %mul3A_1096 = arith.constant 32 : i32
        %mul3A_1097 = arith.muli %add3A_1095, %mul3A_1096 : i32
        "tpu.region"() ({
          %run_scoped3A = tpu.sem_alloc : memref<!tpu.dma_semaphore, #tpu.memory_space<semaphore_mem>>
          %dma_start3A_1108 = tpu.memref_slice %arg17[%mul3A_1097] : memref<1024xf32, #tpu.memory_space<vmem_shared>> -> memref<32xf32, #tpu.memory_space<vmem_shared>>
          %dma_start3A_1109 = tpu.memref_slice %arg17[%mul3A_1097] : memref<1024xf32, #tpu.memory_space<vmem_shared>> -> memref<32xf32, #tpu.memory_space<vmem_shared>>
          tpu.enqueue_dma source(%dma_start3A_1109 : memref<32xf32, #tpu.memory_space<vmem_shared>>) target(%arg16 : memref<32xf32, #tpu.memory_space<vmem>>) target_semaphore(%run_scoped3A : memref<!tpu.dma_semaphore, #tpu.memory_space<semaphore_mem>>)
          %dma_wait3A_1110 = tpu.memref_slice %arg17[%mul3A_1097] : memref<1024xf32, #tpu.memory_space<vmem_shared>> -> memref<32xf32, #tpu.memory_space<vmem_shared>>
          %dma_wait3A_1111 = tpu.memref_slice %arg17[%mul3A_1097] : memref<1024xf32, #tpu.memory_space<vmem_shared>> -> memref<32xf32, #tpu.memory_space<vmem_shared>>
          tpu.wait_dma2 semaphore(%run_scoped3A : memref<!tpu.dma_semaphore, #tpu.memory_space<semaphore_mem>>) src(%dma_wait3A_1111 : memref<32xf32, #tpu.memory_space<vmem_shared>>) dst(%arg16 : memref<32xf32, #tpu.memory_space<vmem>>)
          tpu.yield
        }) : () -> ()
        %get3A = arith.constant 0 : index
        %get3A_1098 = tpu.vector_load %arg16[%get3A] {strides = array<i32>} : memref<32xf32, #tpu.memory_space<vmem>>, vector<16xf32>,
        %get3A_1099 = arith.constant 16 : index
        %get3A_1100 = tpu.vector_load %arg16[%get3A_1099] {strides = array<i32>} : memref<32xf32, #tpu.memory_space<vmem>>, vector<16xf32>,
        %bitcast3A_1101 = vector.bitcast %get3A_1100 : vector<16xf32> to vector<16xi32>
        %gt3A_1102 = arith.cmpf ogt, %get3A_1098, %broadcast_in_dim3A_1067 : vector<16xf32>
        %eq3A_1103 = arith.cmpf oeq, %get3A_1098, %broadcast_in_dim3A_1067 : vector<16xf32>
        %lt3A_1104 = arith.cmpi slt, %bitcast3A_1101, %broadcast_in_dim3A_1068 : vector<16xi32>
        %and3A_1105 = arith.andi %eq3A_1103, %lt3A_1104 : vector<16xi1>
        %or3A_1106 = arith.ori %gt3A_1102, %and3A_1105 : vector<16xi1>
        %select_n3A_1107 = arith.select %or3A_1106, %bitcast3A_1101, %broadcast_in_dim3A_1068 : vector<16xi1>, vector<16xi32>
        scf.yield %select_n3A_1107 : vector<16xi32>
      }
      %gt3A = arith.constant 0 : i32
      %gt3A_923 = arith.cmpi sgt, %scan3A_906, %gt3A : i32
      %convert_element_type3A = arith.extui %gt3A_923 : i1 to i32
      %cond3A = arith.constant 0 : i32
      %cond3A_924 = arith.cmpi ne, %convert_element_type3A, %cond3A : i32
      scf.if %cond3A_924 {
        %sub3A_925 = arith.constant 1 : i32
        %sub3A_926 = arith.subi %scan3A_906, %sub3A_925 : i32
        %mul3A_927 = arith.constant 128 : i32
        %mul3A_928 = arith.muli %sub3A_926, %mul3A_927 : i32
        %mul3A_929 = arith.constant 64 : i32
        %mul3A_930 = arith.muli %add3A, %mul3A_929 : i32
        %mul3A_931 = arith.constant 32 : i32
        %mul3A_932 = arith.muli %select_n3A_30, %mul3A_931 : i32
        %add3A_933 = arith.addi %mul3A_930, %mul3A_932 : i32
        %add3A_934 = arith.constant 0 : i32
        %add3A_935 = arith.addi %add3A_933, %add3A_934 : i32
        %mul3A_936 = arith.constant 16384 : i32
        %mul3A_937 = arith.muli %add3A_935, %mul3A_936 : i32
        %mul3A_938 = arith.constant 128 : i32
        %mul3A_939 = arith.muli %sub3A_926, %mul3A_938 : i32
        %add3A_940 = arith.constant 0 : i32
        %add3A_941 = arith.addi %add3A_940, %mul3A_939 : i32
        %dma_start3A_942 = tpu.memref_slice %arg14[%add3A_941] : memref<32768xf32, #tpu.memory_space<vmem>> -> memref<128xf32, #tpu.memory_space<vmem>>
        %dma_start3A_943 = tpu.memref_slice %arg10[%mul3A_928] : memref<1024xi32, #tpu.memory_space<vmem>> -> memref<128xi32, #tpu.memory_space<vmem>>
        %dma_start3A_944 = tpu.memref_slice %arg3[%mul3A_937] : memref<16777216xf32, #tpu.memory_space<hbm>> -> memref<16384xf32, #tpu.memory_space<hbm>>
        %dma_start3A_945 = arith.constant 0 : i32
        %dma_start3A_946 = tpu.memref_slice %dma_start3A_944[%dma_start3A_945] : memref<16384xf32, #tpu.memory_space<hbm>> -> memref<16384xf32, #tpu.memory_space<hbm>>
        tpu.enqueue_indirect_dma source(%dma_start3A_946 : memref<16384xf32, #tpu.memory_space<hbm>>) target(%dma_start3A_942 : memref<128xf32, #tpu.memory_space<vmem>>) offsets(%dma_start3A_943 : memref<128xi32, #tpu.memory_space<vmem>>) semaphore(%arg18 : memref<!tpu.dma_semaphore, #tpu.memory_space<semaphore_mem>>)
        %mul3A_947 = arith.constant 64 : i32
        %mul3A_948 = arith.muli %add3A, %mul3A_947 : i32
        %mul3A_949 = arith.constant 32 : i32
        %mul3A_950 = arith.muli %select_n3A_30, %mul3A_949 : i32
        %add3A_951 = arith.addi %mul3A_948, %mul3A_950 : i32
        %add3A_952 = arith.constant 1 : i32
        %add3A_953 = arith.addi %add3A_951, %add3A_952 : i32
        %mul3A_954 = arith.constant 16384 : i32
        %mul3A_955 = arith.muli %add3A_953, %mul3A_954 : i32
        %mul3A_956 = arith.constant 128 : i32
        %mul3A_957 = arith.muli %sub3A_926, %mul3A_956 : i32
        %add3A_958 = arith.constant 1024 : i32
        %add3A_959 = arith.addi %add3A_958, %mul3A_957 : i32
        %dma_start3A_960 = tpu.memref_slice %arg14[%add3A_959] : memref<32768xf32, #tpu.memory_space<vmem>> -> memref<128xf32, #tpu.memory_space<vmem>>
        %dma_start3A_961 = tpu.memref_slice %arg10[%mul3A_928] : memref<1024xi32, #tpu.memory_space<vmem>> -> memref<128xi32, #tpu.memory_space<vmem>>
        %dma_start3A_962 = tpu.memref_slice %arg3[%mul3A_955] : memref<16777216xf32, #tpu.memory_space<hbm>> -> memref<16384xf32, #tpu.memory_space<hbm>>
        %dma_start3A_963 = arith.constant 0 : i32
        %dma_start3A_964 = tpu.memref_slice %dma_start3A_962[%dma_start3A_963] : memref<16384xf32, #tpu.memory_space<hbm>> -> memref<16384xf32, #tpu.memory_space<hbm>>
        tpu.enqueue_indirect_dma source(%dma_start3A_964 : memref<16384xf32, #tpu.memory_space<hbm>>) target(%dma_start3A_960 : memref<128xf32, #tpu.memory_space<vmem>>) offsets(%dma_start3A_961 : memref<128xi32, #tpu.memory_space<vmem>>) semaphore(%arg18 : memref<!tpu.dma_semaphore, #tpu.memory_space<semaphore_mem>>)
        %mul3A_965 = arith.constant 64 : i32
        %mul3A_966 = arith.muli %add3A, %mul3A_965 : i32
        %mul3A_967 = arith.constant 32 : i32
        %mul3A_968 = arith.muli %select_n3A_30, %mul3A_967 : i32
        %add3A_969 = arith.addi %mul3A_966, %mul3A_968 : i32
        %add3A_970 = arith.constant 2 : i32
        %add3A_971 = arith.addi %add3A_969, %add3A_970 : i32
        %mul3A_972 = arith.constant 16384 : i32
        %mul3A_973 = arith.muli %add3A_971, %mul3A_972 : i32
        %mul3A_974 = arith.constant 128 : i32
        %mul3A_975 = arith.muli %sub3A_926, %mul3A_974 : i32
        %add3A_976 = arith.constant 2048 : i32
        %add3A_977 = arith.addi %add3A_976, %mul3A_975 : i32
        %dma_start3A_978 = tpu.memref_slice %arg14[%add3A_977] : memref<32768xf32, #tpu.memory_space<vmem>> -> memref<128xf32, #tpu.memory_space<vmem>>
        %dma_start3A_979 = tpu.memref_slice %arg10[%mul3A_928] : memref<1024xi32, #tpu.memory_space<vmem>> -> memref<128xi32, #tpu.memory_space<vmem>>
        %dma_start3A_980 = tpu.memref_slice %arg3[%mul3A_973] : memref<16777216xf32, #tpu.memory_space<hbm>> -> memref<16384xf32, #tpu.memory_space<hbm>>
        %dma_start3A_981 = arith.constant 0 : i32
        %dma_start3A_982 = tpu.memref_slice %dma_start3A_980[%dma_start3A_981] : memref<16384xf32, #tpu.memory_space<hbm>> -> memref<16384xf32, #tpu.memory_space<hbm>>
        tpu.enqueue_indirect_dma source(%dma_start3A_982 : memref<16384xf32, #tpu.memory_space<hbm>>) target(%dma_start3A_978 : memref<128xf32, #tpu.memory_space<vmem>>) offsets(%dma_start3A_979 : memref<128xi32, #tpu.memory_space<vmem>>) semaphore(%arg18 : memref<!tpu.dma_semaphore, #tpu.memory_space<semaphore_mem>>)
        %mul3A_983 = arith.constant 64 : i32
        %mul3A_984 = arith.muli %add3A, %mul3A_983 : i32
        %mul3A_985 = arith.constant 32 : i32
        %mul3A_986 = arith.muli %select_n3A_30, %mul3A_985 : i32
        %add3A_987 = arith.addi %mul3A_984, %mul3A_986 : i32
        %add3A_988 = arith.constant 3 : i32
        %add3A_989 = arith.addi %add3A_987, %add3A_988 : i32
        %mul3A_990 = arith.constant 16384 : i32
        %mul3A_991 = arith.muli %add3A_989, %mul3A_990 : i32
        %mul3A_992 = arith.constant 128 : i32
        %mul3A_993 = arith.muli %sub3A_926, %mul3A_992 : i32
        %add3A_994 = arith.constant 3072 : i32
        %add3A_995 = arith.addi %add3A_994, %mul3A_993 : i32
        %dma_start3A_996 = tpu.memref_slice %arg14[%add3A_995] : memref<32768xf32, #tpu.memory_space<vmem>> -> memref<128xf32, #tpu.memory_space<vmem>>
        %dma_start3A_997 = tpu.memref_slice %arg10[%mul3A_928] : memref<1024xi32, #tpu.memory_space<vmem>> -> memref<128xi32, #tpu.memory_space<vmem>>
        %dma_start3A_998 = tpu.memref_slice %arg3[%mul3A_991] : memref<16777216xf32, #tpu.memory_space<hbm>> -> memref<16384xf32, #tpu.memory_space<hbm>>
        %dma_start3A_999 = arith.constant 0 : i32
        %dma_start3A_1000 = tpu.memref_slice %dma_start3A_998[%dma_start3A_999] : memref<16384xf32, #tpu.memory_space<hbm>> -> memref<16384xf32, #tpu.memory_space<hbm>>
        tpu.enqueue_indirect_dma source(%dma_start3A_1000 : memref<16384xf32, #tpu.memory_space<hbm>>) target(%dma_start3A_996 : memref<128xf32, #tpu.memory_space<vmem>>) offsets(%dma_start3A_997 : memref<128xi32, #tpu.memory_space<vmem>>) semaphore(%arg18 : memref<!tpu.dma_semaphore, #tpu.memory_space<semaphore_mem>>)
        %mul3A_1001 = arith.constant 64 : i32
        %mul3A_1002 = arith.muli %add3A, %mul3A_1001 : i32
        %mul3A_1003 = arith.constant 32 : i32
        %mul3A_1004 = arith.muli %select_n3A_30, %mul3A_1003 : i32
        %add3A_1005 = arith.addi %mul3A_1002, %mul3A_1004 : i32
        %add3A_1006 = arith.constant 4 : i32
        %add3A_1007 = arith.addi %add3A_1005, %add3A_1006 : i32
        %mul3A_1008 = arith.constant 16384 : i32
        %mul3A_1009 = arith.muli %add3A_1007, %mul3A_1008 : i32
        %mul3A_1010 = arith.constant 128 : i32
        %mul3A_1011 = arith.muli %sub3A_926, %mul3A_1010 : i32
        %add3A_1012 = arith.constant 4096 : i32
        %add3A_1013 = arith.addi %add3A_1012, %mul3A_1011 : i32
        %dma_start3A_1014 = tpu.memref_slice %arg14[%add3A_1013] : memref<32768xf32, #tpu.memory_space<vmem>> -> memref<128xf32, #tpu.memory_space<vmem>>
        %dma_start3A_1015 = tpu.memref_slice %arg10[%mul3A_928] : memref<1024xi32, #tpu.memory_space<vmem>> -> memref<128xi32, #tpu.memory_space<vmem>>
        %dma_start3A_1016 = tpu.memref_slice %arg3[%mul3A_1009] : memref<16777216xf32, #tpu.memory_space<hbm>> -> memref<16384xf32, #tpu.memory_space<hbm>>
        %dma_start3A_1017 = arith.constant 0 : i32
        %dma_start3A_1018 = tpu.memref_slice %dma_start3A_1016[%dma_start3A_1017] : memref<16384xf32, #tpu.memory_space<hbm>> -> memref<16384xf32, #tpu.memory_space<hbm>>
        tpu.enqueue_indirect_dma source(%dma_start3A_1018 : memref<16384xf32, #tpu.memory_space<hbm>>) target(%dma_start3A_1014 : memref<128xf32, #tpu.memory_space<vmem>>) offsets(%dma_start3A_1015 : memref<128xi32, #tpu.memory_space<vmem>>) semaphore(%arg18 : memref<!tpu.dma_semaphore, #tpu.memory_space<semaphore_mem>>)
        %mul3A_1019 = arith.constant 64 : i32
        %mul3A_1020 = arith.muli %add3A, %mul3A_1019 : i32
        %mul3A_1021 = arith.constant 32 : i32
        %mul3A_1022 = arith.muli %select_n3A_30, %mul3A_1021 : i32
        %add3A_1023 = arith.addi %mul3A_1020, %mul3A_1022 : i32
        %add3A_1024 = arith.constant 5 : i32
        %add3A_1025 = arith.addi %add3A_1023, %add3A_1024 : i32
        %mul3A_1026 = arith.constant 16384 : i32
        %mul3A_1027 = arith.muli %add3A_1025, %mul3A_1026 : i32
        %mul3A_1028 = arith.constant 128 : i32
        %mul3A_1029 = arith.muli %sub3A_926, %mul3A_1028 : i32
        %add3A_1030 = arith.constant 5120 : i32
        %add3A_1031 = arith.addi %add3A_1030, %mul3A_1029 : i32
        %dma_start3A_1032 = tpu.memref_slice %arg14[%add3A_1031] : memref<32768xf32, #tpu.memory_space<vmem>> -> memref<128xf32, #tpu.memory_space<vmem>>
        %dma_start3A_1033 = tpu.memref_slice %arg10[%mul3A_928] : memref<1024xi32, #tpu.memory_space<vmem>> -> memref<128xi32, #tpu.memory_space<vmem>>
        %dma_start3A_1034 = tpu.memref_slice %arg3[%mul3A_1027] : memref<16777216xf32, #tpu.memory_space<hbm>> -> memref<16384xf32, #tpu.memory_space<hbm>>
        %dma_start3A_1035 = arith.constant 0 : i32
        %dma_start3A_1036 = tpu.memref_slice %dma_start3A_1034[%dma_start3A_1035] : memref<16384xf32, #tpu.memory_space<hbm>> -> memref<16384xf32, #tpu.memory_space<hbm>>
        tpu.enqueue_indirect_dma source(%dma_start3A_1036 : memref<16384xf32, #tpu.memory_space<hbm>>) target(%dma_start3A_1032 : memref<128xf32, #tpu.memory_space<vmem>>) offsets(%dma_start3A_1033 : memref<128xi32, #tpu.memory_space<vmem>>) semaphore(%arg18 : memref<!tpu.dma_semaphore, #tpu.memory_space<semaphore_mem>>)
        %mul3A_1037 = arith.constant 64 : i32
        %mul3A_1038 = arith.muli %add3A, %mul3A_1037 : i32
        %mul3A_1039 = arith.constant 32 : i32
        %mul3A_1040 = arith.muli %select_n3A_30, %mul3A_1039 : i32
        %add3A_1041 = arith.addi %mul3A_1038, %mul3A_1040 : i32
        %add3A_1042 = arith.constant 6 : i32
        %add3A_1043 = arith.addi %add3A_1041, %add3A_1042 : i32
        %mul3A_1044 = arith.constant 16384 : i32
        %mul3A_1045 = arith.muli %add3A_1043, %mul3A_1044 : i32
        %mul3A_1046 = arith.constant 128 : i32
        %mul3A_1047 = arith.muli %sub3A_926, %mul3A_1046 : i32
        %add3A_1048 = arith.constant 6144 : i32
        %add3A_1049 = arith.addi %add3A_1048, %mul3A_1047 : i32
        %dma_start3A_1050 = tpu.memref_slice %arg14[%add3A_1049] : memref<32768xf32, #tpu.memory_space<vmem>> -> memref<128xf32, #tpu.memory_space<vmem>>
        %dma_start3A_1051 = tpu.memref_slice %arg10[%mul3A_928] : memref<1024xi32, #tpu.memory_space<vmem>> -> memref<128xi32, #tpu.memory_space<vmem>>
        %dma_start3A_1052 = tpu.memref_slice %arg3[%mul3A_1045] : memref<16777216xf32, #tpu.memory_space<hbm>> -> memref<16384xf32, #tpu.memory_space<hbm>>
        %dma_start3A_1053 = arith.constant 0 : i32
        %dma_start3A_1054 = tpu.memref_slice %dma_start3A_1052[%dma_start3A_1053] : memref<16384xf32, #tpu.memory_space<hbm>> -> memref<16384xf32, #tpu.memory_space<hbm>>
        tpu.enqueue_indirect_dma source(%dma_start3A_1054 : memref<16384xf32, #tpu.memory_space<hbm>>) target(%dma_start3A_1050 : memref<128xf32, #tpu.memory_space<vmem>>) offsets(%dma_start3A_1051 : memref<128xi32, #tpu.memory_space<vmem>>) semaphore(%arg18 : memref<!tpu.dma_semaphore, #tpu.memory_space<semaphore_mem>>)
        %mul3A_1055 = arith.constant 64 : i32
        %mul3A_1056 = arith.muli %add3A, %mul3A_1055 : i32
        %mul3A_1057 = arith.constant 32 : i32
        %mul3A_1058 = arith.muli %select_n3A_30, %mul3A_1057 : i32
        %add3A_1059 = arith.addi %mul3A_1056, %mul3A_1058 : i32
        %add3A_1060 = arith.constant 7 : i32
        %add3A_1061 = arith.addi %add3A_1059, %add3A_1060 : i32
        %mul3A_1062 = arith.constant 16384 : i32
        %mul3A_1063 = arith.muli %add3A_1061, %mul3A_1062 : i32
        %mul3A_1064 = arith.constant 128 : i32
        %mul3A_1065 = arith.muli %sub3A_926, %mul3A_1064 : i32
        %add3A_1066 = arith.constant 7168 : i32
        %add3A_1067 = arith.addi %add3A_1066, %mul3A_1065 : i32
        %dma_start3A_1068 = tpu.memref_slice %arg14[%add3A_1067] : memref<32768xf32, #tpu.memory_space<vmem>> -> memref<128xf32, #tpu.memory_space<vmem>>
        %dma_start3A_1069 = tpu.memref_slice %arg10[%mul3A_928] : memref<1024xi32, #tpu.memory_space<vmem>> -> memref<128xi32, #tpu.memory_space<vmem>>
        %dma_start3A_1070 = tpu.memref_slice %arg3[%mul3A_1063] : memref<16777216xf32, #tpu.memory_space<hbm>> -> memref<16384xf32, #tpu.memory_space<hbm>>
        %dma_start3A_1071 = arith.constant 0 : i32
        %dma_start3A_1072 = tpu.memref_slice %dma_start3A_1070[%dma_start3A_1071] : memref<16384xf32, #tpu.memory_space<hbm>> -> memref<16384xf32, #tpu.memory_space<hbm>>
        tpu.enqueue_indirect_dma source(%dma_start3A_1072 : memref<16384xf32, #tpu.memory_space<hbm>>) target(%dma_start3A_1068 : memref<128xf32, #tpu.memory_space<vmem>>) offsets(%dma_start3A_1069 : memref<128xi32, #tpu.memory_space<vmem>>) semaphore(%arg18 : memref<!tpu.dma_semaphore, #tpu.memory_space<semaphore_mem>>)
        %mul3A_1073 = arith.constant 64 : i32
        %mul3A_1074 = arith.muli %add3A, %mul3A_1073 : i32
        %mul3A_1075 = arith.constant 32 : i32
        %mul3A_1076 = arith.muli %select_n3A_30, %mul3A_1075 : i32
        %add3A_1077 = arith.addi %mul3A_1074, %mul3A_1076 : i32
        %add3A_1078 = arith.constant 8 : i32
        %add3A_1079 = arith.addi %add3A_1077, %add3A_1078 : i32
        %mul3A_1080 = arith.constant 16384 : i32
        %mul3A_1081 = arith.muli %add3A_1079, %mul3A_1080 : i32
        %mul3A_1082 = arith.constant 128 : i32
        %mul3A_1083 = arith.muli %sub3A_926, %mul3A_1082 : i32
        %add3A_1084 = arith.constant 8192 : i32
        %add3A_1085 = arith.addi %add3A_1084, %mul3A_1083 : i32
        %dma_start3A_1086 = tpu.memref_slice %arg14[%add3A_1085] : memref<32768xf32, #tpu.memory_space<vmem>> -> memref<128xf32, #tpu.memory_space<vmem>>
        %dma_start3A_1087 = tpu.memref_slice %arg10[%mul3A_928] : memref<1024xi32, #tpu.memory_space<vmem>> -> memref<128xi32, #tpu.memory_space<vmem>>
        %dma_start3A_1088 = tpu.memref_slice %arg3[%mul3A_1081] : memref<16777216xf32, #tpu.memory_space<hbm>> -> memref<16384xf32, #tpu.memory_space<hbm>>
        %dma_start3A_1089 = arith.constant 0 : i32
        %dma_start3A_1090 = tpu.memref_slice %dma_start3A_1088[%dma_start3A_1089] : memref<16384xf32, #tpu.memory_space<hbm>> -> memref<16384xf32, #tpu.memory_space<hbm>>
        tpu.enqueue_indirect_dma source(%dma_start3A_1090 : memref<16384xf32, #tpu.memory_space<hbm>>) target(%dma_start3A_1086 : memref<128xf32, #tpu.memory_space<vmem>>) offsets(%dma_start3A_1087 : memref<128xi32, #tpu.memory_space<vmem>>) semaphore(%arg18 : memref<!tpu.dma_semaphore, #tpu.memory_space<semaphore_mem>>)
        %mul3A_1091 = arith.constant 64 : i32
        %mul3A_1092 = arith.muli %add3A, %mul3A_1091 : i32
        %mul3A_1093 = arith.constant 32 : i32
        %mul3A_1094 = arith.muli %select_n3A_30, %mul3A_1093 : i32
        %add3A_1095 = arith.addi %mul3A_1092, %mul3A_1094 : i32
        %add3A_1096 = arith.constant 9 : i32
        %add3A_1097 = arith.addi %add3A_1095, %add3A_1096 : i32
        %mul3A_1098 = arith.constant 16384 : i32
        %mul3A_1099 = arith.muli %add3A_1097, %mul3A_1098 : i32
        %mul3A_1100 = arith.constant 128 : i32
        %mul3A_1101 = arith.muli %sub3A_926, %mul3A_1100 : i32
        %add3A_1102 = arith.constant 9216 : i32
        %add3A_1103 = arith.addi %add3A_1102, %mul3A_1101 : i32
        %dma_start3A_1104 = tpu.memref_slice %arg14[%add3A_1103] : memref<32768xf32, #tpu.memory_space<vmem>> -> memref<128xf32, #tpu.memory_space<vmem>>
        %dma_start3A_1105 = tpu.memref_slice %arg10[%mul3A_928] : memref<1024xi32, #tpu.memory_space<vmem>> -> memref<128xi32, #tpu.memory_space<vmem>>
        %dma_start3A_1106 = tpu.memref_slice %arg3[%mul3A_1099] : memref<16777216xf32, #tpu.memory_space<hbm>> -> memref<16384xf32, #tpu.memory_space<hbm>>
        %dma_start3A_1107 = arith.constant 0 : i32
        %dma_start3A_1108 = tpu.memref_slice %dma_start3A_1106[%dma_start3A_1107] : memref<16384xf32, #tpu.memory_space<hbm>> -> memref<16384xf32, #tpu.memory_space<hbm>>
        tpu.enqueue_indirect_dma source(%dma_start3A_1108 : memref<16384xf32, #tpu.memory_space<hbm>>) target(%dma_start3A_1104 : memref<128xf32, #tpu.memory_space<vmem>>) offsets(%dma_start3A_1105 : memref<128xi32, #tpu.memory_space<vmem>>) semaphore(%arg18 : memref<!tpu.dma_semaphore, #tpu.memory_space<semaphore_mem>>)
        %mul3A_1109 = arith.constant 64 : i32
        %mul3A_1110 = arith.muli %add3A, %mul3A_1109 : i32
        %mul3A_1111 = arith.constant 32 : i32
        %mul3A_1112 = arith.muli %select_n3A_30, %mul3A_1111 : i32
        %add3A_1113 = arith.addi %mul3A_1110, %mul3A_1112 : i32
        %add3A_1114 = arith.constant 10 : i32
        %add3A_1115 = arith.addi %add3A_1113, %add3A_1114 : i32
        %mul3A_1116 = arith.constant 16384 : i32
        %mul3A_1117 = arith.muli %add3A_1115, %mul3A_1116 : i32
        %mul3A_1118 = arith.constant 128 : i32
        %mul3A_1119 = arith.muli %sub3A_926, %mul3A_1118 : i32
        %add3A_1120 = arith.constant 10240 : i32
        %add3A_1121 = arith.addi %add3A_1120, %mul3A_1119 : i32
        %dma_start3A_1122 = tpu.memref_slice %arg14[%add3A_1121] : memref<32768xf32, #tpu.memory_space<vmem>> -> memref<128xf32, #tpu.memory_space<vmem>>
        %dma_start3A_1123 = tpu.memref_slice %arg10[%mul3A_928] : memref<1024xi32, #tpu.memory_space<vmem>> -> memref<128xi32, #tpu.memory_space<vmem>>
        %dma_start3A_1124 = tpu.memref_slice %arg3[%mul3A_1117] : memref<16777216xf32, #tpu.memory_space<hbm>> -> memref<16384xf32, #tpu.memory_space<hbm>>
        %dma_start3A_1125 = arith.constant 0 : i32
        %dma_start3A_1126 = tpu.memref_slice %dma_start3A_1124[%dma_start3A_1125] : memref<16384xf32, #tpu.memory_space<hbm>> -> memref<16384xf32, #tpu.memory_space<hbm>>
        tpu.enqueue_indirect_dma source(%dma_start3A_1126 : memref<16384xf32, #tpu.memory_space<hbm>>) target(%dma_start3A_1122 : memref<128xf32, #tpu.memory_space<vmem>>) offsets(%dma_start3A_1123 : memref<128xi32, #tpu.memory_space<vmem>>) semaphore(%arg18 : memref<!tpu.dma_semaphore, #tpu.memory_space<semaphore_mem>>)
        %mul3A_1127 = arith.constant 64 : i32
        %mul3A_1128 = arith.muli %add3A, %mul3A_1127 : i32
        %mul3A_1129 = arith.constant 32 : i32
        %mul3A_1130 = arith.muli %select_n3A_30, %mul3A_1129 : i32
        %add3A_1131 = arith.addi %mul3A_1128, %mul3A_1130 : i32
        %add3A_1132 = arith.constant 11 : i32
        %add3A_1133 = arith.addi %add3A_1131, %add3A_1132 : i32
        %mul3A_1134 = arith.constant 16384 : i32
        %mul3A_1135 = arith.muli %add3A_1133, %mul3A_1134 : i32
        %mul3A_1136 = arith.constant 128 : i32
        %mul3A_1137 = arith.muli %sub3A_926, %mul3A_1136 : i32
        %add3A_1138 = arith.constant 11264 : i32
        %add3A_1139 = arith.addi %add3A_1138, %mul3A_1137 : i32
        %dma_start3A_1140 = tpu.memref_slice %arg14[%add3A_1139] : memref<32768xf32, #tpu.memory_space<vmem>> -> memref<128xf32, #tpu.memory_space<vmem>>
        %dma_start3A_1141 = tpu.memref_slice %arg10[%mul3A_928] : memref<1024xi32, #tpu.memory_space<vmem>> -> memref<128xi32, #tpu.memory_space<vmem>>
        %dma_start3A_1142 = tpu.memref_slice %arg3[%mul3A_1135] : memref<16777216xf32, #tpu.memory_space<hbm>> -> memref<16384xf32, #tpu.memory_space<hbm>>
        %dma_start3A_1143 = arith.constant 0 : i32
        %dma_start3A_1144 = tpu.memref_slice %dma_start3A_1142[%dma_start3A_1143] : memref<16384xf32, #tpu.memory_space<hbm>> -> memref<16384xf32, #tpu.memory_space<hbm>>
        tpu.enqueue_indirect_dma source(%dma_start3A_1144 : memref<16384xf32, #tpu.memory_space<hbm>>) target(%dma_start3A_1140 : memref<128xf32, #tpu.memory_space<vmem>>) offsets(%dma_start3A_1141 : memref<128xi32, #tpu.memory_space<vmem>>) semaphore(%arg18 : memref<!tpu.dma_semaphore, #tpu.memory_space<semaphore_mem>>)
        %mul3A_1145 = arith.constant 64 : i32
        %mul3A_1146 = arith.muli %add3A, %mul3A_1145 : i32
        %mul3A_1147 = arith.constant 32 : i32
        %mul3A_1148 = arith.muli %select_n3A_30, %mul3A_1147 : i32
        %add3A_1149 = arith.addi %mul3A_1146, %mul3A_1148 : i32
        %add3A_1150 = arith.constant 12 : i32
        %add3A_1151 = arith.addi %add3A_1149, %add3A_1150 : i32
        %mul3A_1152 = arith.constant 16384 : i32
        %mul3A_1153 = arith.muli %add3A_1151, %mul3A_1152 : i32
        %mul3A_1154 = arith.constant 128 : i32
        %mul3A_1155 = arith.muli %sub3A_926, %mul3A_1154 : i32
        %add3A_1156 = arith.constant 12288 : i32
        %add3A_1157 = arith.addi %add3A_1156, %mul3A_1155 : i32
        %dma_start3A_1158 = tpu.memref_slice %arg14[%add3A_1157] : memref<32768xf32, #tpu.memory_space<vmem>> -> memref<128xf32, #tpu.memory_space<vmem>>
        %dma_start3A_1159 = tpu.memref_slice %arg10[%mul3A_928] : memref<1024xi32, #tpu.memory_space<vmem>> -> memref<128xi32, #tpu.memory_space<vmem>>
        %dma_start3A_1160 = tpu.memref_slice %arg3[%mul3A_1153] : memref<16777216xf32, #tpu.memory_space<hbm>> -> memref<16384xf32, #tpu.memory_space<hbm>>
        %dma_start3A_1161 = arith.constant 0 : i32
        %dma_start3A_1162 = tpu.memref_slice %dma_start3A_1160[%dma_start3A_1161] : memref<16384xf32, #tpu.memory_space<hbm>> -> memref<16384xf32, #tpu.memory_space<hbm>>
        tpu.enqueue_indirect_dma source(%dma_start3A_1162 : memref<16384xf32, #tpu.memory_space<hbm>>) target(%dma_start3A_1158 : memref<128xf32, #tpu.memory_space<vmem>>) offsets(%dma_start3A_1159 : memref<128xi32, #tpu.memory_space<vmem>>) semaphore(%arg18 : memref<!tpu.dma_semaphore, #tpu.memory_space<semaphore_mem>>)
        %mul3A_1163 = arith.constant 64 : i32
        %mul3A_1164 = arith.muli %add3A, %mul3A_1163 : i32
        %mul3A_1165 = arith.constant 32 : i32
        %mul3A_1166 = arith.muli %select_n3A_30, %mul3A_1165 : i32
        %add3A_1167 = arith.addi %mul3A_1164, %mul3A_1166 : i32
        %add3A_1168 = arith.constant 13 : i32
        %add3A_1169 = arith.addi %add3A_1167, %add3A_1168 : i32
        %mul3A_1170 = arith.constant 16384 : i32
        %mul3A_1171 = arith.muli %add3A_1169, %mul3A_1170 : i32
        %mul3A_1172 = arith.constant 128 : i32
        %mul3A_1173 = arith.muli %sub3A_926, %mul3A_1172 : i32
        %add3A_1174 = arith.constant 13312 : i32
        %add3A_1175 = arith.addi %add3A_1174, %mul3A_1173 : i32
        %dma_start3A_1176 = tpu.memref_slice %arg14[%add3A_1175] : memref<32768xf32, #tpu.memory_space<vmem>> -> memref<128xf32, #tpu.memory_space<vmem>>
        %dma_start3A_1177 = tpu.memref_slice %arg10[%mul3A_928] : memref<1024xi32, #tpu.memory_space<vmem>> -> memref<128xi32, #tpu.memory_space<vmem>>
        %dma_start3A_1178 = tpu.memref_slice %arg3[%mul3A_1171] : memref<16777216xf32, #tpu.memory_space<hbm>> -> memref<16384xf32, #tpu.memory_space<hbm>>
        %dma_start3A_1179 = arith.constant 0 : i32
        %dma_start3A_1180 = tpu.memref_slice %dma_start3A_1178[%dma_start3A_1179] : memref<16384xf32, #tpu.memory_space<hbm>> -> memref<16384xf32, #tpu.memory_space<hbm>>
        tpu.enqueue_indirect_dma source(%dma_start3A_1180 : memref<16384xf32, #tpu.memory_space<hbm>>) target(%dma_start3A_1176 : memref<128xf32, #tpu.memory_space<vmem>>) offsets(%dma_start3A_1177 : memref<128xi32, #tpu.memory_space<vmem>>) semaphore(%arg18 : memref<!tpu.dma_semaphore, #tpu.memory_space<semaphore_mem>>)
        %mul3A_1181 = arith.constant 64 : i32
        %mul3A_1182 = arith.muli %add3A, %mul3A_1181 : i32
        %mul3A_1183 = arith.constant 32 : i32
        %mul3A_1184 = arith.muli %select_n3A_30, %mul3A_1183 : i32
        %add3A_1185 = arith.addi %mul3A_1182, %mul3A_1184 : i32
        %add3A_1186 = arith.constant 14 : i32
        %add3A_1187 = arith.addi %add3A_1185, %add3A_1186 : i32
        %mul3A_1188 = arith.constant 16384 : i32
        %mul3A_1189 = arith.muli %add3A_1187, %mul3A_1188 : i32
        %mul3A_1190 = arith.constant 128 : i32
        %mul3A_1191 = arith.muli %sub3A_926, %mul3A_1190 : i32
        %add3A_1192 = arith.constant 14336 : i32
        %add3A_1193 = arith.addi %add3A_1192, %mul3A_1191 : i32
        %dma_start3A_1194 = tpu.memref_slice %arg14[%add3A_1193] : memref<32768xf32, #tpu.memory_space<vmem>> -> memref<128xf32, #tpu.memory_space<vmem>>
        %dma_start3A_1195 = tpu.memref_slice %arg10[%mul3A_928] : memref<1024xi32, #tpu.memory_space<vmem>> -> memref<128xi32, #tpu.memory_space<vmem>>
        %dma_start3A_1196 = tpu.memref_slice %arg3[%mul3A_1189] : memref<16777216xf32, #tpu.memory_space<hbm>> -> memref<16384xf32, #tpu.memory_space<hbm>>
        %dma_start3A_1197 = arith.constant 0 : i32
        %dma_start3A_1198 = tpu.memref_slice %dma_start3A_1196[%dma_start3A_1197] : memref<16384xf32, #tpu.memory_space<hbm>> -> memref<16384xf32, #tpu.memory_space<hbm>>
        tpu.enqueue_indirect_dma source(%dma_start3A_1198 : memref<16384xf32, #tpu.memory_space<hbm>>) target(%dma_start3A_1194 : memref<128xf32, #tpu.memory_space<vmem>>) offsets(%dma_start3A_1195 : memref<128xi32, #tpu.memory_space<vmem>>) semaphore(%arg18 : memref<!tpu.dma_semaphore, #tpu.memory_space<semaphore_mem>>)
        %mul3A_1199 = arith.constant 64 : i32
        %mul3A_1200 = arith.muli %add3A, %mul3A_1199 : i32
        %mul3A_1201 = arith.constant 32 : i32
        %mul3A_1202 = arith.muli %select_n3A_30, %mul3A_1201 : i32
        %add3A_1203 = arith.addi %mul3A_1200, %mul3A_1202 : i32
        %add3A_1204 = arith.constant 15 : i32
        %add3A_1205 = arith.addi %add3A_1203, %add3A_1204 : i32
        %mul3A_1206 = arith.constant 16384 : i32
        %mul3A_1207 = arith.muli %add3A_1205, %mul3A_1206 : i32
        %mul3A_1208 = arith.constant 128 : i32
        %mul3A_1209 = arith.muli %sub3A_926, %mul3A_1208 : i32
        %add3A_1210 = arith.constant 15360 : i32
        %add3A_1211 = arith.addi %add3A_1210, %mul3A_1209 : i32
        %dma_start3A_1212 = tpu.memref_slice %arg14[%add3A_1211] : memref<32768xf32, #tpu.memory_space<vmem>> -> memref<128xf32, #tpu.memory_space<vmem>>
        %dma_start3A_1213 = tpu.memref_slice %arg10[%mul3A_928] : memref<1024xi32, #tpu.memory_space<vmem>> -> memref<128xi32, #tpu.memory_space<vmem>>
        %dma_start3A_1214 = tpu.memref_slice %arg3[%mul3A_1207] : memref<16777216xf32, #tpu.memory_space<hbm>> -> memref<16384xf32, #tpu.memory_space<hbm>>
        %dma_start3A_1215 = arith.constant 0 : i32
        %dma_start3A_1216 = tpu.memref_slice %dma_start3A_1214[%dma_start3A_1215] : memref<16384xf32, #tpu.memory_space<hbm>> -> memref<16384xf32, #tpu.memory_space<hbm>>
        tpu.enqueue_indirect_dma source(%dma_start3A_1216 : memref<16384xf32, #tpu.memory_space<hbm>>) target(%dma_start3A_1212 : memref<128xf32, #tpu.memory_space<vmem>>) offsets(%dma_start3A_1213 : memref<128xi32, #tpu.memory_space<vmem>>) semaphore(%arg18 : memref<!tpu.dma_semaphore, #tpu.memory_space<semaphore_mem>>)
        %mul3A_1217 = arith.constant 64 : i32
        %mul3A_1218 = arith.muli %add3A, %mul3A_1217 : i32
        %mul3A_1219 = arith.constant 32 : i32
        %mul3A_1220 = arith.muli %select_n3A_30, %mul3A_1219 : i32
        %add3A_1221 = arith.addi %mul3A_1218, %mul3A_1220 : i32
        %add3A_1222 = arith.constant 16 : i32
        %add3A_1223 = arith.addi %add3A_1221, %add3A_1222 : i32
        %mul3A_1224 = arith.constant 16384 : i32
        %mul3A_1225 = arith.muli %add3A_1223, %mul3A_1224 : i32
        %mul3A_1226 = arith.constant 128 : i32
        %mul3A_1227 = arith.muli %sub3A_926, %mul3A_1226 : i32
        %add3A_1228 = arith.constant 16384 : i32
        %add3A_1229 = arith.addi %add3A_1228, %mul3A_1227 : i32
        %dma_start3A_1230 = tpu.memref_slice %arg14[%add3A_1229] : memref<32768xf32, #tpu.memory_space<vmem>> -> memref<128xf32, #tpu.memory_space<vmem>>
        %dma_start3A_1231 = tpu.memref_slice %arg10[%mul3A_928] : memref<1024xi32, #tpu.memory_space<vmem>> -> memref<128xi32, #tpu.memory_space<vmem>>
        %dma_start3A_1232 = tpu.memref_slice %arg3[%mul3A_1225] : memref<16777216xf32, #tpu.memory_space<hbm>> -> memref<16384xf32, #tpu.memory_space<hbm>>
        %dma_start3A_1233 = arith.constant 0 : i32
        %dma_start3A_1234 = tpu.memref_slice %dma_start3A_1232[%dma_start3A_1233] : memref<16384xf32, #tpu.memory_space<hbm>> -> memref<16384xf32, #tpu.memory_space<hbm>>
        tpu.enqueue_indirect_dma source(%dma_start3A_1234 : memref<16384xf32, #tpu.memory_space<hbm>>) target(%dma_start3A_1230 : memref<128xf32, #tpu.memory_space<vmem>>) offsets(%dma_start3A_1231 : memref<128xi32, #tpu.memory_space<vmem>>) semaphore(%arg18 : memref<!tpu.dma_semaphore, #tpu.memory_space<semaphore_mem>>)
        %mul3A_1235 = arith.constant 64 : i32
        %mul3A_1236 = arith.muli %add3A, %mul3A_1235 : i32
        %mul3A_1237 = arith.constant 32 : i32
        %mul3A_1238 = arith.muli %select_n3A_30, %mul3A_1237 : i32
        %add3A_1239 = arith.addi %mul3A_1236, %mul3A_1238 : i32
        %add3A_1240 = arith.constant 17 : i32
        %add3A_1241 = arith.addi %add3A_1239, %add3A_1240 : i32
        %mul3A_1242 = arith.constant 16384 : i32
        %mul3A_1243 = arith.muli %add3A_1241, %mul3A_1242 : i32
        %mul3A_1244 = arith.constant 128 : i32
        %mul3A_1245 = arith.muli %sub3A_926, %mul3A_1244 : i32
        %add3A_1246 = arith.constant 17408 : i32
        %add3A_1247 = arith.addi %add3A_1246, %mul3A_1245 : i32
        %dma_start3A_1248 = tpu.memref_slice %arg14[%add3A_1247] : memref<32768xf32, #tpu.memory_space<vmem>> -> memref<128xf32, #tpu.memory_space<vmem>>
        %dma_start3A_1249 = tpu.memref_slice %arg10[%mul3A_928] : memref<1024xi32, #tpu.memory_space<vmem>> -> memref<128xi32, #tpu.memory_space<vmem>>
        %dma_start3A_1250 = tpu.memref_slice %arg3[%mul3A_1243] : memref<16777216xf32, #tpu.memory_space<hbm>> -> memref<16384xf32, #tpu.memory_space<hbm>>
        %dma_start3A_1251 = arith.constant 0 : i32
        %dma_start3A_1252 = tpu.memref_slice %dma_start3A_1250[%dma_start3A_1251] : memref<16384xf32, #tpu.memory_space<hbm>> -> memref<16384xf32, #tpu.memory_space<hbm>>
        tpu.enqueue_indirect_dma source(%dma_start3A_1252 : memref<16384xf32, #tpu.memory_space<hbm>>) target(%dma_start3A_1248 : memref<128xf32, #tpu.memory_space<vmem>>) offsets(%dma_start3A_1249 : memref<128xi32, #tpu.memory_space<vmem>>) semaphore(%arg18 : memref<!tpu.dma_semaphore, #tpu.memory_space<semaphore_mem>>)
        %mul3A_1253 = arith.constant 64 : i32
        %mul3A_1254 = arith.muli %add3A, %mul3A_1253 : i32
        %mul3A_1255 = arith.constant 32 : i32
        %mul3A_1256 = arith.muli %select_n3A_30, %mul3A_1255 : i32
        %add3A_1257 = arith.addi %mul3A_1254, %mul3A_1256 : i32
        %add3A_1258 = arith.constant 18 : i32
        %add3A_1259 = arith.addi %add3A_1257, %add3A_1258 : i32
        %mul3A_1260 = arith.constant 16384 : i32
        %mul3A_1261 = arith.muli %add3A_1259, %mul3A_1260 : i32
        %mul3A_1262 = arith.constant 128 : i32
        %mul3A_1263 = arith.muli %sub3A_926, %mul3A_1262 : i32
        %add3A_1264 = arith.constant 18432 : i32
        %add3A_1265 = arith.addi %add3A_1264, %mul3A_1263 : i32
        %dma_start3A_1266 = tpu.memref_slice %arg14[%add3A_1265] : memref<32768xf32, #tpu.memory_space<vmem>> -> memref<128xf32, #tpu.memory_space<vmem>>
        %dma_start3A_1267 = tpu.memref_slice %arg10[%mul3A_928] : memref<1024xi32, #tpu.memory_space<vmem>> -> memref<128xi32, #tpu.memory_space<vmem>>
        %dma_start3A_1268 = tpu.memref_slice %arg3[%mul3A_1261] : memref<16777216xf32, #tpu.memory_space<hbm>> -> memref<16384xf32, #tpu.memory_space<hbm>>
        %dma_start3A_1269 = arith.constant 0 : i32
        %dma_start3A_1270 = tpu.memref_slice %dma_start3A_1268[%dma_start3A_1269] : memref<16384xf32, #tpu.memory_space<hbm>> -> memref<16384xf32, #tpu.memory_space<hbm>>
        tpu.enqueue_indirect_dma source(%dma_start3A_1270 : memref<16384xf32, #tpu.memory_space<hbm>>) target(%dma_start3A_1266 : memref<128xf32, #tpu.memory_space<vmem>>) offsets(%dma_start3A_1267 : memref<128xi32, #tpu.memory_space<vmem>>) semaphore(%arg18 : memref<!tpu.dma_semaphore, #tpu.memory_space<semaphore_mem>>)
        %mul3A_1271 = arith.constant 64 : i32
        %mul3A_1272 = arith.muli %add3A, %mul3A_1271 : i32
        %mul3A_1273 = arith.constant 32 : i32
        %mul3A_1274 = arith.muli %select_n3A_30, %mul3A_1273 : i32
        %add3A_1275 = arith.addi %mul3A_1272, %mul3A_1274 : i32
        %add3A_1276 = arith.constant 19 : i32
        %add3A_1277 = arith.addi %add3A_1275, %add3A_1276 : i32
        %mul3A_1278 = arith.constant 16384 : i32
        %mul3A_1279 = arith.muli %add3A_1277, %mul3A_1278 : i32
        %mul3A_1280 = arith.constant 128 : i32
        %mul3A_1281 = arith.muli %sub3A_926, %mul3A_1280 : i32
        %add3A_1282 = arith.constant 19456 : i32
        %add3A_1283 = arith.addi %add3A_1282, %mul3A_1281 : i32
        %dma_start3A_1284 = tpu.memref_slice %arg14[%add3A_1283] : memref<32768xf32, #tpu.memory_space<vmem>> -> memref<128xf32, #tpu.memory_space<vmem>>
        %dma_start3A_1285 = tpu.memref_slice %arg10[%mul3A_928] : memref<1024xi32, #tpu.memory_space<vmem>> -> memref<128xi32, #tpu.memory_space<vmem>>
        %dma_start3A_1286 = tpu.memref_slice %arg3[%mul3A_1279] : memref<16777216xf32, #tpu.memory_space<hbm>> -> memref<16384xf32, #tpu.memory_space<hbm>>
        %dma_start3A_1287 = arith.constant 0 : i32
        %dma_start3A_1288 = tpu.memref_slice %dma_start3A_1286[%dma_start3A_1287] : memref<16384xf32, #tpu.memory_space<hbm>> -> memref<16384xf32, #tpu.memory_space<hbm>>
        tpu.enqueue_indirect_dma source(%dma_start3A_1288 : memref<16384xf32, #tpu.memory_space<hbm>>) target(%dma_start3A_1284 : memref<128xf32, #tpu.memory_space<vmem>>) offsets(%dma_start3A_1285 : memref<128xi32, #tpu.memory_space<vmem>>) semaphore(%arg18 : memref<!tpu.dma_semaphore, #tpu.memory_space<semaphore_mem>>)
        %mul3A_1289 = arith.constant 64 : i32
        %mul3A_1290 = arith.muli %add3A, %mul3A_1289 : i32
        %mul3A_1291 = arith.constant 32 : i32
        %mul3A_1292 = arith.muli %select_n3A_30, %mul3A_1291 : i32
        %add3A_1293 = arith.addi %mul3A_1290, %mul3A_1292 : i32
        %add3A_1294 = arith.constant 20 : i32
        %add3A_1295 = arith.addi %add3A_1293, %add3A_1294 : i32
        %mul3A_1296 = arith.constant 16384 : i32
        %mul3A_1297 = arith.muli %add3A_1295, %mul3A_1296 : i32
        %mul3A_1298 = arith.constant 128 : i32
        %mul3A_1299 = arith.muli %sub3A_926, %mul3A_1298 : i32
        %add3A_1300 = arith.constant 20480 : i32
        %add3A_1301 = arith.addi %add3A_1300, %mul3A_1299 : i32
        %dma_start3A_1302 = tpu.memref_slice %arg14[%add3A_1301] : memref<32768xf32, #tpu.memory_space<vmem>> -> memref<128xf32, #tpu.memory_space<vmem>>
        %dma_start3A_1303 = tpu.memref_slice %arg10[%mul3A_928] : memref<1024xi32, #tpu.memory_space<vmem>> -> memref<128xi32, #tpu.memory_space<vmem>>
        %dma_start3A_1304 = tpu.memref_slice %arg3[%mul3A_1297] : memref<16777216xf32, #tpu.memory_space<hbm>> -> memref<16384xf32, #tpu.memory_space<hbm>>
        %dma_start3A_1305 = arith.constant 0 : i32
        %dma_start3A_1306 = tpu.memref_slice %dma_start3A_1304[%dma_start3A_1305] : memref<16384xf32, #tpu.memory_space<hbm>> -> memref<16384xf32, #tpu.memory_space<hbm>>
        tpu.enqueue_indirect_dma source(%dma_start3A_1306 : memref<16384xf32, #tpu.memory_space<hbm>>) target(%dma_start3A_1302 : memref<128xf32, #tpu.memory_space<vmem>>) offsets(%dma_start3A_1303 : memref<128xi32, #tpu.memory_space<vmem>>) semaphore(%arg18 : memref<!tpu.dma_semaphore, #tpu.memory_space<semaphore_mem>>)
        %mul3A_1307 = arith.constant 64 : i32
        %mul3A_1308 = arith.muli %add3A, %mul3A_1307 : i32
        %mul3A_1309 = arith.constant 32 : i32
        %mul3A_1310 = arith.muli %select_n3A_30, %mul3A_1309 : i32
        %add3A_1311 = arith.addi %mul3A_1308, %mul3A_1310 : i32
        %add3A_1312 = arith.constant 21 : i32
        %add3A_1313 = arith.addi %add3A_1311, %add3A_1312 : i32
        %mul3A_1314 = arith.constant 16384 : i32
        %mul3A_1315 = arith.muli %add3A_1313, %mul3A_1314 : i32
        %mul3A_1316 = arith.constant 128 : i32
        %mul3A_1317 = arith.muli %sub3A_926, %mul3A_1316 : i32
        %add3A_1318 = arith.constant 21504 : i32
        %add3A_1319 = arith.addi %add3A_1318, %mul3A_1317 : i32
        %dma_start3A_1320 = tpu.memref_slice %arg14[%add3A_1319] : memref<32768xf32, #tpu.memory_space<vmem>> -> memref<128xf32, #tpu.memory_space<vmem>>
        %dma_start3A_1321 = tpu.memref_slice %arg10[%mul3A_928] : memref<1024xi32, #tpu.memory_space<vmem>> -> memref<128xi32, #tpu.memory_space<vmem>>
        %dma_start3A_1322 = tpu.memref_slice %arg3[%mul3A_1315] : memref<16777216xf32, #tpu.memory_space<hbm>> -> memref<16384xf32, #tpu.memory_space<hbm>>
        %dma_start3A_1323 = arith.constant 0 : i32
        %dma_start3A_1324 = tpu.memref_slice %dma_start3A_1322[%dma_start3A_1323] : memref<16384xf32, #tpu.memory_space<hbm>> -> memref<16384xf32, #tpu.memory_space<hbm>>
        tpu.enqueue_indirect_dma source(%dma_start3A_1324 : memref<16384xf32, #tpu.memory_space<hbm>>) target(%dma_start3A_1320 : memref<128xf32, #tpu.memory_space<vmem>>) offsets(%dma_start3A_1321 : memref<128xi32, #tpu.memory_space<vmem>>) semaphore(%arg18 : memref<!tpu.dma_semaphore, #tpu.memory_space<semaphore_mem>>)
        %mul3A_1325 = arith.constant 64 : i32
        %mul3A_1326 = arith.muli %add3A, %mul3A_1325 : i32
        %mul3A_1327 = arith.constant 32 : i32
        %mul3A_1328 = arith.muli %select_n3A_30, %mul3A_1327 : i32
        %add3A_1329 = arith.addi %mul3A_1326, %mul3A_1328 : i32
        %add3A_1330 = arith.constant 22 : i32
        %add3A_1331 = arith.addi %add3A_1329, %add3A_1330 : i32
        %mul3A_1332 = arith.constant 16384 : i32
        %mul3A_1333 = arith.muli %add3A_1331, %mul3A_1332 : i32
        %mul3A_1334 = arith.constant 128 : i32
        %mul3A_1335 = arith.muli %sub3A_926, %mul3A_1334 : i32
        %add3A_1336 = arith.constant 22528 : i32
        %add3A_1337 = arith.addi %add3A_1336, %mul3A_1335 : i32
        %dma_start3A_1338 = tpu.memref_slice %arg14[%add3A_1337] : memref<32768xf32, #tpu.memory_space<vmem>> -> memref<128xf32, #tpu.memory_space<vmem>>
        %dma_start3A_1339 = tpu.memref_slice %arg10[%mul3A_928] : memref<1024xi32, #tpu.memory_space<vmem>> -> memref<128xi32, #tpu.memory_space<vmem>>
        %dma_start3A_1340 = tpu.memref_slice %arg3[%mul3A_1333] : memref<16777216xf32, #tpu.memory_space<hbm>> -> memref<16384xf32, #tpu.memory_space<hbm>>
        %dma_start3A_1341 = arith.constant 0 : i32
        %dma_start3A_1342 = tpu.memref_slice %dma_start3A_1340[%dma_start3A_1341] : memref<16384xf32, #tpu.memory_space<hbm>> -> memref<16384xf32, #tpu.memory_space<hbm>>
        tpu.enqueue_indirect_dma source(%dma_start3A_1342 : memref<16384xf32, #tpu.memory_space<hbm>>) target(%dma_start3A_1338 : memref<128xf32, #tpu.memory_space<vmem>>) offsets(%dma_start3A_1339 : memref<128xi32, #tpu.memory_space<vmem>>) semaphore(%arg18 : memref<!tpu.dma_semaphore, #tpu.memory_space<semaphore_mem>>)
        %mul3A_1343 = arith.constant 64 : i32
        %mul3A_1344 = arith.muli %add3A, %mul3A_1343 : i32
        %mul3A_1345 = arith.constant 32 : i32
        %mul3A_1346 = arith.muli %select_n3A_30, %mul3A_1345 : i32
        %add3A_1347 = arith.addi %mul3A_1344, %mul3A_1346 : i32
        %add3A_1348 = arith.constant 23 : i32
        %add3A_1349 = arith.addi %add3A_1347, %add3A_1348 : i32
        %mul3A_1350 = arith.constant 16384 : i32
        %mul3A_1351 = arith.muli %add3A_1349, %mul3A_1350 : i32
        %mul3A_1352 = arith.constant 128 : i32
        %mul3A_1353 = arith.muli %sub3A_926, %mul3A_1352 : i32
        %add3A_1354 = arith.constant 23552 : i32
        %add3A_1355 = arith.addi %add3A_1354, %mul3A_1353 : i32
        %dma_start3A_1356 = tpu.memref_slice %arg14[%add3A_1355] : memref<32768xf32, #tpu.memory_space<vmem>> -> memref<128xf32, #tpu.memory_space<vmem>>
        %dma_start3A_1357 = tpu.memref_slice %arg10[%mul3A_928] : memref<1024xi32, #tpu.memory_space<vmem>> -> memref<128xi32, #tpu.memory_space<vmem>>
        %dma_start3A_1358 = tpu.memref_slice %arg3[%mul3A_1351] : memref<16777216xf32, #tpu.memory_space<hbm>> -> memref<16384xf32, #tpu.memory_space<hbm>>
        %dma_start3A_1359 = arith.constant 0 : i32
        %dma_start3A_1360 = tpu.memref_slice %dma_start3A_1358[%dma_start3A_1359] : memref<16384xf32, #tpu.memory_space<hbm>> -> memref<16384xf32, #tpu.memory_space<hbm>>
        tpu.enqueue_indirect_dma source(%dma_start3A_1360 : memref<16384xf32, #tpu.memory_space<hbm>>) target(%dma_start3A_1356 : memref<128xf32, #tpu.memory_space<vmem>>) offsets(%dma_start3A_1357 : memref<128xi32, #tpu.memory_space<vmem>>) semaphore(%arg18 : memref<!tpu.dma_semaphore, #tpu.memory_space<semaphore_mem>>)
        %mul3A_1361 = arith.constant 64 : i32
        %mul3A_1362 = arith.muli %add3A, %mul3A_1361 : i32
        %mul3A_1363 = arith.constant 32 : i32
        %mul3A_1364 = arith.muli %select_n3A_30, %mul3A_1363 : i32
        %add3A_1365 = arith.addi %mul3A_1362, %mul3A_1364 : i32
        %add3A_1366 = arith.constant 24 : i32
        %add3A_1367 = arith.addi %add3A_1365, %add3A_1366 : i32
        %mul3A_1368 = arith.constant 16384 : i32
        %mul3A_1369 = arith.muli %add3A_1367, %mul3A_1368 : i32
        %mul3A_1370 = arith.constant 128 : i32
        %mul3A_1371 = arith.muli %sub3A_926, %mul3A_1370 : i32
        %add3A_1372 = arith.constant 24576 : i32
        %add3A_1373 = arith.addi %add3A_1372, %mul3A_1371 : i32
        %dma_start3A_1374 = tpu.memref_slice %arg14[%add3A_1373] : memref<32768xf32, #tpu.memory_space<vmem>> -> memref<128xf32, #tpu.memory_space<vmem>>
        %dma_start3A_1375 = tpu.memref_slice %arg10[%mul3A_928] : memref<1024xi32, #tpu.memory_space<vmem>> -> memref<128xi32, #tpu.memory_space<vmem>>
        %dma_start3A_1376 = tpu.memref_slice %arg3[%mul3A_1369] : memref<16777216xf32, #tpu.memory_space<hbm>> -> memref<16384xf32, #tpu.memory_space<hbm>>
        %dma_start3A_1377 = arith.constant 0 : i32
        %dma_start3A_1378 = tpu.memref_slice %dma_start3A_1376[%dma_start3A_1377] : memref<16384xf32, #tpu.memory_space<hbm>> -> memref<16384xf32, #tpu.memory_space<hbm>>
        tpu.enqueue_indirect_dma source(%dma_start3A_1378 : memref<16384xf32, #tpu.memory_space<hbm>>) target(%dma_start3A_1374 : memref<128xf32, #tpu.memory_space<vmem>>) offsets(%dma_start3A_1375 : memref<128xi32, #tpu.memory_space<vmem>>) semaphore(%arg18 : memref<!tpu.dma_semaphore, #tpu.memory_space<semaphore_mem>>)
        %mul3A_1379 = arith.constant 64 : i32
        %mul3A_1380 = arith.muli %add3A, %mul3A_1379 : i32
        %mul3A_1381 = arith.constant 32 : i32
        %mul3A_1382 = arith.muli %select_n3A_30, %mul3A_1381 : i32
        %add3A_1383 = arith.addi %mul3A_1380, %mul3A_1382 : i32
        %add3A_1384 = arith.constant 25 : i32
        %add3A_1385 = arith.addi %add3A_1383, %add3A_1384 : i32
        %mul3A_1386 = arith.constant 16384 : i32
        %mul3A_1387 = arith.muli %add3A_1385, %mul3A_1386 : i32
        %mul3A_1388 = arith.constant 128 : i32
        %mul3A_1389 = arith.muli %sub3A_926, %mul3A_1388 : i32
        %add3A_1390 = arith.constant 25600 : i32
        %add3A_1391 = arith.addi %add3A_1390, %mul3A_1389 : i32
        %dma_start3A_1392 = tpu.memref_slice %arg14[%add3A_1391] : memref<32768xf32, #tpu.memory_space<vmem>> -> memref<128xf32, #tpu.memory_space<vmem>>
        %dma_start3A_1393 = tpu.memref_slice %arg10[%mul3A_928] : memref<1024xi32, #tpu.memory_space<vmem>> -> memref<128xi32, #tpu.memory_space<vmem>>
        %dma_start3A_1394 = tpu.memref_slice %arg3[%mul3A_1387] : memref<16777216xf32, #tpu.memory_space<hbm>> -> memref<16384xf32, #tpu.memory_space<hbm>>
        %dma_start3A_1395 = arith.constant 0 : i32
        %dma_start3A_1396 = tpu.memref_slice %dma_start3A_1394[%dma_start3A_1395] : memref<16384xf32, #tpu.memory_space<hbm>> -> memref<16384xf32, #tpu.memory_space<hbm>>
        tpu.enqueue_indirect_dma source(%dma_start3A_1396 : memref<16384xf32, #tpu.memory_space<hbm>>) target(%dma_start3A_1392 : memref<128xf32, #tpu.memory_space<vmem>>) offsets(%dma_start3A_1393 : memref<128xi32, #tpu.memory_space<vmem>>) semaphore(%arg18 : memref<!tpu.dma_semaphore, #tpu.memory_space<semaphore_mem>>)
        %mul3A_1397 = arith.constant 64 : i32
        %mul3A_1398 = arith.muli %add3A, %mul3A_1397 : i32
        %mul3A_1399 = arith.constant 32 : i32
        %mul3A_1400 = arith.muli %select_n3A_30, %mul3A_1399 : i32
        %add3A_1401 = arith.addi %mul3A_1398, %mul3A_1400 : i32
        %add3A_1402 = arith.constant 26 : i32
        %add3A_1403 = arith.addi %add3A_1401, %add3A_1402 : i32
        %mul3A_1404 = arith.constant 16384 : i32
        %mul3A_1405 = arith.muli %add3A_1403, %mul3A_1404 : i32
        %mul3A_1406 = arith.constant 128 : i32
        %mul3A_1407 = arith.muli %sub3A_926, %mul3A_1406 : i32
        %add3A_1408 = arith.constant 26624 : i32
        %add3A_1409 = arith.addi %add3A_1408, %mul3A_1407 : i32
        %dma_start3A_1410 = tpu.memref_slice %arg14[%add3A_1409] : memref<32768xf32, #tpu.memory_space<vmem>> -> memref<128xf32, #tpu.memory_space<vmem>>
        %dma_start3A_1411 = tpu.memref_slice %arg10[%mul3A_928] : memref<1024xi32, #tpu.memory_space<vmem>> -> memref<128xi32, #tpu.memory_space<vmem>>
        %dma_start3A_1412 = tpu.memref_slice %arg3[%mul3A_1405] : memref<16777216xf32, #tpu.memory_space<hbm>> -> memref<16384xf32, #tpu.memory_space<hbm>>
        %dma_start3A_1413 = arith.constant 0 : i32
        %dma_start3A_1414 = tpu.memref_slice %dma_start3A_1412[%dma_start3A_1413] : memref<16384xf32, #tpu.memory_space<hbm>> -> memref<16384xf32, #tpu.memory_space<hbm>>
        tpu.enqueue_indirect_dma source(%dma_start3A_1414 : memref<16384xf32, #tpu.memory_space<hbm>>) target(%dma_start3A_1410 : memref<128xf32, #tpu.memory_space<vmem>>) offsets(%dma_start3A_1411 : memref<128xi32, #tpu.memory_space<vmem>>) semaphore(%arg18 : memref<!tpu.dma_semaphore, #tpu.memory_space<semaphore_mem>>)
        %mul3A_1415 = arith.constant 64 : i32
        %mul3A_1416 = arith.muli %add3A, %mul3A_1415 : i32
        %mul3A_1417 = arith.constant 32 : i32
        %mul3A_1418 = arith.muli %select_n3A_30, %mul3A_1417 : i32
        %add3A_1419 = arith.addi %mul3A_1416, %mul3A_1418 : i32
        %add3A_1420 = arith.constant 27 : i32
        %add3A_1421 = arith.addi %add3A_1419, %add3A_1420 : i32
        %mul3A_1422 = arith.constant 16384 : i32
        %mul3A_1423 = arith.muli %add3A_1421, %mul3A_1422 : i32
        %mul3A_1424 = arith.constant 128 : i32
        %mul3A_1425 = arith.muli %sub3A_926, %mul3A_1424 : i32
        %add3A_1426 = arith.constant 27648 : i32
        %add3A_1427 = arith.addi %add3A_1426, %mul3A_1425 : i32
        %dma_start3A_1428 = tpu.memref_slice %arg14[%add3A_1427] : memref<32768xf32, #tpu.memory_space<vmem>> -> memref<128xf32, #tpu.memory_space<vmem>>
        %dma_start3A_1429 = tpu.memref_slice %arg10[%mul3A_928] : memref<1024xi32, #tpu.memory_space<vmem>> -> memref<128xi32, #tpu.memory_space<vmem>>
        %dma_start3A_1430 = tpu.memref_slice %arg3[%mul3A_1423] : memref<16777216xf32, #tpu.memory_space<hbm>> -> memref<16384xf32, #tpu.memory_space<hbm>>
        %dma_start3A_1431 = arith.constant 0 : i32
        %dma_start3A_1432 = tpu.memref_slice %dma_start3A_1430[%dma_start3A_1431] : memref<16384xf32, #tpu.memory_space<hbm>> -> memref<16384xf32, #tpu.memory_space<hbm>>
        tpu.enqueue_indirect_dma source(%dma_start3A_1432 : memref<16384xf32, #tpu.memory_space<hbm>>) target(%dma_start3A_1428 : memref<128xf32, #tpu.memory_space<vmem>>) offsets(%dma_start3A_1429 : memref<128xi32, #tpu.memory_space<vmem>>) semaphore(%arg18 : memref<!tpu.dma_semaphore, #tpu.memory_space<semaphore_mem>>)
        %mul3A_1433 = arith.constant 64 : i32
        %mul3A_1434 = arith.muli %add3A, %mul3A_1433 : i32
        %mul3A_1435 = arith.constant 32 : i32
        %mul3A_1436 = arith.muli %select_n3A_30, %mul3A_1435 : i32
        %add3A_1437 = arith.addi %mul3A_1434, %mul3A_1436 : i32
        %add3A_1438 = arith.constant 28 : i32
        %add3A_1439 = arith.addi %add3A_1437, %add3A_1438 : i32
        %mul3A_1440 = arith.constant 16384 : i32
        %mul3A_1441 = arith.muli %add3A_1439, %mul3A_1440 : i32
        %mul3A_1442 = arith.constant 128 : i32
        %mul3A_1443 = arith.muli %sub3A_926, %mul3A_1442 : i32
        %add3A_1444 = arith.constant 28672 : i32
        %add3A_1445 = arith.addi %add3A_1444, %mul3A_1443 : i32
        %dma_start3A_1446 = tpu.memref_slice %arg14[%add3A_1445] : memref<32768xf32, #tpu.memory_space<vmem>> -> memref<128xf32, #tpu.memory_space<vmem>>
        %dma_start3A_1447 = tpu.memref_slice %arg10[%mul3A_928] : memref<1024xi32, #tpu.memory_space<vmem>> -> memref<128xi32, #tpu.memory_space<vmem>>
        %dma_start3A_1448 = tpu.memref_slice %arg3[%mul3A_1441] : memref<16777216xf32, #tpu.memory_space<hbm>> -> memref<16384xf32, #tpu.memory_space<hbm>>
        %dma_start3A_1449 = arith.constant 0 : i32
        %dma_start3A_1450 = tpu.memref_slice %dma_start3A_1448[%dma_start3A_1449] : memref<16384xf32, #tpu.memory_space<hbm>> -> memref<16384xf32, #tpu.memory_space<hbm>>
        tpu.enqueue_indirect_dma source(%dma_start3A_1450 : memref<16384xf32, #tpu.memory_space<hbm>>) target(%dma_start3A_1446 : memref<128xf32, #tpu.memory_space<vmem>>) offsets(%dma_start3A_1447 : memref<128xi32, #tpu.memory_space<vmem>>) semaphore(%arg18 : memref<!tpu.dma_semaphore, #tpu.memory_space<semaphore_mem>>)
        %mul3A_1451 = arith.constant 64 : i32
        %mul3A_1452 = arith.muli %add3A, %mul3A_1451 : i32
        %mul3A_1453 = arith.constant 32 : i32
        %mul3A_1454 = arith.muli %select_n3A_30, %mul3A_1453 : i32
        %add3A_1455 = arith.addi %mul3A_1452, %mul3A_1454 : i32
        %add3A_1456 = arith.constant 29 : i32
        %add3A_1457 = arith.addi %add3A_1455, %add3A_1456 : i32
        %mul3A_1458 = arith.constant 16384 : i32
        %mul3A_1459 = arith.muli %add3A_1457, %mul3A_1458 : i32
        %mul3A_1460 = arith.constant 128 : i32
        %mul3A_1461 = arith.muli %sub3A_926, %mul3A_1460 : i32
        %add3A_1462 = arith.constant 29696 : i32
        %add3A_1463 = arith.addi %add3A_1462, %mul3A_1461 : i32
        %dma_start3A_1464 = tpu.memref_slice %arg14[%add3A_1463] : memref<32768xf32, #tpu.memory_space<vmem>> -> memref<128xf32, #tpu.memory_space<vmem>>
        %dma_start3A_1465 = tpu.memref_slice %arg10[%mul3A_928] : memref<1024xi32, #tpu.memory_space<vmem>> -> memref<128xi32, #tpu.memory_space<vmem>>
        %dma_start3A_1466 = tpu.memref_slice %arg3[%mul3A_1459] : memref<16777216xf32, #tpu.memory_space<hbm>> -> memref<16384xf32, #tpu.memory_space<hbm>>
        %dma_start3A_1467 = arith.constant 0 : i32
        %dma_start3A_1468 = tpu.memref_slice %dma_start3A_1466[%dma_start3A_1467] : memref<16384xf32, #tpu.memory_space<hbm>> -> memref<16384xf32, #tpu.memory_space<hbm>>
        tpu.enqueue_indirect_dma source(%dma_start3A_1468 : memref<16384xf32, #tpu.memory_space<hbm>>) target(%dma_start3A_1464 : memref<128xf32, #tpu.memory_space<vmem>>) offsets(%dma_start3A_1465 : memref<128xi32, #tpu.memory_space<vmem>>) semaphore(%arg18 : memref<!tpu.dma_semaphore, #tpu.memory_space<semaphore_mem>>)
        %mul3A_1469 = arith.constant 64 : i32
        %mul3A_1470 = arith.muli %add3A, %mul3A_1469 : i32
        %mul3A_1471 = arith.constant 32 : i32
        %mul3A_1472 = arith.muli %select_n3A_30, %mul3A_1471 : i32
        %add3A_1473 = arith.addi %mul3A_1470, %mul3A_1472 : i32
        %add3A_1474 = arith.constant 30 : i32
        %add3A_1475 = arith.addi %add3A_1473, %add3A_1474 : i32
        %mul3A_1476 = arith.constant 16384 : i32
        %mul3A_1477 = arith.muli %add3A_1475, %mul3A_1476 : i32
        %mul3A_1478 = arith.constant 128 : i32
        %mul3A_1479 = arith.muli %sub3A_926, %mul3A_1478 : i32
        %add3A_1480 = arith.constant 30720 : i32
        %add3A_1481 = arith.addi %add3A_1480, %mul3A_1479 : i32
        %dma_start3A_1482 = tpu.memref_slice %arg14[%add3A_1481] : memref<32768xf32, #tpu.memory_space<vmem>> -> memref<128xf32, #tpu.memory_space<vmem>>
        %dma_start3A_1483 = tpu.memref_slice %arg10[%mul3A_928] : memref<1024xi32, #tpu.memory_space<vmem>> -> memref<128xi32, #tpu.memory_space<vmem>>
        %dma_start3A_1484 = tpu.memref_slice %arg3[%mul3A_1477] : memref<16777216xf32, #tpu.memory_space<hbm>> -> memref<16384xf32, #tpu.memory_space<hbm>>
        %dma_start3A_1485 = arith.constant 0 : i32
        %dma_start3A_1486 = tpu.memref_slice %dma_start3A_1484[%dma_start3A_1485] : memref<16384xf32, #tpu.memory_space<hbm>> -> memref<16384xf32, #tpu.memory_space<hbm>>
        tpu.enqueue_indirect_dma source(%dma_start3A_1486 : memref<16384xf32, #tpu.memory_space<hbm>>) target(%dma_start3A_1482 : memref<128xf32, #tpu.memory_space<vmem>>) offsets(%dma_start3A_1483 : memref<128xi32, #tpu.memory_space<vmem>>) semaphore(%arg18 : memref<!tpu.dma_semaphore, #tpu.memory_space<semaphore_mem>>)
        %mul3A_1487 = arith.constant 64 : i32
        %mul3A_1488 = arith.muli %add3A, %mul3A_1487 : i32
        %mul3A_1489 = arith.constant 32 : i32
        %mul3A_1490 = arith.muli %select_n3A_30, %mul3A_1489 : i32
        %add3A_1491 = arith.addi %mul3A_1488, %mul3A_1490 : i32
        %add3A_1492 = arith.constant 31 : i32
        %add3A_1493 = arith.addi %add3A_1491, %add3A_1492 : i32
        %mul3A_1494 = arith.constant 16384 : i32
        %mul3A_1495 = arith.muli %add3A_1493, %mul3A_1494 : i32
        %mul3A_1496 = arith.constant 128 : i32
        %mul3A_1497 = arith.muli %sub3A_926, %mul3A_1496 : i32
        %add3A_1498 = arith.constant 31744 : i32
        %add3A_1499 = arith.addi %add3A_1498, %mul3A_1497 : i32
        %dma_start3A_1500 = tpu.memref_slice %arg14[%add3A_1499] : memref<32768xf32, #tpu.memory_space<vmem>> -> memref<128xf32, #tpu.memory_space<vmem>>
        %dma_start3A_1501 = tpu.memref_slice %arg10[%mul3A_928] : memref<1024xi32, #tpu.memory_space<vmem>> -> memref<128xi32, #tpu.memory_space<vmem>>
        %dma_start3A_1502 = tpu.memref_slice %arg3[%mul3A_1495] : memref<16777216xf32, #tpu.memory_space<hbm>> -> memref<16384xf32, #tpu.memory_space<hbm>>
        %dma_start3A_1503 = arith.constant 0 : i32
        %dma_start3A_1504 = tpu.memref_slice %dma_start3A_1502[%dma_start3A_1503] : memref<16384xf32, #tpu.memory_space<hbm>> -> memref<16384xf32, #tpu.memory_space<hbm>>
        tpu.enqueue_indirect_dma source(%dma_start3A_1504 : memref<16384xf32, #tpu.memory_space<hbm>>) target(%dma_start3A_1500 : memref<128xf32, #tpu.memory_space<vmem>>) offsets(%dma_start3A_1501 : memref<128xi32, #tpu.memory_space<vmem>>) semaphore(%arg18 : memref<!tpu.dma_semaphore, #tpu.memory_space<semaphore_mem>>)
      } else {
      }
      scf.yield %while3A_922 : vector<16xi32>
    }
    %scan3A_69 = arith.constant 8 : i32
    %scan3A_70 = arith.constant 0 : i32
    %scan3A_71 = arith.constant 0 : i32
    %scan3A_72 = arith.constant 32 : i32
    %scan3A_73 = arith.addi %scan3A_71, %scan3A_72 : i32
    %scan3A_74 = arith.constant 1 : i32
    %scan3A_75 = scf.for %scan3A_906 = %scan3A_71 to %scan3A_73 step %scan3A_74 iter_args(%scan3A_907 = %scan3A_70) -> (i32)  : i32 {
      %mul3A_908 = arith.constant 16 : i32
      %mul3A_909 = arith.muli %scan3A_906, %mul3A_908 : i32
      %mul3A_910 = arith.constant 512 : i32
      %mul3A_911 = arith.muli %select_n3A_30, %mul3A_910 : i32
      %add3A_912 = arith.addi %mul3A_911, %mul3A_909 : i32
      %get3A = arith.index_cast %add3A_912 : i32 to index
      %get3A_913 = tpu.vector_load %arg10[%get3A] {strides = array<i32>} : memref<1024xi32, #tpu.memory_space<vmem>>, vector<16xi32>,
      %gather3A = tpu.vector_load_idx %arg6[%get3A_913] : memref<16384xf32, #tpu.memory_space<vmem>>[vector<16xi32>], vector<16xf32>,
      %swap3A = arith.index_cast %mul3A_909 : i32 to index
      %swap3A_914 = tpu.vector_load %arg11[%swap3A] {strides = array<i32>} : memref<512xf32, #tpu.memory_space<vmem>>, vector<16xf32>,
      tpu.vector_store %arg11[%swap3A], %gather3A {strides = array<i32>} : memref<512xf32, #tpu.memory_space<vmem>>, vector<16xf32>,
      %gather3A_915 = tpu.vector_load_idx %arg7[%get3A_913] : memref<16384xf32, #tpu.memory_space<vmem>>[vector<16xi32>], vector<16xf32>,
      %swap3A_916 = arith.index_cast %mul3A_909 : i32 to index
      %swap3A_917 = tpu.vector_load %arg12[%swap3A_916] {strides = array<i32>} : memref<512xf32, #tpu.memory_space<vmem>>, vector<16xf32>,
      tpu.vector_store %arg12[%swap3A_916], %gather3A_915 {strides = array<i32>} : memref<512xf32, #tpu.memory_space<vmem>>, vector<16xf32>,
      %gather3A_918 = tpu.vector_load_idx %arg8[%get3A_913] : memref<16384xf32, #tpu.memory_space<vmem>>[vector<16xi32>], vector<16xf32>,
      %swap3A_919 = arith.index_cast %mul3A_909 : i32 to index
      %swap3A_920 = tpu.vector_load %arg13[%swap3A_919] {strides = array<i32>} : memref<512xf32, #tpu.memory_space<vmem>>, vector<16xf32>,
      tpu.vector_store %arg13[%swap3A_919], %gather3A_918 {strides = array<i32>} : memref<512xf32, #tpu.memory_space<vmem>>, vector<16xf32>,
      %scan3A_921 = arith.constant 0 : i32
      scf.yield %scan3A_921 : i32
    }
    %scan3A_76 = arith.constant 32 : i32
    %mul3A_77 = arith.constant 3 : i32
    %mul3A_78 = arith.muli %add3A, %mul3A_77 : i32
    %add3A_79 = arith.constant 0 : i32
    %add3A_80 = arith.addi %mul3A_78, %add3A_79 : i32
    %mul3A_81 = arith.constant 1024 : i32
    %mul3A_82 = arith.muli %add3A_80, %mul3A_81 : i32
    %mul3A_83 = arith.constant 512 : i32
    %mul3A_84 = arith.muli %select_n3A_30, %mul3A_83 : i32
    %add3A_85 = arith.addi %mul3A_82, %mul3A_84 : i32
    "tpu.region"() ({
      %run_scoped3A = tpu.sem_alloc : memref<!tpu.dma_semaphore, #tpu.memory_space<semaphore_mem>>
      %dma_start3A_906 = tpu.memref_slice %arg4[%add3A_85] : memref<49152xf32, #tpu.memory_space<hbm>> -> memref<512xf32, #tpu.memory_space<hbm>>
      %dma_start3A_907 = tpu.memref_slice %arg4[%add3A_85] : memref<49152xf32, #tpu.memory_space<hbm>> -> memref<512xf32, #tpu.memory_space<hbm>>
      tpu.enqueue_dma source(%arg11 : memref<512xf32, #tpu.memory_space<vmem>>) target(%dma_start3A_907 : memref<512xf32, #tpu.memory_space<hbm>>) target_semaphore(%run_scoped3A : memref<!tpu.dma_semaphore, #tpu.memory_space<semaphore_mem>>)
      %dma_wait3A_908 = tpu.memref_slice %arg4[%add3A_85] : memref<49152xf32, #tpu.memory_space<hbm>> -> memref<512xf32, #tpu.memory_space<hbm>>
      %dma_wait3A_909 = tpu.memref_slice %arg4[%add3A_85] : memref<49152xf32, #tpu.memory_space<hbm>> -> memref<512xf32, #tpu.memory_space<hbm>>
      tpu.wait_dma2 semaphore(%run_scoped3A : memref<!tpu.dma_semaphore, #tpu.memory_space<semaphore_mem>>) src(%arg11 : memref<512xf32, #tpu.memory_space<vmem>>) dst(%dma_wait3A_909 : memref<512xf32, #tpu.memory_space<hbm>>)
      tpu.yield
    }) : () -> ()
    %mul3A_86 = arith.constant 3 : i32
    %mul3A_87 = arith.muli %add3A, %mul3A_86 : i32
    %add3A_88 = arith.constant 1 : i32
    %add3A_89 = arith.addi %mul3A_87, %add3A_88 : i32
    %mul3A_90 = arith.constant 1024 : i32
    %mul3A_91 = arith.muli %add3A_89, %mul3A_90 : i32
    %mul3A_92 = arith.constant 512 : i32
    %mul3A_93 = arith.muli %select_n3A_30, %mul3A_92 : i32
    %add3A_94 = arith.addi %mul3A_91, %mul3A_93 : i32
    "tpu.region"() ({
      %run_scoped3A = tpu.sem_alloc : memref<!tpu.dma_semaphore, #tpu.memory_space<semaphore_mem>>
      %dma_start3A_906 = tpu.memref_slice %arg4[%add3A_94] : memref<49152xf32, #tpu.memory_space<hbm>> -> memref<512xf32, #tpu.memory_space<hbm>>
      %dma_start3A_907 = tpu.memref_slice %arg4[%add3A_94] : memref<49152xf32, #tpu.memory_space<hbm>> -> memref<512xf32, #tpu.memory_space<hbm>>
      tpu.enqueue_dma source(%arg12 : memref<512xf32, #tpu.memory_space<vmem>>) target(%dma_start3A_907 : memref<512xf32, #tpu.memory_space<hbm>>) target_semaphore(%run_scoped3A : memref<!tpu.dma_semaphore, #tpu.memory_space<semaphore_mem>>)
      %dma_wait3A_908 = tpu.memref_slice %arg4[%add3A_94] : memref<49152xf32, #tpu.memory_space<hbm>> -> memref<512xf32, #tpu.memory_space<hbm>>
      %dma_wait3A_909 = tpu.memref_slice %arg4[%add3A_94] : memref<49152xf32, #tpu.memory_space<hbm>> -> memref<512xf32, #tpu.memory_space<hbm>>
      tpu.wait_dma2 semaphore(%run_scoped3A : memref<!tpu.dma_semaphore, #tpu.memory_space<semaphore_mem>>) src(%arg12 : memref<512xf32, #tpu.memory_space<vmem>>) dst(%dma_wait3A_909 : memref<512xf32, #tpu.memory_space<hbm>>)
      tpu.yield
    }) : () -> ()
    %mul3A_95 = arith.constant 3 : i32
    %mul3A_96 = arith.muli %add3A, %mul3A_95 : i32
    %add3A_97 = arith.constant 2 : i32
    %add3A_98 = arith.addi %mul3A_96, %add3A_97 : i32
    %mul3A_99 = arith.constant 1024 : i32
    %mul3A_100 = arith.muli %add3A_98, %mul3A_99 : i32
    %mul3A_101 = arith.constant 512 : i32
    %mul3A_102 = arith.muli %select_n3A_30, %mul3A_101 : i32
    %add3A_103 = arith.addi %mul3A_100, %mul3A_102 : i32
    "tpu.region"() ({
      %run_scoped3A = tpu.sem_alloc : memref<!tpu.dma_semaphore, #tpu.memory_space<semaphore_mem>>
      %dma_start3A_906 = tpu.memref_slice %arg4[%add3A_103] : memref<49152xf32, #tpu.memory_space<hbm>> -> memref<512xf32, #tpu.memory_space<hbm>>
      %dma_start3A_907 = tpu.memref_slice %arg4[%add3A_103] : memref<49152xf32, #tpu.memory_space<hbm>> -> memref<512xf32, #tpu.memory_space<hbm>>
      tpu.enqueue_dma source(%arg13 : memref<512xf32, #tpu.memory_space<vmem>>) target(%dma_start3A_907 : memref<512xf32, #tpu.memory_space<hbm>>) target_semaphore(%run_scoped3A : memref<!tpu.dma_semaphore, #tpu.memory_space<semaphore_mem>>)
      %dma_wait3A_908 = tpu.memref_slice %arg4[%add3A_103] : memref<49152xf32, #tpu.memory_space<hbm>> -> memref<512xf32, #tpu.memory_space<hbm>>
      %dma_wait3A_909 = tpu.memref_slice %arg4[%add3A_103] : memref<49152xf32, #tpu.memory_space<hbm>> -> memref<512xf32, #tpu.memory_space<hbm>>
      tpu.wait_dma2 semaphore(%run_scoped3A : memref<!tpu.dma_semaphore, #tpu.memory_space<semaphore_mem>>) src(%arg13 : memref<512xf32, #tpu.memory_space<vmem>>) dst(%dma_wait3A_909 : memref<512xf32, #tpu.memory_space<hbm>>)
      tpu.yield
    }) : () -> ()
    %mul3A_104 = arith.constant 64 : i32
    %mul3A_105 = arith.muli %add3A, %mul3A_104 : i32
    %mul3A_106 = arith.constant 32 : i32
    %mul3A_107 = arith.muli %select_n3A_30, %mul3A_106 : i32
    %add3A_108 = arith.addi %mul3A_105, %mul3A_107 : i32
    %add3A_109 = arith.constant 0 : i32
    %add3A_110 = arith.addi %add3A_108, %add3A_109 : i32
    %mul3A_111 = arith.constant 16384 : i32
    %mul3A_112 = arith.muli %add3A_110, %mul3A_111 : i32
    %dma_start3A = arith.constant 896 : i32
    %dma_start3A_113 = tpu.memref_slice %arg14[%dma_start3A] : memref<32768xf32, #tpu.memory_space<vmem>> -> memref<128xf32, #tpu.memory_space<vmem>>
    %dma_start3A_114 = arith.constant 896 : i32
    %dma_start3A_115 = tpu.memref_slice %arg10[%dma_start3A_114] : memref<1024xi32, #tpu.memory_space<vmem>> -> memref<128xi32, #tpu.memory_space<vmem>>
    %dma_start3A_116 = tpu.memref_slice %arg3[%mul3A_112] : memref<16777216xf32, #tpu.memory_space<hbm>> -> memref<16384xf32, #tpu.memory_space<hbm>>
    %dma_start3A_117 = arith.constant 0 : i32
    %dma_start3A_118 = tpu.memref_slice %dma_start3A_116[%dma_start3A_117] : memref<16384xf32, #tpu.memory_space<hbm>> -> memref<16384xf32, #tpu.memory_space<hbm>>
    tpu.enqueue_indirect_dma source(%dma_start3A_118 : memref<16384xf32, #tpu.memory_space<hbm>>) target(%dma_start3A_113 : memref<128xf32, #tpu.memory_space<vmem>>) offsets(%dma_start3A_115 : memref<128xi32, #tpu.memory_space<vmem>>) semaphore(%arg18 : memref<!tpu.dma_semaphore, #tpu.memory_space<semaphore_mem>>)
    %mul3A_119 = arith.constant 64 : i32
    %mul3A_120 = arith.muli %add3A, %mul3A_119 : i32
    %mul3A_121 = arith.constant 32 : i32
    %mul3A_122 = arith.muli %select_n3A_30, %mul3A_121 : i32
    %add3A_123 = arith.addi %mul3A_120, %mul3A_122 : i32
    %add3A_124 = arith.constant 1 : i32
    %add3A_125 = arith.addi %add3A_123, %add3A_124 : i32
    %mul3A_126 = arith.constant 16384 : i32
    %mul3A_127 = arith.muli %add3A_125, %mul3A_126 : i32
    %dma_start3A_128 = arith.constant 1920 : i32
    %dma_start3A_129 = tpu.memref_slice %arg14[%dma_start3A_128] : memref<32768xf32, #tpu.memory_space<vmem>> -> memref<128xf32, #tpu.memory_space<vmem>>
    %dma_start3A_130 = arith.constant 896 : i32
    %dma_start3A_131 = tpu.memref_slice %arg10[%dma_start3A_130] : memref<1024xi32, #tpu.memory_space<vmem>> -> memref<128xi32, #tpu.memory_space<vmem>>
    %dma_start3A_132 = tpu.memref_slice %arg3[%mul3A_127] : memref<16777216xf32, #tpu.memory_space<hbm>> -> memref<16384xf32, #tpu.memory_space<hbm>>
    %dma_start3A_133 = arith.constant 0 : i32
    %dma_start3A_134 = tpu.memref_slice %dma_start3A_132[%dma_start3A_133] : memref<16384xf32, #tpu.memory_space<hbm>> -> memref<16384xf32, #tpu.memory_space<hbm>>
    tpu.enqueue_indirect_dma source(%dma_start3A_134 : memref<16384xf32, #tpu.memory_space<hbm>>) target(%dma_start3A_129 : memref<128xf32, #tpu.memory_space<vmem>>) offsets(%dma_start3A_131 : memref<128xi32, #tpu.memory_space<vmem>>) semaphore(%arg18 : memref<!tpu.dma_semaphore, #tpu.memory_space<semaphore_mem>>)
    %mul3A_135 = arith.constant 64 : i32
    %mul3A_136 = arith.muli %add3A, %mul3A_135 : i32
    %mul3A_137 = arith.constant 32 : i32
    %mul3A_138 = arith.muli %select_n3A_30, %mul3A_137 : i32
    %add3A_139 = arith.addi %mul3A_136, %mul3A_138 : i32
    %add3A_140 = arith.constant 2 : i32
    %add3A_141 = arith.addi %add3A_139, %add3A_140 : i32
    %mul3A_142 = arith.constant 16384 : i32
    %mul3A_143 = arith.muli %add3A_141, %mul3A_142 : i32
    %dma_start3A_144 = arith.constant 2944 : i32
    %dma_start3A_145 = tpu.memref_slice %arg14[%dma_start3A_144] : memref<32768xf32, #tpu.memory_space<vmem>> -> memref<128xf32, #tpu.memory_space<vmem>>
    %dma_start3A_146 = arith.constant 896 : i32
    %dma_start3A_147 = tpu.memref_slice %arg10[%dma_start3A_146] : memref<1024xi32, #tpu.memory_space<vmem>> -> memref<128xi32, #tpu.memory_space<vmem>>
    %dma_start3A_148 = tpu.memref_slice %arg3[%mul3A_143] : memref<16777216xf32, #tpu.memory_space<hbm>> -> memref<16384xf32, #tpu.memory_space<hbm>>
    %dma_start3A_149 = arith.constant 0 : i32
    %dma_start3A_150 = tpu.memref_slice %dma_start3A_148[%dma_start3A_149] : memref<16384xf32, #tpu.memory_space<hbm>> -> memref<16384xf32, #tpu.memory_space<hbm>>
    tpu.enqueue_indirect_dma source(%dma_start3A_150 : memref<16384xf32, #tpu.memory_space<hbm>>) target(%dma_start3A_145 : memref<128xf32, #tpu.memory_space<vmem>>) offsets(%dma_start3A_147 : memref<128xi32, #tpu.memory_space<vmem>>) semaphore(%arg18 : memref<!tpu.dma_semaphore, #tpu.memory_space<semaphore_mem>>)
    %mul3A_151 = arith.constant 64 : i32
    %mul3A_152 = arith.muli %add3A, %mul3A_151 : i32
    %mul3A_153 = arith.constant 32 : i32
    %mul3A_154 = arith.muli %select_n3A_30, %mul3A_153 : i32
    %add3A_155 = arith.addi %mul3A_152, %mul3A_154 : i32
    %add3A_156 = arith.constant 3 : i32
    %add3A_157 = arith.addi %add3A_155, %add3A_156 : i32
    %mul3A_158 = arith.constant 16384 : i32
    %mul3A_159 = arith.muli %add3A_157, %mul3A_158 : i32
    %dma_start3A_160 = arith.constant 3968 : i32
    %dma_start3A_161 = tpu.memref_slice %arg14[%dma_start3A_160] : memref<32768xf32, #tpu.memory_space<vmem>> -> memref<128xf32, #tpu.memory_space<vmem>>
    %dma_start3A_162 = arith.constant 896 : i32
    %dma_start3A_163 = tpu.memref_slice %arg10[%dma_start3A_162] : memref<1024xi32, #tpu.memory_space<vmem>> -> memref<128xi32, #tpu.memory_space<vmem>>
    %dma_start3A_164 = tpu.memref_slice %arg3[%mul3A_159] : memref<16777216xf32, #tpu.memory_space<hbm>> -> memref<16384xf32, #tpu.memory_space<hbm>>
    %dma_start3A_165 = arith.constant 0 : i32
    %dma_start3A_166 = tpu.memref_slice %dma_start3A_164[%dma_start3A_165] : memref<16384xf32, #tpu.memory_space<hbm>> -> memref<16384xf32, #tpu.memory_space<hbm>>
    tpu.enqueue_indirect_dma source(%dma_start3A_166 : memref<16384xf32, #tpu.memory_space<hbm>>) target(%dma_start3A_161 : memref<128xf32, #tpu.memory_space<vmem>>) offsets(%dma_start3A_163 : memref<128xi32, #tpu.memory_space<vmem>>) semaphore(%arg18 : memref<!tpu.dma_semaphore, #tpu.memory_space<semaphore_mem>>)
    %mul3A_167 = arith.constant 64 : i32
    %mul3A_168 = arith.muli %add3A, %mul3A_167 : i32
    %mul3A_169 = arith.constant 32 : i32
    %mul3A_170 = arith.muli %select_n3A_30, %mul3A_169 : i32
    %add3A_171 = arith.addi %mul3A_168, %mul3A_170 : i32
    %add3A_172 = arith.constant 4 : i32
    %add3A_173 = arith.addi %add3A_171, %add3A_172 : i32
    %mul3A_174 = arith.constant 16384 : i32
    %mul3A_175 = arith.muli %add3A_173, %mul3A_174 : i32
    %dma_start3A_176 = arith.constant 4992 : i32
    %dma_start3A_177 = tpu.memref_slice %arg14[%dma_start3A_176] : memref<32768xf32, #tpu.memory_space<vmem>> -> memref<128xf32, #tpu.memory_space<vmem>>
    %dma_start3A_178 = arith.constant 896 : i32
    %dma_start3A_179 = tpu.memref_slice %arg10[%dma_start3A_178] : memref<1024xi32, #tpu.memory_space<vmem>> -> memref<128xi32, #tpu.memory_space<vmem>>
    %dma_start3A_180 = tpu.memref_slice %arg3[%mul3A_175] : memref<16777216xf32, #tpu.memory_space<hbm>> -> memref<16384xf32, #tpu.memory_space<hbm>>
    %dma_start3A_181 = arith.constant 0 : i32
    %dma_start3A_182 = tpu.memref_slice %dma_start3A_180[%dma_start3A_181] : memref<16384xf32, #tpu.memory_space<hbm>> -> memref<16384xf32, #tpu.memory_space<hbm>>
    tpu.enqueue_indirect_dma source(%dma_start3A_182 : memref<16384xf32, #tpu.memory_space<hbm>>) target(%dma_start3A_177 : memref<128xf32, #tpu.memory_space<vmem>>) offsets(%dma_start3A_179 : memref<128xi32, #tpu.memory_space<vmem>>) semaphore(%arg18 : memref<!tpu.dma_semaphore, #tpu.memory_space<semaphore_mem>>)
    %mul3A_183 = arith.constant 64 : i32
    %mul3A_184 = arith.muli %add3A, %mul3A_183 : i32
    %mul3A_185 = arith.constant 32 : i32
    %mul3A_186 = arith.muli %select_n3A_30, %mul3A_185 : i32
    %add3A_187 = arith.addi %mul3A_184, %mul3A_186 : i32
    %add3A_188 = arith.constant 5 : i32
    %add3A_189 = arith.addi %add3A_187, %add3A_188 : i32
    %mul3A_190 = arith.constant 16384 : i32
    %mul3A_191 = arith.muli %add3A_189, %mul3A_190 : i32
    %dma_start3A_192 = arith.constant 6016 : i32
    %dma_start3A_193 = tpu.memref_slice %arg14[%dma_start3A_192] : memref<32768xf32, #tpu.memory_space<vmem>> -> memref<128xf32, #tpu.memory_space<vmem>>
    %dma_start3A_194 = arith.constant 896 : i32
    %dma_start3A_195 = tpu.memref_slice %arg10[%dma_start3A_194] : memref<1024xi32, #tpu.memory_space<vmem>> -> memref<128xi32, #tpu.memory_space<vmem>>
    %dma_start3A_196 = tpu.memref_slice %arg3[%mul3A_191] : memref<16777216xf32, #tpu.memory_space<hbm>> -> memref<16384xf32, #tpu.memory_space<hbm>>
    %dma_start3A_197 = arith.constant 0 : i32
    %dma_start3A_198 = tpu.memref_slice %dma_start3A_196[%dma_start3A_197] : memref<16384xf32, #tpu.memory_space<hbm>> -> memref<16384xf32, #tpu.memory_space<hbm>>
    tpu.enqueue_indirect_dma source(%dma_start3A_198 : memref<16384xf32, #tpu.memory_space<hbm>>) target(%dma_start3A_193 : memref<128xf32, #tpu.memory_space<vmem>>) offsets(%dma_start3A_195 : memref<128xi32, #tpu.memory_space<vmem>>) semaphore(%arg18 : memref<!tpu.dma_semaphore, #tpu.memory_space<semaphore_mem>>)
    %mul3A_199 = arith.constant 64 : i32
    %mul3A_200 = arith.muli %add3A, %mul3A_199 : i32
    %mul3A_201 = arith.constant 32 : i32
    %mul3A_202 = arith.muli %select_n3A_30, %mul3A_201 : i32
    %add3A_203 = arith.addi %mul3A_200, %mul3A_202 : i32
    %add3A_204 = arith.constant 6 : i32
    %add3A_205 = arith.addi %add3A_203, %add3A_204 : i32
    %mul3A_206 = arith.constant 16384 : i32
    %mul3A_207 = arith.muli %add3A_205, %mul3A_206 : i32
    %dma_start3A_208 = arith.constant 7040 : i32
    %dma_start3A_209 = tpu.memref_slice %arg14[%dma_start3A_208] : memref<32768xf32, #tpu.memory_space<vmem>> -> memref<128xf32, #tpu.memory_space<vmem>>
    %dma_start3A_210 = arith.constant 896 : i32
    %dma_start3A_211 = tpu.memref_slice %arg10[%dma_start3A_210] : memref<1024xi32, #tpu.memory_space<vmem>> -> memref<128xi32, #tpu.memory_space<vmem>>
    %dma_start3A_212 = tpu.memref_slice %arg3[%mul3A_207] : memref<16777216xf32, #tpu.memory_space<hbm>> -> memref<16384xf32, #tpu.memory_space<hbm>>
    %dma_start3A_213 = arith.constant 0 : i32
    %dma_start3A_214 = tpu.memref_slice %dma_start3A_212[%dma_start3A_213] : memref<16384xf32, #tpu.memory_space<hbm>> -> memref<16384xf32, #tpu.memory_space<hbm>>
    tpu.enqueue_indirect_dma source(%dma_start3A_214 : memref<16384xf32, #tpu.memory_space<hbm>>) target(%dma_start3A_209 : memref<128xf32, #tpu.memory_space<vmem>>) offsets(%dma_start3A_211 : memref<128xi32, #tpu.memory_space<vmem>>) semaphore(%arg18 : memref<!tpu.dma_semaphore, #tpu.memory_space<semaphore_mem>>)
    %mul3A_215 = arith.constant 64 : i32
    %mul3A_216 = arith.muli %add3A, %mul3A_215 : i32
    %mul3A_217 = arith.constant 32 : i32
    %mul3A_218 = arith.muli %select_n3A_30, %mul3A_217 : i32
    %add3A_219 = arith.addi %mul3A_216, %mul3A_218 : i32
    %add3A_220 = arith.constant 7 : i32
    %add3A_221 = arith.addi %add3A_219, %add3A_220 : i32
    %mul3A_222 = arith.constant 16384 : i32
    %mul3A_223 = arith.muli %add3A_221, %mul3A_222 : i32
    %dma_start3A_224 = arith.constant 8064 : i32
    %dma_start3A_225 = tpu.memref_slice %arg14[%dma_start3A_224] : memref<32768xf32, #tpu.memory_space<vmem>> -> memref<128xf32, #tpu.memory_space<vmem>>
    %dma_start3A_226 = arith.constant 896 : i32
    %dma_start3A_227 = tpu.memref_slice %arg10[%dma_start3A_226] : memref<1024xi32, #tpu.memory_space<vmem>> -> memref<128xi32, #tpu.memory_space<vmem>>
    %dma_start3A_228 = tpu.memref_slice %arg3[%mul3A_223] : memref<16777216xf32, #tpu.memory_space<hbm>> -> memref<16384xf32, #tpu.memory_space<hbm>>
    %dma_start3A_229 = arith.constant 0 : i32
    %dma_start3A_230 = tpu.memref_slice %dma_start3A_228[%dma_start3A_229] : memref<16384xf32, #tpu.memory_space<hbm>> -> memref<16384xf32, #tpu.memory_space<hbm>>
    tpu.enqueue_indirect_dma source(%dma_start3A_230 : memref<16384xf32, #tpu.memory_space<hbm>>) target(%dma_start3A_225 : memref<128xf32, #tpu.memory_space<vmem>>) offsets(%dma_start3A_227 : memref<128xi32, #tpu.memory_space<vmem>>) semaphore(%arg18 : memref<!tpu.dma_semaphore, #tpu.memory_space<semaphore_mem>>)
    %mul3A_231 = arith.constant 64 : i32
    %mul3A_232 = arith.muli %add3A, %mul3A_231 : i32
    %mul3A_233 = arith.constant 32 : i32
    %mul3A_234 = arith.muli %select_n3A_30, %mul3A_233 : i32
    %add3A_235 = arith.addi %mul3A_232, %mul3A_234 : i32
    %add3A_236 = arith.constant 8 : i32
    %add3A_237 = arith.addi %add3A_235, %add3A_236 : i32
    %mul3A_238 = arith.constant 16384 : i32
    %mul3A_239 = arith.muli %add3A_237, %mul3A_238 : i32
    %dma_start3A_240 = arith.constant 9088 : i32
    %dma_start3A_241 = tpu.memref_slice %arg14[%dma_start3A_240] : memref<32768xf32, #tpu.memory_space<vmem>> -> memref<128xf32, #tpu.memory_space<vmem>>
    %dma_start3A_242 = arith.constant 896 : i32
    %dma_start3A_243 = tpu.memref_slice %arg10[%dma_start3A_242] : memref<1024xi32, #tpu.memory_space<vmem>> -> memref<128xi32, #tpu.memory_space<vmem>>
    %dma_start3A_244 = tpu.memref_slice %arg3[%mul3A_239] : memref<16777216xf32, #tpu.memory_space<hbm>> -> memref<16384xf32, #tpu.memory_space<hbm>>
    %dma_start3A_245 = arith.constant 0 : i32
    %dma_start3A_246 = tpu.memref_slice %dma_start3A_244[%dma_start3A_245] : memref<16384xf32, #tpu.memory_space<hbm>> -> memref<16384xf32, #tpu.memory_space<hbm>>
    tpu.enqueue_indirect_dma source(%dma_start3A_246 : memref<16384xf32, #tpu.memory_space<hbm>>) target(%dma_start3A_241 : memref<128xf32, #tpu.memory_space<vmem>>) offsets(%dma_start3A_243 : memref<128xi32, #tpu.memory_space<vmem>>) semaphore(%arg18 : memref<!tpu.dma_semaphore, #tpu.memory_space<semaphore_mem>>)
    %mul3A_247 = arith.constant 64 : i32
    %mul3A_248 = arith.muli %add3A, %mul3A_247 : i32
    %mul3A_249 = arith.constant 32 : i32
    %mul3A_250 = arith.muli %select_n3A_30, %mul3A_249 : i32
    %add3A_251 = arith.addi %mul3A_248, %mul3A_250 : i32
    %add3A_252 = arith.constant 9 : i32
    %add3A_253 = arith.addi %add3A_251, %add3A_252 : i32
    %mul3A_254 = arith.constant 16384 : i32
    %mul3A_255 = arith.muli %add3A_253, %mul3A_254 : i32
    %dma_start3A_256 = arith.constant 10112 : i32
    %dma_start3A_257 = tpu.memref_slice %arg14[%dma_start3A_256] : memref<32768xf32, #tpu.memory_space<vmem>> -> memref<128xf32, #tpu.memory_space<vmem>>
    %dma_start3A_258 = arith.constant 896 : i32
    %dma_start3A_259 = tpu.memref_slice %arg10[%dma_start3A_258] : memref<1024xi32, #tpu.memory_space<vmem>> -> memref<128xi32, #tpu.memory_space<vmem>>
    %dma_start3A_260 = tpu.memref_slice %arg3[%mul3A_255] : memref<16777216xf32, #tpu.memory_space<hbm>> -> memref<16384xf32, #tpu.memory_space<hbm>>
    %dma_start3A_261 = arith.constant 0 : i32
    %dma_start3A_262 = tpu.memref_slice %dma_start3A_260[%dma_start3A_261] : memref<16384xf32, #tpu.memory_space<hbm>> -> memref<16384xf32, #tpu.memory_space<hbm>>
    tpu.enqueue_indirect_dma source(%dma_start3A_262 : memref<16384xf32, #tpu.memory_space<hbm>>) target(%dma_start3A_257 : memref<128xf32, #tpu.memory_space<vmem>>) offsets(%dma_start3A_259 : memref<128xi32, #tpu.memory_space<vmem>>) semaphore(%arg18 : memref<!tpu.dma_semaphore, #tpu.memory_space<semaphore_mem>>)
    %mul3A_263 = arith.constant 64 : i32
    %mul3A_264 = arith.muli %add3A, %mul3A_263 : i32
    %mul3A_265 = arith.constant 32 : i32
    %mul3A_266 = arith.muli %select_n3A_30, %mul3A_265 : i32
    %add3A_267 = arith.addi %mul3A_264, %mul3A_266 : i32
    %add3A_268 = arith.constant 10 : i32
    %add3A_269 = arith.addi %add3A_267, %add3A_268 : i32
    %mul3A_270 = arith.constant 16384 : i32
    %mul3A_271 = arith.muli %add3A_269, %mul3A_270 : i32
    %dma_start3A_272 = arith.constant 11136 : i32
    %dma_start3A_273 = tpu.memref_slice %arg14[%dma_start3A_272] : memref<32768xf32, #tpu.memory_space<vmem>> -> memref<128xf32, #tpu.memory_space<vmem>>
    %dma_start3A_274 = arith.constant 896 : i32
    %dma_start3A_275 = tpu.memref_slice %arg10[%dma_start3A_274] : memref<1024xi32, #tpu.memory_space<vmem>> -> memref<128xi32, #tpu.memory_space<vmem>>
    %dma_start3A_276 = tpu.memref_slice %arg3[%mul3A_271] : memref<16777216xf32, #tpu.memory_space<hbm>> -> memref<16384xf32, #tpu.memory_space<hbm>>
    %dma_start3A_277 = arith.constant 0 : i32
    %dma_start3A_278 = tpu.memref_slice %dma_start3A_276[%dma_start3A_277] : memref<16384xf32, #tpu.memory_space<hbm>> -> memref<16384xf32, #tpu.memory_space<hbm>>
    tpu.enqueue_indirect_dma source(%dma_start3A_278 : memref<16384xf32, #tpu.memory_space<hbm>>) target(%dma_start3A_273 : memref<128xf32, #tpu.memory_space<vmem>>) offsets(%dma_start3A_275 : memref<128xi32, #tpu.memory_space<vmem>>) semaphore(%arg18 : memref<!tpu.dma_semaphore, #tpu.memory_space<semaphore_mem>>)
    %mul3A_279 = arith.constant 64 : i32
    %mul3A_280 = arith.muli %add3A, %mul3A_279 : i32
    %mul3A_281 = arith.constant 32 : i32
    %mul3A_282 = arith.muli %select_n3A_30, %mul3A_281 : i32
    %add3A_283 = arith.addi %mul3A_280, %mul3A_282 : i32
    %add3A_284 = arith.constant 11 : i32
    %add3A_285 = arith.addi %add3A_283, %add3A_284 : i32
    %mul3A_286 = arith.constant 16384 : i32
    %mul3A_287 = arith.muli %add3A_285, %mul3A_286 : i32
    %dma_start3A_288 = arith.constant 12160 : i32
    %dma_start3A_289 = tpu.memref_slice %arg14[%dma_start3A_288] : memref<32768xf32, #tpu.memory_space<vmem>> -> memref<128xf32, #tpu.memory_space<vmem>>
    %dma_start3A_290 = arith.constant 896 : i32
    %dma_start3A_291 = tpu.memref_slice %arg10[%dma_start3A_290] : memref<1024xi32, #tpu.memory_space<vmem>> -> memref<128xi32, #tpu.memory_space<vmem>>
    %dma_start3A_292 = tpu.memref_slice %arg3[%mul3A_287] : memref<16777216xf32, #tpu.memory_space<hbm>> -> memref<16384xf32, #tpu.memory_space<hbm>>
    %dma_start3A_293 = arith.constant 0 : i32
    %dma_start3A_294 = tpu.memref_slice %dma_start3A_292[%dma_start3A_293] : memref<16384xf32, #tpu.memory_space<hbm>> -> memref<16384xf32, #tpu.memory_space<hbm>>
    tpu.enqueue_indirect_dma source(%dma_start3A_294 : memref<16384xf32, #tpu.memory_space<hbm>>) target(%dma_start3A_289 : memref<128xf32, #tpu.memory_space<vmem>>) offsets(%dma_start3A_291 : memref<128xi32, #tpu.memory_space<vmem>>) semaphore(%arg18 : memref<!tpu.dma_semaphore, #tpu.memory_space<semaphore_mem>>)
    %mul3A_295 = arith.constant 64 : i32
    %mul3A_296 = arith.muli %add3A, %mul3A_295 : i32
    %mul3A_297 = arith.constant 32 : i32
    %mul3A_298 = arith.muli %select_n3A_30, %mul3A_297 : i32
    %add3A_299 = arith.addi %mul3A_296, %mul3A_298 : i32
    %add3A_300 = arith.constant 12 : i32
    %add3A_301 = arith.addi %add3A_299, %add3A_300 : i32
    %mul3A_302 = arith.constant 16384 : i32
    %mul3A_303 = arith.muli %add3A_301, %mul3A_302 : i32
    %dma_start3A_304 = arith.constant 13184 : i32
    %dma_start3A_305 = tpu.memref_slice %arg14[%dma_start3A_304] : memref<32768xf32, #tpu.memory_space<vmem>> -> memref<128xf32, #tpu.memory_space<vmem>>
    %dma_start3A_306 = arith.constant 896 : i32
    %dma_start3A_307 = tpu.memref_slice %arg10[%dma_start3A_306] : memref<1024xi32, #tpu.memory_space<vmem>> -> memref<128xi32, #tpu.memory_space<vmem>>
    %dma_start3A_308 = tpu.memref_slice %arg3[%mul3A_303] : memref<16777216xf32, #tpu.memory_space<hbm>> -> memref<16384xf32, #tpu.memory_space<hbm>>
    %dma_start3A_309 = arith.constant 0 : i32
    %dma_start3A_310 = tpu.memref_slice %dma_start3A_308[%dma_start3A_309] : memref<16384xf32, #tpu.memory_space<hbm>> -> memref<16384xf32, #tpu.memory_space<hbm>>
    tpu.enqueue_indirect_dma source(%dma_start3A_310 : memref<16384xf32, #tpu.memory_space<hbm>>) target(%dma_start3A_305 : memref<128xf32, #tpu.memory_space<vmem>>) offsets(%dma_start3A_307 : memref<128xi32, #tpu.memory_space<vmem>>) semaphore(%arg18 : memref<!tpu.dma_semaphore, #tpu.memory_space<semaphore_mem>>)
    %mul3A_311 = arith.constant 64 : i32
    %mul3A_312 = arith.muli %add3A, %mul3A_311 : i32
    %mul3A_313 = arith.constant 32 : i32
    %mul3A_314 = arith.muli %select_n3A_30, %mul3A_313 : i32
    %add3A_315 = arith.addi %mul3A_312, %mul3A_314 : i32
    %add3A_316 = arith.constant 13 : i32
    %add3A_317 = arith.addi %add3A_315, %add3A_316 : i32
    %mul3A_318 = arith.constant 16384 : i32
    %mul3A_319 = arith.muli %add3A_317, %mul3A_318 : i32
    %dma_start3A_320 = arith.constant 14208 : i32
    %dma_start3A_321 = tpu.memref_slice %arg14[%dma_start3A_320] : memref<32768xf32, #tpu.memory_space<vmem>> -> memref<128xf32, #tpu.memory_space<vmem>>
    %dma_start3A_322 = arith.constant 896 : i32
    %dma_start3A_323 = tpu.memref_slice %arg10[%dma_start3A_322] : memref<1024xi32, #tpu.memory_space<vmem>> -> memref<128xi32, #tpu.memory_space<vmem>>
    %dma_start3A_324 = tpu.memref_slice %arg3[%mul3A_319] : memref<16777216xf32, #tpu.memory_space<hbm>> -> memref<16384xf32, #tpu.memory_space<hbm>>
    %dma_start3A_325 = arith.constant 0 : i32
    %dma_start3A_326 = tpu.memref_slice %dma_start3A_324[%dma_start3A_325] : memref<16384xf32, #tpu.memory_space<hbm>> -> memref<16384xf32, #tpu.memory_space<hbm>>
    tpu.enqueue_indirect_dma source(%dma_start3A_326 : memref<16384xf32, #tpu.memory_space<hbm>>) target(%dma_start3A_321 : memref<128xf32, #tpu.memory_space<vmem>>) offsets(%dma_start3A_323 : memref<128xi32, #tpu.memory_space<vmem>>) semaphore(%arg18 : memref<!tpu.dma_semaphore, #tpu.memory_space<semaphore_mem>>)
    %mul3A_327 = arith.constant 64 : i32
    %mul3A_328 = arith.muli %add3A, %mul3A_327 : i32
    %mul3A_329 = arith.constant 32 : i32
    %mul3A_330 = arith.muli %select_n3A_30, %mul3A_329 : i32
    %add3A_331 = arith.addi %mul3A_328, %mul3A_330 : i32
    %add3A_332 = arith.constant 14 : i32
    %add3A_333 = arith.addi %add3A_331, %add3A_332 : i32
    %mul3A_334 = arith.constant 16384 : i32
    %mul3A_335 = arith.muli %add3A_333, %mul3A_334 : i32
    %dma_start3A_336 = arith.constant 15232 : i32
    %dma_start3A_337 = tpu.memref_slice %arg14[%dma_start3A_336] : memref<32768xf32, #tpu.memory_space<vmem>> -> memref<128xf32, #tpu.memory_space<vmem>>
    %dma_start3A_338 = arith.constant 896 : i32
    %dma_start3A_339 = tpu.memref_slice %arg10[%dma_start3A_338] : memref<1024xi32, #tpu.memory_space<vmem>> -> memref<128xi32, #tpu.memory_space<vmem>>
    %dma_start3A_340 = tpu.memref_slice %arg3[%mul3A_335] : memref<16777216xf32, #tpu.memory_space<hbm>> -> memref<16384xf32, #tpu.memory_space<hbm>>
    %dma_start3A_341 = arith.constant 0 : i32
    %dma_start3A_342 = tpu.memref_slice %dma_start3A_340[%dma_start3A_341] : memref<16384xf32, #tpu.memory_space<hbm>> -> memref<16384xf32, #tpu.memory_space<hbm>>
    tpu.enqueue_indirect_dma source(%dma_start3A_342 : memref<16384xf32, #tpu.memory_space<hbm>>) target(%dma_start3A_337 : memref<128xf32, #tpu.memory_space<vmem>>) offsets(%dma_start3A_339 : memref<128xi32, #tpu.memory_space<vmem>>) semaphore(%arg18 : memref<!tpu.dma_semaphore, #tpu.memory_space<semaphore_mem>>)
    %mul3A_343 = arith.constant 64 : i32
    %mul3A_344 = arith.muli %add3A, %mul3A_343 : i32
    %mul3A_345 = arith.constant 32 : i32
    %mul3A_346 = arith.muli %select_n3A_30, %mul3A_345 : i32
    %add3A_347 = arith.addi %mul3A_344, %mul3A_346 : i32
    %add3A_348 = arith.constant 15 : i32
    %add3A_349 = arith.addi %add3A_347, %add3A_348 : i32
    %mul3A_350 = arith.constant 16384 : i32
    %mul3A_351 = arith.muli %add3A_349, %mul3A_350 : i32
    %dma_start3A_352 = arith.constant 16256 : i32
    %dma_start3A_353 = tpu.memref_slice %arg14[%dma_start3A_352] : memref<32768xf32, #tpu.memory_space<vmem>> -> memref<128xf32, #tpu.memory_space<vmem>>
    %dma_start3A_354 = arith.constant 896 : i32
    %dma_start3A_355 = tpu.memref_slice %arg10[%dma_start3A_354] : memref<1024xi32, #tpu.memory_space<vmem>> -> memref<128xi32, #tpu.memory_space<vmem>>
    %dma_start3A_356 = tpu.memref_slice %arg3[%mul3A_351] : memref<16777216xf32, #tpu.memory_space<hbm>> -> memref<16384xf32, #tpu.memory_space<hbm>>
    %dma_start3A_357 = arith.constant 0 : i32
    %dma_start3A_358 = tpu.memref_slice %dma_start3A_356[%dma_start3A_357] : memref<16384xf32, #tpu.memory_space<hbm>> -> memref<16384xf32, #tpu.memory_space<hbm>>
    tpu.enqueue_indirect_dma source(%dma_start3A_358 : memref<16384xf32, #tpu.memory_space<hbm>>) target(%dma_start3A_353 : memref<128xf32, #tpu.memory_space<vmem>>) offsets(%dma_start3A_355 : memref<128xi32, #tpu.memory_space<vmem>>) semaphore(%arg18 : memref<!tpu.dma_semaphore, #tpu.memory_space<semaphore_mem>>)
    %mul3A_359 = arith.constant 64 : i32
    %mul3A_360 = arith.muli %add3A, %mul3A_359 : i32
    %mul3A_361 = arith.constant 32 : i32
    %mul3A_362 = arith.muli %select_n3A_30, %mul3A_361 : i32
    %add3A_363 = arith.addi %mul3A_360, %mul3A_362 : i32
    %add3A_364 = arith.constant 16 : i32
    %add3A_365 = arith.addi %add3A_363, %add3A_364 : i32
    %mul3A_366 = arith.constant 16384 : i32
    %mul3A_367 = arith.muli %add3A_365, %mul3A_366 : i32
    %dma_start3A_368 = arith.constant 17280 : i32
    %dma_start3A_369 = tpu.memref_slice %arg14[%dma_start3A_368] : memref<32768xf32, #tpu.memory_space<vmem>> -> memref<128xf32, #tpu.memory_space<vmem>>
    %dma_start3A_370 = arith.constant 896 : i32
    %dma_start3A_371 = tpu.memref_slice %arg10[%dma_start3A_370] : memref<1024xi32, #tpu.memory_space<vmem>> -> memref<128xi32, #tpu.memory_space<vmem>>
    %dma_start3A_372 = tpu.memref_slice %arg3[%mul3A_367] : memref<16777216xf32, #tpu.memory_space<hbm>> -> memref<16384xf32, #tpu.memory_space<hbm>>
    %dma_start3A_373 = arith.constant 0 : i32
    %dma_start3A_374 = tpu.memref_slice %dma_start3A_372[%dma_start3A_373] : memref<16384xf32, #tpu.memory_space<hbm>> -> memref<16384xf32, #tpu.memory_space<hbm>>
    tpu.enqueue_indirect_dma source(%dma_start3A_374 : memref<16384xf32, #tpu.memory_space<hbm>>) target(%dma_start3A_369 : memref<128xf32, #tpu.memory_space<vmem>>) offsets(%dma_start3A_371 : memref<128xi32, #tpu.memory_space<vmem>>) semaphore(%arg18 : memref<!tpu.dma_semaphore, #tpu.memory_space<semaphore_mem>>)
    %mul3A_375 = arith.constant 64 : i32
    %mul3A_376 = arith.muli %add3A, %mul3A_375 : i32
    %mul3A_377 = arith.constant 32 : i32
    %mul3A_378 = arith.muli %select_n3A_30, %mul3A_377 : i32
    %add3A_379 = arith.addi %mul3A_376, %mul3A_378 : i32
    %add3A_380 = arith.constant 17 : i32
    %add3A_381 = arith.addi %add3A_379, %add3A_380 : i32
    %mul3A_382 = arith.constant 16384 : i32
    %mul3A_383 = arith.muli %add3A_381, %mul3A_382 : i32
    %dma_start3A_384 = arith.constant 18304 : i32
    %dma_start3A_385 = tpu.memref_slice %arg14[%dma_start3A_384] : memref<32768xf32, #tpu.memory_space<vmem>> -> memref<128xf32, #tpu.memory_space<vmem>>
    %dma_start3A_386 = arith.constant 896 : i32
    %dma_start3A_387 = tpu.memref_slice %arg10[%dma_start3A_386] : memref<1024xi32, #tpu.memory_space<vmem>> -> memref<128xi32, #tpu.memory_space<vmem>>
    %dma_start3A_388 = tpu.memref_slice %arg3[%mul3A_383] : memref<16777216xf32, #tpu.memory_space<hbm>> -> memref<16384xf32, #tpu.memory_space<hbm>>
    %dma_start3A_389 = arith.constant 0 : i32
    %dma_start3A_390 = tpu.memref_slice %dma_start3A_388[%dma_start3A_389] : memref<16384xf32, #tpu.memory_space<hbm>> -> memref<16384xf32, #tpu.memory_space<hbm>>
    tpu.enqueue_indirect_dma source(%dma_start3A_390 : memref<16384xf32, #tpu.memory_space<hbm>>) target(%dma_start3A_385 : memref<128xf32, #tpu.memory_space<vmem>>) offsets(%dma_start3A_387 : memref<128xi32, #tpu.memory_space<vmem>>) semaphore(%arg18 : memref<!tpu.dma_semaphore, #tpu.memory_space<semaphore_mem>>)
    %mul3A_391 = arith.constant 64 : i32
    %mul3A_392 = arith.muli %add3A, %mul3A_391 : i32
    %mul3A_393 = arith.constant 32 : i32
    %mul3A_394 = arith.muli %select_n3A_30, %mul3A_393 : i32
    %add3A_395 = arith.addi %mul3A_392, %mul3A_394 : i32
    %add3A_396 = arith.constant 18 : i32
    %add3A_397 = arith.addi %add3A_395, %add3A_396 : i32
    %mul3A_398 = arith.constant 16384 : i32
    %mul3A_399 = arith.muli %add3A_397, %mul3A_398 : i32
    %dma_start3A_400 = arith.constant 19328 : i32
    %dma_start3A_401 = tpu.memref_slice %arg14[%dma_start3A_400] : memref<32768xf32, #tpu.memory_space<vmem>> -> memref<128xf32, #tpu.memory_space<vmem>>
    %dma_start3A_402 = arith.constant 896 : i32
    %dma_start3A_403 = tpu.memref_slice %arg10[%dma_start3A_402] : memref<1024xi32, #tpu.memory_space<vmem>> -> memref<128xi32, #tpu.memory_space<vmem>>
    %dma_start3A_404 = tpu.memref_slice %arg3[%mul3A_399] : memref<16777216xf32, #tpu.memory_space<hbm>> -> memref<16384xf32, #tpu.memory_space<hbm>>
    %dma_start3A_405 = arith.constant 0 : i32
    %dma_start3A_406 = tpu.memref_slice %dma_start3A_404[%dma_start3A_405] : memref<16384xf32, #tpu.memory_space<hbm>> -> memref<16384xf32, #tpu.memory_space<hbm>>
    tpu.enqueue_indirect_dma source(%dma_start3A_406 : memref<16384xf32, #tpu.memory_space<hbm>>) target(%dma_start3A_401 : memref<128xf32, #tpu.memory_space<vmem>>) offsets(%dma_start3A_403 : memref<128xi32, #tpu.memory_space<vmem>>) semaphore(%arg18 : memref<!tpu.dma_semaphore, #tpu.memory_space<semaphore_mem>>)
    %mul3A_407 = arith.constant 64 : i32
    %mul3A_408 = arith.muli %add3A, %mul3A_407 : i32
    %mul3A_409 = arith.constant 32 : i32
    %mul3A_410 = arith.muli %select_n3A_30, %mul3A_409 : i32
    %add3A_411 = arith.addi %mul3A_408, %mul3A_410 : i32
    %add3A_412 = arith.constant 19 : i32
    %add3A_413 = arith.addi %add3A_411, %add3A_412 : i32
    %mul3A_414 = arith.constant 16384 : i32
    %mul3A_415 = arith.muli %add3A_413, %mul3A_414 : i32
    %dma_start3A_416 = arith.constant 20352 : i32
    %dma_start3A_417 = tpu.memref_slice %arg14[%dma_start3A_416] : memref<32768xf32, #tpu.memory_space<vmem>> -> memref<128xf32, #tpu.memory_space<vmem>>
    %dma_start3A_418 = arith.constant 896 : i32
    %dma_start3A_419 = tpu.memref_slice %arg10[%dma_start3A_418] : memref<1024xi32, #tpu.memory_space<vmem>> -> memref<128xi32, #tpu.memory_space<vmem>>
    %dma_start3A_420 = tpu.memref_slice %arg3[%mul3A_415] : memref<16777216xf32, #tpu.memory_space<hbm>> -> memref<16384xf32, #tpu.memory_space<hbm>>
    %dma_start3A_421 = arith.constant 0 : i32
    %dma_start3A_422 = tpu.memref_slice %dma_start3A_420[%dma_start3A_421] : memref<16384xf32, #tpu.memory_space<hbm>> -> memref<16384xf32, #tpu.memory_space<hbm>>
    tpu.enqueue_indirect_dma source(%dma_start3A_422 : memref<16384xf32, #tpu.memory_space<hbm>>) target(%dma_start3A_417 : memref<128xf32, #tpu.memory_space<vmem>>) offsets(%dma_start3A_419 : memref<128xi32, #tpu.memory_space<vmem>>) semaphore(%arg18 : memref<!tpu.dma_semaphore, #tpu.memory_space<semaphore_mem>>)
    %mul3A_423 = arith.constant 64 : i32
    %mul3A_424 = arith.muli %add3A, %mul3A_423 : i32
    %mul3A_425 = arith.constant 32 : i32
    %mul3A_426 = arith.muli %select_n3A_30, %mul3A_425 : i32
    %add3A_427 = arith.addi %mul3A_424, %mul3A_426 : i32
    %add3A_428 = arith.constant 20 : i32
    %add3A_429 = arith.addi %add3A_427, %add3A_428 : i32
    %mul3A_430 = arith.constant 16384 : i32
    %mul3A_431 = arith.muli %add3A_429, %mul3A_430 : i32
    %dma_start3A_432 = arith.constant 21376 : i32
    %dma_start3A_433 = tpu.memref_slice %arg14[%dma_start3A_432] : memref<32768xf32, #tpu.memory_space<vmem>> -> memref<128xf32, #tpu.memory_space<vmem>>
    %dma_start3A_434 = arith.constant 896 : i32
    %dma_start3A_435 = tpu.memref_slice %arg10[%dma_start3A_434] : memref<1024xi32, #tpu.memory_space<vmem>> -> memref<128xi32, #tpu.memory_space<vmem>>
    %dma_start3A_436 = tpu.memref_slice %arg3[%mul3A_431] : memref<16777216xf32, #tpu.memory_space<hbm>> -> memref<16384xf32, #tpu.memory_space<hbm>>
    %dma_start3A_437 = arith.constant 0 : i32
    %dma_start3A_438 = tpu.memref_slice %dma_start3A_436[%dma_start3A_437] : memref<16384xf32, #tpu.memory_space<hbm>> -> memref<16384xf32, #tpu.memory_space<hbm>>
    tpu.enqueue_indirect_dma source(%dma_start3A_438 : memref<16384xf32, #tpu.memory_space<hbm>>) target(%dma_start3A_433 : memref<128xf32, #tpu.memory_space<vmem>>) offsets(%dma_start3A_435 : memref<128xi32, #tpu.memory_space<vmem>>) semaphore(%arg18 : memref<!tpu.dma_semaphore, #tpu.memory_space<semaphore_mem>>)
    %mul3A_439 = arith.constant 64 : i32
    %mul3A_440 = arith.muli %add3A, %mul3A_439 : i32
    %mul3A_441 = arith.constant 32 : i32
    %mul3A_442 = arith.muli %select_n3A_30, %mul3A_441 : i32
    %add3A_443 = arith.addi %mul3A_440, %mul3A_442 : i32
    %add3A_444 = arith.constant 21 : i32
    %add3A_445 = arith.addi %add3A_443, %add3A_444 : i32
    %mul3A_446 = arith.constant 16384 : i32
    %mul3A_447 = arith.muli %add3A_445, %mul3A_446 : i32
    %dma_start3A_448 = arith.constant 22400 : i32
    %dma_start3A_449 = tpu.memref_slice %arg14[%dma_start3A_448] : memref<32768xf32, #tpu.memory_space<vmem>> -> memref<128xf32, #tpu.memory_space<vmem>>
    %dma_start3A_450 = arith.constant 896 : i32
    %dma_start3A_451 = tpu.memref_slice %arg10[%dma_start3A_450] : memref<1024xi32, #tpu.memory_space<vmem>> -> memref<128xi32, #tpu.memory_space<vmem>>
    %dma_start3A_452 = tpu.memref_slice %arg3[%mul3A_447] : memref<16777216xf32, #tpu.memory_space<hbm>> -> memref<16384xf32, #tpu.memory_space<hbm>>
    %dma_start3A_453 = arith.constant 0 : i32
    %dma_start3A_454 = tpu.memref_slice %dma_start3A_452[%dma_start3A_453] : memref<16384xf32, #tpu.memory_space<hbm>> -> memref<16384xf32, #tpu.memory_space<hbm>>
    tpu.enqueue_indirect_dma source(%dma_start3A_454 : memref<16384xf32, #tpu.memory_space<hbm>>) target(%dma_start3A_449 : memref<128xf32, #tpu.memory_space<vmem>>) offsets(%dma_start3A_451 : memref<128xi32, #tpu.memory_space<vmem>>) semaphore(%arg18 : memref<!tpu.dma_semaphore, #tpu.memory_space<semaphore_mem>>)
    %mul3A_455 = arith.constant 64 : i32
    %mul3A_456 = arith.muli %add3A, %mul3A_455 : i32
    %mul3A_457 = arith.constant 32 : i32
    %mul3A_458 = arith.muli %select_n3A_30, %mul3A_457 : i32
    %add3A_459 = arith.addi %mul3A_456, %mul3A_458 : i32
    %add3A_460 = arith.constant 22 : i32
    %add3A_461 = arith.addi %add3A_459, %add3A_460 : i32
    %mul3A_462 = arith.constant 16384 : i32
    %mul3A_463 = arith.muli %add3A_461, %mul3A_462 : i32
    %dma_start3A_464 = arith.constant 23424 : i32
    %dma_start3A_465 = tpu.memref_slice %arg14[%dma_start3A_464] : memref<32768xf32, #tpu.memory_space<vmem>> -> memref<128xf32, #tpu.memory_space<vmem>>
    %dma_start3A_466 = arith.constant 896 : i32
    %dma_start3A_467 = tpu.memref_slice %arg10[%dma_start3A_466] : memref<1024xi32, #tpu.memory_space<vmem>> -> memref<128xi32, #tpu.memory_space<vmem>>
    %dma_start3A_468 = tpu.memref_slice %arg3[%mul3A_463] : memref<16777216xf32, #tpu.memory_space<hbm>> -> memref<16384xf32, #tpu.memory_space<hbm>>
    %dma_start3A_469 = arith.constant 0 : i32
    %dma_start3A_470 = tpu.memref_slice %dma_start3A_468[%dma_start3A_469] : memref<16384xf32, #tpu.memory_space<hbm>> -> memref<16384xf32, #tpu.memory_space<hbm>>
    tpu.enqueue_indirect_dma source(%dma_start3A_470 : memref<16384xf32, #tpu.memory_space<hbm>>) target(%dma_start3A_465 : memref<128xf32, #tpu.memory_space<vmem>>) offsets(%dma_start3A_467 : memref<128xi32, #tpu.memory_space<vmem>>) semaphore(%arg18 : memref<!tpu.dma_semaphore, #tpu.memory_space<semaphore_mem>>)
    %mul3A_471 = arith.constant 64 : i32
    %mul3A_472 = arith.muli %add3A, %mul3A_471 : i32
    %mul3A_473 = arith.constant 32 : i32
    %mul3A_474 = arith.muli %select_n3A_30, %mul3A_473 : i32
    %add3A_475 = arith.addi %mul3A_472, %mul3A_474 : i32
    %add3A_476 = arith.constant 23 : i32
    %add3A_477 = arith.addi %add3A_475, %add3A_476 : i32
    %mul3A_478 = arith.constant 16384 : i32
    %mul3A_479 = arith.muli %add3A_477, %mul3A_478 : i32
    %dma_start3A_480 = arith.constant 24448 : i32
    %dma_start3A_481 = tpu.memref_slice %arg14[%dma_start3A_480] : memref<32768xf32, #tpu.memory_space<vmem>> -> memref<128xf32, #tpu.memory_space<vmem>>
    %dma_start3A_482 = arith.constant 896 : i32
    %dma_start3A_483 = tpu.memref_slice %arg10[%dma_start3A_482] : memref<1024xi32, #tpu.memory_space<vmem>> -> memref<128xi32, #tpu.memory_space<vmem>>
    %dma_start3A_484 = tpu.memref_slice %arg3[%mul3A_479] : memref<16777216xf32, #tpu.memory_space<hbm>> -> memref<16384xf32, #tpu.memory_space<hbm>>
    %dma_start3A_485 = arith.constant 0 : i32
    %dma_start3A_486 = tpu.memref_slice %dma_start3A_484[%dma_start3A_485] : memref<16384xf32, #tpu.memory_space<hbm>> -> memref<16384xf32, #tpu.memory_space<hbm>>
    tpu.enqueue_indirect_dma source(%dma_start3A_486 : memref<16384xf32, #tpu.memory_space<hbm>>) target(%dma_start3A_481 : memref<128xf32, #tpu.memory_space<vmem>>) offsets(%dma_start3A_483 : memref<128xi32, #tpu.memory_space<vmem>>) semaphore(%arg18 : memref<!tpu.dma_semaphore, #tpu.memory_space<semaphore_mem>>)
    %mul3A_487 = arith.constant 64 : i32
    %mul3A_488 = arith.muli %add3A, %mul3A_487 : i32
    %mul3A_489 = arith.constant 32 : i32
    %mul3A_490 = arith.muli %select_n3A_30, %mul3A_489 : i32
    %add3A_491 = arith.addi %mul3A_488, %mul3A_490 : i32
    %add3A_492 = arith.constant 24 : i32
    %add3A_493 = arith.addi %add3A_491, %add3A_492 : i32
    %mul3A_494 = arith.constant 16384 : i32
    %mul3A_495 = arith.muli %add3A_493, %mul3A_494 : i32
    %dma_start3A_496 = arith.constant 25472 : i32
    %dma_start3A_497 = tpu.memref_slice %arg14[%dma_start3A_496] : memref<32768xf32, #tpu.memory_space<vmem>> -> memref<128xf32, #tpu.memory_space<vmem>>
    %dma_start3A_498 = arith.constant 896 : i32
    %dma_start3A_499 = tpu.memref_slice %arg10[%dma_start3A_498] : memref<1024xi32, #tpu.memory_space<vmem>> -> memref<128xi32, #tpu.memory_space<vmem>>
    %dma_start3A_500 = tpu.memref_slice %arg3[%mul3A_495] : memref<16777216xf32, #tpu.memory_space<hbm>> -> memref<16384xf32, #tpu.memory_space<hbm>>
    %dma_start3A_501 = arith.constant 0 : i32
    %dma_start3A_502 = tpu.memref_slice %dma_start3A_500[%dma_start3A_501] : memref<16384xf32, #tpu.memory_space<hbm>> -> memref<16384xf32, #tpu.memory_space<hbm>>
    tpu.enqueue_indirect_dma source(%dma_start3A_502 : memref<16384xf32, #tpu.memory_space<hbm>>) target(%dma_start3A_497 : memref<128xf32, #tpu.memory_space<vmem>>) offsets(%dma_start3A_499 : memref<128xi32, #tpu.memory_space<vmem>>) semaphore(%arg18 : memref<!tpu.dma_semaphore, #tpu.memory_space<semaphore_mem>>)
    %mul3A_503 = arith.constant 64 : i32
    %mul3A_504 = arith.muli %add3A, %mul3A_503 : i32
    %mul3A_505 = arith.constant 32 : i32
    %mul3A_506 = arith.muli %select_n3A_30, %mul3A_505 : i32
    %add3A_507 = arith.addi %mul3A_504, %mul3A_506 : i32
    %add3A_508 = arith.constant 25 : i32
    %add3A_509 = arith.addi %add3A_507, %add3A_508 : i32
    %mul3A_510 = arith.constant 16384 : i32
    %mul3A_511 = arith.muli %add3A_509, %mul3A_510 : i32
    %dma_start3A_512 = arith.constant 26496 : i32
    %dma_start3A_513 = tpu.memref_slice %arg14[%dma_start3A_512] : memref<32768xf32, #tpu.memory_space<vmem>> -> memref<128xf32, #tpu.memory_space<vmem>>
    %dma_start3A_514 = arith.constant 896 : i32
    %dma_start3A_515 = tpu.memref_slice %arg10[%dma_start3A_514] : memref<1024xi32, #tpu.memory_space<vmem>> -> memref<128xi32, #tpu.memory_space<vmem>>
    %dma_start3A_516 = tpu.memref_slice %arg3[%mul3A_511] : memref<16777216xf32, #tpu.memory_space<hbm>> -> memref<16384xf32, #tpu.memory_space<hbm>>
    %dma_start3A_517 = arith.constant 0 : i32
    %dma_start3A_518 = tpu.memref_slice %dma_start3A_516[%dma_start3A_517] : memref<16384xf32, #tpu.memory_space<hbm>> -> memref<16384xf32, #tpu.memory_space<hbm>>
    tpu.enqueue_indirect_dma source(%dma_start3A_518 : memref<16384xf32, #tpu.memory_space<hbm>>) target(%dma_start3A_513 : memref<128xf32, #tpu.memory_space<vmem>>) offsets(%dma_start3A_515 : memref<128xi32, #tpu.memory_space<vmem>>) semaphore(%arg18 : memref<!tpu.dma_semaphore, #tpu.memory_space<semaphore_mem>>)
    %mul3A_519 = arith.constant 64 : i32
    %mul3A_520 = arith.muli %add3A, %mul3A_519 : i32
    %mul3A_521 = arith.constant 32 : i32
    %mul3A_522 = arith.muli %select_n3A_30, %mul3A_521 : i32
    %add3A_523 = arith.addi %mul3A_520, %mul3A_522 : i32
    %add3A_524 = arith.constant 26 : i32
    %add3A_525 = arith.addi %add3A_523, %add3A_524 : i32
    %mul3A_526 = arith.constant 16384 : i32
    %mul3A_527 = arith.muli %add3A_525, %mul3A_526 : i32
    %dma_start3A_528 = arith.constant 27520 : i32
    %dma_start3A_529 = tpu.memref_slice %arg14[%dma_start3A_528] : memref<32768xf32, #tpu.memory_space<vmem>> -> memref<128xf32, #tpu.memory_space<vmem>>
    %dma_start3A_530 = arith.constant 896 : i32
    %dma_start3A_531 = tpu.memref_slice %arg10[%dma_start3A_530] : memref<1024xi32, #tpu.memory_space<vmem>> -> memref<128xi32, #tpu.memory_space<vmem>>
    %dma_start3A_532 = tpu.memref_slice %arg3[%mul3A_527] : memref<16777216xf32, #tpu.memory_space<hbm>> -> memref<16384xf32, #tpu.memory_space<hbm>>
    %dma_start3A_533 = arith.constant 0 : i32
    %dma_start3A_534 = tpu.memref_slice %dma_start3A_532[%dma_start3A_533] : memref<16384xf32, #tpu.memory_space<hbm>> -> memref<16384xf32, #tpu.memory_space<hbm>>
    tpu.enqueue_indirect_dma source(%dma_start3A_534 : memref<16384xf32, #tpu.memory_space<hbm>>) target(%dma_start3A_529 : memref<128xf32, #tpu.memory_space<vmem>>) offsets(%dma_start3A_531 : memref<128xi32, #tpu.memory_space<vmem>>) semaphore(%arg18 : memref<!tpu.dma_semaphore, #tpu.memory_space<semaphore_mem>>)
    %mul3A_535 = arith.constant 64 : i32
    %mul3A_536 = arith.muli %add3A, %mul3A_535 : i32
    %mul3A_537 = arith.constant 32 : i32
    %mul3A_538 = arith.muli %select_n3A_30, %mul3A_537 : i32
    %add3A_539 = arith.addi %mul3A_536, %mul3A_538 : i32
    %add3A_540 = arith.constant 27 : i32
    %add3A_541 = arith.addi %add3A_539, %add3A_540 : i32
    %mul3A_542 = arith.constant 16384 : i32
    %mul3A_543 = arith.muli %add3A_541, %mul3A_542 : i32
    %dma_start3A_544 = arith.constant 28544 : i32
    %dma_start3A_545 = tpu.memref_slice %arg14[%dma_start3A_544] : memref<32768xf32, #tpu.memory_space<vmem>> -> memref<128xf32, #tpu.memory_space<vmem>>
    %dma_start3A_546 = arith.constant 896 : i32
    %dma_start3A_547 = tpu.memref_slice %arg10[%dma_start3A_546] : memref<1024xi32, #tpu.memory_space<vmem>> -> memref<128xi32, #tpu.memory_space<vmem>>
    %dma_start3A_548 = tpu.memref_slice %arg3[%mul3A_543] : memref<16777216xf32, #tpu.memory_space<hbm>> -> memref<16384xf32, #tpu.memory_space<hbm>>
    %dma_start3A_549 = arith.constant 0 : i32
    %dma_start3A_550 = tpu.memref_slice %dma_start3A_548[%dma_start3A_549] : memref<16384xf32, #tpu.memory_space<hbm>> -> memref<16384xf32, #tpu.memory_space<hbm>>
    tpu.enqueue_indirect_dma source(%dma_start3A_550 : memref<16384xf32, #tpu.memory_space<hbm>>) target(%dma_start3A_545 : memref<128xf32, #tpu.memory_space<vmem>>) offsets(%dma_start3A_547 : memref<128xi32, #tpu.memory_space<vmem>>) semaphore(%arg18 : memref<!tpu.dma_semaphore, #tpu.memory_space<semaphore_mem>>)
    %mul3A_551 = arith.constant 64 : i32
    %mul3A_552 = arith.muli %add3A, %mul3A_551 : i32
    %mul3A_553 = arith.constant 32 : i32
    %mul3A_554 = arith.muli %select_n3A_30, %mul3A_553 : i32
    %add3A_555 = arith.addi %mul3A_552, %mul3A_554 : i32
    %add3A_556 = arith.constant 28 : i32
    %add3A_557 = arith.addi %add3A_555, %add3A_556 : i32
    %mul3A_558 = arith.constant 16384 : i32
    %mul3A_559 = arith.muli %add3A_557, %mul3A_558 : i32
    %dma_start3A_560 = arith.constant 29568 : i32
    %dma_start3A_561 = tpu.memref_slice %arg14[%dma_start3A_560] : memref<32768xf32, #tpu.memory_space<vmem>> -> memref<128xf32, #tpu.memory_space<vmem>>
    %dma_start3A_562 = arith.constant 896 : i32
    %dma_start3A_563 = tpu.memref_slice %arg10[%dma_start3A_562] : memref<1024xi32, #tpu.memory_space<vmem>> -> memref<128xi32, #tpu.memory_space<vmem>>
    %dma_start3A_564 = tpu.memref_slice %arg3[%mul3A_559] : memref<16777216xf32, #tpu.memory_space<hbm>> -> memref<16384xf32, #tpu.memory_space<hbm>>
    %dma_start3A_565 = arith.constant 0 : i32
    %dma_start3A_566 = tpu.memref_slice %dma_start3A_564[%dma_start3A_565] : memref<16384xf32, #tpu.memory_space<hbm>> -> memref<16384xf32, #tpu.memory_space<hbm>>
    tpu.enqueue_indirect_dma source(%dma_start3A_566 : memref<16384xf32, #tpu.memory_space<hbm>>) target(%dma_start3A_561 : memref<128xf32, #tpu.memory_space<vmem>>) offsets(%dma_start3A_563 : memref<128xi32, #tpu.memory_space<vmem>>) semaphore(%arg18 : memref<!tpu.dma_semaphore, #tpu.memory_space<semaphore_mem>>)
    %mul3A_567 = arith.constant 64 : i32
    %mul3A_568 = arith.muli %add3A, %mul3A_567 : i32
    %mul3A_569 = arith.constant 32 : i32
    %mul3A_570 = arith.muli %select_n3A_30, %mul3A_569 : i32
    %add3A_571 = arith.addi %mul3A_568, %mul3A_570 : i32
    %add3A_572 = arith.constant 29 : i32
    %add3A_573 = arith.addi %add3A_571, %add3A_572 : i32
    %mul3A_574 = arith.constant 16384 : i32
    %mul3A_575 = arith.muli %add3A_573, %mul3A_574 : i32
    %dma_start3A_576 = arith.constant 30592 : i32
    %dma_start3A_577 = tpu.memref_slice %arg14[%dma_start3A_576] : memref<32768xf32, #tpu.memory_space<vmem>> -> memref<128xf32, #tpu.memory_space<vmem>>
    %dma_start3A_578 = arith.constant 896 : i32
    %dma_start3A_579 = tpu.memref_slice %arg10[%dma_start3A_578] : memref<1024xi32, #tpu.memory_space<vmem>> -> memref<128xi32, #tpu.memory_space<vmem>>
    %dma_start3A_580 = tpu.memref_slice %arg3[%mul3A_575] : memref<16777216xf32, #tpu.memory_space<hbm>> -> memref<16384xf32, #tpu.memory_space<hbm>>
    %dma_start3A_581 = arith.constant 0 : i32
    %dma_start3A_582 = tpu.memref_slice %dma_start3A_580[%dma_start3A_581] : memref<16384xf32, #tpu.memory_space<hbm>> -> memref<16384xf32, #tpu.memory_space<hbm>>
    tpu.enqueue_indirect_dma source(%dma_start3A_582 : memref<16384xf32, #tpu.memory_space<hbm>>) target(%dma_start3A_577 : memref<128xf32, #tpu.memory_space<vmem>>) offsets(%dma_start3A_579 : memref<128xi32, #tpu.memory_space<vmem>>) semaphore(%arg18 : memref<!tpu.dma_semaphore, #tpu.memory_space<semaphore_mem>>)
    %mul3A_583 = arith.constant 64 : i32
    %mul3A_584 = arith.muli %add3A, %mul3A_583 : i32
    %mul3A_585 = arith.constant 32 : i32
    %mul3A_586 = arith.muli %select_n3A_30, %mul3A_585 : i32
    %add3A_587 = arith.addi %mul3A_584, %mul3A_586 : i32
    %add3A_588 = arith.constant 30 : i32
    %add3A_589 = arith.addi %add3A_587, %add3A_588 : i32
    %mul3A_590 = arith.constant 16384 : i32
    %mul3A_591 = arith.muli %add3A_589, %mul3A_590 : i32
    %dma_start3A_592 = arith.constant 31616 : i32
    %dma_start3A_593 = tpu.memref_slice %arg14[%dma_start3A_592] : memref<32768xf32, #tpu.memory_space<vmem>> -> memref<128xf32, #tpu.memory_space<vmem>>
    %dma_start3A_594 = arith.constant 896 : i32
    %dma_start3A_595 = tpu.memref_slice %arg10[%dma_start3A_594] : memref<1024xi32, #tpu.memory_space<vmem>> -> memref<128xi32, #tpu.memory_space<vmem>>
    %dma_start3A_596 = tpu.memref_slice %arg3[%mul3A_591] : memref<16777216xf32, #tpu.memory_space<hbm>> -> memref<16384xf32, #tpu.memory_space<hbm>>
    %dma_start3A_597 = arith.constant 0 : i32
    %dma_start3A_598 = tpu.memref_slice %dma_start3A_596[%dma_start3A_597] : memref<16384xf32, #tpu.memory_space<hbm>> -> memref<16384xf32, #tpu.memory_space<hbm>>
    tpu.enqueue_indirect_dma source(%dma_start3A_598 : memref<16384xf32, #tpu.memory_space<hbm>>) target(%dma_start3A_593 : memref<128xf32, #tpu.memory_space<vmem>>) offsets(%dma_start3A_595 : memref<128xi32, #tpu.memory_space<vmem>>) semaphore(%arg18 : memref<!tpu.dma_semaphore, #tpu.memory_space<semaphore_mem>>)
    %mul3A_599 = arith.constant 64 : i32
    %mul3A_600 = arith.muli %add3A, %mul3A_599 : i32
    %mul3A_601 = arith.constant 32 : i32
    %mul3A_602 = arith.muli %select_n3A_30, %mul3A_601 : i32
    %add3A_603 = arith.addi %mul3A_600, %mul3A_602 : i32
    %add3A_604 = arith.constant 31 : i32
    %add3A_605 = arith.addi %add3A_603, %add3A_604 : i32
    %mul3A_606 = arith.constant 16384 : i32
    %mul3A_607 = arith.muli %add3A_605, %mul3A_606 : i32
    %dma_start3A_608 = arith.constant 32640 : i32
    %dma_start3A_609 = tpu.memref_slice %arg14[%dma_start3A_608] : memref<32768xf32, #tpu.memory_space<vmem>> -> memref<128xf32, #tpu.memory_space<vmem>>
    %dma_start3A_610 = arith.constant 896 : i32
    %dma_start3A_611 = tpu.memref_slice %arg10[%dma_start3A_610] : memref<1024xi32, #tpu.memory_space<vmem>> -> memref<128xi32, #tpu.memory_space<vmem>>
    %dma_start3A_612 = tpu.memref_slice %arg3[%mul3A_607] : memref<16777216xf32, #tpu.memory_space<hbm>> -> memref<16384xf32, #tpu.memory_space<hbm>>
    %dma_start3A_613 = arith.constant 0 : i32
    %dma_start3A_614 = tpu.memref_slice %dma_start3A_612[%dma_start3A_613] : memref<16384xf32, #tpu.memory_space<hbm>> -> memref<16384xf32, #tpu.memory_space<hbm>>
    tpu.enqueue_indirect_dma source(%dma_start3A_614 : memref<16384xf32, #tpu.memory_space<hbm>>) target(%dma_start3A_609 : memref<128xf32, #tpu.memory_space<vmem>>) offsets(%dma_start3A_611 : memref<128xi32, #tpu.memory_space<vmem>>) semaphore(%arg18 : memref<!tpu.dma_semaphore, #tpu.memory_space<semaphore_mem>>)
    %dma_wait3A = arith.constant 0 : i32
    %dma_wait3A_615 = tpu.memref_slice %arg3[%dma_wait3A] : memref<16777216xf32, #tpu.memory_space<hbm>> -> memref<32768xf32, #tpu.memory_space<hbm>>
    %dma_wait3A_616 = arith.constant 0 : i32
    %dma_wait3A_617 = tpu.memref_slice %arg3[%dma_wait3A_616] : memref<16777216xf32, #tpu.memory_space<hbm>> -> memref<32768xf32, #tpu.memory_space<hbm>>
    tpu.wait_dma2 semaphore(%arg18 : memref<!tpu.dma_semaphore, #tpu.memory_space<semaphore_mem>>) src(%dma_wait3A_617 : memref<32768xf32, #tpu.memory_space<hbm>>) dst(%arg14 : memref<32768xf32, #tpu.memory_space<vmem>>)
    %mul3A_618 = arith.constant 64 : i32
    %mul3A_619 = arith.muli %add3A, %mul3A_618 : i32
    %mul3A_620 = arith.constant 32 : i32
    %mul3A_621 = arith.muli %select_n3A_30, %mul3A_620 : i32
    %add3A_622 = arith.addi %mul3A_619, %mul3A_621 : i32
    %add3A_623 = arith.constant 0 : i32
    %add3A_624 = arith.addi %add3A_622, %add3A_623 : i32
    %mul3A_625 = arith.constant 1024 : i32
    %mul3A_626 = arith.muli %add3A_624, %mul3A_625 : i32
    "tpu.region"() ({
      %run_scoped3A = tpu.sem_alloc : memref<!tpu.dma_semaphore, #tpu.memory_space<semaphore_mem>>
      %dma_start3A_906 = arith.constant 0 : i32
      %dma_start3A_907 = tpu.memref_slice %arg14[%dma_start3A_906] : memref<32768xf32, #tpu.memory_space<vmem>> -> memref<1024xf32, #tpu.memory_space<vmem>>
      %dma_start3A_908 = tpu.memref_slice %arg5[%mul3A_626] : memref<1048576xf32, #tpu.memory_space<hbm>> -> memref<1024xf32, #tpu.memory_space<hbm>>
      %dma_start3A_909 = tpu.memref_slice %arg5[%mul3A_626] : memref<1048576xf32, #tpu.memory_space<hbm>> -> memref<1024xf32, #tpu.memory_space<hbm>>
      %dma_start3A_910 = arith.constant 0 : i32
      %dma_start3A_911 = tpu.memref_slice %arg14[%dma_start3A_910] : memref<32768xf32, #tpu.memory_space<vmem>> -> memref<1024xf32, #tpu.memory_space<vmem>>
      tpu.enqueue_dma source(%dma_start3A_911 : memref<1024xf32, #tpu.memory_space<vmem>>) target(%dma_start3A_909 : memref<1024xf32, #tpu.memory_space<hbm>>) target_semaphore(%run_scoped3A : memref<!tpu.dma_semaphore, #tpu.memory_space<semaphore_mem>>)
      %dma_wait3A_912 = arith.constant 0 : i32
      %dma_wait3A_913 = tpu.memref_slice %arg14[%dma_wait3A_912] : memref<32768xf32, #tpu.memory_space<vmem>> -> memref<1024xf32, #tpu.memory_space<vmem>>
      %dma_wait3A_914 = tpu.memref_slice %arg5[%mul3A_626] : memref<1048576xf32, #tpu.memory_space<hbm>> -> memref<1024xf32, #tpu.memory_space<hbm>>
      %dma_wait3A_915 = tpu.memref_slice %arg5[%mul3A_626] : memref<1048576xf32, #tpu.memory_space<hbm>> -> memref<1024xf32, #tpu.memory_space<hbm>>
      %dma_wait3A_916 = arith.constant 0 : i32
      %dma_wait3A_917 = tpu.memref_slice %arg14[%dma_wait3A_916] : memref<32768xf32, #tpu.memory_space<vmem>> -> memref<1024xf32, #tpu.memory_space<vmem>>
      tpu.wait_dma2 semaphore(%run_scoped3A : memref<!tpu.dma_semaphore, #tpu.memory_space<semaphore_mem>>) src(%dma_wait3A_917 : memref<1024xf32, #tpu.memory_space<vmem>>) dst(%dma_wait3A_915 : memref<1024xf32, #tpu.memory_space<hbm>>)
      tpu.yield
    }) : () -> ()
    %mul3A_627 = arith.constant 64 : i32
    %mul3A_628 = arith.muli %add3A, %mul3A_627 : i32
    %mul3A_629 = arith.constant 32 : i32
    %mul3A_630 = arith.muli %select_n3A_30, %mul3A_629 : i32
    %add3A_631 = arith.addi %mul3A_628, %mul3A_630 : i32
    %add3A_632 = arith.constant 1 : i32
    %add3A_633 = arith.addi %add3A_631, %add3A_632 : i32
    %mul3A_634 = arith.constant 1024 : i32
    %mul3A_635 = arith.muli %add3A_633, %mul3A_634 : i32
    "tpu.region"() ({
      %run_scoped3A = tpu.sem_alloc : memref<!tpu.dma_semaphore, #tpu.memory_space<semaphore_mem>>
      %dma_start3A_906 = arith.constant 1024 : i32
      %dma_start3A_907 = tpu.memref_slice %arg14[%dma_start3A_906] : memref<32768xf32, #tpu.memory_space<vmem>> -> memref<1024xf32, #tpu.memory_space<vmem>>
      %dma_start3A_908 = tpu.memref_slice %arg5[%mul3A_635] : memref<1048576xf32, #tpu.memory_space<hbm>> -> memref<1024xf32, #tpu.memory_space<hbm>>
      %dma_start3A_909 = tpu.memref_slice %arg5[%mul3A_635] : memref<1048576xf32, #tpu.memory_space<hbm>> -> memref<1024xf32, #tpu.memory_space<hbm>>
      %dma_start3A_910 = arith.constant 1024 : i32
      %dma_start3A_911 = tpu.memref_slice %arg14[%dma_start3A_910] : memref<32768xf32, #tpu.memory_space<vmem>> -> memref<1024xf32, #tpu.memory_space<vmem>>
      tpu.enqueue_dma source(%dma_start3A_911 : memref<1024xf32, #tpu.memory_space<vmem>>) target(%dma_start3A_909 : memref<1024xf32, #tpu.memory_space<hbm>>) target_semaphore(%run_scoped3A : memref<!tpu.dma_semaphore, #tpu.memory_space<semaphore_mem>>)
      %dma_wait3A_912 = arith.constant 1024 : i32
      %dma_wait3A_913 = tpu.memref_slice %arg14[%dma_wait3A_912] : memref<32768xf32, #tpu.memory_space<vmem>> -> memref<1024xf32, #tpu.memory_space<vmem>>
      %dma_wait3A_914 = tpu.memref_slice %arg5[%mul3A_635] : memref<1048576xf32, #tpu.memory_space<hbm>> -> memref<1024xf32, #tpu.memory_space<hbm>>
      %dma_wait3A_915 = tpu.memref_slice %arg5[%mul3A_635] : memref<1048576xf32, #tpu.memory_space<hbm>> -> memref<1024xf32, #tpu.memory_space<hbm>>
      %dma_wait3A_916 = arith.constant 1024 : i32
      %dma_wait3A_917 = tpu.memref_slice %arg14[%dma_wait3A_916] : memref<32768xf32, #tpu.memory_space<vmem>> -> memref<1024xf32, #tpu.memory_space<vmem>>
      tpu.wait_dma2 semaphore(%run_scoped3A : memref<!tpu.dma_semaphore, #tpu.memory_space<semaphore_mem>>) src(%dma_wait3A_917 : memref<1024xf32, #tpu.memory_space<vmem>>) dst(%dma_wait3A_915 : memref<1024xf32, #tpu.memory_space<hbm>>)
      tpu.yield
    }) : () -> ()
    %mul3A_636 = arith.constant 64 : i32
    %mul3A_637 = arith.muli %add3A, %mul3A_636 : i32
    %mul3A_638 = arith.constant 32 : i32
    %mul3A_639 = arith.muli %select_n3A_30, %mul3A_638 : i32
    %add3A_640 = arith.addi %mul3A_637, %mul3A_639 : i32
    %add3A_641 = arith.constant 2 : i32
    %add3A_642 = arith.addi %add3A_640, %add3A_641 : i32
    %mul3A_643 = arith.constant 1024 : i32
    %mul3A_644 = arith.muli %add3A_642, %mul3A_643 : i32
    "tpu.region"() ({
      %run_scoped3A = tpu.sem_alloc : memref<!tpu.dma_semaphore, #tpu.memory_space<semaphore_mem>>
      %dma_start3A_906 = arith.constant 2048 : i32
      %dma_start3A_907 = tpu.memref_slice %arg14[%dma_start3A_906] : memref<32768xf32, #tpu.memory_space<vmem>> -> memref<1024xf32, #tpu.memory_space<vmem>>
      %dma_start3A_908 = tpu.memref_slice %arg5[%mul3A_644] : memref<1048576xf32, #tpu.memory_space<hbm>> -> memref<1024xf32, #tpu.memory_space<hbm>>
      %dma_start3A_909 = tpu.memref_slice %arg5[%mul3A_644] : memref<1048576xf32, #tpu.memory_space<hbm>> -> memref<1024xf32, #tpu.memory_space<hbm>>
      %dma_start3A_910 = arith.constant 2048 : i32
      %dma_start3A_911 = tpu.memref_slice %arg14[%dma_start3A_910] : memref<32768xf32, #tpu.memory_space<vmem>> -> memref<1024xf32, #tpu.memory_space<vmem>>
      tpu.enqueue_dma source(%dma_start3A_911 : memref<1024xf32, #tpu.memory_space<vmem>>) target(%dma_start3A_909 : memref<1024xf32, #tpu.memory_space<hbm>>) target_semaphore(%run_scoped3A : memref<!tpu.dma_semaphore, #tpu.memory_space<semaphore_mem>>)
      %dma_wait3A_912 = arith.constant 2048 : i32
      %dma_wait3A_913 = tpu.memref_slice %arg14[%dma_wait3A_912] : memref<32768xf32, #tpu.memory_space<vmem>> -> memref<1024xf32, #tpu.memory_space<vmem>>
      %dma_wait3A_914 = tpu.memref_slice %arg5[%mul3A_644] : memref<1048576xf32, #tpu.memory_space<hbm>> -> memref<1024xf32, #tpu.memory_space<hbm>>
      %dma_wait3A_915 = tpu.memref_slice %arg5[%mul3A_644] : memref<1048576xf32, #tpu.memory_space<hbm>> -> memref<1024xf32, #tpu.memory_space<hbm>>
      %dma_wait3A_916 = arith.constant 2048 : i32
      %dma_wait3A_917 = tpu.memref_slice %arg14[%dma_wait3A_916] : memref<32768xf32, #tpu.memory_space<vmem>> -> memref<1024xf32, #tpu.memory_space<vmem>>
      tpu.wait_dma2 semaphore(%run_scoped3A : memref<!tpu.dma_semaphore, #tpu.memory_space<semaphore_mem>>) src(%dma_wait3A_917 : memref<1024xf32, #tpu.memory_space<vmem>>) dst(%dma_wait3A_915 : memref<1024xf32, #tpu.memory_space<hbm>>)
      tpu.yield
    }) : () -> ()
    %mul3A_645 = arith.constant 64 : i32
    %mul3A_646 = arith.muli %add3A, %mul3A_645 : i32
    %mul3A_647 = arith.constant 32 : i32
    %mul3A_648 = arith.muli %select_n3A_30, %mul3A_647 : i32
    %add3A_649 = arith.addi %mul3A_646, %mul3A_648 : i32
    %add3A_650 = arith.constant 3 : i32
    %add3A_651 = arith.addi %add3A_649, %add3A_650 : i32
    %mul3A_652 = arith.constant 1024 : i32
    %mul3A_653 = arith.muli %add3A_651, %mul3A_652 : i32
    "tpu.region"() ({
      %run_scoped3A = tpu.sem_alloc : memref<!tpu.dma_semaphore, #tpu.memory_space<semaphore_mem>>
      %dma_start3A_906 = arith.constant 3072 : i32
      %dma_start3A_907 = tpu.memref_slice %arg14[%dma_start3A_906] : memref<32768xf32, #tpu.memory_space<vmem>> -> memref<1024xf32, #tpu.memory_space<vmem>>
      %dma_start3A_908 = tpu.memref_slice %arg5[%mul3A_653] : memref<1048576xf32, #tpu.memory_space<hbm>> -> memref<1024xf32, #tpu.memory_space<hbm>>
      %dma_start3A_909 = tpu.memref_slice %arg5[%mul3A_653] : memref<1048576xf32, #tpu.memory_space<hbm>> -> memref<1024xf32, #tpu.memory_space<hbm>>
      %dma_start3A_910 = arith.constant 3072 : i32
      %dma_start3A_911 = tpu.memref_slice %arg14[%dma_start3A_910] : memref<32768xf32, #tpu.memory_space<vmem>> -> memref<1024xf32, #tpu.memory_space<vmem>>
      tpu.enqueue_dma source(%dma_start3A_911 : memref<1024xf32, #tpu.memory_space<vmem>>) target(%dma_start3A_909 : memref<1024xf32, #tpu.memory_space<hbm>>) target_semaphore(%run_scoped3A : memref<!tpu.dma_semaphore, #tpu.memory_space<semaphore_mem>>)
      %dma_wait3A_912 = arith.constant 3072 : i32
      %dma_wait3A_913 = tpu.memref_slice %arg14[%dma_wait3A_912] : memref<32768xf32, #tpu.memory_space<vmem>> -> memref<1024xf32, #tpu.memory_space<vmem>>
      %dma_wait3A_914 = tpu.memref_slice %arg5[%mul3A_653] : memref<1048576xf32, #tpu.memory_space<hbm>> -> memref<1024xf32, #tpu.memory_space<hbm>>
      %dma_wait3A_915 = tpu.memref_slice %arg5[%mul3A_653] : memref<1048576xf32, #tpu.memory_space<hbm>> -> memref<1024xf32, #tpu.memory_space<hbm>>
      %dma_wait3A_916 = arith.constant 3072 : i32
      %dma_wait3A_917 = tpu.memref_slice %arg14[%dma_wait3A_916] : memref<32768xf32, #tpu.memory_space<vmem>> -> memref<1024xf32, #tpu.memory_space<vmem>>
      tpu.wait_dma2 semaphore(%run_scoped3A : memref<!tpu.dma_semaphore, #tpu.memory_space<semaphore_mem>>) src(%dma_wait3A_917 : memref<1024xf32, #tpu.memory_space<vmem>>) dst(%dma_wait3A_915 : memref<1024xf32, #tpu.memory_space<hbm>>)
      tpu.yield
    }) : () -> ()
    %mul3A_654 = arith.constant 64 : i32
    %mul3A_655 = arith.muli %add3A, %mul3A_654 : i32
    %mul3A_656 = arith.constant 32 : i32
    %mul3A_657 = arith.muli %select_n3A_30, %mul3A_656 : i32
    %add3A_658 = arith.addi %mul3A_655, %mul3A_657 : i32
    %add3A_659 = arith.constant 4 : i32
    %add3A_660 = arith.addi %add3A_658, %add3A_659 : i32
    %mul3A_661 = arith.constant 1024 : i32
    %mul3A_662 = arith.muli %add3A_660, %mul3A_661 : i32
    "tpu.region"() ({
      %run_scoped3A = tpu.sem_alloc : memref<!tpu.dma_semaphore, #tpu.memory_space<semaphore_mem>>
      %dma_start3A_906 = arith.constant 4096 : i32
      %dma_start3A_907 = tpu.memref_slice %arg14[%dma_start3A_906] : memref<32768xf32, #tpu.memory_space<vmem>> -> memref<1024xf32, #tpu.memory_space<vmem>>
      %dma_start3A_908 = tpu.memref_slice %arg5[%mul3A_662] : memref<1048576xf32, #tpu.memory_space<hbm>> -> memref<1024xf32, #tpu.memory_space<hbm>>
      %dma_start3A_909 = tpu.memref_slice %arg5[%mul3A_662] : memref<1048576xf32, #tpu.memory_space<hbm>> -> memref<1024xf32, #tpu.memory_space<hbm>>
      %dma_start3A_910 = arith.constant 4096 : i32
      %dma_start3A_911 = tpu.memref_slice %arg14[%dma_start3A_910] : memref<32768xf32, #tpu.memory_space<vmem>> -> memref<1024xf32, #tpu.memory_space<vmem>>
      tpu.enqueue_dma source(%dma_start3A_911 : memref<1024xf32, #tpu.memory_space<vmem>>) target(%dma_start3A_909 : memref<1024xf32, #tpu.memory_space<hbm>>) target_semaphore(%run_scoped3A : memref<!tpu.dma_semaphore, #tpu.memory_space<semaphore_mem>>)
      %dma_wait3A_912 = arith.constant 4096 : i32
      %dma_wait3A_913 = tpu.memref_slice %arg14[%dma_wait3A_912] : memref<32768xf32, #tpu.memory_space<vmem>> -> memref<1024xf32, #tpu.memory_space<vmem>>
      %dma_wait3A_914 = tpu.memref_slice %arg5[%mul3A_662] : memref<1048576xf32, #tpu.memory_space<hbm>> -> memref<1024xf32, #tpu.memory_space<hbm>>
      %dma_wait3A_915 = tpu.memref_slice %arg5[%mul3A_662] : memref<1048576xf32, #tpu.memory_space<hbm>> -> memref<1024xf32, #tpu.memory_space<hbm>>
      %dma_wait3A_916 = arith.constant 4096 : i32
      %dma_wait3A_917 = tpu.memref_slice %arg14[%dma_wait3A_916] : memref<32768xf32, #tpu.memory_space<vmem>> -> memref<1024xf32, #tpu.memory_space<vmem>>
      tpu.wait_dma2 semaphore(%run_scoped3A : memref<!tpu.dma_semaphore, #tpu.memory_space<semaphore_mem>>) src(%dma_wait3A_917 : memref<1024xf32, #tpu.memory_space<vmem>>) dst(%dma_wait3A_915 : memref<1024xf32, #tpu.memory_space<hbm>>)
      tpu.yield
    }) : () -> ()
    %mul3A_663 = arith.constant 64 : i32
    %mul3A_664 = arith.muli %add3A, %mul3A_663 : i32
    %mul3A_665 = arith.constant 32 : i32
    %mul3A_666 = arith.muli %select_n3A_30, %mul3A_665 : i32
    %add3A_667 = arith.addi %mul3A_664, %mul3A_666 : i32
    %add3A_668 = arith.constant 5 : i32
    %add3A_669 = arith.addi %add3A_667, %add3A_668 : i32
    %mul3A_670 = arith.constant 1024 : i32
    %mul3A_671 = arith.muli %add3A_669, %mul3A_670 : i32
    "tpu.region"() ({
      %run_scoped3A = tpu.sem_alloc : memref<!tpu.dma_semaphore, #tpu.memory_space<semaphore_mem>>
      %dma_start3A_906 = arith.constant 5120 : i32
      %dma_start3A_907 = tpu.memref_slice %arg14[%dma_start3A_906] : memref<32768xf32, #tpu.memory_space<vmem>> -> memref<1024xf32, #tpu.memory_space<vmem>>
      %dma_start3A_908 = tpu.memref_slice %arg5[%mul3A_671] : memref<1048576xf32, #tpu.memory_space<hbm>> -> memref<1024xf32, #tpu.memory_space<hbm>>
      %dma_start3A_909 = tpu.memref_slice %arg5[%mul3A_671] : memref<1048576xf32, #tpu.memory_space<hbm>> -> memref<1024xf32, #tpu.memory_space<hbm>>
      %dma_start3A_910 = arith.constant 5120 : i32
      %dma_start3A_911 = tpu.memref_slice %arg14[%dma_start3A_910] : memref<32768xf32, #tpu.memory_space<vmem>> -> memref<1024xf32, #tpu.memory_space<vmem>>
      tpu.enqueue_dma source(%dma_start3A_911 : memref<1024xf32, #tpu.memory_space<vmem>>) target(%dma_start3A_909 : memref<1024xf32, #tpu.memory_space<hbm>>) target_semaphore(%run_scoped3A : memref<!tpu.dma_semaphore, #tpu.memory_space<semaphore_mem>>)
      %dma_wait3A_912 = arith.constant 5120 : i32
      %dma_wait3A_913 = tpu.memref_slice %arg14[%dma_wait3A_912] : memref<32768xf32, #tpu.memory_space<vmem>> -> memref<1024xf32, #tpu.memory_space<vmem>>
      %dma_wait3A_914 = tpu.memref_slice %arg5[%mul3A_671] : memref<1048576xf32, #tpu.memory_space<hbm>> -> memref<1024xf32, #tpu.memory_space<hbm>>
      %dma_wait3A_915 = tpu.memref_slice %arg5[%mul3A_671] : memref<1048576xf32, #tpu.memory_space<hbm>> -> memref<1024xf32, #tpu.memory_space<hbm>>
      %dma_wait3A_916 = arith.constant 5120 : i32
      %dma_wait3A_917 = tpu.memref_slice %arg14[%dma_wait3A_916] : memref<32768xf32, #tpu.memory_space<vmem>> -> memref<1024xf32, #tpu.memory_space<vmem>>
      tpu.wait_dma2 semaphore(%run_scoped3A : memref<!tpu.dma_semaphore, #tpu.memory_space<semaphore_mem>>) src(%dma_wait3A_917 : memref<1024xf32, #tpu.memory_space<vmem>>) dst(%dma_wait3A_915 : memref<1024xf32, #tpu.memory_space<hbm>>)
      tpu.yield
    }) : () -> ()
    %mul3A_672 = arith.constant 64 : i32
    %mul3A_673 = arith.muli %add3A, %mul3A_672 : i32
    %mul3A_674 = arith.constant 32 : i32
    %mul3A_675 = arith.muli %select_n3A_30, %mul3A_674 : i32
    %add3A_676 = arith.addi %mul3A_673, %mul3A_675 : i32
    %add3A_677 = arith.constant 6 : i32
    %add3A_678 = arith.addi %add3A_676, %add3A_677 : i32
    %mul3A_679 = arith.constant 1024 : i32
    %mul3A_680 = arith.muli %add3A_678, %mul3A_679 : i32
    "tpu.region"() ({
      %run_scoped3A = tpu.sem_alloc : memref<!tpu.dma_semaphore, #tpu.memory_space<semaphore_mem>>
      %dma_start3A_906 = arith.constant 6144 : i32
      %dma_start3A_907 = tpu.memref_slice %arg14[%dma_start3A_906] : memref<32768xf32, #tpu.memory_space<vmem>> -> memref<1024xf32, #tpu.memory_space<vmem>>
      %dma_start3A_908 = tpu.memref_slice %arg5[%mul3A_680] : memref<1048576xf32, #tpu.memory_space<hbm>> -> memref<1024xf32, #tpu.memory_space<hbm>>
      %dma_start3A_909 = tpu.memref_slice %arg5[%mul3A_680] : memref<1048576xf32, #tpu.memory_space<hbm>> -> memref<1024xf32, #tpu.memory_space<hbm>>
      %dma_start3A_910 = arith.constant 6144 : i32
      %dma_start3A_911 = tpu.memref_slice %arg14[%dma_start3A_910] : memref<32768xf32, #tpu.memory_space<vmem>> -> memref<1024xf32, #tpu.memory_space<vmem>>
      tpu.enqueue_dma source(%dma_start3A_911 : memref<1024xf32, #tpu.memory_space<vmem>>) target(%dma_start3A_909 : memref<1024xf32, #tpu.memory_space<hbm>>) target_semaphore(%run_scoped3A : memref<!tpu.dma_semaphore, #tpu.memory_space<semaphore_mem>>)
      %dma_wait3A_912 = arith.constant 6144 : i32
      %dma_wait3A_913 = tpu.memref_slice %arg14[%dma_wait3A_912] : memref<32768xf32, #tpu.memory_space<vmem>> -> memref<1024xf32, #tpu.memory_space<vmem>>
      %dma_wait3A_914 = tpu.memref_slice %arg5[%mul3A_680] : memref<1048576xf32, #tpu.memory_space<hbm>> -> memref<1024xf32, #tpu.memory_space<hbm>>
      %dma_wait3A_915 = tpu.memref_slice %arg5[%mul3A_680] : memref<1048576xf32, #tpu.memory_space<hbm>> -> memref<1024xf32, #tpu.memory_space<hbm>>
      %dma_wait3A_916 = arith.constant 6144 : i32
      %dma_wait3A_917 = tpu.memref_slice %arg14[%dma_wait3A_916] : memref<32768xf32, #tpu.memory_space<vmem>> -> memref<1024xf32, #tpu.memory_space<vmem>>
      tpu.wait_dma2 semaphore(%run_scoped3A : memref<!tpu.dma_semaphore, #tpu.memory_space<semaphore_mem>>) src(%dma_wait3A_917 : memref<1024xf32, #tpu.memory_space<vmem>>) dst(%dma_wait3A_915 : memref<1024xf32, #tpu.memory_space<hbm>>)
      tpu.yield
    }) : () -> ()
    %mul3A_681 = arith.constant 64 : i32
    %mul3A_682 = arith.muli %add3A, %mul3A_681 : i32
    %mul3A_683 = arith.constant 32 : i32
    %mul3A_684 = arith.muli %select_n3A_30, %mul3A_683 : i32
    %add3A_685 = arith.addi %mul3A_682, %mul3A_684 : i32
    %add3A_686 = arith.constant 7 : i32
    %add3A_687 = arith.addi %add3A_685, %add3A_686 : i32
    %mul3A_688 = arith.constant 1024 : i32
    %mul3A_689 = arith.muli %add3A_687, %mul3A_688 : i32
    "tpu.region"() ({
      %run_scoped3A = tpu.sem_alloc : memref<!tpu.dma_semaphore, #tpu.memory_space<semaphore_mem>>
      %dma_start3A_906 = arith.constant 7168 : i32
      %dma_start3A_907 = tpu.memref_slice %arg14[%dma_start3A_906] : memref<32768xf32, #tpu.memory_space<vmem>> -> memref<1024xf32, #tpu.memory_space<vmem>>
      %dma_start3A_908 = tpu.memref_slice %arg5[%mul3A_689] : memref<1048576xf32, #tpu.memory_space<hbm>> -> memref<1024xf32, #tpu.memory_space<hbm>>
      %dma_start3A_909 = tpu.memref_slice %arg5[%mul3A_689] : memref<1048576xf32, #tpu.memory_space<hbm>> -> memref<1024xf32, #tpu.memory_space<hbm>>
      %dma_start3A_910 = arith.constant 7168 : i32
      %dma_start3A_911 = tpu.memref_slice %arg14[%dma_start3A_910] : memref<32768xf32, #tpu.memory_space<vmem>> -> memref<1024xf32, #tpu.memory_space<vmem>>
      tpu.enqueue_dma source(%dma_start3A_911 : memref<1024xf32, #tpu.memory_space<vmem>>) target(%dma_start3A_909 : memref<1024xf32, #tpu.memory_space<hbm>>) target_semaphore(%run_scoped3A : memref<!tpu.dma_semaphore, #tpu.memory_space<semaphore_mem>>)
      %dma_wait3A_912 = arith.constant 7168 : i32
      %dma_wait3A_913 = tpu.memref_slice %arg14[%dma_wait3A_912] : memref<32768xf32, #tpu.memory_space<vmem>> -> memref<1024xf32, #tpu.memory_space<vmem>>
      %dma_wait3A_914 = tpu.memref_slice %arg5[%mul3A_689] : memref<1048576xf32, #tpu.memory_space<hbm>> -> memref<1024xf32, #tpu.memory_space<hbm>>
      %dma_wait3A_915 = tpu.memref_slice %arg5[%mul3A_689] : memref<1048576xf32, #tpu.memory_space<hbm>> -> memref<1024xf32, #tpu.memory_space<hbm>>
      %dma_wait3A_916 = arith.constant 7168 : i32
      %dma_wait3A_917 = tpu.memref_slice %arg14[%dma_wait3A_916] : memref<32768xf32, #tpu.memory_space<vmem>> -> memref<1024xf32, #tpu.memory_space<vmem>>
      tpu.wait_dma2 semaphore(%run_scoped3A : memref<!tpu.dma_semaphore, #tpu.memory_space<semaphore_mem>>) src(%dma_wait3A_917 : memref<1024xf32, #tpu.memory_space<vmem>>) dst(%dma_wait3A_915 : memref<1024xf32, #tpu.memory_space<hbm>>)
      tpu.yield
    }) : () -> ()
    %mul3A_690 = arith.constant 64 : i32
    %mul3A_691 = arith.muli %add3A, %mul3A_690 : i32
    %mul3A_692 = arith.constant 32 : i32
    %mul3A_693 = arith.muli %select_n3A_30, %mul3A_692 : i32
    %add3A_694 = arith.addi %mul3A_691, %mul3A_693 : i32
    %add3A_695 = arith.constant 8 : i32
    %add3A_696 = arith.addi %add3A_694, %add3A_695 : i32
    %mul3A_697 = arith.constant 1024 : i32
    %mul3A_698 = arith.muli %add3A_696, %mul3A_697 : i32
    "tpu.region"() ({
      %run_scoped3A = tpu.sem_alloc : memref<!tpu.dma_semaphore, #tpu.memory_space<semaphore_mem>>
      %dma_start3A_906 = arith.constant 8192 : i32
      %dma_start3A_907 = tpu.memref_slice %arg14[%dma_start3A_906] : memref<32768xf32, #tpu.memory_space<vmem>> -> memref<1024xf32, #tpu.memory_space<vmem>>
      %dma_start3A_908 = tpu.memref_slice %arg5[%mul3A_698] : memref<1048576xf32, #tpu.memory_space<hbm>> -> memref<1024xf32, #tpu.memory_space<hbm>>
      %dma_start3A_909 = tpu.memref_slice %arg5[%mul3A_698] : memref<1048576xf32, #tpu.memory_space<hbm>> -> memref<1024xf32, #tpu.memory_space<hbm>>
      %dma_start3A_910 = arith.constant 8192 : i32
      %dma_start3A_911 = tpu.memref_slice %arg14[%dma_start3A_910] : memref<32768xf32, #tpu.memory_space<vmem>> -> memref<1024xf32, #tpu.memory_space<vmem>>
      tpu.enqueue_dma source(%dma_start3A_911 : memref<1024xf32, #tpu.memory_space<vmem>>) target(%dma_start3A_909 : memref<1024xf32, #tpu.memory_space<hbm>>) target_semaphore(%run_scoped3A : memref<!tpu.dma_semaphore, #tpu.memory_space<semaphore_mem>>)
      %dma_wait3A_912 = arith.constant 8192 : i32
      %dma_wait3A_913 = tpu.memref_slice %arg14[%dma_wait3A_912] : memref<32768xf32, #tpu.memory_space<vmem>> -> memref<1024xf32, #tpu.memory_space<vmem>>
      %dma_wait3A_914 = tpu.memref_slice %arg5[%mul3A_698] : memref<1048576xf32, #tpu.memory_space<hbm>> -> memref<1024xf32, #tpu.memory_space<hbm>>
      %dma_wait3A_915 = tpu.memref_slice %arg5[%mul3A_698] : memref<1048576xf32, #tpu.memory_space<hbm>> -> memref<1024xf32, #tpu.memory_space<hbm>>
      %dma_wait3A_916 = arith.constant 8192 : i32
      %dma_wait3A_917 = tpu.memref_slice %arg14[%dma_wait3A_916] : memref<32768xf32, #tpu.memory_space<vmem>> -> memref<1024xf32, #tpu.memory_space<vmem>>
      tpu.wait_dma2 semaphore(%run_scoped3A : memref<!tpu.dma_semaphore, #tpu.memory_space<semaphore_mem>>) src(%dma_wait3A_917 : memref<1024xf32, #tpu.memory_space<vmem>>) dst(%dma_wait3A_915 : memref<1024xf32, #tpu.memory_space<hbm>>)
      tpu.yield
    }) : () -> ()
    %mul3A_699 = arith.constant 64 : i32
    %mul3A_700 = arith.muli %add3A, %mul3A_699 : i32
    %mul3A_701 = arith.constant 32 : i32
    %mul3A_702 = arith.muli %select_n3A_30, %mul3A_701 : i32
    %add3A_703 = arith.addi %mul3A_700, %mul3A_702 : i32
    %add3A_704 = arith.constant 9 : i32
    %add3A_705 = arith.addi %add3A_703, %add3A_704 : i32
    %mul3A_706 = arith.constant 1024 : i32
    %mul3A_707 = arith.muli %add3A_705, %mul3A_706 : i32
    "tpu.region"() ({
      %run_scoped3A = tpu.sem_alloc : memref<!tpu.dma_semaphore, #tpu.memory_space<semaphore_mem>>
      %dma_start3A_906 = arith.constant 9216 : i32
      %dma_start3A_907 = tpu.memref_slice %arg14[%dma_start3A_906] : memref<32768xf32, #tpu.memory_space<vmem>> -> memref<1024xf32, #tpu.memory_space<vmem>>
      %dma_start3A_908 = tpu.memref_slice %arg5[%mul3A_707] : memref<1048576xf32, #tpu.memory_space<hbm>> -> memref<1024xf32, #tpu.memory_space<hbm>>
      %dma_start3A_909 = tpu.memref_slice %arg5[%mul3A_707] : memref<1048576xf32, #tpu.memory_space<hbm>> -> memref<1024xf32, #tpu.memory_space<hbm>>
      %dma_start3A_910 = arith.constant 9216 : i32
      %dma_start3A_911 = tpu.memref_slice %arg14[%dma_start3A_910] : memref<32768xf32, #tpu.memory_space<vmem>> -> memref<1024xf32, #tpu.memory_space<vmem>>
      tpu.enqueue_dma source(%dma_start3A_911 : memref<1024xf32, #tpu.memory_space<vmem>>) target(%dma_start3A_909 : memref<1024xf32, #tpu.memory_space<hbm>>) target_semaphore(%run_scoped3A : memref<!tpu.dma_semaphore, #tpu.memory_space<semaphore_mem>>)
      %dma_wait3A_912 = arith.constant 9216 : i32
      %dma_wait3A_913 = tpu.memref_slice %arg14[%dma_wait3A_912] : memref<32768xf32, #tpu.memory_space<vmem>> -> memref<1024xf32, #tpu.memory_space<vmem>>
      %dma_wait3A_914 = tpu.memref_slice %arg5[%mul3A_707] : memref<1048576xf32, #tpu.memory_space<hbm>> -> memref<1024xf32, #tpu.memory_space<hbm>>
      %dma_wait3A_915 = tpu.memref_slice %arg5[%mul3A_707] : memref<1048576xf32, #tpu.memory_space<hbm>> -> memref<1024xf32, #tpu.memory_space<hbm>>
      %dma_wait3A_916 = arith.constant 9216 : i32
      %dma_wait3A_917 = tpu.memref_slice %arg14[%dma_wait3A_916] : memref<32768xf32, #tpu.memory_space<vmem>> -> memref<1024xf32, #tpu.memory_space<vmem>>
      tpu.wait_dma2 semaphore(%run_scoped3A : memref<!tpu.dma_semaphore, #tpu.memory_space<semaphore_mem>>) src(%dma_wait3A_917 : memref<1024xf32, #tpu.memory_space<vmem>>) dst(%dma_wait3A_915 : memref<1024xf32, #tpu.memory_space<hbm>>)
      tpu.yield
    }) : () -> ()
    %mul3A_708 = arith.constant 64 : i32
    %mul3A_709 = arith.muli %add3A, %mul3A_708 : i32
    %mul3A_710 = arith.constant 32 : i32
    %mul3A_711 = arith.muli %select_n3A_30, %mul3A_710 : i32
    %add3A_712 = arith.addi %mul3A_709, %mul3A_711 : i32
    %add3A_713 = arith.constant 10 : i32
    %add3A_714 = arith.addi %add3A_712, %add3A_713 : i32
    %mul3A_715 = arith.constant 1024 : i32
    %mul3A_716 = arith.muli %add3A_714, %mul3A_715 : i32
    "tpu.region"() ({
      %run_scoped3A = tpu.sem_alloc : memref<!tpu.dma_semaphore, #tpu.memory_space<semaphore_mem>>
      %dma_start3A_906 = arith.constant 10240 : i32
      %dma_start3A_907 = tpu.memref_slice %arg14[%dma_start3A_906] : memref<32768xf32, #tpu.memory_space<vmem>> -> memref<1024xf32, #tpu.memory_space<vmem>>
      %dma_start3A_908 = tpu.memref_slice %arg5[%mul3A_716] : memref<1048576xf32, #tpu.memory_space<hbm>> -> memref<1024xf32, #tpu.memory_space<hbm>>
      %dma_start3A_909 = tpu.memref_slice %arg5[%mul3A_716] : memref<1048576xf32, #tpu.memory_space<hbm>> -> memref<1024xf32, #tpu.memory_space<hbm>>
      %dma_start3A_910 = arith.constant 10240 : i32
      %dma_start3A_911 = tpu.memref_slice %arg14[%dma_start3A_910] : memref<32768xf32, #tpu.memory_space<vmem>> -> memref<1024xf32, #tpu.memory_space<vmem>>
      tpu.enqueue_dma source(%dma_start3A_911 : memref<1024xf32, #tpu.memory_space<vmem>>) target(%dma_start3A_909 : memref<1024xf32, #tpu.memory_space<hbm>>) target_semaphore(%run_scoped3A : memref<!tpu.dma_semaphore, #tpu.memory_space<semaphore_mem>>)
      %dma_wait3A_912 = arith.constant 10240 : i32
      %dma_wait3A_913 = tpu.memref_slice %arg14[%dma_wait3A_912] : memref<32768xf32, #tpu.memory_space<vmem>> -> memref<1024xf32, #tpu.memory_space<vmem>>
      %dma_wait3A_914 = tpu.memref_slice %arg5[%mul3A_716] : memref<1048576xf32, #tpu.memory_space<hbm>> -> memref<1024xf32, #tpu.memory_space<hbm>>
      %dma_wait3A_915 = tpu.memref_slice %arg5[%mul3A_716] : memref<1048576xf32, #tpu.memory_space<hbm>> -> memref<1024xf32, #tpu.memory_space<hbm>>
      %dma_wait3A_916 = arith.constant 10240 : i32
      %dma_wait3A_917 = tpu.memref_slice %arg14[%dma_wait3A_916] : memref<32768xf32, #tpu.memory_space<vmem>> -> memref<1024xf32, #tpu.memory_space<vmem>>
      tpu.wait_dma2 semaphore(%run_scoped3A : memref<!tpu.dma_semaphore, #tpu.memory_space<semaphore_mem>>) src(%dma_wait3A_917 : memref<1024xf32, #tpu.memory_space<vmem>>) dst(%dma_wait3A_915 : memref<1024xf32, #tpu.memory_space<hbm>>)
      tpu.yield
    }) : () -> ()
    %mul3A_717 = arith.constant 64 : i32
    %mul3A_718 = arith.muli %add3A, %mul3A_717 : i32
    %mul3A_719 = arith.constant 32 : i32
    %mul3A_720 = arith.muli %select_n3A_30, %mul3A_719 : i32
    %add3A_721 = arith.addi %mul3A_718, %mul3A_720 : i32
    %add3A_722 = arith.constant 11 : i32
    %add3A_723 = arith.addi %add3A_721, %add3A_722 : i32
    %mul3A_724 = arith.constant 1024 : i32
    %mul3A_725 = arith.muli %add3A_723, %mul3A_724 : i32
    "tpu.region"() ({
      %run_scoped3A = tpu.sem_alloc : memref<!tpu.dma_semaphore, #tpu.memory_space<semaphore_mem>>
      %dma_start3A_906 = arith.constant 11264 : i32
      %dma_start3A_907 = tpu.memref_slice %arg14[%dma_start3A_906] : memref<32768xf32, #tpu.memory_space<vmem>> -> memref<1024xf32, #tpu.memory_space<vmem>>
      %dma_start3A_908 = tpu.memref_slice %arg5[%mul3A_725] : memref<1048576xf32, #tpu.memory_space<hbm>> -> memref<1024xf32, #tpu.memory_space<hbm>>
      %dma_start3A_909 = tpu.memref_slice %arg5[%mul3A_725] : memref<1048576xf32, #tpu.memory_space<hbm>> -> memref<1024xf32, #tpu.memory_space<hbm>>
      %dma_start3A_910 = arith.constant 11264 : i32
      %dma_start3A_911 = tpu.memref_slice %arg14[%dma_start3A_910] : memref<32768xf32, #tpu.memory_space<vmem>> -> memref<1024xf32, #tpu.memory_space<vmem>>
      tpu.enqueue_dma source(%dma_start3A_911 : memref<1024xf32, #tpu.memory_space<vmem>>) target(%dma_start3A_909 : memref<1024xf32, #tpu.memory_space<hbm>>) target_semaphore(%run_scoped3A : memref<!tpu.dma_semaphore, #tpu.memory_space<semaphore_mem>>)
      %dma_wait3A_912 = arith.constant 11264 : i32
      %dma_wait3A_913 = tpu.memref_slice %arg14[%dma_wait3A_912] : memref<32768xf32, #tpu.memory_space<vmem>> -> memref<1024xf32, #tpu.memory_space<vmem>>
      %dma_wait3A_914 = tpu.memref_slice %arg5[%mul3A_725] : memref<1048576xf32, #tpu.memory_space<hbm>> -> memref<1024xf32, #tpu.memory_space<hbm>>
      %dma_wait3A_915 = tpu.memref_slice %arg5[%mul3A_725] : memref<1048576xf32, #tpu.memory_space<hbm>> -> memref<1024xf32, #tpu.memory_space<hbm>>
      %dma_wait3A_916 = arith.constant 11264 : i32
      %dma_wait3A_917 = tpu.memref_slice %arg14[%dma_wait3A_916] : memref<32768xf32, #tpu.memory_space<vmem>> -> memref<1024xf32, #tpu.memory_space<vmem>>
      tpu.wait_dma2 semaphore(%run_scoped3A : memref<!tpu.dma_semaphore, #tpu.memory_space<semaphore_mem>>) src(%dma_wait3A_917 : memref<1024xf32, #tpu.memory_space<vmem>>) dst(%dma_wait3A_915 : memref<1024xf32, #tpu.memory_space<hbm>>)
      tpu.yield
    }) : () -> ()
    %mul3A_726 = arith.constant 64 : i32
    %mul3A_727 = arith.muli %add3A, %mul3A_726 : i32
    %mul3A_728 = arith.constant 32 : i32
    %mul3A_729 = arith.muli %select_n3A_30, %mul3A_728 : i32
    %add3A_730 = arith.addi %mul3A_727, %mul3A_729 : i32
    %add3A_731 = arith.constant 12 : i32
    %add3A_732 = arith.addi %add3A_730, %add3A_731 : i32
    %mul3A_733 = arith.constant 1024 : i32
    %mul3A_734 = arith.muli %add3A_732, %mul3A_733 : i32
    "tpu.region"() ({
      %run_scoped3A = tpu.sem_alloc : memref<!tpu.dma_semaphore, #tpu.memory_space<semaphore_mem>>
      %dma_start3A_906 = arith.constant 12288 : i32
      %dma_start3A_907 = tpu.memref_slice %arg14[%dma_start3A_906] : memref<32768xf32, #tpu.memory_space<vmem>> -> memref<1024xf32, #tpu.memory_space<vmem>>
      %dma_start3A_908 = tpu.memref_slice %arg5[%mul3A_734] : memref<1048576xf32, #tpu.memory_space<hbm>> -> memref<1024xf32, #tpu.memory_space<hbm>>
      %dma_start3A_909 = tpu.memref_slice %arg5[%mul3A_734] : memref<1048576xf32, #tpu.memory_space<hbm>> -> memref<1024xf32, #tpu.memory_space<hbm>>
      %dma_start3A_910 = arith.constant 12288 : i32
      %dma_start3A_911 = tpu.memref_slice %arg14[%dma_start3A_910] : memref<32768xf32, #tpu.memory_space<vmem>> -> memref<1024xf32, #tpu.memory_space<vmem>>
      tpu.enqueue_dma source(%dma_start3A_911 : memref<1024xf32, #tpu.memory_space<vmem>>) target(%dma_start3A_909 : memref<1024xf32, #tpu.memory_space<hbm>>) target_semaphore(%run_scoped3A : memref<!tpu.dma_semaphore, #tpu.memory_space<semaphore_mem>>)
      %dma_wait3A_912 = arith.constant 12288 : i32
      %dma_wait3A_913 = tpu.memref_slice %arg14[%dma_wait3A_912] : memref<32768xf32, #tpu.memory_space<vmem>> -> memref<1024xf32, #tpu.memory_space<vmem>>
      %dma_wait3A_914 = tpu.memref_slice %arg5[%mul3A_734] : memref<1048576xf32, #tpu.memory_space<hbm>> -> memref<1024xf32, #tpu.memory_space<hbm>>
      %dma_wait3A_915 = tpu.memref_slice %arg5[%mul3A_734] : memref<1048576xf32, #tpu.memory_space<hbm>> -> memref<1024xf32, #tpu.memory_space<hbm>>
      %dma_wait3A_916 = arith.constant 12288 : i32
      %dma_wait3A_917 = tpu.memref_slice %arg14[%dma_wait3A_916] : memref<32768xf32, #tpu.memory_space<vmem>> -> memref<1024xf32, #tpu.memory_space<vmem>>
      tpu.wait_dma2 semaphore(%run_scoped3A : memref<!tpu.dma_semaphore, #tpu.memory_space<semaphore_mem>>) src(%dma_wait3A_917 : memref<1024xf32, #tpu.memory_space<vmem>>) dst(%dma_wait3A_915 : memref<1024xf32, #tpu.memory_space<hbm>>)
      tpu.yield
    }) : () -> ()
    %mul3A_735 = arith.constant 64 : i32
    %mul3A_736 = arith.muli %add3A, %mul3A_735 : i32
    %mul3A_737 = arith.constant 32 : i32
    %mul3A_738 = arith.muli %select_n3A_30, %mul3A_737 : i32
    %add3A_739 = arith.addi %mul3A_736, %mul3A_738 : i32
    %add3A_740 = arith.constant 13 : i32
    %add3A_741 = arith.addi %add3A_739, %add3A_740 : i32
    %mul3A_742 = arith.constant 1024 : i32
    %mul3A_743 = arith.muli %add3A_741, %mul3A_742 : i32
    "tpu.region"() ({
      %run_scoped3A = tpu.sem_alloc : memref<!tpu.dma_semaphore, #tpu.memory_space<semaphore_mem>>
      %dma_start3A_906 = arith.constant 13312 : i32
      %dma_start3A_907 = tpu.memref_slice %arg14[%dma_start3A_906] : memref<32768xf32, #tpu.memory_space<vmem>> -> memref<1024xf32, #tpu.memory_space<vmem>>
      %dma_start3A_908 = tpu.memref_slice %arg5[%mul3A_743] : memref<1048576xf32, #tpu.memory_space<hbm>> -> memref<1024xf32, #tpu.memory_space<hbm>>
      %dma_start3A_909 = tpu.memref_slice %arg5[%mul3A_743] : memref<1048576xf32, #tpu.memory_space<hbm>> -> memref<1024xf32, #tpu.memory_space<hbm>>
      %dma_start3A_910 = arith.constant 13312 : i32
      %dma_start3A_911 = tpu.memref_slice %arg14[%dma_start3A_910] : memref<32768xf32, #tpu.memory_space<vmem>> -> memref<1024xf32, #tpu.memory_space<vmem>>
      tpu.enqueue_dma source(%dma_start3A_911 : memref<1024xf32, #tpu.memory_space<vmem>>) target(%dma_start3A_909 : memref<1024xf32, #tpu.memory_space<hbm>>) target_semaphore(%run_scoped3A : memref<!tpu.dma_semaphore, #tpu.memory_space<semaphore_mem>>)
      %dma_wait3A_912 = arith.constant 13312 : i32
      %dma_wait3A_913 = tpu.memref_slice %arg14[%dma_wait3A_912] : memref<32768xf32, #tpu.memory_space<vmem>> -> memref<1024xf32, #tpu.memory_space<vmem>>
      %dma_wait3A_914 = tpu.memref_slice %arg5[%mul3A_743] : memref<1048576xf32, #tpu.memory_space<hbm>> -> memref<1024xf32, #tpu.memory_space<hbm>>
      %dma_wait3A_915 = tpu.memref_slice %arg5[%mul3A_743] : memref<1048576xf32, #tpu.memory_space<hbm>> -> memref<1024xf32, #tpu.memory_space<hbm>>
      %dma_wait3A_916 = arith.constant 13312 : i32
      %dma_wait3A_917 = tpu.memref_slice %arg14[%dma_wait3A_916] : memref<32768xf32, #tpu.memory_space<vmem>> -> memref<1024xf32, #tpu.memory_space<vmem>>
      tpu.wait_dma2 semaphore(%run_scoped3A : memref<!tpu.dma_semaphore, #tpu.memory_space<semaphore_mem>>) src(%dma_wait3A_917 : memref<1024xf32, #tpu.memory_space<vmem>>) dst(%dma_wait3A_915 : memref<1024xf32, #tpu.memory_space<hbm>>)
      tpu.yield
    }) : () -> ()
    %mul3A_744 = arith.constant 64 : i32
    %mul3A_745 = arith.muli %add3A, %mul3A_744 : i32
    %mul3A_746 = arith.constant 32 : i32
    %mul3A_747 = arith.muli %select_n3A_30, %mul3A_746 : i32
    %add3A_748 = arith.addi %mul3A_745, %mul3A_747 : i32
    %add3A_749 = arith.constant 14 : i32
    %add3A_750 = arith.addi %add3A_748, %add3A_749 : i32
    %mul3A_751 = arith.constant 1024 : i32
    %mul3A_752 = arith.muli %add3A_750, %mul3A_751 : i32
    "tpu.region"() ({
      %run_scoped3A = tpu.sem_alloc : memref<!tpu.dma_semaphore, #tpu.memory_space<semaphore_mem>>
      %dma_start3A_906 = arith.constant 14336 : i32
      %dma_start3A_907 = tpu.memref_slice %arg14[%dma_start3A_906] : memref<32768xf32, #tpu.memory_space<vmem>> -> memref<1024xf32, #tpu.memory_space<vmem>>
      %dma_start3A_908 = tpu.memref_slice %arg5[%mul3A_752] : memref<1048576xf32, #tpu.memory_space<hbm>> -> memref<1024xf32, #tpu.memory_space<hbm>>
      %dma_start3A_909 = tpu.memref_slice %arg5[%mul3A_752] : memref<1048576xf32, #tpu.memory_space<hbm>> -> memref<1024xf32, #tpu.memory_space<hbm>>
      %dma_start3A_910 = arith.constant 14336 : i32
      %dma_start3A_911 = tpu.memref_slice %arg14[%dma_start3A_910] : memref<32768xf32, #tpu.memory_space<vmem>> -> memref<1024xf32, #tpu.memory_space<vmem>>
      tpu.enqueue_dma source(%dma_start3A_911 : memref<1024xf32, #tpu.memory_space<vmem>>) target(%dma_start3A_909 : memref<1024xf32, #tpu.memory_space<hbm>>) target_semaphore(%run_scoped3A : memref<!tpu.dma_semaphore, #tpu.memory_space<semaphore_mem>>)
      %dma_wait3A_912 = arith.constant 14336 : i32
      %dma_wait3A_913 = tpu.memref_slice %arg14[%dma_wait3A_912] : memref<32768xf32, #tpu.memory_space<vmem>> -> memref<1024xf32, #tpu.memory_space<vmem>>
      %dma_wait3A_914 = tpu.memref_slice %arg5[%mul3A_752] : memref<1048576xf32, #tpu.memory_space<hbm>> -> memref<1024xf32, #tpu.memory_space<hbm>>
      %dma_wait3A_915 = tpu.memref_slice %arg5[%mul3A_752] : memref<1048576xf32, #tpu.memory_space<hbm>> -> memref<1024xf32, #tpu.memory_space<hbm>>
      %dma_wait3A_916 = arith.constant 14336 : i32
      %dma_wait3A_917 = tpu.memref_slice %arg14[%dma_wait3A_916] : memref<32768xf32, #tpu.memory_space<vmem>> -> memref<1024xf32, #tpu.memory_space<vmem>>
      tpu.wait_dma2 semaphore(%run_scoped3A : memref<!tpu.dma_semaphore, #tpu.memory_space<semaphore_mem>>) src(%dma_wait3A_917 : memref<1024xf32, #tpu.memory_space<vmem>>) dst(%dma_wait3A_915 : memref<1024xf32, #tpu.memory_space<hbm>>)
      tpu.yield
    }) : () -> ()
    %mul3A_753 = arith.constant 64 : i32
    %mul3A_754 = arith.muli %add3A, %mul3A_753 : i32
    %mul3A_755 = arith.constant 32 : i32
    %mul3A_756 = arith.muli %select_n3A_30, %mul3A_755 : i32
    %add3A_757 = arith.addi %mul3A_754, %mul3A_756 : i32
    %add3A_758 = arith.constant 15 : i32
    %add3A_759 = arith.addi %add3A_757, %add3A_758 : i32
    %mul3A_760 = arith.constant 1024 : i32
    %mul3A_761 = arith.muli %add3A_759, %mul3A_760 : i32
    "tpu.region"() ({
      %run_scoped3A = tpu.sem_alloc : memref<!tpu.dma_semaphore, #tpu.memory_space<semaphore_mem>>
      %dma_start3A_906 = arith.constant 15360 : i32
      %dma_start3A_907 = tpu.memref_slice %arg14[%dma_start3A_906] : memref<32768xf32, #tpu.memory_space<vmem>> -> memref<1024xf32, #tpu.memory_space<vmem>>
      %dma_start3A_908 = tpu.memref_slice %arg5[%mul3A_761] : memref<1048576xf32, #tpu.memory_space<hbm>> -> memref<1024xf32, #tpu.memory_space<hbm>>
      %dma_start3A_909 = tpu.memref_slice %arg5[%mul3A_761] : memref<1048576xf32, #tpu.memory_space<hbm>> -> memref<1024xf32, #tpu.memory_space<hbm>>
      %dma_start3A_910 = arith.constant 15360 : i32
      %dma_start3A_911 = tpu.memref_slice %arg14[%dma_start3A_910] : memref<32768xf32, #tpu.memory_space<vmem>> -> memref<1024xf32, #tpu.memory_space<vmem>>
      tpu.enqueue_dma source(%dma_start3A_911 : memref<1024xf32, #tpu.memory_space<vmem>>) target(%dma_start3A_909 : memref<1024xf32, #tpu.memory_space<hbm>>) target_semaphore(%run_scoped3A : memref<!tpu.dma_semaphore, #tpu.memory_space<semaphore_mem>>)
      %dma_wait3A_912 = arith.constant 15360 : i32
      %dma_wait3A_913 = tpu.memref_slice %arg14[%dma_wait3A_912] : memref<32768xf32, #tpu.memory_space<vmem>> -> memref<1024xf32, #tpu.memory_space<vmem>>
      %dma_wait3A_914 = tpu.memref_slice %arg5[%mul3A_761] : memref<1048576xf32, #tpu.memory_space<hbm>> -> memref<1024xf32, #tpu.memory_space<hbm>>
      %dma_wait3A_915 = tpu.memref_slice %arg5[%mul3A_761] : memref<1048576xf32, #tpu.memory_space<hbm>> -> memref<1024xf32, #tpu.memory_space<hbm>>
      %dma_wait3A_916 = arith.constant 15360 : i32
      %dma_wait3A_917 = tpu.memref_slice %arg14[%dma_wait3A_916] : memref<32768xf32, #tpu.memory_space<vmem>> -> memref<1024xf32, #tpu.memory_space<vmem>>
      tpu.wait_dma2 semaphore(%run_scoped3A : memref<!tpu.dma_semaphore, #tpu.memory_space<semaphore_mem>>) src(%dma_wait3A_917 : memref<1024xf32, #tpu.memory_space<vmem>>) dst(%dma_wait3A_915 : memref<1024xf32, #tpu.memory_space<hbm>>)
      tpu.yield
    }) : () -> ()
    %mul3A_762 = arith.constant 64 : i32
    %mul3A_763 = arith.muli %add3A, %mul3A_762 : i32
    %mul3A_764 = arith.constant 32 : i32
    %mul3A_765 = arith.muli %select_n3A_30, %mul3A_764 : i32
    %add3A_766 = arith.addi %mul3A_763, %mul3A_765 : i32
    %add3A_767 = arith.constant 16 : i32
    %add3A_768 = arith.addi %add3A_766, %add3A_767 : i32
    %mul3A_769 = arith.constant 1024 : i32
    %mul3A_770 = arith.muli %add3A_768, %mul3A_769 : i32
    "tpu.region"() ({
      %run_scoped3A = tpu.sem_alloc : memref<!tpu.dma_semaphore, #tpu.memory_space<semaphore_mem>>
      %dma_start3A_906 = arith.constant 16384 : i32
      %dma_start3A_907 = tpu.memref_slice %arg14[%dma_start3A_906] : memref<32768xf32, #tpu.memory_space<vmem>> -> memref<1024xf32, #tpu.memory_space<vmem>>
      %dma_start3A_908 = tpu.memref_slice %arg5[%mul3A_770] : memref<1048576xf32, #tpu.memory_space<hbm>> -> memref<1024xf32, #tpu.memory_space<hbm>>
      %dma_start3A_909 = tpu.memref_slice %arg5[%mul3A_770] : memref<1048576xf32, #tpu.memory_space<hbm>> -> memref<1024xf32, #tpu.memory_space<hbm>>
      %dma_start3A_910 = arith.constant 16384 : i32
      %dma_start3A_911 = tpu.memref_slice %arg14[%dma_start3A_910] : memref<32768xf32, #tpu.memory_space<vmem>> -> memref<1024xf32, #tpu.memory_space<vmem>>
      tpu.enqueue_dma source(%dma_start3A_911 : memref<1024xf32, #tpu.memory_space<vmem>>) target(%dma_start3A_909 : memref<1024xf32, #tpu.memory_space<hbm>>) target_semaphore(%run_scoped3A : memref<!tpu.dma_semaphore, #tpu.memory_space<semaphore_mem>>)
      %dma_wait3A_912 = arith.constant 16384 : i32
      %dma_wait3A_913 = tpu.memref_slice %arg14[%dma_wait3A_912] : memref<32768xf32, #tpu.memory_space<vmem>> -> memref<1024xf32, #tpu.memory_space<vmem>>
      %dma_wait3A_914 = tpu.memref_slice %arg5[%mul3A_770] : memref<1048576xf32, #tpu.memory_space<hbm>> -> memref<1024xf32, #tpu.memory_space<hbm>>
      %dma_wait3A_915 = tpu.memref_slice %arg5[%mul3A_770] : memref<1048576xf32, #tpu.memory_space<hbm>> -> memref<1024xf32, #tpu.memory_space<hbm>>
      %dma_wait3A_916 = arith.constant 16384 : i32
      %dma_wait3A_917 = tpu.memref_slice %arg14[%dma_wait3A_916] : memref<32768xf32, #tpu.memory_space<vmem>> -> memref<1024xf32, #tpu.memory_space<vmem>>
      tpu.wait_dma2 semaphore(%run_scoped3A : memref<!tpu.dma_semaphore, #tpu.memory_space<semaphore_mem>>) src(%dma_wait3A_917 : memref<1024xf32, #tpu.memory_space<vmem>>) dst(%dma_wait3A_915 : memref<1024xf32, #tpu.memory_space<hbm>>)
      tpu.yield
    }) : () -> ()
    %mul3A_771 = arith.constant 64 : i32
    %mul3A_772 = arith.muli %add3A, %mul3A_771 : i32
    %mul3A_773 = arith.constant 32 : i32
    %mul3A_774 = arith.muli %select_n3A_30, %mul3A_773 : i32
    %add3A_775 = arith.addi %mul3A_772, %mul3A_774 : i32
    %add3A_776 = arith.constant 17 : i32
    %add3A_777 = arith.addi %add3A_775, %add3A_776 : i32
    %mul3A_778 = arith.constant 1024 : i32
    %mul3A_779 = arith.muli %add3A_777, %mul3A_778 : i32
    "tpu.region"() ({
      %run_scoped3A = tpu.sem_alloc : memref<!tpu.dma_semaphore, #tpu.memory_space<semaphore_mem>>
      %dma_start3A_906 = arith.constant 17408 : i32
      %dma_start3A_907 = tpu.memref_slice %arg14[%dma_start3A_906] : memref<32768xf32, #tpu.memory_space<vmem>> -> memref<1024xf32, #tpu.memory_space<vmem>>
      %dma_start3A_908 = tpu.memref_slice %arg5[%mul3A_779] : memref<1048576xf32, #tpu.memory_space<hbm>> -> memref<1024xf32, #tpu.memory_space<hbm>>
      %dma_start3A_909 = tpu.memref_slice %arg5[%mul3A_779] : memref<1048576xf32, #tpu.memory_space<hbm>> -> memref<1024xf32, #tpu.memory_space<hbm>>
      %dma_start3A_910 = arith.constant 17408 : i32
      %dma_start3A_911 = tpu.memref_slice %arg14[%dma_start3A_910] : memref<32768xf32, #tpu.memory_space<vmem>> -> memref<1024xf32, #tpu.memory_space<vmem>>
      tpu.enqueue_dma source(%dma_start3A_911 : memref<1024xf32, #tpu.memory_space<vmem>>) target(%dma_start3A_909 : memref<1024xf32, #tpu.memory_space<hbm>>) target_semaphore(%run_scoped3A : memref<!tpu.dma_semaphore, #tpu.memory_space<semaphore_mem>>)
      %dma_wait3A_912 = arith.constant 17408 : i32
      %dma_wait3A_913 = tpu.memref_slice %arg14[%dma_wait3A_912] : memref<32768xf32, #tpu.memory_space<vmem>> -> memref<1024xf32, #tpu.memory_space<vmem>>
      %dma_wait3A_914 = tpu.memref_slice %arg5[%mul3A_779] : memref<1048576xf32, #tpu.memory_space<hbm>> -> memref<1024xf32, #tpu.memory_space<hbm>>
      %dma_wait3A_915 = tpu.memref_slice %arg5[%mul3A_779] : memref<1048576xf32, #tpu.memory_space<hbm>> -> memref<1024xf32, #tpu.memory_space<hbm>>
      %dma_wait3A_916 = arith.constant 17408 : i32
      %dma_wait3A_917 = tpu.memref_slice %arg14[%dma_wait3A_916] : memref<32768xf32, #tpu.memory_space<vmem>> -> memref<1024xf32, #tpu.memory_space<vmem>>
      tpu.wait_dma2 semaphore(%run_scoped3A : memref<!tpu.dma_semaphore, #tpu.memory_space<semaphore_mem>>) src(%dma_wait3A_917 : memref<1024xf32, #tpu.memory_space<vmem>>) dst(%dma_wait3A_915 : memref<1024xf32, #tpu.memory_space<hbm>>)
      tpu.yield
    }) : () -> ()
    %mul3A_780 = arith.constant 64 : i32
    %mul3A_781 = arith.muli %add3A, %mul3A_780 : i32
    %mul3A_782 = arith.constant 32 : i32
    %mul3A_783 = arith.muli %select_n3A_30, %mul3A_782 : i32
    %add3A_784 = arith.addi %mul3A_781, %mul3A_783 : i32
    %add3A_785 = arith.constant 18 : i32
    %add3A_786 = arith.addi %add3A_784, %add3A_785 : i32
    %mul3A_787 = arith.constant 1024 : i32
    %mul3A_788 = arith.muli %add3A_786, %mul3A_787 : i32
    "tpu.region"() ({
      %run_scoped3A = tpu.sem_alloc : memref<!tpu.dma_semaphore, #tpu.memory_space<semaphore_mem>>
      %dma_start3A_906 = arith.constant 18432 : i32
      %dma_start3A_907 = tpu.memref_slice %arg14[%dma_start3A_906] : memref<32768xf32, #tpu.memory_space<vmem>> -> memref<1024xf32, #tpu.memory_space<vmem>>
      %dma_start3A_908 = tpu.memref_slice %arg5[%mul3A_788] : memref<1048576xf32, #tpu.memory_space<hbm>> -> memref<1024xf32, #tpu.memory_space<hbm>>
      %dma_start3A_909 = tpu.memref_slice %arg5[%mul3A_788] : memref<1048576xf32, #tpu.memory_space<hbm>> -> memref<1024xf32, #tpu.memory_space<hbm>>
      %dma_start3A_910 = arith.constant 18432 : i32
      %dma_start3A_911 = tpu.memref_slice %arg14[%dma_start3A_910] : memref<32768xf32, #tpu.memory_space<vmem>> -> memref<1024xf32, #tpu.memory_space<vmem>>
      tpu.enqueue_dma source(%dma_start3A_911 : memref<1024xf32, #tpu.memory_space<vmem>>) target(%dma_start3A_909 : memref<1024xf32, #tpu.memory_space<hbm>>) target_semaphore(%run_scoped3A : memref<!tpu.dma_semaphore, #tpu.memory_space<semaphore_mem>>)
      %dma_wait3A_912 = arith.constant 18432 : i32
      %dma_wait3A_913 = tpu.memref_slice %arg14[%dma_wait3A_912] : memref<32768xf32, #tpu.memory_space<vmem>> -> memref<1024xf32, #tpu.memory_space<vmem>>
      %dma_wait3A_914 = tpu.memref_slice %arg5[%mul3A_788] : memref<1048576xf32, #tpu.memory_space<hbm>> -> memref<1024xf32, #tpu.memory_space<hbm>>
      %dma_wait3A_915 = tpu.memref_slice %arg5[%mul3A_788] : memref<1048576xf32, #tpu.memory_space<hbm>> -> memref<1024xf32, #tpu.memory_space<hbm>>
      %dma_wait3A_916 = arith.constant 18432 : i32
      %dma_wait3A_917 = tpu.memref_slice %arg14[%dma_wait3A_916] : memref<32768xf32, #tpu.memory_space<vmem>> -> memref<1024xf32, #tpu.memory_space<vmem>>
      tpu.wait_dma2 semaphore(%run_scoped3A : memref<!tpu.dma_semaphore, #tpu.memory_space<semaphore_mem>>) src(%dma_wait3A_917 : memref<1024xf32, #tpu.memory_space<vmem>>) dst(%dma_wait3A_915 : memref<1024xf32, #tpu.memory_space<hbm>>)
      tpu.yield
    }) : () -> ()
    %mul3A_789 = arith.constant 64 : i32
    %mul3A_790 = arith.muli %add3A, %mul3A_789 : i32
    %mul3A_791 = arith.constant 32 : i32
    %mul3A_792 = arith.muli %select_n3A_30, %mul3A_791 : i32
    %add3A_793 = arith.addi %mul3A_790, %mul3A_792 : i32
    %add3A_794 = arith.constant 19 : i32
    %add3A_795 = arith.addi %add3A_793, %add3A_794 : i32
    %mul3A_796 = arith.constant 1024 : i32
    %mul3A_797 = arith.muli %add3A_795, %mul3A_796 : i32
    "tpu.region"() ({
      %run_scoped3A = tpu.sem_alloc : memref<!tpu.dma_semaphore, #tpu.memory_space<semaphore_mem>>
      %dma_start3A_906 = arith.constant 19456 : i32
      %dma_start3A_907 = tpu.memref_slice %arg14[%dma_start3A_906] : memref<32768xf32, #tpu.memory_space<vmem>> -> memref<1024xf32, #tpu.memory_space<vmem>>
      %dma_start3A_908 = tpu.memref_slice %arg5[%mul3A_797] : memref<1048576xf32, #tpu.memory_space<hbm>> -> memref<1024xf32, #tpu.memory_space<hbm>>
      %dma_start3A_909 = tpu.memref_slice %arg5[%mul3A_797] : memref<1048576xf32, #tpu.memory_space<hbm>> -> memref<1024xf32, #tpu.memory_space<hbm>>
      %dma_start3A_910 = arith.constant 19456 : i32
      %dma_start3A_911 = tpu.memref_slice %arg14[%dma_start3A_910] : memref<32768xf32, #tpu.memory_space<vmem>> -> memref<1024xf32, #tpu.memory_space<vmem>>
      tpu.enqueue_dma source(%dma_start3A_911 : memref<1024xf32, #tpu.memory_space<vmem>>) target(%dma_start3A_909 : memref<1024xf32, #tpu.memory_space<hbm>>) target_semaphore(%run_scoped3A : memref<!tpu.dma_semaphore, #tpu.memory_space<semaphore_mem>>)
      %dma_wait3A_912 = arith.constant 19456 : i32
      %dma_wait3A_913 = tpu.memref_slice %arg14[%dma_wait3A_912] : memref<32768xf32, #tpu.memory_space<vmem>> -> memref<1024xf32, #tpu.memory_space<vmem>>
      %dma_wait3A_914 = tpu.memref_slice %arg5[%mul3A_797] : memref<1048576xf32, #tpu.memory_space<hbm>> -> memref<1024xf32, #tpu.memory_space<hbm>>
      %dma_wait3A_915 = tpu.memref_slice %arg5[%mul3A_797] : memref<1048576xf32, #tpu.memory_space<hbm>> -> memref<1024xf32, #tpu.memory_space<hbm>>
      %dma_wait3A_916 = arith.constant 19456 : i32
      %dma_wait3A_917 = tpu.memref_slice %arg14[%dma_wait3A_916] : memref<32768xf32, #tpu.memory_space<vmem>> -> memref<1024xf32, #tpu.memory_space<vmem>>
      tpu.wait_dma2 semaphore(%run_scoped3A : memref<!tpu.dma_semaphore, #tpu.memory_space<semaphore_mem>>) src(%dma_wait3A_917 : memref<1024xf32, #tpu.memory_space<vmem>>) dst(%dma_wait3A_915 : memref<1024xf32, #tpu.memory_space<hbm>>)
      tpu.yield
    }) : () -> ()
    %mul3A_798 = arith.constant 64 : i32
    %mul3A_799 = arith.muli %add3A, %mul3A_798 : i32
    %mul3A_800 = arith.constant 32 : i32
    %mul3A_801 = arith.muli %select_n3A_30, %mul3A_800 : i32
    %add3A_802 = arith.addi %mul3A_799, %mul3A_801 : i32
    %add3A_803 = arith.constant 20 : i32
    %add3A_804 = arith.addi %add3A_802, %add3A_803 : i32
    %mul3A_805 = arith.constant 1024 : i32
    %mul3A_806 = arith.muli %add3A_804, %mul3A_805 : i32
    "tpu.region"() ({
      %run_scoped3A = tpu.sem_alloc : memref<!tpu.dma_semaphore, #tpu.memory_space<semaphore_mem>>
      %dma_start3A_906 = arith.constant 20480 : i32
      %dma_start3A_907 = tpu.memref_slice %arg14[%dma_start3A_906] : memref<32768xf32, #tpu.memory_space<vmem>> -> memref<1024xf32, #tpu.memory_space<vmem>>
      %dma_start3A_908 = tpu.memref_slice %arg5[%mul3A_806] : memref<1048576xf32, #tpu.memory_space<hbm>> -> memref<1024xf32, #tpu.memory_space<hbm>>
      %dma_start3A_909 = tpu.memref_slice %arg5[%mul3A_806] : memref<1048576xf32, #tpu.memory_space<hbm>> -> memref<1024xf32, #tpu.memory_space<hbm>>
      %dma_start3A_910 = arith.constant 20480 : i32
      %dma_start3A_911 = tpu.memref_slice %arg14[%dma_start3A_910] : memref<32768xf32, #tpu.memory_space<vmem>> -> memref<1024xf32, #tpu.memory_space<vmem>>
      tpu.enqueue_dma source(%dma_start3A_911 : memref<1024xf32, #tpu.memory_space<vmem>>) target(%dma_start3A_909 : memref<1024xf32, #tpu.memory_space<hbm>>) target_semaphore(%run_scoped3A : memref<!tpu.dma_semaphore, #tpu.memory_space<semaphore_mem>>)
      %dma_wait3A_912 = arith.constant 20480 : i32
      %dma_wait3A_913 = tpu.memref_slice %arg14[%dma_wait3A_912] : memref<32768xf32, #tpu.memory_space<vmem>> -> memref<1024xf32, #tpu.memory_space<vmem>>
      %dma_wait3A_914 = tpu.memref_slice %arg5[%mul3A_806] : memref<1048576xf32, #tpu.memory_space<hbm>> -> memref<1024xf32, #tpu.memory_space<hbm>>
      %dma_wait3A_915 = tpu.memref_slice %arg5[%mul3A_806] : memref<1048576xf32, #tpu.memory_space<hbm>> -> memref<1024xf32, #tpu.memory_space<hbm>>
      %dma_wait3A_916 = arith.constant 20480 : i32
      %dma_wait3A_917 = tpu.memref_slice %arg14[%dma_wait3A_916] : memref<32768xf32, #tpu.memory_space<vmem>> -> memref<1024xf32, #tpu.memory_space<vmem>>
      tpu.wait_dma2 semaphore(%run_scoped3A : memref<!tpu.dma_semaphore, #tpu.memory_space<semaphore_mem>>) src(%dma_wait3A_917 : memref<1024xf32, #tpu.memory_space<vmem>>) dst(%dma_wait3A_915 : memref<1024xf32, #tpu.memory_space<hbm>>)
      tpu.yield
    }) : () -> ()
    %mul3A_807 = arith.constant 64 : i32
    %mul3A_808 = arith.muli %add3A, %mul3A_807 : i32
    %mul3A_809 = arith.constant 32 : i32
    %mul3A_810 = arith.muli %select_n3A_30, %mul3A_809 : i32
    %add3A_811 = arith.addi %mul3A_808, %mul3A_810 : i32
    %add3A_812 = arith.constant 21 : i32
    %add3A_813 = arith.addi %add3A_811, %add3A_812 : i32
    %mul3A_814 = arith.constant 1024 : i32
    %mul3A_815 = arith.muli %add3A_813, %mul3A_814 : i32
    "tpu.region"() ({
      %run_scoped3A = tpu.sem_alloc : memref<!tpu.dma_semaphore, #tpu.memory_space<semaphore_mem>>
      %dma_start3A_906 = arith.constant 21504 : i32
      %dma_start3A_907 = tpu.memref_slice %arg14[%dma_start3A_906] : memref<32768xf32, #tpu.memory_space<vmem>> -> memref<1024xf32, #tpu.memory_space<vmem>>
      %dma_start3A_908 = tpu.memref_slice %arg5[%mul3A_815] : memref<1048576xf32, #tpu.memory_space<hbm>> -> memref<1024xf32, #tpu.memory_space<hbm>>
      %dma_start3A_909 = tpu.memref_slice %arg5[%mul3A_815] : memref<1048576xf32, #tpu.memory_space<hbm>> -> memref<1024xf32, #tpu.memory_space<hbm>>
      %dma_start3A_910 = arith.constant 21504 : i32
      %dma_start3A_911 = tpu.memref_slice %arg14[%dma_start3A_910] : memref<32768xf32, #tpu.memory_space<vmem>> -> memref<1024xf32, #tpu.memory_space<vmem>>
      tpu.enqueue_dma source(%dma_start3A_911 : memref<1024xf32, #tpu.memory_space<vmem>>) target(%dma_start3A_909 : memref<1024xf32, #tpu.memory_space<hbm>>) target_semaphore(%run_scoped3A : memref<!tpu.dma_semaphore, #tpu.memory_space<semaphore_mem>>)
      %dma_wait3A_912 = arith.constant 21504 : i32
      %dma_wait3A_913 = tpu.memref_slice %arg14[%dma_wait3A_912] : memref<32768xf32, #tpu.memory_space<vmem>> -> memref<1024xf32, #tpu.memory_space<vmem>>
      %dma_wait3A_914 = tpu.memref_slice %arg5[%mul3A_815] : memref<1048576xf32, #tpu.memory_space<hbm>> -> memref<1024xf32, #tpu.memory_space<hbm>>
      %dma_wait3A_915 = tpu.memref_slice %arg5[%mul3A_815] : memref<1048576xf32, #tpu.memory_space<hbm>> -> memref<1024xf32, #tpu.memory_space<hbm>>
      %dma_wait3A_916 = arith.constant 21504 : i32
      %dma_wait3A_917 = tpu.memref_slice %arg14[%dma_wait3A_916] : memref<32768xf32, #tpu.memory_space<vmem>> -> memref<1024xf32, #tpu.memory_space<vmem>>
      tpu.wait_dma2 semaphore(%run_scoped3A : memref<!tpu.dma_semaphore, #tpu.memory_space<semaphore_mem>>) src(%dma_wait3A_917 : memref<1024xf32, #tpu.memory_space<vmem>>) dst(%dma_wait3A_915 : memref<1024xf32, #tpu.memory_space<hbm>>)
      tpu.yield
    }) : () -> ()
    %mul3A_816 = arith.constant 64 : i32
    %mul3A_817 = arith.muli %add3A, %mul3A_816 : i32
    %mul3A_818 = arith.constant 32 : i32
    %mul3A_819 = arith.muli %select_n3A_30, %mul3A_818 : i32
    %add3A_820 = arith.addi %mul3A_817, %mul3A_819 : i32
    %add3A_821 = arith.constant 22 : i32
    %add3A_822 = arith.addi %add3A_820, %add3A_821 : i32
    %mul3A_823 = arith.constant 1024 : i32
    %mul3A_824 = arith.muli %add3A_822, %mul3A_823 : i32
    "tpu.region"() ({
      %run_scoped3A = tpu.sem_alloc : memref<!tpu.dma_semaphore, #tpu.memory_space<semaphore_mem>>
      %dma_start3A_906 = arith.constant 22528 : i32
      %dma_start3A_907 = tpu.memref_slice %arg14[%dma_start3A_906] : memref<32768xf32, #tpu.memory_space<vmem>> -> memref<1024xf32, #tpu.memory_space<vmem>>
      %dma_start3A_908 = tpu.memref_slice %arg5[%mul3A_824] : memref<1048576xf32, #tpu.memory_space<hbm>> -> memref<1024xf32, #tpu.memory_space<hbm>>
      %dma_start3A_909 = tpu.memref_slice %arg5[%mul3A_824] : memref<1048576xf32, #tpu.memory_space<hbm>> -> memref<1024xf32, #tpu.memory_space<hbm>>
      %dma_start3A_910 = arith.constant 22528 : i32
      %dma_start3A_911 = tpu.memref_slice %arg14[%dma_start3A_910] : memref<32768xf32, #tpu.memory_space<vmem>> -> memref<1024xf32, #tpu.memory_space<vmem>>
      tpu.enqueue_dma source(%dma_start3A_911 : memref<1024xf32, #tpu.memory_space<vmem>>) target(%dma_start3A_909 : memref<1024xf32, #tpu.memory_space<hbm>>) target_semaphore(%run_scoped3A : memref<!tpu.dma_semaphore, #tpu.memory_space<semaphore_mem>>)
      %dma_wait3A_912 = arith.constant 22528 : i32
      %dma_wait3A_913 = tpu.memref_slice %arg14[%dma_wait3A_912] : memref<32768xf32, #tpu.memory_space<vmem>> -> memref<1024xf32, #tpu.memory_space<vmem>>
      %dma_wait3A_914 = tpu.memref_slice %arg5[%mul3A_824] : memref<1048576xf32, #tpu.memory_space<hbm>> -> memref<1024xf32, #tpu.memory_space<hbm>>
      %dma_wait3A_915 = tpu.memref_slice %arg5[%mul3A_824] : memref<1048576xf32, #tpu.memory_space<hbm>> -> memref<1024xf32, #tpu.memory_space<hbm>>
      %dma_wait3A_916 = arith.constant 22528 : i32
      %dma_wait3A_917 = tpu.memref_slice %arg14[%dma_wait3A_916] : memref<32768xf32, #tpu.memory_space<vmem>> -> memref<1024xf32, #tpu.memory_space<vmem>>
      tpu.wait_dma2 semaphore(%run_scoped3A : memref<!tpu.dma_semaphore, #tpu.memory_space<semaphore_mem>>) src(%dma_wait3A_917 : memref<1024xf32, #tpu.memory_space<vmem>>) dst(%dma_wait3A_915 : memref<1024xf32, #tpu.memory_space<hbm>>)
      tpu.yield
    }) : () -> ()
    %mul3A_825 = arith.constant 64 : i32
    %mul3A_826 = arith.muli %add3A, %mul3A_825 : i32
    %mul3A_827 = arith.constant 32 : i32
    %mul3A_828 = arith.muli %select_n3A_30, %mul3A_827 : i32
    %add3A_829 = arith.addi %mul3A_826, %mul3A_828 : i32
    %add3A_830 = arith.constant 23 : i32
    %add3A_831 = arith.addi %add3A_829, %add3A_830 : i32
    %mul3A_832 = arith.constant 1024 : i32
    %mul3A_833 = arith.muli %add3A_831, %mul3A_832 : i32
    "tpu.region"() ({
      %run_scoped3A = tpu.sem_alloc : memref<!tpu.dma_semaphore, #tpu.memory_space<semaphore_mem>>
      %dma_start3A_906 = arith.constant 23552 : i32
      %dma_start3A_907 = tpu.memref_slice %arg14[%dma_start3A_906] : memref<32768xf32, #tpu.memory_space<vmem>> -> memref<1024xf32, #tpu.memory_space<vmem>>
      %dma_start3A_908 = tpu.memref_slice %arg5[%mul3A_833] : memref<1048576xf32, #tpu.memory_space<hbm>> -> memref<1024xf32, #tpu.memory_space<hbm>>
      %dma_start3A_909 = tpu.memref_slice %arg5[%mul3A_833] : memref<1048576xf32, #tpu.memory_space<hbm>> -> memref<1024xf32, #tpu.memory_space<hbm>>
      %dma_start3A_910 = arith.constant 23552 : i32
      %dma_start3A_911 = tpu.memref_slice %arg14[%dma_start3A_910] : memref<32768xf32, #tpu.memory_space<vmem>> -> memref<1024xf32, #tpu.memory_space<vmem>>
      tpu.enqueue_dma source(%dma_start3A_911 : memref<1024xf32, #tpu.memory_space<vmem>>) target(%dma_start3A_909 : memref<1024xf32, #tpu.memory_space<hbm>>) target_semaphore(%run_scoped3A : memref<!tpu.dma_semaphore, #tpu.memory_space<semaphore_mem>>)
      %dma_wait3A_912 = arith.constant 23552 : i32
      %dma_wait3A_913 = tpu.memref_slice %arg14[%dma_wait3A_912] : memref<32768xf32, #tpu.memory_space<vmem>> -> memref<1024xf32, #tpu.memory_space<vmem>>
      %dma_wait3A_914 = tpu.memref_slice %arg5[%mul3A_833] : memref<1048576xf32, #tpu.memory_space<hbm>> -> memref<1024xf32, #tpu.memory_space<hbm>>
      %dma_wait3A_915 = tpu.memref_slice %arg5[%mul3A_833] : memref<1048576xf32, #tpu.memory_space<hbm>> -> memref<1024xf32, #tpu.memory_space<hbm>>
      %dma_wait3A_916 = arith.constant 23552 : i32
      %dma_wait3A_917 = tpu.memref_slice %arg14[%dma_wait3A_916] : memref<32768xf32, #tpu.memory_space<vmem>> -> memref<1024xf32, #tpu.memory_space<vmem>>
      tpu.wait_dma2 semaphore(%run_scoped3A : memref<!tpu.dma_semaphore, #tpu.memory_space<semaphore_mem>>) src(%dma_wait3A_917 : memref<1024xf32, #tpu.memory_space<vmem>>) dst(%dma_wait3A_915 : memref<1024xf32, #tpu.memory_space<hbm>>)
      tpu.yield
    }) : () -> ()
    %mul3A_834 = arith.constant 64 : i32
    %mul3A_835 = arith.muli %add3A, %mul3A_834 : i32
    %mul3A_836 = arith.constant 32 : i32
    %mul3A_837 = arith.muli %select_n3A_30, %mul3A_836 : i32
    %add3A_838 = arith.addi %mul3A_835, %mul3A_837 : i32
    %add3A_839 = arith.constant 24 : i32
    %add3A_840 = arith.addi %add3A_838, %add3A_839 : i32
    %mul3A_841 = arith.constant 1024 : i32
    %mul3A_842 = arith.muli %add3A_840, %mul3A_841 : i32
    "tpu.region"() ({
      %run_scoped3A = tpu.sem_alloc : memref<!tpu.dma_semaphore, #tpu.memory_space<semaphore_mem>>
      %dma_start3A_906 = arith.constant 24576 : i32
      %dma_start3A_907 = tpu.memref_slice %arg14[%dma_start3A_906] : memref<32768xf32, #tpu.memory_space<vmem>> -> memref<1024xf32, #tpu.memory_space<vmem>>
      %dma_start3A_908 = tpu.memref_slice %arg5[%mul3A_842] : memref<1048576xf32, #tpu.memory_space<hbm>> -> memref<1024xf32, #tpu.memory_space<hbm>>
      %dma_start3A_909 = tpu.memref_slice %arg5[%mul3A_842] : memref<1048576xf32, #tpu.memory_space<hbm>> -> memref<1024xf32, #tpu.memory_space<hbm>>
      %dma_start3A_910 = arith.constant 24576 : i32
      %dma_start3A_911 = tpu.memref_slice %arg14[%dma_start3A_910] : memref<32768xf32, #tpu.memory_space<vmem>> -> memref<1024xf32, #tpu.memory_space<vmem>>
      tpu.enqueue_dma source(%dma_start3A_911 : memref<1024xf32, #tpu.memory_space<vmem>>) target(%dma_start3A_909 : memref<1024xf32, #tpu.memory_space<hbm>>) target_semaphore(%run_scoped3A : memref<!tpu.dma_semaphore, #tpu.memory_space<semaphore_mem>>)
      %dma_wait3A_912 = arith.constant 24576 : i32
      %dma_wait3A_913 = tpu.memref_slice %arg14[%dma_wait3A_912] : memref<32768xf32, #tpu.memory_space<vmem>> -> memref<1024xf32, #tpu.memory_space<vmem>>
      %dma_wait3A_914 = tpu.memref_slice %arg5[%mul3A_842] : memref<1048576xf32, #tpu.memory_space<hbm>> -> memref<1024xf32, #tpu.memory_space<hbm>>
      %dma_wait3A_915 = tpu.memref_slice %arg5[%mul3A_842] : memref<1048576xf32, #tpu.memory_space<hbm>> -> memref<1024xf32, #tpu.memory_space<hbm>>
      %dma_wait3A_916 = arith.constant 24576 : i32
      %dma_wait3A_917 = tpu.memref_slice %arg14[%dma_wait3A_916] : memref<32768xf32, #tpu.memory_space<vmem>> -> memref<1024xf32, #tpu.memory_space<vmem>>
      tpu.wait_dma2 semaphore(%run_scoped3A : memref<!tpu.dma_semaphore, #tpu.memory_space<semaphore_mem>>) src(%dma_wait3A_917 : memref<1024xf32, #tpu.memory_space<vmem>>) dst(%dma_wait3A_915 : memref<1024xf32, #tpu.memory_space<hbm>>)
      tpu.yield
    }) : () -> ()
    %mul3A_843 = arith.constant 64 : i32
    %mul3A_844 = arith.muli %add3A, %mul3A_843 : i32
    %mul3A_845 = arith.constant 32 : i32
    %mul3A_846 = arith.muli %select_n3A_30, %mul3A_845 : i32
    %add3A_847 = arith.addi %mul3A_844, %mul3A_846 : i32
    %add3A_848 = arith.constant 25 : i32
    %add3A_849 = arith.addi %add3A_847, %add3A_848 : i32
    %mul3A_850 = arith.constant 1024 : i32
    %mul3A_851 = arith.muli %add3A_849, %mul3A_850 : i32
    "tpu.region"() ({
      %run_scoped3A = tpu.sem_alloc : memref<!tpu.dma_semaphore, #tpu.memory_space<semaphore_mem>>
      %dma_start3A_906 = arith.constant 25600 : i32
      %dma_start3A_907 = tpu.memref_slice %arg14[%dma_start3A_906] : memref<32768xf32, #tpu.memory_space<vmem>> -> memref<1024xf32, #tpu.memory_space<vmem>>
      %dma_start3A_908 = tpu.memref_slice %arg5[%mul3A_851] : memref<1048576xf32, #tpu.memory_space<hbm>> -> memref<1024xf32, #tpu.memory_space<hbm>>
      %dma_start3A_909 = tpu.memref_slice %arg5[%mul3A_851] : memref<1048576xf32, #tpu.memory_space<hbm>> -> memref<1024xf32, #tpu.memory_space<hbm>>
      %dma_start3A_910 = arith.constant 25600 : i32
      %dma_start3A_911 = tpu.memref_slice %arg14[%dma_start3A_910] : memref<32768xf32, #tpu.memory_space<vmem>> -> memref<1024xf32, #tpu.memory_space<vmem>>
      tpu.enqueue_dma source(%dma_start3A_911 : memref<1024xf32, #tpu.memory_space<vmem>>) target(%dma_start3A_909 : memref<1024xf32, #tpu.memory_space<hbm>>) target_semaphore(%run_scoped3A : memref<!tpu.dma_semaphore, #tpu.memory_space<semaphore_mem>>)
      %dma_wait3A_912 = arith.constant 25600 : i32
      %dma_wait3A_913 = tpu.memref_slice %arg14[%dma_wait3A_912] : memref<32768xf32, #tpu.memory_space<vmem>> -> memref<1024xf32, #tpu.memory_space<vmem>>
      %dma_wait3A_914 = tpu.memref_slice %arg5[%mul3A_851] : memref<1048576xf32, #tpu.memory_space<hbm>> -> memref<1024xf32, #tpu.memory_space<hbm>>
      %dma_wait3A_915 = tpu.memref_slice %arg5[%mul3A_851] : memref<1048576xf32, #tpu.memory_space<hbm>> -> memref<1024xf32, #tpu.memory_space<hbm>>
      %dma_wait3A_916 = arith.constant 25600 : i32
      %dma_wait3A_917 = tpu.memref_slice %arg14[%dma_wait3A_916] : memref<32768xf32, #tpu.memory_space<vmem>> -> memref<1024xf32, #tpu.memory_space<vmem>>
      tpu.wait_dma2 semaphore(%run_scoped3A : memref<!tpu.dma_semaphore, #tpu.memory_space<semaphore_mem>>) src(%dma_wait3A_917 : memref<1024xf32, #tpu.memory_space<vmem>>) dst(%dma_wait3A_915 : memref<1024xf32, #tpu.memory_space<hbm>>)
      tpu.yield
    }) : () -> ()
    %mul3A_852 = arith.constant 64 : i32
    %mul3A_853 = arith.muli %add3A, %mul3A_852 : i32
    %mul3A_854 = arith.constant 32 : i32
    %mul3A_855 = arith.muli %select_n3A_30, %mul3A_854 : i32
    %add3A_856 = arith.addi %mul3A_853, %mul3A_855 : i32
    %add3A_857 = arith.constant 26 : i32
    %add3A_858 = arith.addi %add3A_856, %add3A_857 : i32
    %mul3A_859 = arith.constant 1024 : i32
    %mul3A_860 = arith.muli %add3A_858, %mul3A_859 : i32
    "tpu.region"() ({
      %run_scoped3A = tpu.sem_alloc : memref<!tpu.dma_semaphore, #tpu.memory_space<semaphore_mem>>
      %dma_start3A_906 = arith.constant 26624 : i32
      %dma_start3A_907 = tpu.memref_slice %arg14[%dma_start3A_906] : memref<32768xf32, #tpu.memory_space<vmem>> -> memref<1024xf32, #tpu.memory_space<vmem>>
      %dma_start3A_908 = tpu.memref_slice %arg5[%mul3A_860] : memref<1048576xf32, #tpu.memory_space<hbm>> -> memref<1024xf32, #tpu.memory_space<hbm>>
      %dma_start3A_909 = tpu.memref_slice %arg5[%mul3A_860] : memref<1048576xf32, #tpu.memory_space<hbm>> -> memref<1024xf32, #tpu.memory_space<hbm>>
      %dma_start3A_910 = arith.constant 26624 : i32
      %dma_start3A_911 = tpu.memref_slice %arg14[%dma_start3A_910] : memref<32768xf32, #tpu.memory_space<vmem>> -> memref<1024xf32, #tpu.memory_space<vmem>>
      tpu.enqueue_dma source(%dma_start3A_911 : memref<1024xf32, #tpu.memory_space<vmem>>) target(%dma_start3A_909 : memref<1024xf32, #tpu.memory_space<hbm>>) target_semaphore(%run_scoped3A : memref<!tpu.dma_semaphore, #tpu.memory_space<semaphore_mem>>)
      %dma_wait3A_912 = arith.constant 26624 : i32
      %dma_wait3A_913 = tpu.memref_slice %arg14[%dma_wait3A_912] : memref<32768xf32, #tpu.memory_space<vmem>> -> memref<1024xf32, #tpu.memory_space<vmem>>
      %dma_wait3A_914 = tpu.memref_slice %arg5[%mul3A_860] : memref<1048576xf32, #tpu.memory_space<hbm>> -> memref<1024xf32, #tpu.memory_space<hbm>>
      %dma_wait3A_915 = tpu.memref_slice %arg5[%mul3A_860] : memref<1048576xf32, #tpu.memory_space<hbm>> -> memref<1024xf32, #tpu.memory_space<hbm>>
      %dma_wait3A_916 = arith.constant 26624 : i32
      %dma_wait3A_917 = tpu.memref_slice %arg14[%dma_wait3A_916] : memref<32768xf32, #tpu.memory_space<vmem>> -> memref<1024xf32, #tpu.memory_space<vmem>>
      tpu.wait_dma2 semaphore(%run_scoped3A : memref<!tpu.dma_semaphore, #tpu.memory_space<semaphore_mem>>) src(%dma_wait3A_917 : memref<1024xf32, #tpu.memory_space<vmem>>) dst(%dma_wait3A_915 : memref<1024xf32, #tpu.memory_space<hbm>>)
      tpu.yield
    }) : () -> ()
    %mul3A_861 = arith.constant 64 : i32
    %mul3A_862 = arith.muli %add3A, %mul3A_861 : i32
    %mul3A_863 = arith.constant 32 : i32
    %mul3A_864 = arith.muli %select_n3A_30, %mul3A_863 : i32
    %add3A_865 = arith.addi %mul3A_862, %mul3A_864 : i32
    %add3A_866 = arith.constant 27 : i32
    %add3A_867 = arith.addi %add3A_865, %add3A_866 : i32
    %mul3A_868 = arith.constant 1024 : i32
    %mul3A_869 = arith.muli %add3A_867, %mul3A_868 : i32
    "tpu.region"() ({
      %run_scoped3A = tpu.sem_alloc : memref<!tpu.dma_semaphore, #tpu.memory_space<semaphore_mem>>
      %dma_start3A_906 = arith.constant 27648 : i32
      %dma_start3A_907 = tpu.memref_slice %arg14[%dma_start3A_906] : memref<32768xf32, #tpu.memory_space<vmem>> -> memref<1024xf32, #tpu.memory_space<vmem>>
      %dma_start3A_908 = tpu.memref_slice %arg5[%mul3A_869] : memref<1048576xf32, #tpu.memory_space<hbm>> -> memref<1024xf32, #tpu.memory_space<hbm>>
      %dma_start3A_909 = tpu.memref_slice %arg5[%mul3A_869] : memref<1048576xf32, #tpu.memory_space<hbm>> -> memref<1024xf32, #tpu.memory_space<hbm>>
      %dma_start3A_910 = arith.constant 27648 : i32
      %dma_start3A_911 = tpu.memref_slice %arg14[%dma_start3A_910] : memref<32768xf32, #tpu.memory_space<vmem>> -> memref<1024xf32, #tpu.memory_space<vmem>>
      tpu.enqueue_dma source(%dma_start3A_911 : memref<1024xf32, #tpu.memory_space<vmem>>) target(%dma_start3A_909 : memref<1024xf32, #tpu.memory_space<hbm>>) target_semaphore(%run_scoped3A : memref<!tpu.dma_semaphore, #tpu.memory_space<semaphore_mem>>)
      %dma_wait3A_912 = arith.constant 27648 : i32
      %dma_wait3A_913 = tpu.memref_slice %arg14[%dma_wait3A_912] : memref<32768xf32, #tpu.memory_space<vmem>> -> memref<1024xf32, #tpu.memory_space<vmem>>
      %dma_wait3A_914 = tpu.memref_slice %arg5[%mul3A_869] : memref<1048576xf32, #tpu.memory_space<hbm>> -> memref<1024xf32, #tpu.memory_space<hbm>>
      %dma_wait3A_915 = tpu.memref_slice %arg5[%mul3A_869] : memref<1048576xf32, #tpu.memory_space<hbm>> -> memref<1024xf32, #tpu.memory_space<hbm>>
      %dma_wait3A_916 = arith.constant 27648 : i32
      %dma_wait3A_917 = tpu.memref_slice %arg14[%dma_wait3A_916] : memref<32768xf32, #tpu.memory_space<vmem>> -> memref<1024xf32, #tpu.memory_space<vmem>>
      tpu.wait_dma2 semaphore(%run_scoped3A : memref<!tpu.dma_semaphore, #tpu.memory_space<semaphore_mem>>) src(%dma_wait3A_917 : memref<1024xf32, #tpu.memory_space<vmem>>) dst(%dma_wait3A_915 : memref<1024xf32, #tpu.memory_space<hbm>>)
      tpu.yield
    }) : () -> ()
    %mul3A_870 = arith.constant 64 : i32
    %mul3A_871 = arith.muli %add3A, %mul3A_870 : i32
    %mul3A_872 = arith.constant 32 : i32
    %mul3A_873 = arith.muli %select_n3A_30, %mul3A_872 : i32
    %add3A_874 = arith.addi %mul3A_871, %mul3A_873 : i32
    %add3A_875 = arith.constant 28 : i32
    %add3A_876 = arith.addi %add3A_874, %add3A_875 : i32
    %mul3A_877 = arith.constant 1024 : i32
    %mul3A_878 = arith.muli %add3A_876, %mul3A_877 : i32
    "tpu.region"() ({
      %run_scoped3A = tpu.sem_alloc : memref<!tpu.dma_semaphore, #tpu.memory_space<semaphore_mem>>
      %dma_start3A_906 = arith.constant 28672 : i32
      %dma_start3A_907 = tpu.memref_slice %arg14[%dma_start3A_906] : memref<32768xf32, #tpu.memory_space<vmem>> -> memref<1024xf32, #tpu.memory_space<vmem>>
      %dma_start3A_908 = tpu.memref_slice %arg5[%mul3A_878] : memref<1048576xf32, #tpu.memory_space<hbm>> -> memref<1024xf32, #tpu.memory_space<hbm>>
      %dma_start3A_909 = tpu.memref_slice %arg5[%mul3A_878] : memref<1048576xf32, #tpu.memory_space<hbm>> -> memref<1024xf32, #tpu.memory_space<hbm>>
      %dma_start3A_910 = arith.constant 28672 : i32
      %dma_start3A_911 = tpu.memref_slice %arg14[%dma_start3A_910] : memref<32768xf32, #tpu.memory_space<vmem>> -> memref<1024xf32, #tpu.memory_space<vmem>>
      tpu.enqueue_dma source(%dma_start3A_911 : memref<1024xf32, #tpu.memory_space<vmem>>) target(%dma_start3A_909 : memref<1024xf32, #tpu.memory_space<hbm>>) target_semaphore(%run_scoped3A : memref<!tpu.dma_semaphore, #tpu.memory_space<semaphore_mem>>)
      %dma_wait3A_912 = arith.constant 28672 : i32
      %dma_wait3A_913 = tpu.memref_slice %arg14[%dma_wait3A_912] : memref<32768xf32, #tpu.memory_space<vmem>> -> memref<1024xf32, #tpu.memory_space<vmem>>
      %dma_wait3A_914 = tpu.memref_slice %arg5[%mul3A_878] : memref<1048576xf32, #tpu.memory_space<hbm>> -> memref<1024xf32, #tpu.memory_space<hbm>>
      %dma_wait3A_915 = tpu.memref_slice %arg5[%mul3A_878] : memref<1048576xf32, #tpu.memory_space<hbm>> -> memref<1024xf32, #tpu.memory_space<hbm>>
      %dma_wait3A_916 = arith.constant 28672 : i32
      %dma_wait3A_917 = tpu.memref_slice %arg14[%dma_wait3A_916] : memref<32768xf32, #tpu.memory_space<vmem>> -> memref<1024xf32, #tpu.memory_space<vmem>>
      tpu.wait_dma2 semaphore(%run_scoped3A : memref<!tpu.dma_semaphore, #tpu.memory_space<semaphore_mem>>) src(%dma_wait3A_917 : memref<1024xf32, #tpu.memory_space<vmem>>) dst(%dma_wait3A_915 : memref<1024xf32, #tpu.memory_space<hbm>>)
      tpu.yield
    }) : () -> ()
    %mul3A_879 = arith.constant 64 : i32
    %mul3A_880 = arith.muli %add3A, %mul3A_879 : i32
    %mul3A_881 = arith.constant 32 : i32
    %mul3A_882 = arith.muli %select_n3A_30, %mul3A_881 : i32
    %add3A_883 = arith.addi %mul3A_880, %mul3A_882 : i32
    %add3A_884 = arith.constant 29 : i32
    %add3A_885 = arith.addi %add3A_883, %add3A_884 : i32
    %mul3A_886 = arith.constant 1024 : i32
    %mul3A_887 = arith.muli %add3A_885, %mul3A_886 : i32
    "tpu.region"() ({
      %run_scoped3A = tpu.sem_alloc : memref<!tpu.dma_semaphore, #tpu.memory_space<semaphore_mem>>
      %dma_start3A_906 = arith.constant 29696 : i32
      %dma_start3A_907 = tpu.memref_slice %arg14[%dma_start3A_906] : memref<32768xf32, #tpu.memory_space<vmem>> -> memref<1024xf32, #tpu.memory_space<vmem>>
      %dma_start3A_908 = tpu.memref_slice %arg5[%mul3A_887] : memref<1048576xf32, #tpu.memory_space<hbm>> -> memref<1024xf32, #tpu.memory_space<hbm>>
      %dma_start3A_909 = tpu.memref_slice %arg5[%mul3A_887] : memref<1048576xf32, #tpu.memory_space<hbm>> -> memref<1024xf32, #tpu.memory_space<hbm>>
      %dma_start3A_910 = arith.constant 29696 : i32
      %dma_start3A_911 = tpu.memref_slice %arg14[%dma_start3A_910] : memref<32768xf32, #tpu.memory_space<vmem>> -> memref<1024xf32, #tpu.memory_space<vmem>>
      tpu.enqueue_dma source(%dma_start3A_911 : memref<1024xf32, #tpu.memory_space<vmem>>) target(%dma_start3A_909 : memref<1024xf32, #tpu.memory_space<hbm>>) target_semaphore(%run_scoped3A : memref<!tpu.dma_semaphore, #tpu.memory_space<semaphore_mem>>)
      %dma_wait3A_912 = arith.constant 29696 : i32
      %dma_wait3A_913 = tpu.memref_slice %arg14[%dma_wait3A_912] : memref<32768xf32, #tpu.memory_space<vmem>> -> memref<1024xf32, #tpu.memory_space<vmem>>
      %dma_wait3A_914 = tpu.memref_slice %arg5[%mul3A_887] : memref<1048576xf32, #tpu.memory_space<hbm>> -> memref<1024xf32, #tpu.memory_space<hbm>>
      %dma_wait3A_915 = tpu.memref_slice %arg5[%mul3A_887] : memref<1048576xf32, #tpu.memory_space<hbm>> -> memref<1024xf32, #tpu.memory_space<hbm>>
      %dma_wait3A_916 = arith.constant 29696 : i32
      %dma_wait3A_917 = tpu.memref_slice %arg14[%dma_wait3A_916] : memref<32768xf32, #tpu.memory_space<vmem>> -> memref<1024xf32, #tpu.memory_space<vmem>>
      tpu.wait_dma2 semaphore(%run_scoped3A : memref<!tpu.dma_semaphore, #tpu.memory_space<semaphore_mem>>) src(%dma_wait3A_917 : memref<1024xf32, #tpu.memory_space<vmem>>) dst(%dma_wait3A_915 : memref<1024xf32, #tpu.memory_space<hbm>>)
      tpu.yield
    }) : () -> ()
    %mul3A_888 = arith.constant 64 : i32
    %mul3A_889 = arith.muli %add3A, %mul3A_888 : i32
    %mul3A_890 = arith.constant 32 : i32
    %mul3A_891 = arith.muli %select_n3A_30, %mul3A_890 : i32
    %add3A_892 = arith.addi %mul3A_889, %mul3A_891 : i32
    %add3A_893 = arith.constant 30 : i32
    %add3A_894 = arith.addi %add3A_892, %add3A_893 : i32
    %mul3A_895 = arith.constant 1024 : i32
    %mul3A_896 = arith.muli %add3A_894, %mul3A_895 : i32
    "tpu.region"() ({
      %run_scoped3A = tpu.sem_alloc : memref<!tpu.dma_semaphore, #tpu.memory_space<semaphore_mem>>
      %dma_start3A_906 = arith.constant 30720 : i32
      %dma_start3A_907 = tpu.memref_slice %arg14[%dma_start3A_906] : memref<32768xf32, #tpu.memory_space<vmem>> -> memref<1024xf32, #tpu.memory_space<vmem>>
      %dma_start3A_908 = tpu.memref_slice %arg5[%mul3A_896] : memref<1048576xf32, #tpu.memory_space<hbm>> -> memref<1024xf32, #tpu.memory_space<hbm>>
      %dma_start3A_909 = tpu.memref_slice %arg5[%mul3A_896] : memref<1048576xf32, #tpu.memory_space<hbm>> -> memref<1024xf32, #tpu.memory_space<hbm>>
      %dma_start3A_910 = arith.constant 30720 : i32
      %dma_start3A_911 = tpu.memref_slice %arg14[%dma_start3A_910] : memref<32768xf32, #tpu.memory_space<vmem>> -> memref<1024xf32, #tpu.memory_space<vmem>>
      tpu.enqueue_dma source(%dma_start3A_911 : memref<1024xf32, #tpu.memory_space<vmem>>) target(%dma_start3A_909 : memref<1024xf32, #tpu.memory_space<hbm>>) target_semaphore(%run_scoped3A : memref<!tpu.dma_semaphore, #tpu.memory_space<semaphore_mem>>)
      %dma_wait3A_912 = arith.constant 30720 : i32
      %dma_wait3A_913 = tpu.memref_slice %arg14[%dma_wait3A_912] : memref<32768xf32, #tpu.memory_space<vmem>> -> memref<1024xf32, #tpu.memory_space<vmem>>
      %dma_wait3A_914 = tpu.memref_slice %arg5[%mul3A_896] : memref<1048576xf32, #tpu.memory_space<hbm>> -> memref<1024xf32, #tpu.memory_space<hbm>>
      %dma_wait3A_915 = tpu.memref_slice %arg5[%mul3A_896] : memref<1048576xf32, #tpu.memory_space<hbm>> -> memref<1024xf32, #tpu.memory_space<hbm>>
      %dma_wait3A_916 = arith.constant 30720 : i32
      %dma_wait3A_917 = tpu.memref_slice %arg14[%dma_wait3A_916] : memref<32768xf32, #tpu.memory_space<vmem>> -> memref<1024xf32, #tpu.memory_space<vmem>>
      tpu.wait_dma2 semaphore(%run_scoped3A : memref<!tpu.dma_semaphore, #tpu.memory_space<semaphore_mem>>) src(%dma_wait3A_917 : memref<1024xf32, #tpu.memory_space<vmem>>) dst(%dma_wait3A_915 : memref<1024xf32, #tpu.memory_space<hbm>>)
      tpu.yield
    }) : () -> ()
    %mul3A_897 = arith.constant 64 : i32
    %mul3A_898 = arith.muli %add3A, %mul3A_897 : i32
    %mul3A_899 = arith.constant 32 : i32
    %mul3A_900 = arith.muli %select_n3A_30, %mul3A_899 : i32
    %add3A_901 = arith.addi %mul3A_898, %mul3A_900 : i32
    %add3A_902 = arith.constant 31 : i32
    %add3A_903 = arith.addi %add3A_901, %add3A_902 : i32
    %mul3A_904 = arith.constant 1024 : i32
    %mul3A_905 = arith.muli %add3A_903, %mul3A_904 : i32
    "tpu.region"() ({
      %run_scoped3A = tpu.sem_alloc : memref<!tpu.dma_semaphore, #tpu.memory_space<semaphore_mem>>
      %dma_start3A_906 = arith.constant 31744 : i32
      %dma_start3A_907 = tpu.memref_slice %arg14[%dma_start3A_906] : memref<32768xf32, #tpu.memory_space<vmem>> -> memref<1024xf32, #tpu.memory_space<vmem>>
      %dma_start3A_908 = tpu.memref_slice %arg5[%mul3A_905] : memref<1048576xf32, #tpu.memory_space<hbm>> -> memref<1024xf32, #tpu.memory_space<hbm>>
      %dma_start3A_909 = tpu.memref_slice %arg5[%mul3A_905] : memref<1048576xf32, #tpu.memory_space<hbm>> -> memref<1024xf32, #tpu.memory_space<hbm>>
      %dma_start3A_910 = arith.constant 31744 : i32
      %dma_start3A_911 = tpu.memref_slice %arg14[%dma_start3A_910] : memref<32768xf32, #tpu.memory_space<vmem>> -> memref<1024xf32, #tpu.memory_space<vmem>>
      tpu.enqueue_dma source(%dma_start3A_911 : memref<1024xf32, #tpu.memory_space<vmem>>) target(%dma_start3A_909 : memref<1024xf32, #tpu.memory_space<hbm>>) target_semaphore(%run_scoped3A : memref<!tpu.dma_semaphore, #tpu.memory_space<semaphore_mem>>)
      %dma_wait3A_912 = arith.constant 31744 : i32
      %dma_wait3A_913 = tpu.memref_slice %arg14[%dma_wait3A_912] : memref<32768xf32, #tpu.memory_space<vmem>> -> memref<1024xf32, #tpu.memory_space<vmem>>
      %dma_wait3A_914 = tpu.memref_slice %arg5[%mul3A_905] : memref<1048576xf32, #tpu.memory_space<hbm>> -> memref<1024xf32, #tpu.memory_space<hbm>>
      %dma_wait3A_915 = tpu.memref_slice %arg5[%mul3A_905] : memref<1048576xf32, #tpu.memory_space<hbm>> -> memref<1024xf32, #tpu.memory_space<hbm>>
      %dma_wait3A_916 = arith.constant 31744 : i32
      %dma_wait3A_917 = tpu.memref_slice %arg14[%dma_wait3A_916] : memref<32768xf32, #tpu.memory_space<vmem>> -> memref<1024xf32, #tpu.memory_space<vmem>>
      tpu.wait_dma2 semaphore(%run_scoped3A : memref<!tpu.dma_semaphore, #tpu.memory_space<semaphore_mem>>) src(%dma_wait3A_917 : memref<1024xf32, #tpu.memory_space<vmem>>) dst(%dma_wait3A_915 : memref<1024xf32, #tpu.memory_space<hbm>>)
      tpu.yield
    }) : () -> ()
    return
  }
}

</mosaic_0001>

<sc_bundles>
// kernel: kernel.3.cloned.1.call-start
scs
__scs_entry_jumppad:
0x0: {  	(pc) =	sbr.rel $0x88, $3  }
0x1: {  	(tag) =	ssettag $0x0;
	lr =	simm.s32 $0x1  }
0x2: {  	[smem:$0x3F9F] =	sst lr;
	_ =	strace $0xD0000000  }
0x3: {  	_ = 	snop  }
0x4: {  	_ = 	snop  }
0x5: {  	_ = 	snop  }
0x6: {  	_ = 	snop  }
0x7: {  	_ = 	snop  }
__scs_overlays_trampoline_lowered:
0x8: {  	[smem:$0x3FAE] =	sst s0  }
0x9: {  	[smem:$0x3FAF] =	sst s1  }
0xa: {  	[smem:$0x3FB0] =	sst s2  }
0xb: {  	[smem:$0x3FB1] =	sst s3  }
0xc: {  	[smem:$0x3FB2] =	sst s4  }
0xd: {  	[smem:$0x3FB3] =	sst s5  }
0xe: {  	[smem:$0x3FB4] =	sst s6  }
0xf: {  	[smem:$0x3FB5] =	sst s7  }
0x10: {  	[smem:$0x3FB6] =	sst s8  }
0x11: {  	[smem:$0x3FB7] =	sst s9;
	s0 =	simm.s32 @!p0 $0x0  }
0x12: {  	s1 =	sld [smem:$0x3F9D];
	s0 =	simm.s32 @p0 $0x1  }
0x13: {  	[smem:$0x3FB8] =	sst s0;
	s0 =	simm.s32 @!p1 $0x0  }
0x14: {  	s2 =	sld [smem:$0x3F9C];
	s0 =	simm.s32 @p1 $0x1  }
0x15: {  	[smem:$0x3FB9] =	sst s0;
	s0 =	simm.s32 @!p2 $0x0  }
0x16: {  	s3 =	sld [smem:$0x3FDB];
	s0 =	simm.s32 @p2 $0x1  }
0x17: {  	s4 =	simm.s32 $0x1BF5;
	[smem:$0x3FBB] =	sst s0  }
0x18: {  	s0 =	sld [smem:$0x3F9E];
	_ =	swait.ge [sflag:s4], $0x0  }
0x19: {  	s7 =	sld [smem:$0x3F9F]  }
0x1a: {  	s8 =	sadd.s32 $0xFFFFE003, lr  }
0x1b: {  	s9 =	sadd.s32 $0xFFFFFEF7, lr;
	s5 =	simm.s32 $0xFFFFFFFF;
	p2 =	slt.u32 s8, $0xFFFFF086  }
0x1c: {  	p1 =	slt.u32 s9, $0xF7A;
	s5 =	simm.s32 @!p2 $0x0  }
0x1d: {  	s5 =	simm.s32 @p1 $0x1;
	p0 =	seq.s32 s7, s2  }
0x1e: {  	s7 =	smul.u32 @!p0 $0xF7A, s2;
	p2 =	seq.s32 @!p0 s5, $0x0  }
0x1f: {  	s9 =	smul.u32 $0xF7A, s1;
	s8 =	simm.s32 @!p0 $0x1BF5;
	p2 =	por !p2, p0  }
0x20: {  	[sflag:s8] =	ssyncset.s32 @!p0 $0xFFFFF086;
	s6 =	sadd.s32 @!p0 s3, s7;
	s7 =	simm.s32 @!p0 $0x108  }
0x21: {  	s3 =	sadd.s32 s3, s9;
	s6 =	sadd.s32 @!p0 $0x88, s6;
	s7 =	simm.s32 @p2 $0x1082  }
0x22: {  	[simem:s7], [sflag:s8] =	dma.local @!p0 [hbm:s6], $0xF7A  }
0x23: {  	s9 =	sor.u32 $0xD0000000, s2;
	s6 =	simm.s32 $0x108;
	_ =	swait.ge @!p0 [sflag:s8], $0x0  }
0x24: {  	s3 =	sadd.s32 $0x88, s3;
	s6 =	simm.s32 @!p1 $0x1082;
	[sflag:s4] =	ssyncset.s32 $0xFFFFF086  }
0x25: {  	[simem:s6], [sflag:s4] =	dma.local [hbm:s3], $0xF7A  }
0x26: {  	[smem:$0x3F9F] =	sst s1;
	(tag) =	ssettag s2;
	_ =	strace s9  }
0x27: {  	s1 =	sld [smem:$0x3FAF]  }
0x28: {  	s2 =	sld [smem:$0x3FB0]  }
0x29: {  	s4 =	sld [smem:$0x3FB2]  }
0x2a: {  	p0 =	seq.s32 s5, $0x0;
	s5 =	sld [smem:$0x3FB3]  }
0x2b: {  	s6 =	sld [smem:$0x3FB4]  }
0x2c: {  	s7 =	sld [smem:$0x3FB5]  }
0x2d: {  	s3 =	simm.s32 $0x108;
	s8 =	sld [smem:$0x3FB6]  }
0x2e: {  	s3 =	simm.s32 @!p0 $0x1082;
	s9 =	sld [smem:$0x3FB7]  }
0x2f: {  	lr =	sadd.s32 s0, s3;
	s0 =	sld [smem:$0x3FAE]  }
0x30: {  	s3 =	sld [smem:$0x3FB1]  }
0x31: {  	[smem:$0x3FBA] =	sst s10  }
0x32: {  	s10 =	sld [smem:$0x3FB8];
	_ =	sdelay $0x3  }
0x33: {  	p0 =	seq.s32 s10, $0x1;
	s10 =	sld [smem:$0x3FBA];
	_ =	sdelay $0x3  }
0x34: {  	[smem:$0x3FBA] =	sst s10  }
0x35: {  	s10 =	sld [smem:$0x3FB9];
	_ =	sdelay $0x3  }
0x36: {  	p1 =	seq.s32 s10, $0x1;
	s10 =	sld [smem:$0x3FBA];
	_ =	sdelay $0x3  }
0x37: {  	[smem:$0x3FBA] =	sst s10  }
0x38: {  	s10 =	sld [smem:$0x3FBB]  }
0x39: {  	_ = 	snop;
	(pc) =	sbr.ind lr, $3  }
0x3a: {  	_ = 	snop  }
0x3b: {  	_ = 	snop  }
0x3c: {  	p2 =	seq.s32 s10, $0x1;
	s10 =	sld [smem:$0x3FBA]  }
0x3d: {  	_ =	shalt  }
0x3e: {  	_ =	shalt  }
0x3f: {  	_ =	shalt  }
0x40: {  	_ =	shalt  }
0x41: {  	_ =	shalt  }
0x42: {  	_ =	shalt  }
0x43: {  	_ =	shalt  }
0x44: {  	_ =	shalt  }
0x45: {  	_ =	shalt  }
0x46: {  	_ =	shalt  }
0x47: {  	_ =	shalt  }
0x48: {  	_ =	shalt  }
0x49: {  	_ =	shalt  }
0x4a: {  	_ =	shalt  }
0x4b: {  	_ =	shalt  }
0x4c: {  	_ =	shalt  }
0x4d: {  	_ =	shalt  }
0x4e: {  	_ =	shalt  }
0x4f: {  	_ =	shalt  }
0x50: {  	_ =	shalt  }
0x51: {  	_ =	shalt  }
0x52: {  	_ =	shalt  }
0x53: {  	_ =	shalt  }
0x54: {  	_ =	shalt  }
0x55: {  	_ =	shalt  }
0x56: {  	_ =	shalt  }
0x57: {  	_ =	shalt  }
0x58: {  	_ =	shalt  }
0x59: {  	_ =	shalt  }
0x5a: {  	_ =	shalt  }
0x5b: {  	_ =	shalt  }
0x5c: {  	_ =	shalt  }
0x5d: {  	_ =	shalt  }
0x5e: {  	_ =	shalt  }
0x5f: {  	_ =	shalt  }
0x60: {  	_ =	shalt  }
0x61: {  	_ =	shalt  }
0x62: {  	_ =	shalt  }
0x63: {  	_ =	shalt  }
0x64: {  	_ =	shalt  }
0x65: {  	_ =	shalt  }
0x66: {  	_ =	shalt  }
0x67: {  	_ =	shalt  }
0x68: {  	_ =	shalt  }
0x69: {  	_ =	shalt  }
0x6a: {  	_ =	shalt  }
0x6b: {  	_ =	shalt  }
0x6c: {  	_ =	shalt  }
0x6d: {  	_ =	shalt  }
0x6e: {  	_ =	shalt  }
0x6f: {  	_ =	shalt  }
0x70: {  	_ =	shalt  }
0x71: {  	_ =	shalt  }
0x72: {  	_ =	shalt  }
0x73: {  	_ =	shalt  }
0x74: {  	_ =	shalt  }
0x75: {  	_ =	shalt  }
0x76: {  	_ =	shalt  }
0x77: {  	_ =	shalt  }
0x78: {  	_ =	shalt  }
0x79: {  	_ =	shalt  }
0x7a: {  	_ =	shalt  }
0x7b: {  	_ =	shalt  }
0x7c: {  	_ =	shalt  }
0x7d: {  	_ =	shalt  }
0x7e: {  	_ =	shalt  }
0x7f: {  	_ =	shalt  }
0x80: {  	_ =	shalt  }
0x81: {  	_ =	shalt  }
0x82: {  	_ =	shalt  }
0x83: {  	_ =	shalt  }
0x84: {  	_ =	shalt  }
0x85: {  	_ =	shalt  }
0x86: {  	_ =	shalt  }
0x87: {  	_ =	shalt  }
.Lfunc_end0:
.L_simem_size_0:
called_computation.1_lowered:
.L_overlay_start_0:
0x88: {  	s2 =	sld [smem:$0x3FD9]  }
0x89: {  	s3 =	sld [smem:$0x3FFE];
	_ =	sdelay $0x1  }
0x8a: {  	s1 =	srdreg.scid  }
0x8b: {  	s0 =	sand.u32 $0x1, s1  }
0x8c: {  	s14 =	sshll.u32 s0, $0xA;
	s2 =	sadd.s32 s3, s2  }
0x8d: {  	s2 =	sadd.s32 s2, s14  }
0x8e: {  	[smem:$0x3FC6] =	sst s2  }
0x8f: {  	_ = 	snop  }
0x90: {  	s2 =	sld [smem:$0x3FD0];
	_ =	sdelay $0x2  }
0x91: {  	s15 =	simm.s32 $0xA;
	s4 =	simm.s32 $0x10  }
0x92: {  	[smem:s4], [sflag:s15] =	dma.local [hbm:s2], $0x1  }
0x93: {  	_ =	swait.eq [sflag:s15], $0x1  }
0x94: {  	[sflag:s15] =	ssyncset.done $0x0  }
0x95: {  	s16 =	sld [smem:$0x10];
	[sflag:s15] =	ssyncadd.s32 $0xFFFFFFFF  }
0x96: {  	s17 =	sld [smem:$0x11];
	(tm) =	ssettm $0x1  }
0x97: {  	s18 =	sld [smem:$0x3FFB];
	_ =	sdelay $0x3  }
0x98: {  	_ =	strace s18  }
0x99: {  	s4 =	sld [smem:$0x3FFC];
	_ =	sdelay $0x3  }
0x9a: {  	_ =	strace s4  }
0x9b: {  	s4 =	sld [smem:$0x3FFD];
	_ =	sdelay $0x3  }
0x9c: {  	_ =	strace s4  }
0x9d: {  	_ =	strace $0x8FFFFFFF  }
0x9e: {  	s19 =	sld [smem:$0x3FDB];
	_ =	sdelay $0x1  }
0x9f: {  	s5 =	simm.s32 $_scs_section_size  }
0xa0: {  	s6 =	simm.s32 $_size__tile_overlayer_lowered;
	s7 =	simm.s32 $_tile_overlayer_lowered  }
0xa1: {  	s22 =	simm.s32 $0x1BFF;
	s21 =	sshll.u32 s7, $0x1;
	s4 =	sadd.s32 s5, s19  }
0xa2: {  	s8 =	simm.s32 $0x0;
	s20 =	sshll.u32 s6, $0x1;
	s6 =	sadd.s32 s21, s4  }
0xa3: {  	[timem:s8], [sflag:s22] =	dma.local [hbm:s6], s20  }
0xa4: {  	_ =	swait.ge [sflag:s22], s20  }
0xa5: {  	s5 =	ssub.s32 $0x0, s20;
	[sflag:s22] =	ssyncset.done $0x0  }
0xa6: {  	[sflag:s22] =	ssyncadd.s32 s5;
	_ =	sdelay $0x1  }
0xa7: {  	s23 =	simm.s32 $0x1B8B  }
0xa8: {  	_ =	swait.ge [sflag:s23], $0x1  }
0xa9: {  	[sflag:s23] =	ssyncset.done $0x0  }
0xaa: {  	s25 =	simm.s32 $0x1B8E;
	s24 =	sld [smem:$0x3FFE];
	[sflag:s23] =	ssyncadd.s32 $0xFFFFFFFF  }
0xab: {  	s26 =	simm.s32 $execute0_lowered;
	[smem:$0x3FD2] =	sst s25  }
0xac: {  	s6 =	sshll.u32 s26, $0x1;
	_ =	strace $0x80000049;
	[dreg:$0x1] =	wrdreg $0xFFFFFFFF  }
0xad: {  	s28 =	simm.s32 $_size_execute0_lowered;
	s4 =	sadd.s32 s4, s6;
	[dreg:$0x0] =	wrdreg $0x0  }
0xae: {  	s6 =	sshll.u32 s28, $0x1;
	[dreg:$0x2] =	wrdreg s4  }
0xaf: {  	[dreg:$0x3] =	wrdreg s6  }
0xb0: {  	[dreg:$0x4] =	wrdreg $0xC0  }
0xb1: {  	_ =	task [dreg:s8], $0x5FFFF  }
0xb2: {  	[dreg:$0x1] =	wrdreg $0xFFFFFFFF  }
0xb3: {  	[dreg:$0x0] =	wrdreg $0x60  }
0xb4: {  	[dreg:$0x2] =	wrdreg s17  }
0xb5: {  	[dreg:$0x3] =	wrdreg s24  }
0xb6: {  	[dreg:$0x4] =	wrdreg s16  }
0xb7: {  	[dreg:$0x5] =	wrdreg $0x16B000  }
0xb8: {  	[dreg:$0x6] =	wrdreg $0x9  }
0xb9: {  	_ =	task.clear_ibuf [dreg:s8], $0x7FFFF;
	_ =	strace $0x90000049  }
0xba: {  	s29 =	simm.s32 $0x9;
	_ =	strace $0x8000004B  }
0xbb: {  	_ =	swait.ge [sflag:s29], $0x1  }
0xbc: {  	[sflag:s29] =	ssyncadd.s32 $0xFFFFFFFF  }
0xbd: {  	_ =	strace $0x9000004B  }
0xbe: {  	_ =	sfence  }
0xbf: {  	s30 =	sld [smem:$0x0];
	_ =	sdelay $0x2  }
0xc0: {  	s31 =	sshll.u32 s1, $0xD;
	s1 =	sshrl.u32 s1, $0x2  }
0xc1: {  	s3 =	sand.u32 $0x4000, s31;
	s1 =	sadd.s32 s1, s30  }
0xc2: {  	s0 =	sor.u32 s3, s0;
	s1 =	sshll.u32 s1, $0x11  }
0xc3: {  	s0 =	sor.u32 s1, s0  }
0xc4: {  	s0 =	sadd.s32 $0x8F2B, s0  }
0xc5: {  	[sflag:s0] =	ssyncadd.remote.s32 $0x1  }
0xc6: {  	_ =	sfence.sel $0xFFFF  }
0xc7: {  	[dreg:$0x0] =	wrdreg $0xFFFFFFFF;
	(pc) =	sbr.abs _section_cstart, $3  }
0xc8: {  	[dreg:$0x1] =	wrdreg $0xFFFFFFFF  }
0xc9: {  	_ =	task.clear_ibuf [dreg:s8], $0x2FFFF;
	_ =	strace $0x9FFFFFFF  }
0xca: {  	(tm) =	ssettm $0x7FFFFFFF  }
0xcb: {  	_ =	shalt  }
tec
execute0_lowered:
.L_overlay_start_1:
0x0: {  	(tag) =	ssettag $0x1  }
0x1: {  	s26 =	rddreg [dreg:$0x0]  }
0x2: {  	s1 =	srdreg.scid;
	s4 =	rddreg [dreg:$0x1]  }
0x3: {  	s0 =	stileid.u32;
	s8 =	rddreg [dreg:$0x2];
	s1 =	sand.u32 $0x1, s1  }
0x4: {  	s3 =	sshrl.u32 s0, $0x1;
	s4 =	sadd.s32 $0xE00, s4;
	s2 =	sshll.u32 s1, $0x3  }
0x5: {  	s12 =	sand.u32 $0x1, s0;
	s1 =	ssub.s32 $0x2, s1;
	s2 =	sor.u32 s3, s2  }
0x6: {  	s9 =	sshll.u32 s12, $0x9;
	[smem:$0x7E0] =	sst s12;
	s5 =	smul.u32 $0x1800, s2  }
0x7: {  	s20 =	sshll.u32 s12, $0x5;
	s6 =	sshrl.u32 s1, $0x1;
	s7 =	smul.u32 $0x3, s2  }
0x8: {  	s1 =	ssub.s32 s1, s6;
	s16 =	smul.u32 $0xC00, s2;
	s10 =	sshll.u32 s2, $0x11  }
0x9: {  	s2 =	sshll.u32 s2, $0x6;
	[smem:$0x7E1] =	sst s1;
	s11 =	sadd.s32 s26, s5  }
0xa: {  	s13 =	sadd.s32 $0x1, s7;
	s15 =	sadd.s32 $0x2, s7;
	s7 =	sor.u32 s9, s16  }
0xb: {  	[dreg:$0x5] =	wrdreg s11;
	s14 =	sshll.u32 s13, $0xB;
	s17 =	sshll.u32 s15, $0xB  }
0xc: {  	s11 =	sshll.u32 s12, $0x10;
	s19 =	sshrl.u32 s7, $0x3;
	s1 =	sshll.u32 s13, $0xA  }
0xd: {  	s6 =	sshll.u32 s15, $0xA;
	s5 =	sadd.s32 s26, s14;
	s3 =	sadd.s32 s26, s17  }
0xe: {  	s18 =	sor.u32 s11, s10;
	s1 =	sor.u32 s9, s1;
	[dreg:$0x6] =	wrdreg s5  }
0xf: {  	s6 =	sor.u32 s9, s6;
	[dreg:$0x7] =	wrdreg s3;
	s3 =	sadd.s32 s4, s18  }
0x10: {  	s5 =	sadd.s32 s8, s19;
	s1 =	sshrl.u32 s1, $0x3;
	s21 =	sshrl.u32 s6, $0x3  }
0x11: {  	[dreg:$0x8] =	wrdreg s5;
	s5 =	sor.u32 s20, s2;
	s1 =	sadd.s32 s8, s1  }
0x12: {  	s23 =	sadd.s32 s8, s21;
	s22 =	sor.u32 $0x1, s5;
	[dreg:$0x9] =	wrdreg s1  }
0x13: {  	[dreg:$0xa] =	wrdreg s23;
	s25 =	sshll.u32 s5, $0xB;
	s26 =	sor.u32 $0x2, s5  }
0x14: {  	s7 =	sor.u32 $0x3, s5;
	s8 =	sor.u32 $0x4, s5;
	s11 =	sor.u32 $0x5, s5  }
0x15: {  	s14 =	sor.u32 $0x6, s5;
	s15 =	sor.u32 $0x7, s5;
	[smem:$0x7B9] =	sst s22  }
0x16: {  	s29 =	sor.u32 $0x15, s5;
	s28 =	sor.u32 $0x16, s5;
	[smem:$0x7BB] =	sst s26  }
0x17: {  	s30 =	sor.u32 $0x17, s5;
	s31 =	sor.u32 $0x19, s5;
	[smem:$0x7BD] =	sst s7  }
0x18: {  	s24 =	sshll.u32 s22, $0xB;
	s2 =	sadd.s32 s4, s25;
	[smem:$0x7BF] =	sst s8  }
0x19: {  	s6 =	sshll.u32 s26, $0xB;
	s9 =	sshll.u32 s7, $0xB;
	[smem:$0x7C1] =	sst s11  }
0x1a: {  	s10 =	sshll.u32 s8, $0xB;
	s13 =	sshll.u32 s11, $0xB;
	[smem:$0x7C3] =	sst s14  }
0x1b: {  	[smem:$0x7C5] =	sst s15;
	s16 =	sshll.u32 s14, $0xB;
	s17 =	sshll.u32 s15, $0xB  }
0x1c: {  	s14 =	sor.u32 $0x8, s5;
	s15 =	sor.u32 $0xA, s5;
	s1 =	sand.u32 $0x1FFF0800, s24  }
0x1d: {  	[dreg:$0xb] =	wrdreg s2;
	s2 =	sand.u32 $0x1FFF2000, s10;
	s19 =	sshll.u32 s14, $0xB  }
0x1e: {  	s21 =	sshll.u32 s15, $0xB;
	s1 =	sadd.s32 s4, s1;
	s12 =	sadd.s32 s4, s2  }
0x1f: {  	s2 =	sand.u32 $0x1FFF3800, s17;
	s17 =	sor.u32 $0xB, s5;
	[dreg:$0xc] =	wrdreg s1  }
0x20: {  	s1 =	sand.u32 $0x1FFF1000, s6;
	[dreg:$0xf] =	wrdreg s12;
	s18 =	sadd.s32 s4, s2  }
0x21: {  	s2 =	sand.u32 $0x1FFF5000, s21;
	s23 =	sshll.u32 s17, $0xB;
	s21 =	sor.u32 $0x10, s5  }
0x22: {  	s1 =	sadd.s32 s4, s1;
	[dreg:$0x12] =	wrdreg s18;
	s22 =	sadd.s32 s4, s2  }
0x23: {  	s18 =	sor.u32 $0xD, s5;
	[dreg:$0xd] =	wrdreg s1;
	s1 =	sand.u32 $0x1FFF1800, s9  }
0x24: {  	s7 =	sshll.u32 s21, $0xB;
	[dreg:$0x15] =	wrdreg s22;
	s1 =	sadd.s32 s4, s1  }
0x25: {  	s25 =	sshll.u32 s18, $0xB;
	[dreg:$0xe] =	wrdreg s1;
	s1 =	sand.u32 $0x1FFF2800, s13  }
0x26: {  	s22 =	sor.u32 $0xF, s5;
	s2 =	sand.u32 $0x1FFF6800, s25;
	s1 =	sadd.s32 s4, s1  }
0x27: {  	s6 =	sshll.u32 s22, $0xB;
	[dreg:$0x10] =	wrdreg s1;
	s1 =	sand.u32 $0x1FFF3000, s16  }
0x28: {  	s25 =	sor.u32 $0x12, s5;
	s26 =	sadd.s32 s4, s2;
	s1 =	sadd.s32 s4, s1  }
0x29: {  	s16 =	sor.u32 $0x9, s5;
	[dreg:$0x11] =	wrdreg s1;
	s1 =	sand.u32 $0x1FFF4000, s19  }
0x2a: {  	[dreg:$0x18] =	wrdreg s26;
	s20 =	sshll.u32 s16, $0xB;
	s1 =	sadd.s32 s4, s1  }
0x2b: {  	s26 =	sor.u32 $0x14, s5;
	[dreg:$0x13] =	wrdreg s1;
	s1 =	sand.u32 $0x1FFF4800, s20  }
0x2c: {  	s10 =	sshll.u32 s25, $0xB;
	s13 =	sshll.u32 s26, $0xB;
	s1 =	sadd.s32 s4, s1  }
0x2d: {  	s19 =	sor.u32 $0xC, s5;
	[dreg:$0x14] =	wrdreg s1;
	s1 =	sand.u32 $0x1FFF5800, s23  }
0x2e: {  	s24 =	sshll.u32 s19, $0xB;
	s20 =	sor.u32 $0xE, s5;
	s1 =	sadd.s32 s4, s1  }
0x2f: {  	s23 =	sor.u32 $0x11, s5;
	[dreg:$0x16] =	wrdreg s1;
	s1 =	sand.u32 $0x1FFF6000, s24  }
0x30: {  	s2 =	sshll.u32 s20, $0xB;
	s9 =	sshll.u32 s23, $0xB;
	s1 =	sadd.s32 s4, s1  }
0x31: {  	s24 =	sor.u32 $0x13, s5;
	[dreg:$0x17] =	wrdreg s1;
	s1 =	sand.u32 $0x1FFF7000, s2  }
0x32: {  	s11 =	sshll.u32 s24, $0xB;
	s2 =	sand.u32 $0x1FFF8000, s7;
	s1 =	sadd.s32 s4, s1  }
0x33: {  	s8 =	sadd.s32 s4, s2;
	[dreg:$0x19] =	wrdreg s1;
	s1 =	sand.u32 $0x1FFF7800, s6  }
0x34: {  	s2 =	sand.u32 $0x1FFF9800, s11;
	[dreg:$0x1b] =	wrdreg s8;
	s1 =	sadd.s32 s4, s1  }
0x35: {  	s12 =	sadd.s32 s4, s2;
	[dreg:$0x1a] =	wrdreg s1;
	s1 =	sand.u32 $0x1FFF8800, s9  }
0x36: {  	s2 =	sshll.u32 s29, $0xB;
	s6 =	sshll.u32 s28, $0xB;
	s1 =	sadd.s32 s4, s1  }
0x37: {  	s8 =	sshll.u32 s30, $0xB;
	[dreg:$0x1c] =	wrdreg s1;
	s1 =	sand.u32 $0x1FFF9000, s10  }
0x38: {  	[dreg:$0x1e] =	wrdreg s12;
	s12 =	sor.u32 $0x1A, s5;
	s1 =	sadd.s32 s4, s1  }
0x39: {  	[dreg:$0x1d] =	wrdreg s1;
	s1 =	sand.u32 $0x1FFFA000, s13;
	s13 =	sor.u32 $0x18, s5  }
0x3a: {  	s10 =	sshll.u32 s31, $0xB;
	s1 =	sadd.s32 s4, s1;
	s9 =	sshll.u32 s13, $0xB  }
0x3b: {  	[dreg:$0x1f] =	wrdreg s1;
	s1 =	sand.u32 $0x1FFFA800, s2;
	s2 =	sand.u32 $0x1FFFB000, s6  }
0x3c: {  	s1 =	sadd.s32 s4, s1;
	s7 =	sadd.s32 s4, s2;
	s2 =	sand.u32 $0x1FFFC800, s10  }
0x3d: {  	s10 =	sor.u32 $0x1B, s5;
	[smem:$0x7AE] =	sst s1;
	s1 =	sand.u32 $0x1FFFB800, s8  }
0x3e: {  	[smem:$0x7AF] =	sst s7;
	s11 =	sadd.s32 s4, s2;
	s1 =	sadd.s32 s4, s1  }
0x3f: {  	s2 =	sshll.u32 s12, $0xB;
	[smem:$0x7B0] =	sst s1;
	s1 =	sand.u32 $0x1FFFC000, s9  }
0x40: {  	[smem:$0x7B2] =	sst s11;
	s11 =	sor.u32 $0x1C, s5;
	s1 =	sadd.s32 s4, s1  }
0x41: {  	s7 =	sshll.u32 s11, $0xB;
	[smem:$0x7B1] =	sst s1;
	s1 =	sand.u32 $0x1FFFD000, s2  }
0x42: {  	s6 =	sshll.u32 s10, $0xB;
	s2 =	sand.u32 $0x1FFFE000, s7;
	s1 =	sadd.s32 s4, s1  }
0x43: {  	s7 =	sor.u32 $0x1D, s5;
	[smem:$0x7B3] =	sst s1;
	s1 =	sand.u32 $0x1FFFD800, s6  }
0x44: {  	s9 =	sshll.u32 s7, $0xB;
	s1 =	sadd.s32 s4, s1  }
0x45: {  	s8 =	sadd.s32 s4, s2;
	[smem:$0x7B4] =	sst s1;
	s1 =	sand.u32 $0x1FFFE800, s9  }
0x46: {  	[smem:$0x7B5] =	sst s8;
	s8 =	sor.u32 $0x1F, s5;
	s1 =	sadd.s32 s4, s1  }
0x47: {  	[smem:$0x7B6] =	sst s1;
	s1 =	sshll.u32 s8, $0xB  }
0x48: {  	s6 =	sor.u32 $0x1E, s5;
	s1 =	sand.u32 $0x1FFFF800, s1  }
0x49: {  	s2 =	sshll.u32 s6, $0xB;
	s1 =	sadd.s32 s4, s1  }
0x4a: {  	s2 =	sand.u32 $0x1FFFF000, s2;
	[smem:$0x7B8] =	sst s1  }
0x4b: {  	s2 =	sadd.s32 s4, s2;
	s1 =	sshll.u32 s5, $0x7;
	s5 =	sld [smem:$0x7B9]  }
0x4c: {  	[smem:$0x7B7] =	sst s2  }
0x4d: {  	s4 =	rddreg [dreg:$0x1]  }
0x4e: {  	s4 =	sadd.s32 $0x200E00, s4;
	s2 =	sshll.u32 s5, $0x7;
	s5 =	sld [smem:$0x7BB]  }
0x4f: {  	s1 =	sadd.s32 s4, s1  }
0x50: {  	[smem:$0x7BA] =	sst s1  }
0x51: {  	s1 =	sand.u32 $0x1FFFF080, s2;
	s2 =	sshll.u32 s5, $0x7;
	s5 =	sld [smem:$0x7BD]  }
0x52: {  	s1 =	sadd.s32 s4, s1  }
0x53: {  	[smem:$0x7BC] =	sst s1  }
0x54: {  	s1 =	sand.u32 $0x1FFFF100, s2;
	s2 =	sshll.u32 s5, $0x7;
	s5 =	sld [smem:$0x7BF]  }
0x55: {  	s1 =	sadd.s32 s4, s1  }
0x56: {  	[smem:$0x7BE] =	sst s1  }
0x57: {  	s1 =	sand.u32 $0x1FFFF180, s2;
	s2 =	sshll.u32 s5, $0x7;
	s5 =	sld [smem:$0x7C1]  }
0x58: {  	s1 =	sadd.s32 s4, s1  }
0x59: {  	[smem:$0x7C0] =	sst s1  }
0x5a: {  	s1 =	sand.u32 $0x1FFFF200, s2;
	s2 =	sshll.u32 s5, $0x7;
	s5 =	sld [smem:$0x7C3]  }
0x5b: {  	s1 =	sadd.s32 s4, s1  }
0x5c: {  	s14 =	sshll.u32 s14, $0x7;
	[smem:$0x7C2] =	sst s1  }
0x5d: {  	s1 =	sand.u32 $0x1FFFF280, s2;
	s2 =	sshll.u32 s5, $0x7;
	s5 =	sld [smem:$0x7C5]  }
0x5e: {  	s15 =	sshll.u32 s15, $0x7;
	s17 =	sshll.u32 s17, $0x7;
	s21 =	sshll.u32 s21, $0x7  }
0x5f: {  	s23 =	sshll.u32 s23, $0x7;
	s9 =	simm.s32 $0x0;
	s1 =	sadd.s32 s4, s1  }
0x60: {  	[smem:$0x7C4] =	sst s1;
	s1 =	sand.u32 $0x1FFFF300, s2;
	s2 =	sshll.u32 s5, $0x7  }
0x61: {  	[smem:$0x7FF] =	sst s9;
	s1 =	sadd.s32 s4, s1;
	s5 =	sand.u32 $0x1FFFF380, s2  }
0x62: {  	[smem:$0x7C6] =	sst s1;
	s2 =	sand.u32 $0x1FFFF400, s14;
	s1 =	sadd.s32 s4, s5  }
0x63: {  	s5 =	sshll.u32 s16, $0x7;
	s16 =	sand.u32 $0x1FFFF500, s15;
	s15 =	sshll.u32 s18, $0x7  }
0x64: {  	[smem:$0x7C7] =	sst s1;
	s1 =	sadd.s32 s4, s2;
	s14 =	sand.u32 $0x1FFFF480, s5  }
0x65: {  	s2 =	sand.u32 $0x1FFFF580, s17;
	s5 =	sshll.u32 s19, $0x7;
	s17 =	sshll.u32 s20, $0x7  }
0x66: {  	s19 =	sshll.u32 s22, $0x7;
	s22 =	sand.u32 $0x1FFFF800, s21;
	[smem:$0x7C8] =	sst s1  }
0x67: {  	s1 =	sadd.s32 s4, s14;
	s14 =	sand.u32 $0x1FFFF600, s5;
	s18 =	sand.u32 $0x1FFFF700, s17  }
0x68: {  	s20 =	sand.u32 $0x1FFFF780, s19;
	[smem:$0x7C9] =	sst s1;
	s1 =	sadd.s32 s4, s16  }
0x69: {  	s5 =	sand.u32 $0x1FFFF880, s23;
	[smem:$0x7CA] =	sst s1;
	s1 =	sadd.s32 s4, s2  }
0x6a: {  	s16 =	sand.u32 $0x1FFFF680, s15;
	[smem:$0x7CB] =	sst s1;
	s1 =	sadd.s32 s4, s14  }
0x6b: {  	s14 =	sshll.u32 s25, $0x7;
	[smem:$0x7CC] =	sst s1;
	s1 =	sadd.s32 s4, s16  }
0x6c: {  	s15 =	sand.u32 $0x1FFFF900, s14;
	s16 =	sshll.u32 s24, $0x7;
	s24 =	sshll.u32 s30, $0x7  }
0x6d: {  	s14 =	sshll.u32 s12, $0x7;
	[smem:$0x7CD] =	sst s1;
	s1 =	sadd.s32 s4, s18  }
0x6e: {  	s17 =	sand.u32 $0x1FFFF980, s16;
	s18 =	sshll.u32 s26, $0x7;
	s25 =	sand.u32 $0x1FFFFB80, s24  }
0x6f: {  	s26 =	sshll.u32 s13, $0x7;
	s16 =	sshll.u32 s10, $0x7;
	[smem:$0x7CE] =	sst s1  }
0x70: {  	s1 =	sadd.s32 s4, s20;
	s2 =	sand.u32 $0x1FFFFC00, s26;
	s26 =	sld [smem:$0x7E0]  }
0x71: {  	s24 =	sshll.u32 s8, $0x7;
	[smem:$0x7CF] =	sst s1;
	s1 =	sadd.s32 s4, s22  }
0x72: {  	s19 =	sand.u32 $0x1FFFFA00, s18;
	[smem:$0x7D0] =	sst s1;
	s1 =	sadd.s32 s4, s5  }
0x73: {  	s20 =	sshll.u32 s29, $0x7;
	[smem:$0x7D1] =	sst s1;
	s1 =	sadd.s32 s4, s15  }
0x74: {  	s21 =	sand.u32 $0x1FFFFA80, s20;
	[smem:$0x7D2] =	sst s1;
	s1 =	sadd.s32 s4, s17  }
0x75: {  	s22 =	sshll.u32 s28, $0x7;
	[smem:$0x7D3] =	sst s1;
	s1 =	sadd.s32 s4, s19  }
0x76: {  	s23 =	sand.u32 $0x1FFFFB00, s22;
	[smem:$0x7D4] =	sst s1;
	s1 =	sadd.s32 s4, s21  }
0x77: {  	s18 =	sshll.u32 s11, $0x7;
	[smem:$0x7D5] =	sst s1;
	s1 =	sadd.s32 s4, s23  }
0x78: {  	s5 =	sshll.u32 s31, $0x7;
	[smem:$0x7D6] =	sst s1;
	s1 =	sadd.s32 s4, s25  }
0x79: {  	s13 =	sand.u32 $0x1FFFFC80, s5;
	[smem:$0x7D7] =	sst s1;
	s1 =	sadd.s32 s4, s2  }
0x7a: {  	s20 =	sshll.u32 s7, $0x7;
	[smem:$0x7D8] =	sst s1;
	s1 =	sadd.s32 s4, s13  }
0x7b: {  	s22 =	sshll.u32 s6, $0x7;
	s15 =	sand.u32 $0x1FFFFD00, s14;
	[smem:$0x7D9] =	sst s1  }
0x7c: {  	s17 =	sand.u32 $0x1FFFFD80, s16;
	s1 =	sadd.s32 s4, s15;
	s15 =	rddreg [dreg:$0x3]  }
0x7d: {  	s19 =	sand.u32 $0x1FFFFE00, s18;
	[smem:$0x7DA] =	sst s1;
	s1 =	sadd.s32 s4, s17  }
0x7e: {  	s21 =	sand.u32 $0x1FFFFE80, s20;
	[smem:$0x7DB] =	sst s1;
	s1 =	sadd.s32 s4, s19  }
0x7f: {  	s23 =	sand.u32 $0x1FFFFF00, s22;
	[smem:$0x7DC] =	sst s1;
	s1 =	sadd.s32 s4, s21  }
0x80: {  	s25 =	sand.u32 $0x1FFFFF80, s24;
	[smem:$0x7DD] =	sst s1;
	s1 =	sadd.s32 s4, s23  }
0x81: {  	[smem:$0x7DE] =	sst s1;
	s1 =	sadd.s32 s4, s25  }
0x82: {  	s4 =	sadd.s32 $0x800, s3;
	[smem:$0x7DF] =	sst s1  }
0x83: {  	s14 =	sadd.s32 $0x1000, s3;
	_ =	strace $0x8000004A;
	[smem:$0x7E3] =	sst s4  }
0x84: {  	s16 =	sadd.s32 $0x1800, s3;
	[smem:$0x7E4] =	sst s14  }
0x85: {  	s17 =	sadd.s32 $0x2000, s3;
	[smem:$0x7E5] =	sst s16  }
0x86: {  	s18 =	sadd.s32 $0x2800, s3;
	[smem:$0x7E6] =	sst s17  }
0x87: {  	s19 =	sadd.s32 $0x3000, s3;
	[smem:$0x7E7] =	sst s18  }
0x88: {  	s20 =	sadd.s32 $0x3800, s3;
	[smem:$0x7E8] =	sst s19  }
0x89: {  	s21 =	sadd.s32 $0x4000, s3;
	[smem:$0x7E9] =	sst s20  }
0x8a: {  	s22 =	sadd.s32 $0x4800, s3;
	[smem:$0x7EA] =	sst s21  }
0x8b: {  	s23 =	sadd.s32 $0x5000, s3;
	[smem:$0x7EB] =	sst s22  }
0x8c: {  	s24 =	sadd.s32 $0x5800, s3;
	[smem:$0x7EC] =	sst s23  }
0x8d: {  	s25 =	sadd.s32 $0x6000, s3;
	[smem:$0x7ED] =	sst s24  }
0x8e: {  	s6 =	sshll.u32 s26, $0xD;
	s26 =	sadd.s32 $0x6800, s3;
	[smem:$0x7EE] =	sst s25  }
0x8f: {  	[smem:$0x7EF] =	sst s26  }
0x90: {  	s4 =	sadd.s32 $0x7800, s3;
	s2 =	sld [smem:$0x7E1]  }
0x91: {  	s14 =	sadd.s32 $0x8000, s3;
	[smem:$0x7F1] =	sst s4  }
0x92: {  	s16 =	sadd.s32 $0x8800, s3;
	[smem:$0x7F2] =	sst s14  }
0x93: {  	s30 =	simm.s32 $0xE000;
	s17 =	sadd.s32 $0x9000, s3;
	[smem:$0x7F3] =	sst s16  }
0x94: {  	s29 =	simm.s32 $0x8000;
	s18 =	sadd.s32 $0x9800, s3;
	[smem:$0x7F4] =	sst s17  }
0x95: {  	s28 =	simm.s32 $0x4000;
	s19 =	sadd.s32 $0xA000, s3;
	[smem:$0x7F5] =	sst s18  }
0x96: {  	s31 =	simm.s32 $0x16A00;
	s20 =	sadd.s32 $0xA800, s3;
	[smem:$0x7F6] =	sst s19  }
0x97: {  	s11 =	sor.u32 $0x10, s6;
	s21 =	sadd.s32 $0xB000, s3;
	[smem:$0x7F7] =	sst s20  }
0x98: {  	s7 =	sor.u32 $0x20, s6;
	s22 =	sadd.s32 $0xB800, s3;
	[smem:$0x7F8] =	sst s21  }
0x99: {  	s8 =	sor.u32 $0x30, s6;
	s23 =	sadd.s32 $0xC000, s3;
	[smem:$0x7F9] =	sst s22  }
0x9a: {  	s10 =	sor.u32 $0x50, s6;
	s24 =	sadd.s32 $0xC800, s3;
	[smem:$0x7FA] =	sst s23  }
0x9b: {  	s12 =	sor.u32 $0x60, s6;
	s25 =	sadd.s32 $0xD000, s3;
	[smem:$0x7FB] =	sst s24  }
0x9c: {  	s5 =	sor.u32 $0x70, s6;
	s26 =	sadd.s32 $0xD800, s3;
	[smem:$0x7FC] =	sst s25  }
0x9d: {  	v6 =	vmov s5;
	s5 =	simm.s32 $0x0;
	s13 =	sor.u32 $0x40, s6;
	[smem:$0x7FD] =	sst s26  }
0x9e: {  	s19 =	sadd.s32 $0xE000, s3;
	s20 =	sadd.s32 $0xE800, s3;
	s21 =	sadd.s32 $0xF000, s3  }
0x9f: {  	v9 =	vlaneseq.u32;
	s4 =	smov.u32 s3;
	s22 =	sadd.s32 $0xF800, s3;
	s23 =	sshll.u32 s0, $0x9  }
0xa0: {  	v8 =	vimm.f32 $+Inf;
	v9 =	vor.u32 $0x80000000, v9;
	v0 =	vmov s6;
	s14 =	sor.u32 $0x4040, s6;
	s16 =	sor.u32 $0x8040, s6;
	s1 =	smax.u32 s2, $0x1  }
0xa1: {  	v1 =	vmov s11;
	v2 =	vmov s7;
	v3 =	vmov s8;
	s26 =	simm.s32 $0x2;
	s2 =	sadd.s32 $0x7000, s3;
	[smem:$0x7E2] =	sst s1  }
0xa2: {  	v4 =	vmov s10;
	v5 =	vmov s12;
	v7 =	vmov s13;
	[smem:$0x7F0] =	sst s2;
	s1 =	simm.s32 $0x16A80;
	s2 =	simm.s32 $0x80  }
.LBB2_1:
0xa3: {  	[smem:$0x7AD] =	sst s5  }
0xa4: {  	s3 =	rddreg [dreg:$0x5]  }
0xa5: {  	[tilespmem:s9], [sflag:$0x2] =	stream.linear.gather [hbm4b:s3+s9], $0x4000, $0x38;
	[tilespmem:$0x16B40] =	vst v63  }
0xa6: {  	_ =	swait.ge [sflag:s26], $0x4000  }
0xa7: {  	[sflag:s26] =	ssyncset.done $0x0  }
0xa8: {  	s24 =	rddreg [dreg:$0x6];
	[sflag:s26] =	ssyncadd.s32 $0xFFFFC000  }
0xa9: {  	[tilespmem:s28], [sflag:$0x2] =	stream.linear.gather [hbm4b:s24+s9], $0x4000, $0x38;
	[tilespmem:$0x16B40] =	vst v63  }
0xaa: {  	_ =	swait.ge [sflag:s26], $0x4000  }
0xab: {  	[sflag:s26] =	ssyncset.done $0x0  }
0xac: {  	s25 =	rddreg [dreg:$0x7];
	[sflag:s26] =	ssyncadd.s32 $0xFFFFC000  }
0xad: {  	[tilespmem:s29], [sflag:$0x2] =	stream.linear.gather [hbm4b:s25+s9], $0x4000, $0x38;
	[tilespmem:$0x16B40] =	vst v63  }
0xae: {  	_ =	swait.ge [sflag:s26], $0x4000  }
0xaf: {  	[sflag:s26] =	ssyncset.done $0x0  }
0xb0: {  	s5 =	simm.s32 $0x200;
	s3 =	simm.s32 $0x0;
	[sflag:s26] =	ssyncadd.s32 $0xFFFFC000  }
.LBB2_2:
0xb1: {  	p0 =	sne.s32 s5, $0x7E00;
	[tilespmem:s3+$0xC070] =	vst v8  }
0xb2: {  	[tilespmem:s3+$0xC000] =	vst v8  }
0xb3: {  	[tilespmem:s3+$0xC010] =	vst v8  }
.Ltmp0:
0xb4: {  	[tilespmem:s3+$0xC020] =	vst v8;
	(pc) =	sbr.rel @p0 .LBB2_2-.Ltmp0, $4  }
0xb5: {  	[tilespmem:s3+$0xC030] =	vst v8  }
0xb6: {  	[tilespmem:s3+$0xC040] =	vst v8  }
0xb7: {  	[tilespmem:s3+$0xC050] =	vst v8  }
0xb8: {  	[tilespmem:s3+$0xC060] =	vst v8;
	s3 =	sshra.s32 s5, $0x2;
	s5 =	sadd.s32 $0x200, s5  }
0xb9: {  	[tilespmem:s3+$0xC070] =	vst v8  }
0xba: {  	[tilespmem:s3+$0xC000] =	vst v8  }
0xbb: {  	[tilespmem:s3+$0xC010] =	vst v8  }
.Ltmp1:
0xbc: {  	[tilespmem:s3+$0xC020] =	vst v8;
	(pc) =	sbr.rel .LBB2_4-.Ltmp1, $4  }
0xbd: {  	[tilespmem:s3+$0xC030] =	vst v8  }
0xbe: {  	[tilespmem:s3+$0xC040] =	vst v8  }
0xbf: {  	[tilespmem:s3+$0xC050] =	vst v8  }
0xc0: {  	[tilespmem:s3+$0xC060] =	vst v8;
	s3 =	simm.s32 $0x0;
	v12 =	vimm.s32 $0x0;
	s5 =	simm.s32 $0x80  }
.LBB2_10:
0xc1: {  	s3 =	sadd.s32 $0x1, s3  }
0xc2: {  	p0 =	sne.s32 s3, $0x8  }
.Ltmp2:
0xc3: {  	_ = 	snop;
	(pc) =	sbr.rel @!p0 .LBB2_11-.Ltmp2, $2  }
0xc4: {  	_ =	sdelay $0x2  }
0xc5: {  	s5 =	sadd.s32 $0x80, s5  }
.LBB2_4:
0xc6: {  	s7 =	sshll.u32 s3, $0x7  }
0xc7: {  	s6 =	smov.u32 s7  }
.LBB2_5:
0xc8: {  	v10 =	vmov s6;
	_ =	sdelay $0x4  }
0xc9: {  	s10 =	simm.s32 $0x0;
	[tilespmem:v10+s30+$0x0] =	vst.idx.msk $0x1, v12  }
0xca: {  	v10 =	vld.idx.msk [tilespmem:v12+s10+$0x0], $0xffff  }
0xcb: {  	v11 =	vld.idx.msk [tilespmem:v12+s28+$0x0], $0xffff  }
0xcc: {  	v12 =	vld.idx.msk [tilespmem:v12+s29+$0x0], $0xffff  }
0xcd: {  	v13 =	vld [tilespmem:s16+$0xFFFFFFD0]  }
0xce: {  	v16 =	vld [tilespmem:s14+$0x10]  }
0xcf: {  	v14 =	vld [tilespmem:s14+$0x0]  }
0xd0: {  	v17 =	vld [tilespmem:s16+$0xFFFFFFE0]  }
0xd1: {  	v18 =	vld [tilespmem:s14+$0xFFFFFFF0]  }
0xd2: {  	v19 =	vld [tilespmem:s14+$0xFFFFFFE0]  }
0xd3: {  	v20 =	vld [tilespmem:s14+$0xFFFFFFC0]  }
0xd4: {  	v21 =	vld [tilespmem:s16+$0xFFFFFFC0]  }
0xd5: {  	v22 =	vld [tilespmem:s13+$0xFFFFFFC0]  }
0xd6: {  	v23 =	vld [tilespmem:s14+$0x20]  }
0xd7: {  	v24 =	vld [tilespmem:s16+$0x30]  }
0xd8: {  	v26 =	vld [tilespmem:s16+$0x0];
	v25 =	vsub.f32 v13, v12  }
0xd9: {  	v28 =	vld [tilespmem:s16+$0x20];
	v17 =	vsub.f32 v17, v12;
	v19 =	vsub.f32 v19, v11  }
0xda: {  	v29 =	vld [tilespmem:s16+$0x10];
	v27 =	vsub.f32 v14, v11;
	v21 =	vsub.f32 v21, v12  }
0xdb: {  	v30 =	vld [tilespmem:s16+$0xFFFFFFF0];
	v16 =	vsub.f32 v16, v11;
	v22 =	vsub.f32 v22, v10  }
0xdc: {  	v31 =	vld [tilespmem:s13+$0x30];
	v20 =	vsub.f32 v20, v11;
	v23 =	vsub.f32 v23, v11  }
0xdd: {  	v32 =	vld [tilespmem:s13+$0x20];
	v13 =	vimm.f32 $-1.000000000e+00;
	v24 =	vsub.f32 v24, v12;
	v26 =	vsub.f32 v26, v12  }
0xde: {  	v36 =	vld [tilespmem:s13+$0xFFFFFFD0];
	v14 =	vimm.s32 $0x0;
	v18 =	vsub.f32 v18, v11;
	v28 =	vsub.f32 v28, v12  }
0xdf: {  	v29 =	vsub.f32 v29, v12;
	v21 =	vmul.f32 v21, v21;
	v17 =	vmul.f32 v17, v17  }
0xe0: {  	v34 =	vld [tilespmem:s13+$0x0];
	v30 =	vsub.f32 v30, v12;
	v25 =	vmul.f32 v25, v25;
	v19 =	vmul.f32 v19, v19  }
0xe1: {  	v33 =	vld [tilespmem:s13+$0x10];
	v31 =	vsub.f32 v31, v10;
	v22 =	vmul.f32 v22, v22;
	v20 =	vmul.f32 v20, v20  }
0xe2: {  	s8 =	simm.s32 $0xC040;
	v32 =	vsub.f32 v32, v10;
	v23 =	vmul.f32 v23, v23;
	v26 =	vmul.f32 v26, v26  }
0xe3: {  	v15 =	vld [tilespmem:s8+$0xFFFFFFC0];
	v61 =	vsub.f32 v36, v10;
	v16 =	vmul.f32 v16, v16;
	v24 =	vmul.f32 v24, v24  }
0xe4: {  	v35 =	vld [tilespmem:s13+$0xFFFFFFE0];
	v18 =	vmul.f32 v18, v18;
	v29 =	vmul.f32 v29, v29;
	v21 =	vadd.f32 v21, v22  }
0xe5: {  	v34 =	vsub.f32 v34, v10;
	v38 =	vmul.f32 v31, v31;
	v22 =	vmul.f32 v27, v27;
	v27 =	vld [tilespmem:s13+$0xFFFFFFF0]  }
0xe6: {  	v62 =	vmul.f32 v61, v61;
	v20 =	vadd.f32 v21, v20;
	v21 =	vsub.f32 v33, v10  }
0xe7: {  	v60 =	vld [tilespmem:s14+$0x30];
	v28 =	vmul.f32 v28, v28;
	v32 =	vmul.f32 v32, v32;
	v24 =	vadd.f32 v24, v38  }
0xe8: {  	v37 =	vld [tilespmem:s8+$0x20];
	v38 =	vadd.f32 v25, v62;
	v21 =	vmul.f32 v21, v21;
	v31 =	vmin.f32 v15, v20  }
0xe9: {  	v15 =	vsub.f32 v35, v10;
	v20 =	vadd.f32 v28, v32;
	v28 =	vmul.f32 v34, v34  }
0xea: {  	v39 =	vld [tilespmem:s14+$0xFFFFFFD0];
	v30 =	vmul.f32 v30, v30;
	v27 =	vsub.f32 v27, v10;
	v21 =	vadd.f32 v29, v21  }
0xeb: {  	v25 =	vimm.s32 $0x0;
	v20 =	vadd.f32 v20, v23;
	v23 =	vadd.f32 v26, v28  }
0xec: {  	v15 =	vmul.f32 v15, v15;
	v28 =	vsub.f32 v60, v11;
	v27 =	vmul.f32 v27, v27  }
0xed: {  	v29 =	vld [tilespmem:s8+$0x0];
	v21 =	vadd.f32 v21, v16;
	v20 =	vmin.f32 v37, v20;
	v22 =	vadd.f32 v23, v22  }
0xee: {  	v26 =	vld [tilespmem:s8+$0x10];
	v17 =	vadd.f32 v17, v15;
	v28 =	vmul.f32 v28, v28;
	vm0 =	vgt.f32 v20, v13  }
0xef: {  	v63 =	vld [tilespmem:s8+$0xFFFFFFF0];
	v27 =	vadd.f32 v30, v27;
	v30 =	vsub.f32 v39, v11;
	v15 =	vsel vm0, v20, v13  }
0xf0: {  	v23 =	vld [tilespmem:s8+$0xFFFFFFE0];
	v16 =	vsel vm0, s10, v14;
	v17 =	vadd.f32 v17, v19;
	v34 =	vadd.f32 v24, v28  }
0xf1: {  	[tilespmem:s8+$0x20] =	vst v20;
	v24 =	vimm.f32 $-1.000000000e+00;
	v19 =	vimm.f32 $-1.000000000e+00;
	v20 =	vimm.f32 $-1.000000000e+00  }
0xf2: {  	v28 =	vimm.s32 $0x0;
	v35 =	vmul.f32 v30, v30;
	v32 =	vmin.f32 v29, v22  }
0xf3: {  	v36 =	vld [tilespmem:s8+$0x30];
	v18 =	vadd.f32 v27, v18;
	v33 =	vmin.f32 v26, v21;
	v22 =	vimm.s32 $0x0  }
0xf4: {  	[tilespmem:s8+$0xFFFFFFC0] =	vst v31;
	v37 =	vld [tilespmem:s8+$0xFFFFFFD0];
	v21 =	vimm.s32 $0x0;
	v26 =	vimm.s32 $0x0;
	v27 =	vimm.s32 $0x0  }
0xf5: {  	s11 =	simm.s32 $0x1;
	s12 =	simm.s32 $0xC0C0;
	vm0 =	vgt.f32 v32, v13;
	[tilespmem:s8+$0x10] =	vst v33;
	v29 =	vmin.f32 v23, v17;
	v30 =	vmin.f32 v63, v18  }
0xf6: {  	s18 =	smov.u32 s13;
	s24 =	smov.u32 s14;
	s25 =	smov.u32 s16;
	[tilespmem:s8+$0x0] =	vst v32;
	v17 =	vimm.f32 $-1.000000000e+00;
	v18 =	vimm.f32 $-1.000000000e+00;
	v23 =	vimm.f32 $-1.000000000e+00  }
.LBB2_6:
0xf7: {  	v35 =	vadd.f32 v38, v35;
	vm1 =	vgt.f32 v33, v13;
	v14 =	vsel vm0, s10, v14;
	s18 =	sadd.s32 $0x80, s18;
	s24 =	sadd.s32 $0x80, s24;
	s25 =	sadd.s32 $0x80, s25  }
0xf8: {  	p0 =	sne.s32 s11, $0x3F;
	vm2 =	vgt.f32 v31, v24;
	s17 =	smov.u32 s11;
	s11 =	sadd.s32 $0x1, s11;
	[tilespmem:s8+$0xFFFFFFF0] =	vst v30  }
0xf9: {  	v24 =	vsel vm2, v31, v24;
	v35 =	vmin.f32 v37, v35;
	v34 =	vmin.f32 v36, v34;
	[tilespmem:s8+$0xFFFFFFE0] =	vst v29  }
0xfa: {  	v13 =	vsel vm1, v33, v13;
	v22 =	vsel vm1, s10, v22;
	[tilespmem:s8+$0xFFFFFFD0] =	vst v35;
	vm3 =	vgt.f32 v35, v17  }
0xfb: {  	v23 =	vsel vm0, v32, v23;
	vm1 =	vgt.f32 v34, v18;
	v31 =	vld [tilespmem:s12+$0xFFFFFFC0];
	[tilespmem:s8+$0x30] =	vst v34;
	v17 =	vsel vm3, v35, v17;
	s8 =	smov.u32 s12  }
0xfc: {  	v21 =	vsel vm2, s10, v21;
	v18 =	vsel vm1, v34, v18;
	v25 =	vsel vm3, s10, v25;
	v32 =	vld [tilespmem:s25+$0xFFFFFFD0]  }
0xfd: {  	vm0 =	vgt.f32 v29, v19;
	vm2 =	vgt.f32 v30, v20;
	v28 =	vsel vm1, s10, v28;
	v33 =	vld [tilespmem:s24+$0x10]  }
0xfe: {  	v19 =	vsel vm0, v29, v19;
	v26 =	vsel vm0, s10, v26;
	v20 =	vsel vm2, v30, v20;
	v34 =	vld [tilespmem:s24+$0x0]  }
0xff: {  	v27 =	vsel vm2, s10, v27;
	s10 =	smov.u32 s17;
	v29 =	vld [tilespmem:s25+$0xFFFFFFE0]  }
0x100: {  	v30 =	vld [tilespmem:s24+$0xFFFFFFF0]  }
0x101: {  	v35 =	vld [tilespmem:s24+$0xFFFFFFE0]  }
0x102: {  	v36 =	vld [tilespmem:s24+$0xFFFFFFC0]  }
0x103: {  	v37 =	vld [tilespmem:s25+$0xFFFFFFC0]  }
0x104: {  	v38 =	vld [tilespmem:s18+$0xFFFFFFC0]  }
0x105: {  	v39 =	vld [tilespmem:s24+$0x20]  }
0x106: {  	v32 =	vsub.f32 v32, v12;
	v29 =	vsub.f32 v29, v12;
	v40 =	vld [tilespmem:s25+$0x30]  }
0x107: {  	v34 =	vsub.f32 v34, v11;
	v35 =	vsub.f32 v35, v11;
	v41 =	vld [tilespmem:s25+$0x0]  }
0x108: {  	v33 =	vsub.f32 v33, v11;
	v42 =	vld [tilespmem:s25+$0x20];
	v37 =	vsub.f32 v37, v12  }
0x109: {  	v36 =	vsub.f32 v36, v11;
	v43 =	vld [tilespmem:s25+$0x10];
	v38 =	vsub.f32 v38, v10  }
0x10a: {  	v29 =	vmul.f32 v29, v29;
	v44 =	vld [tilespmem:s25+$0xFFFFFFF0];
	v39 =	vsub.f32 v39, v11;
	v37 =	vmul.f32 v37, v37  }
0x10b: {  	v46 =	vmul.f32 v32, v32;
	v47 =	vmul.f32 v35, v35;
	v45 =	vld [tilespmem:s18+$0x30];
	v40 =	vsub.f32 v40, v12  }
0x10c: {  	v36 =	vmul.f32 v36, v36;
	v38 =	vmul.f32 v38, v38;
	v32 =	vld [tilespmem:s18+$0x20];
	v35 =	vsub.f32 v41, v12  }
0x10d: {  	v30 =	vsub.f32 v30, v11;
	v39 =	vmul.f32 v39, v39;
	v41 =	vld [tilespmem:s18+$0x10];
	v42 =	vsub.f32 v42, v12  }
0x10e: {  	v34 =	vmul.f32 v34, v34;
	v37 =	vadd.f32 v37, v38;
	v48 =	vld [tilespmem:s18+$0x0];
	v43 =	vsub.f32 v43, v12  }
0x10f: {  	v33 =	vmul.f32 v33, v33;
	v35 =	vmul.f32 v35, v35;
	v38 =	vld [tilespmem:s18+$0xFFFFFFF0];
	v44 =	vsub.f32 v44, v12  }
0x110: {  	v30 =	vmul.f32 v30, v30;
	v40 =	vmul.f32 v40, v40;
	v49 =	vld [tilespmem:s18+$0xFFFFFFE0];
	v45 =	vsub.f32 v45, v10  }
0x111: {  	v36 =	vadd.f32 v37, v36;
	v43 =	vmul.f32 v43, v43;
	v50 =	vld [tilespmem:s18+$0xFFFFFFD0];
	v32 =	vsub.f32 v32, v10  }
0x112: {  	v42 =	vmul.f32 v42, v42;
	v44 =	vmul.f32 v44, v44;
	v37 =	vld [tilespmem:s12+$0x20];
	v41 =	vsub.f32 v41, v10  }
0x113: {  	v45 =	vmul.f32 v45, v45;
	v51 =	vld [tilespmem:s24+$0x30];
	v48 =	vsub.f32 v48, v10;
	v32 =	vmul.f32 v32, v32  }
0x114: {  	v31 =	vmin.f32 v31, v36;
	v52 =	vld [tilespmem:s24+$0xFFFFFFD0];
	v38 =	vsub.f32 v38, v10;
	v41 =	vmul.f32 v41, v41  }
0x115: {  	v36 =	vsub.f32 v49, v10;
	v48 =	vmul.f32 v48, v48;
	v32 =	vadd.f32 v42, v32;
	[tilespmem:s12+$0xFFFFFFC0] =	vst v31  }
0x116: {  	v42 =	vsub.f32 v50, v10;
	v38 =	vmul.f32 v38, v38;
	v41 =	vadd.f32 v43, v41  }
0x117: {  	v43 =	vld [tilespmem:s12+$0x0];
	v36 =	vmul.f32 v36, v36;
	v35 =	vadd.f32 v35, v48;
	v32 =	vadd.f32 v32, v39  }
0x118: {  	v39 =	vld [tilespmem:s12+$0x10];
	v48 =	vsub.f32 v51, v11;
	v42 =	vmul.f32 v42, v42;
	v33 =	vadd.f32 v41, v33  }
0x119: {  	v38 =	vadd.f32 v44, v38;
	v41 =	vld [tilespmem:s12+$0xFFFFFFF0];
	v34 =	vadd.f32 v35, v34;
	v32 =	vmin.f32 v37, v32  }
0x11a: {  	v35 =	vsub.f32 v52, v11;
	v29 =	vadd.f32 v29, v36;
	v44 =	vld [tilespmem:s12+$0xFFFFFFE0];
	[tilespmem:s12+$0x20] =	vst v32;
	vm0 =	vgt.f32 v32, v15  }
.Ltmp3:
0x11b: {  	v40 =	vadd.f32 v40, v45;
	v15 =	vsel vm0, v32, v15;
	v16 =	vsel vm0, s10, v16;
	(pc) =	sbr.rel @p0 .LBB2_6-.Ltmp3, $4  }
0x11c: {  	v45 =	vmul.f32 v48, v48;
	v35 =	vmul.f32 v35, v35;
	v37 =	vld [tilespmem:s12+$0xFFFFFFD0];
	v32 =	vmin.f32 v43, v34  }
0x11d: {  	v30 =	vadd.f32 v38, v30;
	v29 =	vadd.f32 v29, v47;
	v36 =	vld [tilespmem:s12+$0x30];
	v33 =	vmin.f32 v39, v33  }
0x11e: {  	v38 =	vadd.f32 v46, v42;
	v34 =	vadd.f32 v40, v45;
	[tilespmem:s12+$0x10] =	vst v33  }
0x11f: {  	vm0 =	vgt.f32 v32, v23;
	v30 =	vmin.f32 v41, v30;
	s12 =	sadd.s32 $0x80, s12;
	v29 =	vmin.f32 v44, v29;
	[tilespmem:s8+$0x0] =	vst v32  }
0x120: {  	v10 =	vadd.f32 v38, v35  }
0x121: {  	vm1 =	vgt.f32 v33, v13;
	v11 =	vsel vm0, s10, v14;
	vm2 =	vgt.f32 v31, v24  }
0x122: {  	v23 =	vsel vm0, v32, v23;
	vm10 =	vgt.f32 v29, v19;
	vm11 =	vgt.f32 v30, v20  }
0x123: {  	v16 =	vshll.u32 v16, $0x7;
	v14 =	vsel vm2, v31, v24;
	v13 =	vsel vm1, v33, v13  }
0x124: {  	v22 =	vsel vm1, s10, v22;
	v21 =	vsel vm2, s10, v21;
	v19 =	vsel vm10, v29, v19  }
0x125: {  	v20 =	vsel vm11, v30, v20;
	v26 =	vsel vm10, s10, v26;
	v27 =	vsel vm11, s10, v27  }
0x126: {  	v11 =	vshll.u32 v11, $0x7;
	v16 =	vadd.s32 v5, v16;
	v10 =	vmin.f32 v37, v10  }
0x127: {  	v12 =	vmin.f32 v36, v34;
	v21 =	vshll.u32 v21, $0x7;
	v26 =	vshll.u32 v26, $0x7  }
0x128: {  	v27 =	vshll.u32 v27, $0x7;
	v11 =	vadd.s32 v7, v11;
	v22 =	vshll.u32 v22, $0x7  }
0x129: {  	vm15 =	vgt.f32 v20, v19;
	vm6 =	veq.f32 v20, v19;
	vm8 =	veq.f32 v13, v23  }
0x12a: {  	vm10 =	vgt.f32 v13, v23;
	vm3 =	vgt.f32 v10, v17;
	vm9 =	vgt.f32 v12, v18  }
0x12b: {  	v21 =	vadd.s32 v0, v21;
	v26 =	vadd.s32 v2, v26;
	v27 =	vadd.s32 v3, v27  }
0x12c: {  	v22 =	vadd.s32 v4, v22;
	v17 =	vsel vm3, v10, v17;
	v18 =	vsel vm9, v12, v18  }
0x12d: {  	v60 =	vsel vm3, s10, v25;
	v61 =	vsel vm9, s10, v28;
	vm7 =	vlt.s32 v27, v26  }
0x12e: {  	vm9 =	vlt.s32 v22, v11;
	v24 =	vshll.u32 v60, $0x7;
	vm12 =	veq.f32 v17, v14  }
0x12f: {  	vm14 =	vgt.f32 v17, v14;
	v25 =	vshll.u32 v61, $0x7;
	v24 =	vadd.s32 v1, v24  }
0x130: {  	vm1 =	vmand vm6, vm7;
	vm2 =	vmand vm8, vm9;
	vm13 =	vlt.s32 v24, v21  }
0x131: {  	vm11 =	veq.f32 v18, v15;
	v25 =	vadd.s32 v6, v25;
	vm0 =	vmand vm12, vm13  }
0x132: {  	vm12 =	vlt.s32 v25, v16;
	vm13 =	vgt.f32 v18, v15;
	vm0 =	vmor vm14, vm0  }
0x133: {  	v14 =	vsel vm0, v17, v14;
	v62 =	vsel vm0, v24, v21;
	vm0 =	vmor vm15, vm1  }
0x134: {  	vm1 =	vmor vm10, vm2;
	vm2 =	vmand vm11, vm12;
	v19 =	vsel vm0, v20, v19  }
0x135: {  	v63 =	vsel vm0, v27, v26;
	v13 =	vsel vm1, v13, v23;
	vm14 =	vmor vm13, vm2  }
0x136: {  	v11 =	vsel vm1, v22, v11;
	v15 =	vsel vm14, v18, v15;
	v16 =	vsel vm14, v25, v16  }
0x137: {  	vm15 =	vgt.f32 v19, v14;
	vm5 =	veq.f32 v19, v14;
	vm6 =	vlt.s32 v63, v62  }
0x138: {  	vm1 =	vmand vm5, vm6;
	vm7 =	veq.f32 v15, v13;
	vm8 =	vlt.s32 v16, v11  }
0x139: {  	vm9 =	vgt.f32 v15, v13;
	vm0 =	vmor vm15, vm1;
	vm2 =	vmand vm7, vm8  }
0x13a: {  	v14 =	vsel vm0, v19, v14;
	vm1 =	vmor vm9, vm2  }
0x13b: {  	v17 =	vsel vm0, v63, v62;
	v13 =	vsel vm1, v15, v13;
	v11 =	vsel vm1, v16, v11  }
0x13c: {  	vm10 =	veq.f32 v13, v14;
	vm1 =	vlt.s32 v11, v17  }
0x13d: {  	vm11 =	vgt.f32 v13, v14;
	vm0 =	vmand vm10, vm1  }
0x13e: {  	vm0 =	vmor vm11, vm0  }
0x13f: {  	v13 =	vsel vm0, v13, v14  }
0x140: {  	(xrf0) =	vmax.scan.msk.f32 $0xffff, v13;
	_ =	sdelay $0x5  }
0x141: {  	v14, _, _ =	vpop (xrf0)  }
0x142: {  	v14 =	vbroadcast v14, $0xF  }
0x143: {  	v11 =	vsel vm0, v11, v17  }
0x144: {  	v11 =	vxor.u32 v9, v11;
	vm12 =	veq.f32 v13, v14  }
0x145: {  	v11 =	vnsel vm12, $0xC0000000, v11  }
0x146: {  	(xrf0) =	vmin.scan.msk.u32 $0xffff, v11;
	_ =	sdelay $0x5  }
0x147: {  	v11, _, _ =	vpop (xrf0)  }
0x148: {  	(v2sf) =	vpush v11, $0xF;
	_ =	sdelay $0xc  }
0x149: {  	[tilespmem:s8+$0xFFFFFFF0] =	vst v30  }
0x14a: {  	[tilespmem:s8+$0xFFFFFFE0] =	vst v29;
	s18 =	sshll.u32 s6, $0x4  }
0x14b: {  	[tilespmem:s8+$0xFFFFFFD0] =	vst v10;
	s10 =	sand.u32 $0x10, s18;
	s11 =	spop (v2sf)  }
0x14c: {  	[tilespmem:s8+$0x30] =	vst v12;
	s10 =	sor.u32 s0, s10;
	s24 =	sxor.u32 $0x80000000, s11  }
0x14d: {  	s10 =	sshll.u32 s10, $0x5;
	[tilespmem:$0x16A00] =	vst v14;
	v10 =	vmov s24  }
0x14e: {  	s25 =	sadd.s32 s10, s15;
	[tilespmem:$0x16A10] =	vst v10  }
0x14f: {  	[spmem:s25] =	stream.linear.scatter [tilespmem:s31], [sflag:$0x2], $0x20, $0x38;
	[tilespmem:$0x16B40] =	vst v63  }
0x150: {  	_ =	swait.ge [sflag:s26], $0x20  }
0x151: {  	[sflag:s26] =	ssyncset.done $0x0  }
0x152: {  	s10 =	sxor.u32 $0x20, s10;
	[sflag:s26] =	ssyncadd.s32 $0xFFFFFFE0  }
0x153: {  	s10 =	sadd.s32 s10, s15;
	[bflag:$0x0] =	sbarrier.arrive $0xFFFF  }
0x154: {  	[tilespmem:s1], [sflag:$0x2] =	stream.linear.gather [spmem:s10], $0x20, $0x38;
	[tilespmem:$0x16B40] =	vst v63  }
0x155: {  	_ =	swait.ge [sflag:s26], $0x20  }
0x156: {  	[sflag:s26] =	ssyncset.done $0x0  }
0x157: {  	[sflag:s26] =	ssyncadd.s32 $0xFFFFFFE0  }
0x158: {  	v10 =	vld [tilespmem:$0x16A80]  }
0x159: {  	v11 =	vld [tilespmem:$0x16A90];
	_ =	sdelay $0x1  }
0x15a: {  	s6 =	sadd.s32 $0x1, s6  }
0x15b: {  	p0 =	sne.s32 s6, s5  }
.Ltmp4:
0x15c: {  	_ = 	snop;
	(pc) =	sbr.rel @p0 .LBB2_5-.Ltmp4, $4  }
0x15d: {  	vm13 =	veq.f32 v10, v14;
	vm14 =	vlt.s32 v11, s24  }
0x15e: {  	vm15 =	vgt.f32 v10, v14;
	vm0 =	vmand vm13, vm14  }
0x15f: {  	vm0 =	vmor vm15, vm0  }
0x160: {  	v12 =	vnsel vm0, s24, v11  }
0x161: {  	p0 =	seq.s32 s3, $0x0  }
.Ltmp5:
0x162: {  	_ = 	snop;
	(pc) =	sbr.rel @p0 .LBB2_10-.Ltmp5, $1  }
0x163: {  	_ =	sdelay $0x3  }
0x164: {  	s6 =	sadd.s32 $0xDF80, s7;
	s8 =	sadd.s32 $0xE980, s7;
	s10 =	sld [smem:$0x7E3]  }
0x165: {  	[tilespmem:s8], [sflag:$0x1] =	stream.indirect.gather [hbm4b:s4+s2], $0x1, s6, s2, $0xb8;
	[tilespmem:$0x16B40] =	vst v63  }
0x166: {  	s18 =	sadd.s32 $0xED80, s7;
	s25 =	sld [smem:$0x7E4]  }
0x167: {  	[tilespmem:s18], [sflag:$0x1] =	stream.indirect.gather [hbm4b:s10+s2], $0x1, s6, s2, $0xb8;
	[tilespmem:$0x16B40] =	vst v63  }
0x168: {  	s24 =	sadd.s32 $0xF180, s7;
	s12 =	sld [smem:$0x7E5]  }
0x169: {  	[tilespmem:s24], [sflag:$0x1] =	stream.indirect.gather [hbm4b:s25+s2], $0x1, s6, s2, $0xb8;
	[tilespmem:$0x16B40] =	vst v63  }
0x16a: {  	s11 =	sadd.s32 $0xF580, s7;
	s18 =	sld [smem:$0x7E6]  }
0x16b: {  	[tilespmem:s11], [sflag:$0x1] =	stream.indirect.gather [hbm4b:s12+s2], $0x1, s6, s2, $0xb8;
	[tilespmem:$0x16B40] =	vst v63  }
0x16c: {  	s17 =	sadd.s32 $0xF980, s7;
	s25 =	sld [smem:$0x7E7]  }
0x16d: {  	[tilespmem:s17], [sflag:$0x1] =	stream.indirect.gather [hbm4b:s18+s2], $0x1, s6, s2, $0xb8;
	[tilespmem:$0x16B40] =	vst v63  }
0x16e: {  	s24 =	sadd.s32 $0xFD80, s7;
	s12 =	sld [smem:$0x7E8]  }
0x16f: {  	[tilespmem:s24], [sflag:$0x1] =	stream.indirect.gather [hbm4b:s25+s2], $0x1, s6, s2, $0xb8;
	[tilespmem:$0x16B40] =	vst v63  }
0x170: {  	s11 =	sadd.s32 $0x10180, s7;
	s18 =	sld [smem:$0x7E9]  }
0x171: {  	[tilespmem:s11], [sflag:$0x1] =	stream.indirect.gather [hbm4b:s12+s2], $0x1, s6, s2, $0xb8;
	[tilespmem:$0x16B40] =	vst v63  }
0x172: {  	s17 =	sadd.s32 $0x10580, s7;
	s25 =	sld [smem:$0x7EA]  }
0x173: {  	[tilespmem:s17], [sflag:$0x1] =	stream.indirect.gather [hbm4b:s18+s2], $0x1, s6, s2, $0xb8;
	[tilespmem:$0x16B40] =	vst v63  }
0x174: {  	s24 =	sadd.s32 $0x10980, s7;
	s12 =	sld [smem:$0x7EB]  }
0x175: {  	[tilespmem:s24], [sflag:$0x1] =	stream.indirect.gather [hbm4b:s25+s2], $0x1, s6, s2, $0xb8;
	[tilespmem:$0x16B40] =	vst v63  }
0x176: {  	s11 =	sadd.s32 $0x10D80, s7;
	s18 =	sld [smem:$0x7EC]  }
0x177: {  	[tilespmem:s11], [sflag:$0x1] =	stream.indirect.gather [hbm4b:s12+s2], $0x1, s6, s2, $0xb8;
	[tilespmem:$0x16B40] =	vst v63  }
0x178: {  	s17 =	sadd.s32 $0x11180, s7;
	s25 =	sld [smem:$0x7ED]  }
0x179: {  	[tilespmem:s17], [sflag:$0x1] =	stream.indirect.gather [hbm4b:s18+s2], $0x1, s6, s2, $0xb8;
	[tilespmem:$0x16B40] =	vst v63  }
0x17a: {  	s24 =	sadd.s32 $0x11580, s7;
	s12 =	sld [smem:$0x7EE]  }
0x17b: {  	[tilespmem:s24], [sflag:$0x1] =	stream.indirect.gather [hbm4b:s25+s2], $0x1, s6, s2, $0xb8;
	[tilespmem:$0x16B40] =	vst v63  }
0x17c: {  	s11 =	sadd.s32 $0x11980, s7;
	s18 =	sld [smem:$0x7EF]  }
0x17d: {  	[tilespmem:s11], [sflag:$0x1] =	stream.indirect.gather [hbm4b:s12+s2], $0x1, s6, s2, $0xb8;
	[tilespmem:$0x16B40] =	vst v63  }
0x17e: {  	s17 =	sadd.s32 $0x11D80, s7;
	s25 =	sld [smem:$0x7F0]  }
0x17f: {  	[tilespmem:s17], [sflag:$0x1] =	stream.indirect.gather [hbm4b:s18+s2], $0x1, s6, s2, $0xb8;
	[tilespmem:$0x16B40] =	vst v63  }
0x180: {  	s24 =	sadd.s32 $0x12180, s7;
	s12 =	sld [smem:$0x7F1]  }
0x181: {  	[tilespmem:s24], [sflag:$0x1] =	stream.indirect.gather [hbm4b:s25+s2], $0x1, s6, s2, $0xb8;
	[tilespmem:$0x16B40] =	vst v63  }
0x182: {  	s11 =	sadd.s32 $0x12580, s7;
	s18 =	sld [smem:$0x7F2]  }
0x183: {  	[tilespmem:s11], [sflag:$0x1] =	stream.indirect.gather [hbm4b:s12+s2], $0x1, s6, s2, $0xb8;
	[tilespmem:$0x16B40] =	vst v63  }
0x184: {  	s17 =	sadd.s32 $0x12980, s7;
	s25 =	sld [smem:$0x7F3]  }
0x185: {  	[tilespmem:s17], [sflag:$0x1] =	stream.indirect.gather [hbm4b:s18+s2], $0x1, s6, s2, $0xb8;
	[tilespmem:$0x16B40] =	vst v63  }
0x186: {  	s24 =	sadd.s32 $0x12D80, s7;
	s12 =	sld [smem:$0x7F4]  }
0x187: {  	[tilespmem:s24], [sflag:$0x1] =	stream.indirect.gather [hbm4b:s25+s2], $0x1, s6, s2, $0xb8;
	[tilespmem:$0x16B40] =	vst v63  }
0x188: {  	s11 =	sadd.s32 $0x13180, s7;
	s18 =	sld [smem:$0x7F5]  }
0x189: {  	[tilespmem:s11], [sflag:$0x1] =	stream.indirect.gather [hbm4b:s12+s2], $0x1, s6, s2, $0xb8;
	[tilespmem:$0x16B40] =	vst v63  }
0x18a: {  	s17 =	sadd.s32 $0x13580, s7;
	s25 =	sld [smem:$0x7F6]  }
0x18b: {  	[tilespmem:s17], [sflag:$0x1] =	stream.indirect.gather [hbm4b:s18+s2], $0x1, s6, s2, $0xb8;
	[tilespmem:$0x16B40] =	vst v63  }
0x18c: {  	s24 =	sadd.s32 $0x13980, s7;
	s12 =	sld [smem:$0x7F7]  }
0x18d: {  	[tilespmem:s24], [sflag:$0x1] =	stream.indirect.gather [hbm4b:s25+s2], $0x1, s6, s2, $0xb8;
	[tilespmem:$0x16B40] =	vst v63  }
0x18e: {  	s11 =	sadd.s32 $0x13D80, s7;
	s18 =	sld [smem:$0x7F8]  }
0x18f: {  	[tilespmem:s11], [sflag:$0x1] =	stream.indirect.gather [hbm4b:s12+s2], $0x1, s6, s2, $0xb8;
	[tilespmem:$0x16B40] =	vst v63  }
0x190: {  	s17 =	sadd.s32 $0x14180, s7;
	s25 =	sld [smem:$0x7F9]  }
0x191: {  	[tilespmem:s17], [sflag:$0x1] =	stream.indirect.gather [hbm4b:s18+s2], $0x1, s6, s2, $0xb8;
	[tilespmem:$0x16B40] =	vst v63  }
0x192: {  	s24 =	sadd.s32 $0x14580, s7;
	s12 =	sld [smem:$0x7FA]  }
0x193: {  	[tilespmem:s24], [sflag:$0x1] =	stream.indirect.gather [hbm4b:s25+s2], $0x1, s6, s2, $0xb8;
	[tilespmem:$0x16B40] =	vst v63  }
0x194: {  	s11 =	sadd.s32 $0x14980, s7;
	s18 =	sld [smem:$0x7FB]  }
0x195: {  	[tilespmem:s11], [sflag:$0x1] =	stream.indirect.gather [hbm4b:s12+s2], $0x1, s6, s2, $0xb8;
	[tilespmem:$0x16B40] =	vst v63  }
0x196: {  	s17 =	sadd.s32 $0x14D80, s7;
	s25 =	sld [smem:$0x7FC]  }
0x197: {  	[tilespmem:s17], [sflag:$0x1] =	stream.indirect.gather [hbm4b:s18+s2], $0x1, s6, s2, $0xb8;
	[tilespmem:$0x16B40] =	vst v63  }
0x198: {  	s24 =	sadd.s32 $0x15180, s7;
	s12 =	sld [smem:$0x7FD]  }
0x199: {  	[tilespmem:s24], [sflag:$0x1] =	stream.indirect.gather [hbm4b:s25+s2], $0x1, s6, s2, $0xb8;
	[tilespmem:$0x16B40] =	vst v63  }
0x19a: {  	s11 =	sadd.s32 $0x15580, s7  }
0x19b: {  	[tilespmem:s11], [sflag:$0x1] =	stream.indirect.gather [hbm4b:s12+s2], $0x1, s6, s2, $0xb8;
	[tilespmem:$0x16B40] =	vst v63  }
0x19c: {  	s17 =	sadd.s32 $0x15980, s7  }
0x19d: {  	[tilespmem:s17], [sflag:$0x1] =	stream.indirect.gather [hbm4b:s19+s2], $0x1, s6, s2, $0xb8;
	[tilespmem:$0x16B40] =	vst v63  }
0x19e: {  	s18 =	sadd.s32 $0x15D80, s7  }
0x19f: {  	[tilespmem:s18], [sflag:$0x1] =	stream.indirect.gather [hbm4b:s20+s2], $0x1, s6, s2, $0xb8;
	[tilespmem:$0x16B40] =	vst v63  }
.Ltmp6:
0x1a0: {  	_ = 	snop;
	(pc) =	sbr.rel .LBB2_10-.Ltmp6, $4  }
0x1a1: {  	s24 =	sadd.s32 $0x16180, s7  }
0x1a2: {  	[tilespmem:s24], [sflag:$0x1] =	stream.indirect.gather [hbm4b:s21+s2], $0x1, s6, s2, $0xb8;
	[tilespmem:$0x16B40] =	vst v63  }
0x1a3: {  	s25 =	sadd.s32 $0x16580, s7  }
0x1a4: {  	[tilespmem:s25], [sflag:$0x1] =	stream.indirect.gather [hbm4b:s22+s2], $0x1, s6, s2, $0xb8;
	[tilespmem:$0x16B40] =	vst v63  }
.LBB2_11:
0x1a5: {  	s3 =	simm.s32 $0x0;
	s5 =	sadd.s32 $0x0, s23  }
0x1a6: {  	s5 =	sand.u32 $0x380, s5;
	s3 =	sand.u32 $0x70, s3  }
0x1a7: {  	s3 =	sor.u32 s3, s5  }
0x1a8: {  	v10 =	vld [tilespmem:s3+$0xE000];
	_ =	sdelay $0x7  }
0x1a9: {  	v11 =	vld.idx.msk [tilespmem:v10+s9+$0x0], $0xffff;
	_ =	sdelay $0x3  }
0x1aa: {  	s3 =	simm.s32 $0xE400  }
0x1ab: {  	[tilespmem:s3+$0x0] =	vst v11  }
0x1ac: {  	v11 =	vld.idx.msk [tilespmem:v10+s28+$0x0], $0xffff;
	_ =	sdelay $0x3  }
0x1ad: {  	s25 =	simm.s32 $0xE600  }
0x1ae: {  	[tilespmem:s25+$0x0] =	vst v11  }
0x1af: {  	v10 =	vld.idx.msk [tilespmem:v10+s29+$0x0], $0xffff  }
0x1b0: {  	s7 =	simm.s32 $0xE800;
	s10 =	sadd.s32 $0x10, s23  }
0x1b1: {  	s6 =	simm.s32 $0x10;
	s8 =	simm.s32 $0x20;
	s10 =	sand.u32 $0x380, s10  }
0x1b2: {  	s11 =	sand.u32 $0x70, s6;
	s6 =	simm.s32 $0xE610;
	s5 =	simm.s32 $0xE810  }
.LBB2_12:
0x1b3: {  	s10 =	sor.u32 s11, s10;
	s3 =	sadd.s32 $0x10, s3  }
0x1b4: {  	[tilespmem:s7+$0x0] =	vst v10;
	s11 =	smov.u32 s8;
	s12 =	sadd.s32 $0x10, s8;
	s7 =	smov.u32 s5  }
0x1b5: {  	p0 =	sne.s32 s8, $0x1F0;
	v10 =	vld [tilespmem:s10+$0xE000];
	_ =	sdelay $0x7  }
0x1b6: {  	v11 =	vld.idx.msk [tilespmem:v10+s9+$0x0], $0xffff;
	_ =	sdelay $0x5  }
0x1b7: {  	[tilespmem:s3+$0x0] =	vst v11  }
0x1b8: {  	v11 =	vld.idx.msk [tilespmem:v10+s28+$0x0], $0xffff;
	_ =	sdelay $0x5  }
0x1b9: {  	[tilespmem:s6+$0x0] =	vst v11  }
0x1ba: {  	v10 =	vld.idx.msk [tilespmem:v10+s29+$0x0], $0xffff  }
.Ltmp7:
0x1bb: {  	(pc) =	sbr.rel @p0 .LBB2_12-.Ltmp7, $3  }
0x1bc: {  	_ =	sdelay $0x1  }
0x1bd: {  	s5 =	sadd.s32 $0x10, s5;
	s8 =	sadd.s32 s11, s23;
	s11 =	sand.u32 $0x70, s11  }
0x1be: {  	s10 =	sand.u32 $0x380, s8;
	s8 =	smov.u32 s12;
	s6 =	sadd.s32 $0x10, s6  }
0x1bf: {  	s8 =	sor.u32 s11, s10;
	[tilespmem:s7+$0x0] =	vst v10  }
0x1c0: {  	v10 =	vld [tilespmem:s8+$0xE000];
	_ =	sdelay $0x7  }
0x1c1: {  	v11 =	vld.idx.msk [tilespmem:v10+s9+$0x0], $0xffff;
	_ =	sdelay $0x3  }
0x1c2: {  	s3 =	sadd.s32 $0x10, s3  }
0x1c3: {  	[tilespmem:s3+$0x0] =	vst v11  }
0x1c4: {  	v11 =	vld.idx.msk [tilespmem:v10+s28+$0x0], $0xffff;
	_ =	sdelay $0x4  }
0x1c5: {  	[tilespmem:s6+$0x0] =	vst v11  }
0x1c6: {  	v10 =	vld.idx.msk [tilespmem:v10+s29+$0x0], $0xffff;
	_ =	sdelay $0x4  }
0x1c7: {  	s10 =	simm.s32 $0xE400;
	s8 =	rddreg [dreg:$0x8];
	[tilespmem:s5+$0x0] =	vst v10  }
0x1c8: {  	[hbm4b:s8+s9] =	stream.linear.scatter [tilespmem:s10], [sflag:$0x2], $0x200, $0x38;
	[tilespmem:$0x16B40] =	vst v63  }
0x1c9: {  	_ =	swait.ge [sflag:s26], $0x200  }
0x1ca: {  	[sflag:s26] =	ssyncset.done $0x0  }
0x1cb: {  	s12 =	simm.s32 $0xE600;
	s11 =	rddreg [dreg:$0x9];
	[sflag:s26] =	ssyncadd.s32 $0xFFFFFE00  }
0x1cc: {  	[hbm4b:s11+s9] =	stream.linear.scatter [tilespmem:s12], [sflag:$0x2], $0x200, $0x38;
	[tilespmem:$0x16B40] =	vst v63  }
0x1cd: {  	_ =	swait.ge [sflag:s26], $0x200  }
0x1ce: {  	[sflag:s26] =	ssyncset.done $0x0  }
0x1cf: {  	s18 =	simm.s32 $0xE800;
	s17 =	rddreg [dreg:$0xa];
	[sflag:s26] =	ssyncadd.s32 $0xFFFFFE00  }
0x1d0: {  	[hbm4b:s17+s9] =	stream.linear.scatter [tilespmem:s18], [sflag:$0x2], $0x200, $0x38;
	[tilespmem:$0x16B40] =	vst v63  }
0x1d1: {  	_ =	swait.ge [sflag:s26], $0x200  }
0x1d2: {  	s25 =	simm.s32 $0xED80;
	[sflag:s26] =	ssyncset.done $0x0;
	s24 =	rddreg [dreg:$0xb]  }
0x1d3: {  	s5 =	simm.s32 $0xE380;
	s6 =	rddreg [dreg:$0xc];
	[sflag:s26] =	ssyncadd.s32 $0xFFFFFE00  }
0x1d4: {  	[tilespmem:s25], [sflag:$0x1] =	stream.indirect.gather [hbm4b:s24+s2], $0x1, s5, s2, $0xb8;
	[tilespmem:$0x16B40] =	vst v63  }
0x1d5: {  	s7 =	simm.s32 $0xF180;
	s8 =	rddreg [dreg:$0xd]  }
0x1d6: {  	[tilespmem:s7], [sflag:$0x1] =	stream.indirect.gather [hbm4b:s6+s2], $0x1, s5, s2, $0xb8;
	[tilespmem:$0x16B40] =	vst v63  }
0x1d7: {  	s10 =	simm.s32 $0xF580;
	s11 =	rddreg [dreg:$0xe]  }
0x1d8: {  	[tilespmem:s10], [sflag:$0x1] =	stream.indirect.gather [hbm4b:s8+s2], $0x1, s5, s2, $0xb8;
	[tilespmem:$0x16B40] =	vst v63  }
0x1d9: {  	s12 =	simm.s32 $0xF980;
	s17 =	rddreg [dreg:$0xf]  }
0x1da: {  	[tilespmem:s12], [sflag:$0x1] =	stream.indirect.gather [hbm4b:s11+s2], $0x1, s5, s2, $0xb8;
	[tilespmem:$0x16B40] =	vst v63  }
0x1db: {  	s18 =	simm.s32 $0xFD80;
	s24 =	rddreg [dreg:$0x10]  }
0x1dc: {  	[tilespmem:s18], [sflag:$0x1] =	stream.indirect.gather [hbm4b:s17+s2], $0x1, s5, s2, $0xb8;
	[tilespmem:$0x16B40] =	vst v63  }
0x1dd: {  	s25 =	simm.s32 $0x10180;
	s6 =	rddreg [dreg:$0x11]  }
0x1de: {  	[tilespmem:s25], [sflag:$0x1] =	stream.indirect.gather [hbm4b:s24+s2], $0x1, s5, s2, $0xb8;
	[tilespmem:$0x16B40] =	vst v63  }
0x1df: {  	s7 =	simm.s32 $0x10580;
	s8 =	rddreg [dreg:$0x12]  }
0x1e0: {  	[tilespmem:s7], [sflag:$0x1] =	stream.indirect.gather [hbm4b:s6+s2], $0x1, s5, s2, $0xb8;
	[tilespmem:$0x16B40] =	vst v63  }
0x1e1: {  	s10 =	simm.s32 $0x10980;
	s11 =	rddreg [dreg:$0x13]  }
0x1e2: {  	[tilespmem:s10], [sflag:$0x1] =	stream.indirect.gather [hbm4b:s8+s2], $0x1, s5, s2, $0xb8;
	[tilespmem:$0x16B40] =	vst v63  }
0x1e3: {  	s12 =	simm.s32 $0x10D80;
	s17 =	rddreg [dreg:$0x14]  }
0x1e4: {  	[tilespmem:s12], [sflag:$0x1] =	stream.indirect.gather [hbm4b:s11+s2], $0x1, s5, s2, $0xb8;
	[tilespmem:$0x16B40] =	vst v63  }
0x1e5: {  	s18 =	simm.s32 $0x11180;
	s24 =	rddreg [dreg:$0x15]  }
0x1e6: {  	[tilespmem:s18], [sflag:$0x1] =	stream.indirect.gather [hbm4b:s17+s2], $0x1, s5, s2, $0xb8;
	[tilespmem:$0x16B40] =	vst v63  }
0x1e7: {  	s25 =	simm.s32 $0x11580;
	s6 =	rddreg [dreg:$0x16]  }
0x1e8: {  	[tilespmem:s25], [sflag:$0x1] =	stream.indirect.gather [hbm4b:s24+s2], $0x1, s5, s2, $0xb8;
	[tilespmem:$0x16B40] =	vst v63  }
0x1e9: {  	s7 =	simm.s32 $0x11980;
	s8 =	rddreg [dreg:$0x17]  }
0x1ea: {  	[tilespmem:s7], [sflag:$0x1] =	stream.indirect.gather [hbm4b:s6+s2], $0x1, s5, s2, $0xb8;
	[tilespmem:$0x16B40] =	vst v63  }
0x1eb: {  	s10 =	simm.s32 $0x11D80;
	s11 =	rddreg [dreg:$0x18]  }
0x1ec: {  	[tilespmem:s10], [sflag:$0x1] =	stream.indirect.gather [hbm4b:s8+s2], $0x1, s5, s2, $0xb8;
	[tilespmem:$0x16B40] =	vst v63  }
0x1ed: {  	s12 =	simm.s32 $0x12180;
	s17 =	rddreg [dreg:$0x19]  }
0x1ee: {  	[tilespmem:s12], [sflag:$0x1] =	stream.indirect.gather [hbm4b:s11+s2], $0x1, s5, s2, $0xb8;
	[tilespmem:$0x16B40] =	vst v63  }
0x1ef: {  	s18 =	simm.s32 $0x12580;
	s24 =	rddreg [dreg:$0x1a]  }
0x1f0: {  	[tilespmem:s18], [sflag:$0x1] =	stream.indirect.gather [hbm4b:s17+s2], $0x1, s5, s2, $0xb8;
	[tilespmem:$0x16B40] =	vst v63  }
0x1f1: {  	s25 =	simm.s32 $0x12980;
	s6 =	rddreg [dreg:$0x1b]  }
0x1f2: {  	[tilespmem:s25], [sflag:$0x1] =	stream.indirect.gather [hbm4b:s24+s2], $0x1, s5, s2, $0xb8;
	[tilespmem:$0x16B40] =	vst v63  }
0x1f3: {  	s7 =	simm.s32 $0x12D80;
	s8 =	rddreg [dreg:$0x1c]  }
0x1f4: {  	[tilespmem:s7], [sflag:$0x1] =	stream.indirect.gather [hbm4b:s6+s2], $0x1, s5, s2, $0xb8;
	[tilespmem:$0x16B40] =	vst v63  }
0x1f5: {  	s10 =	simm.s32 $0x13180;
	s11 =	rddreg [dreg:$0x1d]  }
0x1f6: {  	[tilespmem:s10], [sflag:$0x1] =	stream.indirect.gather [hbm4b:s8+s2], $0x1, s5, s2, $0xb8;
	[tilespmem:$0x16B40] =	vst v63  }
0x1f7: {  	s12 =	simm.s32 $0x13580;
	s17 =	rddreg [dreg:$0x1e]  }
0x1f8: {  	[tilespmem:s12], [sflag:$0x1] =	stream.indirect.gather [hbm4b:s11+s2], $0x1, s5, s2, $0xb8;
	[tilespmem:$0x16B40] =	vst v63  }
0x1f9: {  	s18 =	simm.s32 $0x13980;
	s24 =	rddreg [dreg:$0x1f]  }
0x1fa: {  	[tilespmem:s18], [sflag:$0x1] =	stream.indirect.gather [hbm4b:s17+s2], $0x1, s5, s2, $0xb8;
	[tilespmem:$0x16B40] =	vst v63  }
0x1fb: {  	s25 =	simm.s32 $0x13D80;
	s6 =	sld [smem:$0x7AE]  }
0x1fc: {  	[tilespmem:s25], [sflag:$0x1] =	stream.indirect.gather [hbm4b:s24+s2], $0x1, s5, s2, $0xb8;
	[tilespmem:$0x16B40] =	vst v63  }
0x1fd: {  	s7 =	simm.s32 $0x14180;
	s8 =	sld [smem:$0x7AF]  }
0x1fe: {  	[tilespmem:s7], [sflag:$0x1] =	stream.indirect.gather [hbm4b:s6+s2], $0x1, s5, s2, $0xb8;
	[tilespmem:$0x16B40] =	vst v63  }
0x1ff: {  	s10 =	simm.s32 $0x14580;
	s11 =	sld [smem:$0x7B0]  }
0x200: {  	[tilespmem:s10], [sflag:$0x1] =	stream.indirect.gather [hbm4b:s8+s2], $0x1, s5, s2, $0xb8;
	[tilespmem:$0x16B40] =	vst v63  }
0x201: {  	s12 =	simm.s32 $0x14980;
	s17 =	sld [smem:$0x7B1]  }
0x202: {  	[tilespmem:s12], [sflag:$0x1] =	stream.indirect.gather [hbm4b:s11+s2], $0x1, s5, s2, $0xb8;
	[tilespmem:$0x16B40] =	vst v63  }
0x203: {  	s18 =	simm.s32 $0x14D80;
	s24 =	sld [smem:$0x7B2]  }
0x204: {  	[tilespmem:s18], [sflag:$0x1] =	stream.indirect.gather [hbm4b:s17+s2], $0x1, s5, s2, $0xb8;
	[tilespmem:$0x16B40] =	vst v63  }
0x205: {  	s25 =	simm.s32 $0x15180;
	s6 =	sld [smem:$0x7B3]  }
0x206: {  	[tilespmem:s25], [sflag:$0x1] =	stream.indirect.gather [hbm4b:s24+s2], $0x1, s5, s2, $0xb8;
	[tilespmem:$0x16B40] =	vst v63  }
0x207: {  	s7 =	simm.s32 $0x15580;
	s8 =	sld [smem:$0x7B4]  }
0x208: {  	[tilespmem:s7], [sflag:$0x1] =	stream.indirect.gather [hbm4b:s6+s2], $0x1, s5, s2, $0xb8;
	[tilespmem:$0x16B40] =	vst v63  }
0x209: {  	s10 =	simm.s32 $0x15980;
	s11 =	sld [smem:$0x7B5]  }
0x20a: {  	[tilespmem:s10], [sflag:$0x1] =	stream.indirect.gather [hbm4b:s8+s2], $0x1, s5, s2, $0xb8;
	[tilespmem:$0x16B40] =	vst v63  }
0x20b: {  	s12 =	simm.s32 $0x15D80;
	s17 =	sld [smem:$0x7B6]  }
0x20c: {  	[tilespmem:s12], [sflag:$0x1] =	stream.indirect.gather [hbm4b:s11+s2], $0x1, s5, s2, $0xb8;
	[tilespmem:$0x16B40] =	vst v63  }
0x20d: {  	s18 =	simm.s32 $0x16180;
	s24 =	sld [smem:$0x7B7]  }
0x20e: {  	[tilespmem:s18], [sflag:$0x1] =	stream.indirect.gather [hbm4b:s17+s2], $0x1, s5, s2, $0xb8;
	[tilespmem:$0x16B40] =	vst v63  }
0x20f: {  	s25 =	simm.s32 $0x16580;
	s7 =	sld [smem:$0x7B8]  }
0x210: {  	[tilespmem:s25], [sflag:$0x1] =	stream.indirect.gather [hbm4b:s24+s2], $0x1, s5, s2, $0xb8;
	[tilespmem:$0x16B40] =	vst v63  }
0x211: {  	s8 =	simm.s32 $0x16980;
	s10 =	simm.s32 $0x1  }
0x212: {  	[tilespmem:s8], [sflag:$0x1] =	stream.indirect.gather [hbm4b:s7+s2], $0x1, s5, s2, $0xb8;
	[tilespmem:$0x16B40] =	vst v63  }
0x213: {  	_ =	swait.ge [sflag:s10], $0x8000  }
0x214: {  	s11 =	sld [smem:$0x7BA]  }
0x215: {  	[sflag:s10] =	ssyncset.done $0x0  }
0x216: {  	s12 =	simm.s32 $0xEA00;
	[sflag:s10] =	ssyncadd.s32 $0xFFFF8000  }
0x217: {  	[hbm4b:s11+s9] =	stream.linear.scatter [tilespmem:s12], [sflag:$0x2], $0x400, $0x38;
	[tilespmem:$0x16B40] =	vst v63  }
0x218: {  	_ =	swait.ge [sflag:s26], $0x400  }
0x219: {  	s17 =	sld [smem:$0x7BC]  }
0x21a: {  	[sflag:s26] =	ssyncset.done $0x0  }
0x21b: {  	s18 =	simm.s32 $0xEE00;
	[sflag:s26] =	ssyncadd.s32 $0xFFFFFC00  }
0x21c: {  	[hbm4b:s17+s9] =	stream.linear.scatter [tilespmem:s18], [sflag:$0x2], $0x400, $0x38;
	[tilespmem:$0x16B40] =	vst v63  }
0x21d: {  	_ =	swait.ge [sflag:s26], $0x400  }
0x21e: {  	s24 =	sld [smem:$0x7BE]  }
0x21f: {  	[sflag:s26] =	ssyncset.done $0x0  }
0x220: {  	s25 =	simm.s32 $0xF200;
	[sflag:s26] =	ssyncadd.s32 $0xFFFFFC00  }
0x221: {  	[hbm4b:s24+s9] =	stream.linear.scatter [tilespmem:s25], [sflag:$0x2], $0x400, $0x38;
	[tilespmem:$0x16B40] =	vst v63  }
0x222: {  	_ =	swait.ge [sflag:s26], $0x400  }
0x223: {  	s6 =	sld [smem:$0x7C0]  }
0x224: {  	[sflag:s26] =	ssyncset.done $0x0  }
0x225: {  	s7 =	simm.s32 $0xF600;
	[sflag:s26] =	ssyncadd.s32 $0xFFFFFC00  }
0x226: {  	[hbm4b:s6+s9] =	stream.linear.scatter [tilespmem:s7], [sflag:$0x2], $0x400, $0x38;
	[tilespmem:$0x16B40] =	vst v63  }
0x227: {  	_ =	swait.ge [sflag:s26], $0x400  }
0x228: {  	s8 =	sld [smem:$0x7C2]  }
0x229: {  	[sflag:s26] =	ssyncset.done $0x0  }
0x22a: {  	s10 =	simm.s32 $0xFA00;
	[sflag:s26] =	ssyncadd.s32 $0xFFFFFC00  }
0x22b: {  	[hbm4b:s8+s9] =	stream.linear.scatter [tilespmem:s10], [sflag:$0x2], $0x400, $0x38;
	[tilespmem:$0x16B40] =	vst v63  }
0x22c: {  	_ =	swait.ge [sflag:s26], $0x400  }
0x22d: {  	s11 =	sld [smem:$0x7C4]  }
0x22e: {  	[sflag:s26] =	ssyncset.done $0x0  }
0x22f: {  	s12 =	simm.s32 $0xFE00;
	[sflag:s26] =	ssyncadd.s32 $0xFFFFFC00  }
0x230: {  	[hbm4b:s11+s9] =	stream.linear.scatter [tilespmem:s12], [sflag:$0x2], $0x400, $0x38;
	[tilespmem:$0x16B40] =	vst v63  }
0x231: {  	_ =	swait.ge [sflag:s26], $0x400  }
0x232: {  	s17 =	sld [smem:$0x7C6]  }
0x233: {  	[sflag:s26] =	ssyncset.done $0x0  }
0x234: {  	s18 =	simm.s32 $0x10200;
	[sflag:s26] =	ssyncadd.s32 $0xFFFFFC00  }
0x235: {  	[hbm4b:s17+s9] =	stream.linear.scatter [tilespmem:s18], [sflag:$0x2], $0x400, $0x38;
	[tilespmem:$0x16B40] =	vst v63  }
0x236: {  	_ =	swait.ge [sflag:s26], $0x400  }
0x237: {  	s24 =	sld [smem:$0x7C7]  }
0x238: {  	[sflag:s26] =	ssyncset.done $0x0  }
0x239: {  	s25 =	simm.s32 $0x10600;
	[sflag:s26] =	ssyncadd.s32 $0xFFFFFC00  }
0x23a: {  	[hbm4b:s24+s9] =	stream.linear.scatter [tilespmem:s25], [sflag:$0x2], $0x400, $0x38;
	[tilespmem:$0x16B40] =	vst v63  }
0x23b: {  	_ =	swait.ge [sflag:s26], $0x400  }
0x23c: {  	s6 =	sld [smem:$0x7C8]  }
0x23d: {  	[sflag:s26] =	ssyncset.done $0x0  }
0x23e: {  	s7 =	simm.s32 $0x10A00;
	[sflag:s26] =	ssyncadd.s32 $0xFFFFFC00  }
0x23f: {  	[hbm4b:s6+s9] =	stream.linear.scatter [tilespmem:s7], [sflag:$0x2], $0x400, $0x38;
	[tilespmem:$0x16B40] =	vst v63  }
0x240: {  	_ =	swait.ge [sflag:s26], $0x400  }
0x241: {  	s8 =	sld [smem:$0x7C9]  }
0x242: {  	[sflag:s26] =	ssyncset.done $0x0  }
0x243: {  	s10 =	simm.s32 $0x10E00;
	[sflag:s26] =	ssyncadd.s32 $0xFFFFFC00  }
0x244: {  	[hbm4b:s8+s9] =	stream.linear.scatter [tilespmem:s10], [sflag:$0x2], $0x400, $0x38;
	[tilespmem:$0x16B40] =	vst v63  }
0x245: {  	_ =	swait.ge [sflag:s26], $0x400  }
0x246: {  	s11 =	sld [smem:$0x7CA]  }
0x247: {  	[sflag:s26] =	ssyncset.done $0x0  }
0x248: {  	s12 =	simm.s32 $0x11200;
	[sflag:s26] =	ssyncadd.s32 $0xFFFFFC00  }
0x249: {  	[hbm4b:s11+s9] =	stream.linear.scatter [tilespmem:s12], [sflag:$0x2], $0x400, $0x38;
	[tilespmem:$0x16B40] =	vst v63  }
0x24a: {  	_ =	swait.ge [sflag:s26], $0x400  }
0x24b: {  	s17 =	sld [smem:$0x7CB]  }
0x24c: {  	[sflag:s26] =	ssyncset.done $0x0  }
0x24d: {  	s18 =	simm.s32 $0x11600;
	[sflag:s26] =	ssyncadd.s32 $0xFFFFFC00  }
0x24e: {  	[hbm4b:s17+s9] =	stream.linear.scatter [tilespmem:s18], [sflag:$0x2], $0x400, $0x38;
	[tilespmem:$0x16B40] =	vst v63  }
0x24f: {  	_ =	swait.ge [sflag:s26], $0x400  }
0x250: {  	s24 =	sld [smem:$0x7CC]  }
0x251: {  	[sflag:s26] =	ssyncset.done $0x0  }
0x252: {  	s25 =	simm.s32 $0x11A00;
	[sflag:s26] =	ssyncadd.s32 $0xFFFFFC00  }
0x253: {  	[hbm4b:s24+s9] =	stream.linear.scatter [tilespmem:s25], [sflag:$0x2], $0x400, $0x38;
	[tilespmem:$0x16B40] =	vst v63  }
0x254: {  	_ =	swait.ge [sflag:s26], $0x400  }
0x255: {  	s6 =	sld [smem:$0x7CD]  }
0x256: {  	[sflag:s26] =	ssyncset.done $0x0  }
0x257: {  	s7 =	simm.s32 $0x11E00;
	[sflag:s26] =	ssyncadd.s32 $0xFFFFFC00  }
0x258: {  	[hbm4b:s6+s9] =	stream.linear.scatter [tilespmem:s7], [sflag:$0x2], $0x400, $0x38;
	[tilespmem:$0x16B40] =	vst v63  }
0x259: {  	_ =	swait.ge [sflag:s26], $0x400  }
0x25a: {  	s8 =	sld [smem:$0x7CE]  }
0x25b: {  	[sflag:s26] =	ssyncset.done $0x0  }
0x25c: {  	s10 =	simm.s32 $0x12200;
	[sflag:s26] =	ssyncadd.s32 $0xFFFFFC00  }
0x25d: {  	[hbm4b:s8+s9] =	stream.linear.scatter [tilespmem:s10], [sflag:$0x2], $0x400, $0x38;
	[tilespmem:$0x16B40] =	vst v63  }
0x25e: {  	_ =	swait.ge [sflag:s26], $0x400  }
0x25f: {  	s11 =	sld [smem:$0x7CF]  }
0x260: {  	[sflag:s26] =	ssyncset.done $0x0  }
0x261: {  	s12 =	simm.s32 $0x12600;
	[sflag:s26] =	ssyncadd.s32 $0xFFFFFC00  }
0x262: {  	[hbm4b:s11+s9] =	stream.linear.scatter [tilespmem:s12], [sflag:$0x2], $0x400, $0x38;
	[tilespmem:$0x16B40] =	vst v63  }
0x263: {  	_ =	swait.ge [sflag:s26], $0x400  }
0x264: {  	s17 =	sld [smem:$0x7D0]  }
0x265: {  	[sflag:s26] =	ssyncset.done $0x0  }
0x266: {  	s18 =	simm.s32 $0x12A00;
	[sflag:s26] =	ssyncadd.s32 $0xFFFFFC00  }
0x267: {  	[hbm4b:s17+s9] =	stream.linear.scatter [tilespmem:s18], [sflag:$0x2], $0x400, $0x38;
	[tilespmem:$0x16B40] =	vst v63  }
0x268: {  	_ =	swait.ge [sflag:s26], $0x400  }
0x269: {  	s24 =	sld [smem:$0x7D1]  }
0x26a: {  	[sflag:s26] =	ssyncset.done $0x0  }
0x26b: {  	s25 =	simm.s32 $0x12E00;
	[sflag:s26] =	ssyncadd.s32 $0xFFFFFC00  }
0x26c: {  	[hbm4b:s24+s9] =	stream.linear.scatter [tilespmem:s25], [sflag:$0x2], $0x400, $0x38;
	[tilespmem:$0x16B40] =	vst v63  }
0x26d: {  	_ =	swait.ge [sflag:s26], $0x400  }
0x26e: {  	s6 =	sld [smem:$0x7D2]  }
0x26f: {  	[sflag:s26] =	ssyncset.done $0x0  }
0x270: {  	s7 =	simm.s32 $0x13200;
	[sflag:s26] =	ssyncadd.s32 $0xFFFFFC00  }
0x271: {  	[hbm4b:s6+s9] =	stream.linear.scatter [tilespmem:s7], [sflag:$0x2], $0x400, $0x38;
	[tilespmem:$0x16B40] =	vst v63  }
0x272: {  	_ =	swait.ge [sflag:s26], $0x400  }
0x273: {  	s8 =	sld [smem:$0x7D3]  }
0x274: {  	[sflag:s26] =	ssyncset.done $0x0  }
0x275: {  	s10 =	simm.s32 $0x13600;
	[sflag:s26] =	ssyncadd.s32 $0xFFFFFC00  }
0x276: {  	[hbm4b:s8+s9] =	stream.linear.scatter [tilespmem:s10], [sflag:$0x2], $0x400, $0x38;
	[tilespmem:$0x16B40] =	vst v63  }
0x277: {  	_ =	swait.ge [sflag:s26], $0x400  }
0x278: {  	s11 =	sld [smem:$0x7D4]  }
0x279: {  	[sflag:s26] =	ssyncset.done $0x0  }
0x27a: {  	s12 =	simm.s32 $0x13A00;
	[sflag:s26] =	ssyncadd.s32 $0xFFFFFC00  }
0x27b: {  	[hbm4b:s11+s9] =	stream.linear.scatter [tilespmem:s12], [sflag:$0x2], $0x400, $0x38;
	[tilespmem:$0x16B40] =	vst v63  }
0x27c: {  	_ =	swait.ge [sflag:s26], $0x400  }
0x27d: {  	s17 =	sld [smem:$0x7D5]  }
0x27e: {  	[sflag:s26] =	ssyncset.done $0x0  }
0x27f: {  	s18 =	simm.s32 $0x13E00;
	[sflag:s26] =	ssyncadd.s32 $0xFFFFFC00  }
0x280: {  	[hbm4b:s17+s9] =	stream.linear.scatter [tilespmem:s18], [sflag:$0x2], $0x400, $0x38;
	[tilespmem:$0x16B40] =	vst v63  }
0x281: {  	_ =	swait.ge [sflag:s26], $0x400  }
0x282: {  	s24 =	sld [smem:$0x7D6]  }
0x283: {  	[sflag:s26] =	ssyncset.done $0x0  }
0x284: {  	s25 =	simm.s32 $0x14200;
	[sflag:s26] =	ssyncadd.s32 $0xFFFFFC00  }
0x285: {  	[hbm4b:s24+s9] =	stream.linear.scatter [tilespmem:s25], [sflag:$0x2], $0x400, $0x38;
	[tilespmem:$0x16B40] =	vst v63  }
0x286: {  	_ =	swait.ge [sflag:s26], $0x400  }
0x287: {  	s6 =	sld [smem:$0x7D7]  }
0x288: {  	[sflag:s26] =	ssyncset.done $0x0  }
0x289: {  	s7 =	simm.s32 $0x14600;
	[sflag:s26] =	ssyncadd.s32 $0xFFFFFC00  }
0x28a: {  	[hbm4b:s6+s9] =	stream.linear.scatter [tilespmem:s7], [sflag:$0x2], $0x400, $0x38;
	[tilespmem:$0x16B40] =	vst v63  }
0x28b: {  	_ =	swait.ge [sflag:s26], $0x400  }
0x28c: {  	s8 =	sld [smem:$0x7D8]  }
0x28d: {  	[sflag:s26] =	ssyncset.done $0x0  }
0x28e: {  	s10 =	simm.s32 $0x14A00;
	[sflag:s26] =	ssyncadd.s32 $0xFFFFFC00  }
0x28f: {  	[hbm4b:s8+s9] =	stream.linear.scatter [tilespmem:s10], [sflag:$0x2], $0x400, $0x38;
	[tilespmem:$0x16B40] =	vst v63  }
0x290: {  	_ =	swait.ge [sflag:s26], $0x400  }
0x291: {  	s11 =	sld [smem:$0x7D9]  }
0x292: {  	[sflag:s26] =	ssyncset.done $0x0  }
0x293: {  	s12 =	simm.s32 $0x14E00;
	[sflag:s26] =	ssyncadd.s32 $0xFFFFFC00  }
0x294: {  	[hbm4b:s11+s9] =	stream.linear.scatter [tilespmem:s12], [sflag:$0x2], $0x400, $0x38;
	[tilespmem:$0x16B40] =	vst v63  }
0x295: {  	_ =	swait.ge [sflag:s26], $0x400  }
0x296: {  	s17 =	sld [smem:$0x7DA]  }
0x297: {  	[sflag:s26] =	ssyncset.done $0x0  }
0x298: {  	s18 =	simm.s32 $0x15200;
	[sflag:s26] =	ssyncadd.s32 $0xFFFFFC00  }
0x299: {  	[hbm4b:s17+s9] =	stream.linear.scatter [tilespmem:s18], [sflag:$0x2], $0x400, $0x38;
	[tilespmem:$0x16B40] =	vst v63  }
0x29a: {  	_ =	swait.ge [sflag:s26], $0x400  }
0x29b: {  	s24 =	sld [smem:$0x7DB]  }
0x29c: {  	[sflag:s26] =	ssyncset.done $0x0  }
0x29d: {  	s25 =	simm.s32 $0x15600;
	[sflag:s26] =	ssyncadd.s32 $0xFFFFFC00  }
0x29e: {  	[hbm4b:s24+s9] =	stream.linear.scatter [tilespmem:s25], [sflag:$0x2], $0x400, $0x38;
	[tilespmem:$0x16B40] =	vst v63  }
0x29f: {  	_ =	swait.ge [sflag:s26], $0x400  }
0x2a0: {  	s6 =	sld [smem:$0x7DC]  }
0x2a1: {  	[sflag:s26] =	ssyncset.done $0x0  }
0x2a2: {  	s7 =	simm.s32 $0x15A00;
	[sflag:s26] =	ssyncadd.s32 $0xFFFFFC00  }
0x2a3: {  	[hbm4b:s6+s9] =	stream.linear.scatter [tilespmem:s7], [sflag:$0x2], $0x400, $0x38;
	[tilespmem:$0x16B40] =	vst v63  }
0x2a4: {  	_ =	swait.ge [sflag:s26], $0x400  }
0x2a5: {  	s8 =	sld [smem:$0x7DD]  }
0x2a6: {  	[sflag:s26] =	ssyncset.done $0x0  }
0x2a7: {  	s10 =	simm.s32 $0x15E00;
	[sflag:s26] =	ssyncadd.s32 $0xFFFFFC00  }
0x2a8: {  	[hbm4b:s8+s9] =	stream.linear.scatter [tilespmem:s10], [sflag:$0x2], $0x400, $0x38;
	[tilespmem:$0x16B40] =	vst v63  }
0x2a9: {  	_ =	swait.ge [sflag:s26], $0x400  }
0x2aa: {  	s11 =	sld [smem:$0x7DE]  }
0x2ab: {  	[sflag:s26] =	ssyncset.done $0x0  }
0x2ac: {  	s12 =	simm.s32 $0x16200;
	[sflag:s26] =	ssyncadd.s32 $0xFFFFFC00  }
0x2ad: {  	[hbm4b:s11+s9] =	stream.linear.scatter [tilespmem:s12], [sflag:$0x2], $0x400, $0x38;
	[tilespmem:$0x16B40] =	vst v63  }
0x2ae: {  	_ =	swait.ge [sflag:s26], $0x400  }
0x2af: {  	s17 =	sld [smem:$0x7DF]  }
0x2b0: {  	[sflag:s26] =	ssyncset.done $0x0  }
0x2b1: {  	s18 =	simm.s32 $0x16600;
	[sflag:s26] =	ssyncadd.s32 $0xFFFFFC00  }
0x2b2: {  	[hbm4b:s17+s9] =	stream.linear.scatter [tilespmem:s18], [sflag:$0x2], $0x400, $0x38;
	[tilespmem:$0x16B40] =	vst v63  }
0x2b3: {  	_ =	swait.ge [sflag:s26], $0x400  }
0x2b4: {  	s24 =	sld [smem:$0x7AD]  }
0x2b5: {  	s25 =	sld [smem:$0x7E2];
	_ =	sdelay $0x1  }
0x2b6: {  	s5 =	sadd.s32 $0x1, s24  }
0x2b7: {  	p0 =	sne.s32 s5, s25  }
.Ltmp8:
0x2b8: {  	_ = 	snop;
	(pc) =	sbr.rel @p0 .LBB2_1-.Ltmp8, $3  }
0x2b9: {  	_ =	sdelay $0x1  }
0x2ba: {  	[sflag:s26] =	ssyncset.done $0x0  }
0x2bb: {  	[sflag:s26] =	ssyncadd.s32 $0xFFFFFC00  }
0x2bc: {  	_ =	sfence.sel $0x180000  }
0x2bd: {  	[bflag:$0x0] =	sbarrier.arrive $0xFFFF  }
0x2be: {  	_ =	strace $0x9000004A  }
0x2bf: {  	[bflag:$0x2] =	sbarrier.arrive $0xFFFF  }
0x2c0: {  	p0 =	sne.s32 s0, $0x0;
	s0 =	rddreg [dreg:$0x4]  }
0x2c1: {  	s0 =	sadd.s32 @!p0 $0x100000, s0  }
0x2c2: {  	[sflag:s0] =	ssyncadd.tile.s32 @!p0 $0x1;
	_ =	shalt  }
.Lfunc_end2:
_tile_overlayer_lowered:
.L_overlay_start_2:
0x2c3: {  	(tag) =	ssettag $0x2  }
0x2c4: {  	s0 =	rddreg [dreg:$0x0];
	s2 =	stileid.u32  }
0x2c5: {  	s1 =	rddreg [dreg:$0x1];
	p0 =	sne.s32 s2, $0x0  }
0x2c6: {  	s3 =	rddreg [dreg:$0x2];
	[bflag:$0x3] =	sbarrier.arrive $0xFFFF;
	s2 =	simm.s32 @!p0 $0x1C02  }
0x2c7: {  	[timem:s3], [sflag:s2] =	dma.local @!p0 [hbm:s0], s1  }
0x2c8: {  	s0 =	simm.s32 @!p0 $0x2  }
0x2c9: {  	_ =	swait.ge @!p0 [sflag:s0], s1  }
0x2ca: {  	s1 =	ssub.s32 @!p0 $0x0, s1;
	[sflag:s0] =	ssyncset.done @!p0 $0x0  }
0x2cb: {  	[sflag:s0] =	ssyncadd.s32 @!p0 s1  }
0x2cc: {  	[bflag:$0x3] =	sbarrier.arrive $0xFFFF  }
0x2cd: {  	_ =	shalt  }

// kernel: sparse-core-data-format-call.cloned.1.call-start
scs
called_computation_lowered:
.L_overlay_start_0:
0x0: {  	s2 =	sld [smem:$0x3FD9]  }
0x1: {  	s3 =	sld [smem:$0x3FFE];
	_ =	sdelay $0x1  }
0x2: {  	s1 =	srdreg.scid  }
0x3: {  	s0 =	sand.u32 $0x1, s1  }
0x4: {  	s18 =	sshll.u32 s0, $0xA;
	s2 =	sadd.s32 s3, s2  }
0x5: {  	s2 =	sadd.s32 s2, s18  }
0x6: {  	[smem:$0x3FC6] =	sst s2  }
0x7: {  	_ = 	snop  }
0x8: {  	s2 =	sld [smem:$0x3FC8];
	(tm) =	ssettm $0x1  }
0x9: {  	s19 =	sld [smem:$0x3FFB];
	_ =	sdelay $0x3  }
0xa: {  	_ =	strace s19  }
0xb: {  	s3 =	sld [smem:$0x3FFC];
	_ =	sdelay $0x3  }
0xc: {  	_ =	strace s3  }
0xd: {  	s3 =	sld [smem:$0x3FFD];
	_ =	sdelay $0x3  }
0xe: {  	_ =	strace s3  }
0xf: {  	_ =	strace $0x8FFFFFFF  }
0x10: {  	s20 =	sld [smem:$0x3FDB];
	_ =	sdelay $0x1  }
0x11: {  	s4 =	simm.s32 $_scs_section_size  }
0x12: {  	s5 =	simm.s32 $_size__tile_overlayer_lowered;
	s6 =	simm.s32 $_tile_overlayer_lowered  }
0x13: {  	s23 =	simm.s32 $0x1BFF;
	s22 =	sshll.u32 s6, $0x1;
	s3 =	sadd.s32 s4, s20  }
0x14: {  	s7 =	simm.s32 $0x0;
	s21 =	sshll.u32 s5, $0x1;
	s5 =	sadd.s32 s22, s3  }
0x15: {  	[timem:s7], [sflag:s23] =	dma.local [hbm:s5], s21  }
0x16: {  	_ =	swait.ge [sflag:s23], s21  }
0x17: {  	s4 =	ssub.s32 $0x0, s21;
	[sflag:s23] =	ssyncset.done $0x0  }
0x18: {  	[sflag:s23] =	ssyncadd.s32 s4;
	_ =	sdelay $0x1  }
0x19: {  	s24 =	simm.s32 $0x1B8B  }
0x1a: {  	_ =	swait.ge [sflag:s24], $0x1  }
0x1b: {  	[sflag:s24] =	ssyncset.done $0x0  }
0x1c: {  	s26 =	simm.s32 $0x1B8E;
	s25 =	sld [smem:$0x3FFE];
	[sflag:s24] =	ssyncadd.s32 $0xFFFFFFFF  }
0x1d: {  	s27 =	simm.s32 $execute0_lowered;
	[smem:$0x3FD2] =	sst s26  }
0x1e: {  	s5 =	sshll.u32 s27, $0x1;
	_ =	strace $0x80000046;
	[dreg:$0x1] =	wrdreg $0xFFFFFFFF  }
0x1f: {  	s28 =	simm.s32 $_size_execute0_lowered;
	s3 =	sadd.s32 s3, s5;
	[dreg:$0x0] =	wrdreg $0x0  }
0x20: {  	s5 =	sshll.u32 s28, $0x1;
	[dreg:$0x2] =	wrdreg s3  }
0x21: {  	[dreg:$0x3] =	wrdreg s5  }
0x22: {  	[dreg:$0x4] =	wrdreg $0xC0  }
0x23: {  	_ =	task [dreg:s7], $0x5FFFF  }
0x24: {  	[dreg:$0x1] =	wrdreg $0xFFFFFFFF  }
0x25: {  	[dreg:$0x0] =	wrdreg $0x60  }
0x26: {  	[dreg:$0x2] =	wrdreg s2  }
0x27: {  	[dreg:$0x3] =	wrdreg s25  }
0x28: {  	[dreg:$0x4] =	wrdreg $0x9  }
0x29: {  	_ =	task.clear_ibuf [dreg:s7], $0x5FFFF;
	_ =	strace $0x90000046  }
0x2a: {  	s29 =	simm.s32 $0x9;
	_ =	strace $0x80000048  }
0x2b: {  	_ =	swait.ge [sflag:s29], $0x1  }
0x2c: {  	[sflag:s29] =	ssyncadd.s32 $0xFFFFFFFF  }
0x2d: {  	_ =	strace $0x90000048  }
0x2e: {  	_ =	sfence  }
0x2f: {  	s30 =	sld [smem:$0x0];
	_ =	sdelay $0x2  }
0x30: {  	s31 =	sshll.u32 s1, $0xD;
	s1 =	sshrl.u32 s1, $0x2  }
0x31: {  	s3 =	sand.u32 $0x4000, s31;
	s1 =	sadd.s32 s1, s30  }
0x32: {  	s0 =	sor.u32 s3, s0;
	s1 =	sshll.u32 s1, $0x11  }
0x33: {  	s0 =	sor.u32 s1, s0  }
0x34: {  	s0 =	sadd.s32 $0x8F2B, s0  }
0x35: {  	[sflag:s0] =	ssyncadd.remote.s32 $0x1  }
0x36: {  	_ =	sfence.sel $0xFFFF  }
0x37: {  	[dreg:$0x0] =	wrdreg $0xFFFFFFFF;
	(pc) =	sbr.abs _section_cstart, $3  }
0x38: {  	[dreg:$0x1] =	wrdreg $0xFFFFFFFF  }
0x39: {  	_ =	task.clear_ibuf [dreg:s7], $0x2FFFF;
	_ =	strace $0x9FFFFFFF  }
0x3a: {  	(tm) =	ssettm $0x7FFFFFFF  }
0x3b: {  	_ =	shalt  }
tec
execute0_lowered:
.L_overlay_start_1:
0x0: {  	(tag) =	ssettag $0x1  }
0x1: {  	s2 =	rddreg [dreg:$0x0]  }
0x2: {  	s1 =	rddreg [dreg:$0x1]  }
0x3: {  	s0 =	rddreg [dreg:$0x2];
	_ =	strace $0x80000047;
	s4 =	srdreg.scid  }
0x4: {  	s6 =	simm.s32 $0x2;
	s11 =	simm.s32 $0x0;
	p0 =	por $0x0, $0x0  }
.Ltmp0:
0x5: {  	s7 =	simm.s32 $0x4000;
	s12 =	simm.s32 $0x0;
	(pc) =	sbr.rel .LBB1_1-.Ltmp0, $4  }
0x6: {  	s9 =	simm.s32 $0x0;
	s3 =	sadd.s32 $0xE00, s1;
	s5 =	sshll.u32 s4, $0x4  }
0x7: {  	s1 =	stileid.u32;
	s4 =	simm.s32 $0x1;
	s5 =	sand.u32 $0x10, s5  }
0x8: {  	s8 =	simm.s32 $0x0;
	[sflag:s4] =	ssyncpa.u1 $0x0;
	s5 =	sor.u32 s1, s5  }
0x9: {  	[sflag:s6] =	ssyncpa.u1 $0x0;
	s6 =	simm.s32 $0x800;
	s10 =	smov.u32 s5  }
.LBB1_7:
0xa: {  	s13 =	sadd.s32 $0x10, s9  }
0xb: {  	s11 =	sadd.s32 $0x20, s10;
	s15 =	smov.u32 s10;
	p2 =	sgt.s32 s13, $0x7F  }
0xc: {  	p1 =	slt.u32 s8, $0x2;
	s15 =	smov.u32 @p2 s11  }
0xd: {  	s8 =	sadd.s32 $0x1, s8;
	s13 =	simm.s32 @p2 $0x0;
	p2 =	sgt.s32 s15, $0x7F  }
0xe: {  	s15 =	smov.u32 @p2 s5;
	p2 =	sne.s32 s8, $0x22  }
.Ltmp1:
0xf: {  	_ = 	snop;
	(pc) =	sbr.rel @!p2 .LBB1_8-.Ltmp1, $4  }
0x10: {  	s14 =	simm.s32 @!p1 $0x2  }
0x11: {  	s12 =	smov.u32 s10;
	_ =	swait.ge @!p1 [sflag:s14], $0x4000  }
0x12: {  	p0 =	por !p0, !p0;
	s11 =	smov.u32 s9;
	[sflag:s14] =	ssyncset.done @!p1 $0x0  }
0x13: {  	s9 =	smov.u32 s13;
	[sflag:s14] =	ssyncadd.s32 @!p1 $0xFFFFC000;
	s10 =	smov.u32 s15  }
.LBB1_1:
0x14: {  	p1 =	sgt.u32 s8, $0x1F  }
0x15: {  	s13 =	sxor.u32 @!p1 $0xFFFFFFFF, s8;
	s14 =	sshll.u32 @!p1 s10, $0xE  }
0x16: {  	s15 =	sshll.u32 @!p1 s9, $0x7;
	s13 =	sshll.u32 @!p1 s13, $0xE;
	s14 =	sadd.s32 @!p1 s2, s14  }
0x17: {  	s13 =	sand.u32 @!p1 $0x4000, s13;
	s14 =	sadd.s32 @!p1 s15, s14;
	s15 =	simm.s32 @!p1 $0x0  }
0x18: {  	[tilespmem:s13], [sflag:$0x1] =	stream.linear.gather @!p1 [hbm4b:s14+s15], $0x4000, $0x38;
	[tilespmem:$0x10000] =	vst v63  }
0x19: {  	p1 =	seq.s32 s8, $0x0  }
0x1a: {  	p2 =	seq.s32 @!p1 s8, $0x21  }
0x1b: {  	p1 =	por p1, p2  }
.Ltmp2:
0x1c: {  	_ = 	snop;
	(pc) =	sbr.rel @p1 .LBB1_7-.Ltmp2, $1  }
0x1d: {  	_ =	sdelay $0x3  }
0x1e: {  	s13 =	simm.s32 $0x1;
	_ =	swait.ge [sflag:s4], $0x4000;
	s16 =	sshll.u32 s8, $0xE  }
0x1f: {  	s13 =	simm.s32 @!p0 $0x0;
	[sflag:s4] =	ssyncset.done $0x0;
	s31 =	sand.u32 $0x4000, s16  }
0x20: {  	s16 =	simm.s32 $0x0;
	s14 =	sshll.u32 s13, $0xE;
	[sflag:s4] =	ssyncadd.s32 $0xFFFFC000  }
0x21: {  	s13 =	sor.u32 $0x8040, s14;
	s15 =	sor.u32 $0x40, s14;
	s14 =	sor.u32 $0x8000, s31  }
.LBB1_3:
0x22: {  	v0 =	vmov s15;
	_ =	sdelay $0x3  }
0x23: {  	s18 =	simm.s32 $0x0  }
0x24: {  	v6 =	vld.idx.msk [tilespmem:v0+s18+$0x30 ss:$0x1], $0xffff  }
0x25: {  	v7 =	vld.idx.msk [tilespmem:v0+s18+$0xFFFFFFC0 ss:$0x1], $0xffff  }
0x26: {  	v5 =	vld.idx.msk [tilespmem:v0+s18+$0xFFFFFFD0 ss:$0x1], $0xffff  }
0x27: {  	v4 =	vld.idx.msk [tilespmem:v0+s18+$0xFFFFFFE0 ss:$0x1], $0xffff  }
0x28: {  	v3 =	vld.idx.msk [tilespmem:v0+s18+$0xFFFFFFF0 ss:$0x1], $0xffff  }
0x29: {  	v1 =	vld.idx.msk [tilespmem:v0+s18+$0x0 ss:$0x1], $0xffff  }
0x2a: {  	v2 =	vld.idx.msk [tilespmem:v0+s18+$0x10 ss:$0x1], $0xffff;
	[tilespmem:s13+$0x30] =	vst v6  }
0x2b: {  	s17 =	simm.s32 $0x80;
	s19 =	simm.s32 $0x400;
	[tilespmem:s13+$0xFFFFFFC0] =	vst v7;
	v6 =	vld.idx.msk [tilespmem:v0+s18+$0x20 ss:$0x1], $0xffff;
	s18 =	smov.u32 s13  }
.LBB1_4:
0x2c: {  	p1 =	sne.s32 s19, $0xE00;
	v7 =	vld.idx.msk [tilespmem:v0+s17+$0x30 ss:$0x1], $0xffff;
	[tilespmem:s18+$0xFFFFFFD0] =	vst v5  }
0x2d: {  	v8 =	vld.idx.msk [tilespmem:v0+s17+$0xFFFFFFC0 ss:$0x1], $0xffff;
	[tilespmem:s18+$0xFFFFFFE0] =	vst v4  }
0x2e: {  	v5 =	vld.idx.msk [tilespmem:v0+s17+$0xFFFFFFD0 ss:$0x1], $0xffff;
	[tilespmem:s18+$0xFFFFFFF0] =	vst v3  }
.Ltmp3:
0x2f: {  	v4 =	vld.idx.msk [tilespmem:v0+s17+$0xFFFFFFE0 ss:$0x1], $0xffff;
	[tilespmem:s18+$0x0] =	vst v1;
	(pc) =	sbr.rel @p1 .LBB1_4-.Ltmp3, $4  }
0x30: {  	v3 =	vld.idx.msk [tilespmem:v0+s17+$0xFFFFFFF0 ss:$0x1], $0xffff;
	[tilespmem:s18+$0x10] =	vst v2  }
0x31: {  	v1 =	vld.idx.msk [tilespmem:v0+s17+$0x0 ss:$0x1], $0xffff;
	[tilespmem:s18+$0x20] =	vst v6;
	s18 =	sadd.s32 $0x800, s18  }
0x32: {  	v2 =	vld.idx.msk [tilespmem:v0+s17+$0x10 ss:$0x1], $0xffff;
	[tilespmem:s18+$0x30] =	vst v7  }
0x33: {  	[tilespmem:s18+$0xFFFFFFC0] =	vst v8;
	v6 =	vld.idx.msk [tilespmem:v0+s17+$0x20 ss:$0x1], $0xffff;
	s17 =	sshra.s32 s19, $0x2;
	s19 =	sadd.s32 $0x200, s19  }
0x34: {  	_ =	sdelay $0x2  }
0x35: {  	[tilespmem:s18+$0xFFFFFFD0] =	vst v5  }
0x36: {  	v56 =	vld.idx.msk [tilespmem:v0+s17+$0x30 ss:$0x1], $0xffff;
	[tilespmem:s18+$0xFFFFFFE0] =	vst v4  }
0x37: {  	v57 =	vld.idx.msk [tilespmem:v0+s17+$0xFFFFFFC0 ss:$0x1], $0xffff;
	[tilespmem:s18+$0xFFFFFFF0] =	vst v3  }
0x38: {  	v58 =	vld.idx.msk [tilespmem:v0+s17+$0xFFFFFFD0 ss:$0x1], $0xffff;
	[tilespmem:s18+$0x0] =	vst v1  }
0x39: {  	v59 =	vld.idx.msk [tilespmem:v0+s17+$0xFFFFFFE0 ss:$0x1], $0xffff;
	[tilespmem:s18+$0x10] =	vst v2  }
0x3a: {  	v60 =	vld.idx.msk [tilespmem:v0+s17+$0xFFFFFFF0 ss:$0x1], $0xffff;
	s31 =	sadd.s32 $0x800, s18;
	[tilespmem:s18+$0x20] =	vst v6  }
0x3b: {  	v61 =	vld.idx.msk [tilespmem:v0+s17+$0x0 ss:$0x1], $0xffff;
	[tilespmem:s31+$0x30] =	vst v56  }
0x3c: {  	v62 =	vld.idx.msk [tilespmem:v0+s17+$0x10 ss:$0x1], $0xffff;
	s16 =	sadd.s32 $0x1, s16;
	[tilespmem:s31+$0xFFFFFFC0] =	vst v57  }
0x3d: {  	v63 =	vld.idx.msk [tilespmem:v0+s17+$0x20 ss:$0x1], $0xffff;
	p1 =	sne.s32 s16, $0x10;
	[tilespmem:s31+$0xFFFFFFD0] =	vst v58  }
.Ltmp4:
0x3e: {  	[tilespmem:s31+$0xFFFFFFE0] =	vst v59;
	(pc) =	sbr.rel @p1 .LBB1_3-.Ltmp4, $4  }
0x3f: {  	[tilespmem:s31+$0xFFFFFFF0] =	vst v60  }
0x40: {  	[tilespmem:s31+$0x0] =	vst v61  }
0x41: {  	[tilespmem:s31+$0x10] =	vst v62  }
0x42: {  	s13 =	sadd.s32 $0x80, s13;
	s15 =	sadd.s32 $0x400, s15;
	[tilespmem:s31+$0x20] =	vst v63  }
.Ltmp5:
0x43: {  	(pc) =	sbr.rel .LBB1_7-.Ltmp5, $4  }
0x44: {  	s12 =	sshll.u32 s12, $0xE;
	s11 =	sshll.u32 s11, $0x4  }
0x45: {  	s11 =	sand.u32 $0x7F0, s11;
	s12 =	sadd.s32 s3, s12  }
0x46: {  	s11 =	sadd.s32 s11, s12  }
0x47: {  	[hbm4b:s11+s6] =	stream.strided.scatter [tilespmem:s14], [sflag:$0x2], $0x4000, s7, s6, $0x38;
	[tilespmem:$0x10000] =	vst v63  }
.LBB1_8:
0x48: {  	_ =	sfence.sel $0x180000  }
0x49: {  	s2 =	simm.s32 $0x1;
	[bflag:$0x0] =	sbarrier.arrive $0xFFFF  }
0x4a: {  	s31 =	simm.s32 $0x2;
	[sflag:s2] =	ssyncpa.u1 $0x1  }
0x4b: {  	[sflag:s31] =	ssyncpa.u1 $0x1  }
0x4c: {  	p0 =	sne.s32 s1, $0x0;
	_ =	strace $0x90000047  }
0x4d: {  	s0 =	sadd.s32 @!p0 $0x100000, s0;
	[bflag:$0x2] =	sbarrier.arrive $0xFFFF  }
0x4e: {  	[sflag:s0] =	ssyncadd.tile.s32 @!p0 $0x1;
	_ =	shalt  }
.Lfunc_end1:
_tile_overlayer_lowered:
.L_overlay_start_2:
0x4f: {  	(tag) =	ssettag $0x2  }
0x50: {  	s0 =	rddreg [dreg:$0x0];
	s2 =	stileid.u32  }
0x51: {  	s1 =	rddreg [dreg:$0x1];
	p0 =	sne.s32 s2, $0x0  }
0x52: {  	s3 =	rddreg [dreg:$0x2];
	[bflag:$0x3] =	sbarrier.arrive $0xFFFF;
	s2 =	simm.s32 @!p0 $0x1C01  }
0x53: {  	[timem:s3], [sflag:s2] =	dma.local @!p0 [hbm:s0], s1  }
0x54: {  	s0 =	simm.s32 @!p0 $0x1  }
0x55: {  	_ =	swait.ge @!p0 [sflag:s0], s1  }
0x56: {  	s1 =	ssub.s32 @!p0 $0x0, s1;
	[sflag:s0] =	ssyncset.done @!p0 $0x0  }
0x57: {  	[sflag:s0] =	ssyncadd.s32 @!p0 s1  }
0x58: {  	[bflag:$0x3] =	sbarrier.arrive $0xFFFF  }
0x59: {  	_ =	shalt  }

</sc_bundles>
